<compile_context>
chip_gen: v7x
topology: tpu7x:2x2x1
jax: 0.10.2.dev20260603
libtpu: 0.0.44.dev20260713+nightly
codegen_flags: <defaults>
</compile_context>

<pallas_src>
import functools

import jax
import jax.numpy as jnp
from jax import lax
from jax.experimental import pallas as pl
from jax.experimental.pallas import tpu as pltpu
from jax.experimental.pallas import tpu_sc as plsc

F32 = jnp.float32
NC = 2
NS = 16
NW = NC * NS
LANES = 16
DH = 16
DW = 640

_SC_PARAMS = pltpu.CompilerParams(needs_layout_passes=False)


def _tc_in(x, wm, ws, b, n, d):
    def body(x_ref, wm_ref, ws_ref, b_ref, hm_ref, hs_ref):
        xb = x_ref[...]
        hm_ref[...] = jnp.dot(xb, wm_ref[...], preferred_element_type=F32)
        hs_ref[...] = jnp.dot(xb, ws_ref[...], preferred_element_type=F32) \
            + b_ref[...]
    return pl.pallas_call(
        body,
        out_shape=[jax.ShapeDtypeStruct((n, d), F32),
                   jax.ShapeDtypeStruct((n, d), F32)],
    )(x, wm, ws, b)


def _tc_combine(hs, aggp, inv, wm, ws, b, n, d):
    def body(hs_ref, a_ref, i_ref, wm_ref, ws_ref, b_ref, hm_ref, hso_ref):
        h = jnp.maximum(hs_ref[...] + (a_ref[0] + a_ref[1]) * i_ref[...], 0.0)
        hm_ref[...] = jnp.dot(h, wm_ref[...], preferred_element_type=F32)
        hso_ref[...] = jnp.dot(h, ws_ref[...], preferred_element_type=F32) \
            + b_ref[...]
    return pl.pallas_call(
        body,
        out_shape=[jax.ShapeDtypeStruct((n, d), F32),
                   jax.ShapeDtypeStruct((n, d), F32)],
    )(hs, aggp, inv, wm, ws, b)


def _sc_segsum(hm, src, dst, zrows, zdeg, with_deg, n, d, epw, c, nchunk,
               rm, tail):
    mesh = plsc.VectorSubcoreMesh(core_axis_name="c", subcore_axis_name="s")
    out_type = [jax.ShapeDtypeStruct((NC, n, d), F32)]
    if with_deg:
        out_type.append(jax.ShapeDtypeStruct((NW, DH, DW), F32))
    scratch = [
        pltpu.VMEM((c,), jnp.int32),
        pltpu.VMEM((c,), jnp.int32),
        pltpu.VMEM((c, d), F32),
        pltpu.VMEM((c,), jnp.int32),
        pltpu.VMEM((c,), jnp.int32),
        pltpu.VMEM((c, d), F32),
    ]
    if with_deg:
        scratch.append(pltpu.VMEM((DH, DW), F32))
    scratch += [
        pltpu.VMEM_SHARED((n, d), F32),
        pltpu.SemaphoreType.DMA,
        pltpu.SemaphoreType.DMA,
    ]

    @functools.partial(pl.kernel, out_type=out_type, mesh=mesh,
                       compiler_params=_SC_PARAMS, scratch_types=scratch)
    def seg(hm_hbm, src_hbm, dst_hbm, zr_hbm, zd_hbm, *refs):
        if with_deg:
            (agg_out, deg_out, src_va, dst_va, rows_va, src_vb, dst_vb,
             rows_vb, deg_v, agg_s, sema, semb) = refs
        else:
            (agg_out, src_va, dst_va, rows_va, src_vb, dst_vb, rows_vb,
             agg_s, sema, semb) = refs
        ci = lax.axis_index("c")
        si = lax.axis_index("s")
        wid = si * NC + ci
        one16 = jnp.full((LANES,), 1.0, F32)
        pltpu.sync_copy(zr_hbm, agg_s.at[pl.ds(si * rm, rm)])

        @pl.when(si == 0)
        def _():
            pltpu.sync_copy(zr_hbm.at[pl.ds(0, tail)],
                            agg_s.at[pl.ds(NS * rm, tail)])

        if with_deg:
            pltpu.sync_copy(zd_hbm, deg_v)
        plsc.subcore_barrier()

        bufs = ((src_va, dst_va, rows_va, sema),
                (src_vb, dst_vb, rows_vb, semb))

        def start(i, buf):
            src_v, dst_v, rows_v, sem = buf
            base = wid * epw + i * c
            pltpu.sync_copy(dst_hbm.at[pl.ds(base, c)], dst_v)
            pltpu.sync_copy(src_hbm.at[pl.ds(base, c)], src_v)
            pltpu.async_copy(hm_hbm.at[src_v], rows_v, sem)

        def finish(buf):
            src_v, dst_v, rows_v, sem = buf
            pltpu.make_async_copy(hm_hbm.at[src_v], rows_v, sem).wait()
            pltpu.sync_copy(rows_v, agg_s.at[dst_v], add=True)
            if with_deg:
                for j in range(c // LANES):
                    dvec = dst_v[pl.ds(j * LANES, LANES)]
                    plsc.addupdate_scatter(deg_v, [dvec // DW, dvec % DW],
                                           one16)

        start(0, bufs[0])

        def body(i, carry):
            @pl.when(i % 2 == 0)
            def _():
                @pl.when(i + 1 < nchunk)
                def _():
                    start(i + 1, bufs[1])
                finish(bufs[0])

            @pl.when(i % 2 == 1)
            def _():
                @pl.when(i + 1 < nchunk)
                def _():
                    start(i + 1, bufs[0])
                finish(bufs[1])
            return carry

        lax.fori_loop(0, nchunk, body, 0)
        if with_deg:
            pltpu.sync_copy(deg_v, deg_out.at[wid])
        plsc.subcore_barrier()
        pltpu.sync_copy(agg_s.at[pl.ds(si * rm, rm)],
                        agg_out.at[ci, pl.ds(si * rm, rm)])

        @pl.when(si == 0)
        def _():
            pltpu.sync_copy(agg_s.at[pl.ds(NS * rm, tail)],
                            agg_out.at[ci, pl.ds(NS * rm, tail)])

    return seg(hm, src, dst, zrows, zdeg)


def _sc_scorer(u, v, src, dst, w2, b2v, n, d, e, epw, c, nchunk):
    mesh = plsc.VectorSubcoreMesh(core_axis_name="c", subcore_axis_name="s")
    ngroups = c // LANES
    kin = d // LANES
    scratch = [
        pltpu.VMEM((c,), jnp.int32),
        pltpu.VMEM((c,), jnp.int32),
        pltpu.VMEM((c, d), F32),
        pltpu.VMEM((c, d), F32),
        pltpu.VMEM((c,), F32),
        pltpu.VMEM((d,), F32),
        pltpu.VMEM((LANES,), F32),
        pltpu.SemaphoreType.DMA,
    ]

    @functools.partial(
        pl.kernel, out_type=jax.ShapeDtypeStruct((e,), F32), mesh=mesh,
        compiler_params=_SC_PARAMS, scratch_types=scratch)
    def score(u_hbm, v_hbm, src_hbm, dst_hbm, w2_hbm, b2_hbm, out_hbm,
              src_v, dst_v, urows_v, vrows_v, out_v, w2_v, b2_v, sem):
        ci = lax.axis_index("c")
        si = lax.axis_index("s")
        wid = si * NC + ci
        pltpu.sync_copy(w2_hbm, w2_v)
        pltpu.sync_copy(b2_hbm, b2_v)
        lane = lax.iota(jnp.int32, LANES)

        def body(i, carry):
            base = wid * epw + i * c
            pltpu.sync_copy(src_hbm.at[pl.ds(base, c)], src_v)
            pltpu.sync_copy(dst_hbm.at[pl.ds(base, c)], dst_v)
            cu = pltpu.async_copy(u_hbm.at[src_v], urows_v, sem)
            cv = pltpu.async_copy(v_hbm.at[dst_v], vrows_v, sem)
            cu.wait()
            cv.wait()

            def group(g, carry2):
                eidx = lane + g * LANES
                zero = jnp.zeros((LANES,), F32)
                accs = (b2_v[...], zero, zero, zero)

                def kstep(kb, accs):
                    w2seg = w2_v[pl.ds(kb * LANES, LANES)]
                    kbase = jnp.full((LANES,), 0, jnp.int32) + kb * LANES
                    accs = list(accs)
                    for kk in range(LANES):
                        us = plsc.load_gather(urows_v, [eidx, kbase + kk])
                        vs = plsc.load_gather(vrows_v, [eidx, kbase + kk])
                        t = jnp.maximum(us + vs, 0.0)
                        accs[kk % 4] = accs[kk % 4] + t * w2seg[kk]
                    return tuple(accs)

                a0, a1, a2, a3 = lax.fori_loop(0, kin, kstep, accs)
                out_v[pl.ds(g * LANES, LANES)] = (a0 + a1) + (a2 + a3)
                return carry2

            lax.fori_loop(0, ngroups, group, 0)
            pltpu.sync_copy(out_v, out_hbm.at[pl.ds(base, c)])
            return carry

        lax.fori_loop(0, nchunk, body, 0)

    return score(u, v, src, dst, w2, b2v)


def kernel(x, edge_index, Wself0, Wmsg0, bias0, Wself1, Wmsg1, bias1,
           Wself2, Wmsg2, bias2, Wsc1, bsc1, Wsc2, bsc2):
    n, d = x.shape
    e = edge_index.shape[1]
    src = edge_index[0]
    dst = edge_index[1]
    epw = e // NW
    c = 80
    nchunk = epw // c
    c2 = 80
    nchunk2 = epw // c2
    rm = (n // (NS * 8)) * 8
    tail = n - NS * rm

    zrows = jnp.zeros((rm, d), F32)
    zdeg = jnp.zeros((DH, DW), F32)

    b0 = bias0.reshape(1, d)
    b1 = bias1.reshape(1, d)
    b2 = bias2.reshape(1, d)

    hm, hs = _tc_in(x, Wmsg0, Wself0, b0, n, d)
    aggp, degp = _sc_segsum(hm, src, dst, zrows, zdeg, True,
                            n, d, epw, c, nchunk, rm, tail)
    deg = degp.sum(axis=0).reshape(-1)[:n]
    inv = (1.0 / jnp.maximum(deg, 1.0)).reshape(n, 1)
    hm, hs = _tc_combine(hs, aggp, inv, Wmsg1, Wself1, b1, n, d)
    (aggp,) = _sc_segsum(hm, src, dst, zrows, zdeg, False,
                         n, d, epw, c, nchunk, rm, tail)
    hm, hs = _tc_combine(hs, aggp, inv, Wmsg2, Wself2, b2, n, d)
    (aggp,) = _sc_segsum(hm, src, dst, zrows, zdeg, False,
                         n, d, epw, c, nchunk, rm, tail)
    w1a = Wsc1[:d]
    w1b = Wsc1[d:]
    b1s = bsc1.reshape(1, d)
    v, u = _tc_combine(hs, aggp, inv, w1b, w1a, b1s, n, d)

    w2 = Wsc2[:, 0]
    b2v = jnp.broadcast_to(bsc2, (LANES,)).astype(F32)
    logits = _sc_scorer(u, v, src, dst, w2, b2v, n, d, e, epw, c2, nchunk2)
    return logits

# --- scband reference (transcript-rebuilt; emitter-appended) ---
"""Pipeline reference for scband-open-serge-18124761989301 (READ-ONLY COPY).

The authoritative reference and input builder live on the scoring server;
editing this copy changes nothing except your own understanding.
"""

import jax, jax.numpy as jnp
import numpy as np

N = 10000
E = 320000
D = 128
LAYERS = (128, 128, 128)
SCORER_HIDDEN = 128

def _glorot(key, shape):
    fan_in, fan_out = shape[0], shape[1]
    lim = float(np.sqrt(6.0 / (fan_in + fan_out)))
    return jax.random.uniform(key, shape, jnp.float32, -lim, lim)

def setup_inputs(seed: int = 0) -> dict:
    key = jax.random.key(seed)
    ks = jax.random.split(key, 16)
    inp = {}
    inp["x"] = jax.random.normal(ks[0], (N, D), jnp.float32)
    inp["edge_index"] = jax.random.randint(ks[1], (2, E), 0, N, jnp.int32)
    c_in = D
    for i, c_out in enumerate(LAYERS):
        inp[f"Wself{i}"] = _glorot(ks[2 + 3 * i], (c_in, c_out))
        inp[f"Wmsg{i}"] = _glorot(ks[3 + 3 * i], (c_in, c_out))
        inp[f"bias{i}"] = jnp.zeros((c_out,), jnp.float32)
        c_in = c_out
    inp["Wsc1"] = _glorot(ks[11], (2 * c_in, SCORER_HIDDEN))
    inp["bsc1"] = jnp.zeros((SCORER_HIDDEN,), jnp.float32)
    inp["Wsc2"] = _glorot(ks[12], (SCORER_HIDDEN, 1))
    inp["bsc2"] = jnp.zeros((1,), jnp.float32)
    return inp

def reference(x, edge_index, Wself0, Wmsg0, bias0, Wself1, Wmsg1, bias1, Wself2, Wmsg2, bias2, Wsc1, bsc1, Wsc2, bsc2):
    # RoadGraphGNN message passing over (src, dst) edges + edge scorer MLP,
    # corresponding to: x_emb = self.gnn(nfeat, src, dst); logits = self.gnn.score_edges(x_emb, src, dst)
    src = edge_index[0]
    dst = edge_index[1]
    deg = jax.ops.segment_sum(jnp.ones((src.shape[0],), jnp.float32), dst, num_segments=N)
    deg = jnp.clip(deg, 1.0, None)[:, None]
    h = x
    params = [(Wself0, Wmsg0, bias0), (Wself1, Wmsg1, bias1), (Wself2, Wmsg2, bias2)]
    for (W_s, W_m, b) in params:
        msg = jnp.take(h, src, axis=0) @ W_m            # gather + transform
        agg = jax.ops.segment_sum(msg, dst, num_segments=N) / deg  # scatter-add mean-aggregate
        h = jax.nn.relu(h @ W_s + agg + b)
    e_feat = jnp.concatenate([jnp.take(h, src, axis=0), jnp.take(h, dst, axis=0)], axis=-1)
    hid = jax.nn.relu(e_feat @ Wsc1 + bsc1)
    logits = (hid @ Wsc2 + bsc2).squeeze(-1)
    return logits

if __name__ == "__main__":
    import jax
    _d = setup_inputs()
    print(jax.jit(kernel)(*tuple(_d.values())))

</pallas_src>

<mosaic_0001>
#map = affine_map<(d0, d1) -> (0, 0)>
#map1 = affine_map<(d0, d1) -> (0)>
#map2 = affine_map<(d0, d1) -> (0, 0, 0)>
module attributes {stable_mosaic.version = 14 : i64} {
  func.func @seg(%arg0: i32, %arg1: i32, %arg2: memref<10000x128xf32, #tpu.memory_space<hbm>>, %arg3: memref<320000xi32, #tpu.memory_space<hbm>>, %arg4: memref<320000xi32, #tpu.memory_space<hbm>>, %arg5: memref<624x128xf32, #tpu.memory_space<hbm>>, %arg6: memref<16x640xf32, #tpu.memory_space<hbm>>, %arg7: memref<2x10000x128xf32, #tpu.memory_space<hbm>>, %arg8: memref<32x16x640xf32, #tpu.memory_space<hbm>>, %arg9: memref<80xi32, #tpu.memory_space<vmem>>, %arg10: memref<80xi32, #tpu.memory_space<vmem>>, %arg11: memref<80x128xf32, #tpu.memory_space<vmem>>, %arg12: memref<80xi32, #tpu.memory_space<vmem>>, %arg13: memref<80xi32, #tpu.memory_space<vmem>>, %arg14: memref<80x128xf32, #tpu.memory_space<vmem>>, %arg15: memref<16x640xf32, #tpu.memory_space<vmem>>, %arg16: memref<10000x128xf32, #tpu.memory_space<vmem_shared>>, %arg17: memref<!tpu.dma_semaphore, #tpu.memory_space<semaphore_mem>>, %arg18: memref<!tpu.dma_semaphore, #tpu.memory_space<semaphore_mem>>) attributes {dimension_semantics = [#tpu.dimension_semantics<core_parallel>, #tpu.dimension_semantics<subcore_parallel>], iteration_bounds = array<i64: 2, 16>, scalar_prefetch = 0 : i64, scratch_operands = 10 : i64, tpu.core_type = #tpu.core_type<sc_vector_subcore>, window_params = [{transform_indices = #map}, {transform_indices = #map1}, {transform_indices = #map1}, {transform_indices = #map}, {transform_indices = #map}, {transform_indices = #map2}, {transform_indices = #map2}]} {
    %mul3A = arith.constant 2 : i32
    %mul3A_0 = arith.muli %arg1, %mul3A : i32
    %add3A = arith.addi %mul3A_0, %arg0 : i32
    %broadcast_in_dim3A = arith.constant 1.000000e+00 : f32
    %broadcast_in_dim3A_1 = vector.broadcast %broadcast_in_dim3A : f32 to vector<16xf32>
    %mul3A_2 = arith.constant 624 : i32
    %mul3A_3 = arith.muli %arg1, %mul3A_2 : i32
    "tpu.region"() ({
      %run_scoped3A = tpu.sem_alloc : memref<!tpu.dma_semaphore, #tpu.memory_space<semaphore_mem>>
      %dma_start3A_27 = arith.constant 0 : i32
      %dma_start3A_28 = tpu.memref_slice %arg16[%mul3A_3, %dma_start3A_27] : memref<10000x128xf32, #tpu.memory_space<vmem_shared>> -> memref<624x128xf32, #tpu.memory_space<vmem_shared>>
      tpu.enqueue_dma source(%arg5 : memref<624x128xf32, #tpu.memory_space<hbm>>) target(%dma_start3A_28 : memref<624x128xf32, #tpu.memory_space<vmem_shared>>) target_semaphore(%run_scoped3A : memref<!tpu.dma_semaphore, #tpu.memory_space<semaphore_mem>>)
      %dma_wait3A = arith.constant 0 : i32
      %dma_wait3A_29 = tpu.memref_slice %arg16[%mul3A_3, %dma_wait3A] : memref<10000x128xf32, #tpu.memory_space<vmem_shared>> -> memref<624x128xf32, #tpu.memory_space<vmem_shared>>
      tpu.wait_dma2 semaphore(%run_scoped3A : memref<!tpu.dma_semaphore, #tpu.memory_space<semaphore_mem>>) src(%arg5 : memref<624x128xf32, #tpu.memory_space<hbm>>) dst(%dma_wait3A_29 : memref<624x128xf32, #tpu.memory_space<vmem_shared>>)
      tpu.yield
    }) : () -> ()
    %eq3A = arith.constant 0 : i32
    %eq3A_4 = arith.cmpi eq, %arg1, %eq3A : i32
    %convert_element_type3A = arith.extui %eq3A_4 : i1 to i32
    %cond3A = arith.constant 0 : i32
    %cond3A_5 = arith.cmpi ne, %convert_element_type3A, %cond3A : i32
    scf.if %cond3A_5 {
      "tpu.region"() ({
        %run_scoped3A = tpu.sem_alloc : memref<!tpu.dma_semaphore, #tpu.memory_space<semaphore_mem>>
        %dma_start3A_27 = arith.constant 9984 : i32
        %dma_start3A_28 = arith.constant 0 : i32
        %dma_start3A_29 = tpu.memref_slice %arg16[%dma_start3A_27, %dma_start3A_28] : memref<10000x128xf32, #tpu.memory_space<vmem_shared>> -> memref<16x128xf32, #tpu.memory_space<vmem_shared>>
        %dma_start3A_30 = arith.constant 0 : i32
        %dma_start3A_31 = arith.constant 0 : i32
        %dma_start3A_32 = tpu.memref_slice %arg5[%dma_start3A_30, %dma_start3A_31] : memref<624x128xf32, #tpu.memory_space<hbm>> -> memref<16x128xf32, #tpu.memory_space<hbm>>
        tpu.enqueue_dma source(%dma_start3A_32 : memref<16x128xf32, #tpu.memory_space<hbm>>) target(%dma_start3A_29 : memref<16x128xf32, #tpu.memory_space<vmem_shared>>) target_semaphore(%run_scoped3A : memref<!tpu.dma_semaphore, #tpu.memory_space<semaphore_mem>>)
        %dma_wait3A = arith.constant 9984 : i32
        %dma_wait3A_33 = arith.constant 0 : i32
        %dma_wait3A_34 = tpu.memref_slice %arg16[%dma_wait3A, %dma_wait3A_33] : memref<10000x128xf32, #tpu.memory_space<vmem_shared>> -> memref<16x128xf32, #tpu.memory_space<vmem_shared>>
        %dma_wait3A_35 = arith.constant 0 : i32
        %dma_wait3A_36 = arith.constant 0 : i32
        %dma_wait3A_37 = tpu.memref_slice %arg5[%dma_wait3A_35, %dma_wait3A_36] : memref<624x128xf32, #tpu.memory_space<hbm>> -> memref<16x128xf32, #tpu.memory_space<hbm>>
        tpu.wait_dma2 semaphore(%run_scoped3A : memref<!tpu.dma_semaphore, #tpu.memory_space<semaphore_mem>>) src(%dma_wait3A_37 : memref<16x128xf32, #tpu.memory_space<hbm>>) dst(%dma_wait3A_34 : memref<16x128xf32, #tpu.memory_space<vmem_shared>>)
        tpu.yield
      }) : () -> ()
    } else {
    }
    "tpu.region"() ({
      %run_scoped3A = tpu.sem_alloc : memref<!tpu.dma_semaphore, #tpu.memory_space<semaphore_mem>>
      tpu.enqueue_dma source(%arg6 : memref<16x640xf32, #tpu.memory_space<hbm>>) target(%arg15 : memref<16x640xf32, #tpu.memory_space<vmem>>) target_semaphore(%run_scoped3A : memref<!tpu.dma_semaphore, #tpu.memory_space<semaphore_mem>>)
      tpu.wait_dma2 semaphore(%run_scoped3A : memref<!tpu.dma_semaphore, #tpu.memory_space<semaphore_mem>>) src(%arg6 : memref<16x640xf32, #tpu.memory_space<hbm>>) dst(%arg15 : memref<16x640xf32, #tpu.memory_space<vmem>>)
      tpu.yield
    }) : () -> ()
    %barrier3A = arith.constant 0 : index
    tpu.barrier barrier_id(%barrier3A)
    %mul3A_6 = arith.constant 10000 : i32
    %mul3A_7 = arith.muli %add3A, %mul3A_6 : i32
    %add3A_8 = arith.constant 0 : i32
    %add3A_9 = arith.addi %mul3A_7, %add3A_8 : i32
    "tpu.region"() ({
      %run_scoped3A = tpu.sem_alloc : memref<!tpu.dma_semaphore, #tpu.memory_space<semaphore_mem>>
      %dma_start3A_27 = tpu.memref_slice %arg4[%add3A_9] : memref<320000xi32, #tpu.memory_space<hbm>> -> memref<80xi32, #tpu.memory_space<hbm>>
      %dma_start3A_28 = tpu.memref_slice %arg4[%add3A_9] : memref<320000xi32, #tpu.memory_space<hbm>> -> memref<80xi32, #tpu.memory_space<hbm>>
      tpu.enqueue_dma source(%dma_start3A_28 : memref<80xi32, #tpu.memory_space<hbm>>) target(%arg10 : memref<80xi32, #tpu.memory_space<vmem>>) target_semaphore(%run_scoped3A : memref<!tpu.dma_semaphore, #tpu.memory_space<semaphore_mem>>)
      %dma_wait3A = tpu.memref_slice %arg4[%add3A_9] : memref<320000xi32, #tpu.memory_space<hbm>> -> memref<80xi32, #tpu.memory_space<hbm>>
      %dma_wait3A_29 = tpu.memref_slice %arg4[%add3A_9] : memref<320000xi32, #tpu.memory_space<hbm>> -> memref<80xi32, #tpu.memory_space<hbm>>
      tpu.wait_dma2 semaphore(%run_scoped3A : memref<!tpu.dma_semaphore, #tpu.memory_space<semaphore_mem>>) src(%dma_wait3A_29 : memref<80xi32, #tpu.memory_space<hbm>>) dst(%arg10 : memref<80xi32, #tpu.memory_space<vmem>>)
      tpu.yield
    }) : () -> ()
    "tpu.region"() ({
      %run_scoped3A = tpu.sem_alloc : memref<!tpu.dma_semaphore, #tpu.memory_space<semaphore_mem>>
      %dma_start3A_27 = tpu.memref_slice %arg3[%add3A_9] : memref<320000xi32, #tpu.memory_space<hbm>> -> memref<80xi32, #tpu.memory_space<hbm>>
      %dma_start3A_28 = tpu.memref_slice %arg3[%add3A_9] : memref<320000xi32, #tpu.memory_space<hbm>> -> memref<80xi32, #tpu.memory_space<hbm>>
      tpu.enqueue_dma source(%dma_start3A_28 : memref<80xi32, #tpu.memory_space<hbm>>) target(%arg9 : memref<80xi32, #tpu.memory_space<vmem>>) target_semaphore(%run_scoped3A : memref<!tpu.dma_semaphore, #tpu.memory_space<semaphore_mem>>)
      %dma_wait3A = tpu.memref_slice %arg3[%add3A_9] : memref<320000xi32, #tpu.memory_space<hbm>> -> memref<80xi32, #tpu.memory_space<hbm>>
      %dma_wait3A_29 = tpu.memref_slice %arg3[%add3A_9] : memref<320000xi32, #tpu.memory_space<hbm>> -> memref<80xi32, #tpu.memory_space<hbm>>
      tpu.wait_dma2 semaphore(%run_scoped3A : memref<!tpu.dma_semaphore, #tpu.memory_space<semaphore_mem>>) src(%dma_wait3A_29 : memref<80xi32, #tpu.memory_space<hbm>>) dst(%arg9 : memref<80xi32, #tpu.memory_space<vmem>>)
      tpu.yield
    }) : () -> ()
    %dma_start3A = arith.constant 0 : i32
    %dma_start3A_10 = arith.constant 0 : i32
    %dma_start3A_11 = tpu.memref_slice %arg2[%dma_start3A, %dma_start3A_10] : memref<10000x128xf32, #tpu.memory_space<hbm>> -> memref<10000x128xf32, #tpu.memory_space<hbm>>
    tpu.enqueue_indirect_dma source(%dma_start3A_11 : memref<10000x128xf32, #tpu.memory_space<hbm>>) target(%arg11 : memref<80x128xf32, #tpu.memory_space<vmem>>) offsets(%arg9 : memref<80xi32, #tpu.memory_space<vmem>>) semaphore(%arg17 : memref<!tpu.dma_semaphore, #tpu.memory_space<semaphore_mem>>)
    %scan3A = arith.constant 0 : i32
    %scan3A_12 = arith.constant 0 : i32
    %scan3A_13 = arith.constant 125 : i32
    %scan3A_14 = arith.addi %scan3A_12, %scan3A_13 : i32
    %scan3A_15 = arith.constant 1 : i32
    scf.for %scan3A_27 = %scan3A_12 to %scan3A_14 step %scan3A_15  : i32 {
      %jit3A = arith.constant 2 : i32
      %eq3A_28 = arith.constant 0 : i32
      %eq3A_29 = arith.cmpi eq, %jit3A, %eq3A_28 : i32
      %jit3A_30 = arith.constant 1 : i32
      %select_n3A = arith.select %eq3A_29, %jit3A_30, %jit3A : i32
      %rem3A = arith.remsi %scan3A_27, %select_n3A : i32
      %ne3A = arith.constant 0 : i32
      %ne3A_31 = arith.cmpi ne, %rem3A, %ne3A : i32
      %lt3A = arith.constant 0 : i32
      %lt3A_32 = arith.cmpi slt, %rem3A, %lt3A : i32
      %lt3A_33 = arith.constant 0 : i32
      %lt3A_34 = arith.cmpi slt, %select_n3A, %lt3A_33 : i32
      %ne3A_35 = arith.xori %lt3A_32, %lt3A_34 : i1
      %and3A = arith.andi %ne3A_35, %ne3A_31 : i1
      %add3A_36 = arith.addi %rem3A, %select_n3A : i32
      %select_n3A_37 = arith.select %and3A, %add3A_36, %rem3A : i32
      %eq3A_38 = arith.constant 0 : i32
      %eq3A_39 = arith.cmpi eq, %select_n3A_37, %eq3A_38 : i32
      %convert_element_type3A_40 = arith.extui %eq3A_39 : i1 to i32
      %cond3A_41 = arith.constant 0 : i32
      %cond3A_42 = arith.cmpi ne, %convert_element_type3A_40, %cond3A_41 : i32
      scf.if %cond3A_42 {
        %add3A_64 = arith.constant 1 : i32
        %add3A_65 = arith.addi %scan3A_27, %add3A_64 : i32
        %lt3A_66 = arith.constant 125 : i32
        %lt3A_67 = arith.cmpi slt, %add3A_65, %lt3A_66 : i32
        %convert_element_type3A_68 = arith.extui %lt3A_67 : i1 to i32
        %cond3A_69 = arith.constant 0 : i32
        %cond3A_70 = arith.cmpi ne, %convert_element_type3A_68, %cond3A_69 : i32
        scf.if %cond3A_70 {
          %add3A_344 = arith.constant 1 : i32
          %add3A_345 = arith.addi %scan3A_27, %add3A_344 : i32
          %mul3A_346 = arith.constant 10000 : i32
          %mul3A_347 = arith.muli %add3A, %mul3A_346 : i32
          %mul3A_348 = arith.constant 80 : i32
          %mul3A_349 = arith.muli %add3A_345, %mul3A_348 : i32
          %add3A_350 = arith.addi %mul3A_347, %mul3A_349 : i32
          "tpu.region"() ({
            %run_scoped3A = tpu.sem_alloc : memref<!tpu.dma_semaphore, #tpu.memory_space<semaphore_mem>>
            %dma_start3A_354 = tpu.memref_slice %arg4[%add3A_350] : memref<320000xi32, #tpu.memory_space<hbm>> -> memref<80xi32, #tpu.memory_space<hbm>>
            %dma_start3A_355 = tpu.memref_slice %arg4[%add3A_350] : memref<320000xi32, #tpu.memory_space<hbm>> -> memref<80xi32, #tpu.memory_space<hbm>>
            tpu.enqueue_dma source(%dma_start3A_355 : memref<80xi32, #tpu.memory_space<hbm>>) target(%arg13 : memref<80xi32, #tpu.memory_space<vmem>>) target_semaphore(%run_scoped3A : memref<!tpu.dma_semaphore, #tpu.memory_space<semaphore_mem>>)
            %dma_wait3A_356 = tpu.memref_slice %arg4[%add3A_350] : memref<320000xi32, #tpu.memory_space<hbm>> -> memref<80xi32, #tpu.memory_space<hbm>>
            %dma_wait3A_357 = tpu.memref_slice %arg4[%add3A_350] : memref<320000xi32, #tpu.memory_space<hbm>> -> memref<80xi32, #tpu.memory_space<hbm>>
            tpu.wait_dma2 semaphore(%run_scoped3A : memref<!tpu.dma_semaphore, #tpu.memory_space<semaphore_mem>>) src(%dma_wait3A_357 : memref<80xi32, #tpu.memory_space<hbm>>) dst(%arg13 : memref<80xi32, #tpu.memory_space<vmem>>)
            tpu.yield
          }) : () -> ()
          "tpu.region"() ({
            %run_scoped3A = tpu.sem_alloc : memref<!tpu.dma_semaphore, #tpu.memory_space<semaphore_mem>>
            %dma_start3A_354 = tpu.memref_slice %arg3[%add3A_350] : memref<320000xi32, #tpu.memory_space<hbm>> -> memref<80xi32, #tpu.memory_space<hbm>>
            %dma_start3A_355 = tpu.memref_slice %arg3[%add3A_350] : memref<320000xi32, #tpu.memory_space<hbm>> -> memref<80xi32, #tpu.memory_space<hbm>>
            tpu.enqueue_dma source(%dma_start3A_355 : memref<80xi32, #tpu.memory_space<hbm>>) target(%arg12 : memref<80xi32, #tpu.memory_space<vmem>>) target_semaphore(%run_scoped3A : memref<!tpu.dma_semaphore, #tpu.memory_space<semaphore_mem>>)
            %dma_wait3A_356 = tpu.memref_slice %arg3[%add3A_350] : memref<320000xi32, #tpu.memory_space<hbm>> -> memref<80xi32, #tpu.memory_space<hbm>>
            %dma_wait3A_357 = tpu.memref_slice %arg3[%add3A_350] : memref<320000xi32, #tpu.memory_space<hbm>> -> memref<80xi32, #tpu.memory_space<hbm>>
            tpu.wait_dma2 semaphore(%run_scoped3A : memref<!tpu.dma_semaphore, #tpu.memory_space<semaphore_mem>>) src(%dma_wait3A_357 : memref<80xi32, #tpu.memory_space<hbm>>) dst(%arg12 : memref<80xi32, #tpu.memory_space<vmem>>)
            tpu.yield
          }) : () -> ()
          %dma_start3A_351 = arith.constant 0 : i32
          %dma_start3A_352 = arith.constant 0 : i32
          %dma_start3A_353 = tpu.memref_slice %arg2[%dma_start3A_351, %dma_start3A_352] : memref<10000x128xf32, #tpu.memory_space<hbm>> -> memref<10000x128xf32, #tpu.memory_space<hbm>>
          tpu.enqueue_indirect_dma source(%dma_start3A_353 : memref<10000x128xf32, #tpu.memory_space<hbm>>) target(%arg14 : memref<80x128xf32, #tpu.memory_space<vmem>>) offsets(%arg12 : memref<80xi32, #tpu.memory_space<vmem>>) semaphore(%arg18 : memref<!tpu.dma_semaphore, #tpu.memory_space<semaphore_mem>>)
        } else {
        }
        %dma_wait3A = arith.constant 0 : i32
        %dma_wait3A_71 = arith.constant 0 : i32
        %dma_wait3A_72 = tpu.memref_slice %arg2[%dma_wait3A, %dma_wait3A_71] : memref<10000x128xf32, #tpu.memory_space<hbm>> -> memref<10000x128xf32, #tpu.memory_space<hbm>>
        tpu.wait_indirect_dma semaphore(%arg17 : memref<!tpu.dma_semaphore, #tpu.memory_space<semaphore_mem>>) src(%dma_wait3A_72 : memref<10000x128xf32, #tpu.memory_space<hbm>>) dst(%arg11 : memref<80x128xf32, #tpu.memory_space<vmem>>)
        "tpu.region"() ({
          %run_scoped3A = tpu.sem_alloc : memref<!tpu.dma_semaphore, #tpu.memory_space<semaphore_mem>>
          %dma_start3A_344 = arith.constant 0 : i32
          %dma_start3A_345 = arith.constant 0 : i32
          %dma_start3A_346 = tpu.memref_slice %arg16[%dma_start3A_344, %dma_start3A_345] : memref<10000x128xf32, #tpu.memory_space<vmem_shared>> -> memref<10000x128xf32, #tpu.memory_space<vmem_shared>>
          tpu.enqueue_indirect_dma source(%arg11 : memref<80x128xf32, #tpu.memory_space<vmem>>) target(%dma_start3A_346 : memref<10000x128xf32, #tpu.memory_space<vmem_shared>>) offsets(%arg10 : memref<80xi32, #tpu.memory_space<vmem>>) semaphore(%run_scoped3A : memref<!tpu.dma_semaphore, #tpu.memory_space<semaphore_mem>>) {add = true}
          %dma_wait3A_347 = arith.constant 0 : i32
          %dma_wait3A_348 = arith.constant 0 : i32
          %dma_wait3A_349 = tpu.memref_slice %arg16[%dma_wait3A_347, %dma_wait3A_348] : memref<10000x128xf32, #tpu.memory_space<vmem_shared>> -> memref<10000x128xf32, #tpu.memory_space<vmem_shared>>
          tpu.wait_indirect_dma semaphore(%run_scoped3A : memref<!tpu.dma_semaphore, #tpu.memory_space<semaphore_mem>>) src(%arg11 : memref<80x128xf32, #tpu.memory_space<vmem>>) dst(%dma_wait3A_349 : memref<10000x128xf32, #tpu.memory_space<vmem_shared>>)
          tpu.yield
        }) : () -> ()
        %get3A = arith.constant 0 : index
        %get3A_73 = tpu.vector_load %arg10[%get3A] {strides = array<i32>} : memref<80xi32, #tpu.memory_space<vmem>>, vector<16xi32>,
        %jit3A_74 = arith.constant 640 : i32
        %div3A = vector.broadcast %jit3A_74 : i32 to vector<16xi32>
        %div3A_75 = arith.divsi %get3A_73, %div3A : vector<16xi32>
        %sign3A = arith.constant 0 : i32
        %sign3A_76 = vector.broadcast %sign3A : i32 to vector<16xi32>
        %sign3A_77 = arith.cmpi sgt, %get3A_73, %sign3A_76 : vector<16xi32>
        %sign3A_78 = arith.extui %sign3A_77 : vector<16xi1> to vector<16xi32>
        %sign3A_79 = arith.constant 0 : i32
        %sign3A_80 = vector.broadcast %sign3A_79 : i32 to vector<16xi32>
        %sign3A_81 = arith.cmpi slt, %get3A_73, %sign3A_80 : vector<16xi32>
        %sign3A_82 = arith.extui %sign3A_81 : vector<16xi1> to vector<16xi32>
        %sign3A_83 = arith.subi %sign3A_78, %sign3A_82 : vector<16xi32>
        %sign3A_84 = arith.constant 0 : i32
        %sign3A_85 = arith.cmpi sgt, %jit3A_74, %sign3A_84 : i32
        %sign3A_86 = arith.extui %sign3A_85 : i1 to i32
        %sign3A_87 = arith.constant 0 : i32
        %sign3A_88 = arith.cmpi slt, %jit3A_74, %sign3A_87 : i32
        %sign3A_89 = arith.extui %sign3A_88 : i1 to i32
        %sign3A_90 = arith.subi %sign3A_86, %sign3A_89 : i32
        %ne3A_91 = vector.broadcast %sign3A_90 : i32 to vector<16xi32>
        %ne3A_92 = arith.cmpi ne, %sign3A_83, %ne3A_91 : vector<16xi32>
        %rem3A_93 = vector.broadcast %jit3A_74 : i32 to vector<16xi32>
        %rem3A_94 = arith.remsi %get3A_73, %rem3A_93 : vector<16xi32>
        %ne3A_95 = arith.constant 0 : i32
        %ne3A_96 = vector.broadcast %ne3A_95 : i32 to vector<16xi32>
        %ne3A_97 = arith.cmpi ne, %rem3A_94, %ne3A_96 : vector<16xi32>
        %and3A_98 = arith.andi %ne3A_92, %ne3A_97 : vector<16xi1>
        %sub3A = arith.constant 1 : i32
        %sub3A_99 = vector.broadcast %sub3A : i32 to vector<16xi32>
        %sub3A_100 = arith.subi %div3A_75, %sub3A_99 : vector<16xi32>
        %select_n3A_101 = arith.select %and3A_98, %sub3A_100, %div3A_75 : vector<16xi1>, vector<16xi32>
        %jit3A_102 = arith.constant 640 : i32
        %eq3A_103 = arith.constant 0 : i32
        %eq3A_104 = arith.cmpi eq, %jit3A_102, %eq3A_103 : i32
        %jit3A_105 = arith.constant 1 : i32
        %select_n3A_106 = arith.select %eq3A_104, %jit3A_105, %jit3A_102 : i32
        %rem3A_107 = vector.broadcast %select_n3A_106 : i32 to vector<16xi32>
        %rem3A_108 = arith.remsi %get3A_73, %rem3A_107 : vector<16xi32>
        %ne3A_109 = arith.constant 0 : i32
        %ne3A_110 = vector.broadcast %ne3A_109 : i32 to vector<16xi32>
        %ne3A_111 = arith.cmpi ne, %rem3A_108, %ne3A_110 : vector<16xi32>
        %lt3A_112 = arith.constant 0 : i32
        %lt3A_113 = vector.broadcast %lt3A_112 : i32 to vector<16xi32>
        %lt3A_114 = arith.cmpi slt, %rem3A_108, %lt3A_113 : vector<16xi32>
        %lt3A_115 = arith.constant 0 : i32
        %lt3A_116 = arith.cmpi slt, %select_n3A_106, %lt3A_115 : i32
        %ne3A_117 = vector.broadcast %lt3A_116 : i1 to vector<16xi1>
        %ne3A_118 = vector.broadcast %ne3A_117 : vector<16xi1> to vector<16xi1>
        %ne3A_119 = arith.xori %lt3A_114, %ne3A_118 : vector<16xi1>
        %and3A_120 = arith.andi %ne3A_119, %ne3A_111 : vector<16xi1>
        %add3A_121 = vector.broadcast %select_n3A_106 : i32 to vector<16xi32>
        %add3A_122 = arith.addi %rem3A_108, %add3A_121 : vector<16xi32>
        %select_n3A_123 = arith.select %and3A_120, %add3A_122, %rem3A_108 : vector<16xi1>, vector<16xi32>
        tpu.vector_store_idx %arg15[%select_n3A_101, %select_n3A_123], %broadcast_in_dim3A_1 {add = true} : memref<16x640xf32, #tpu.memory_space<vmem>>[vector<16xi32>, vector<16xi32>], vector<16xf32>,
        %get3A_124 = arith.constant 16 : index
        %get3A_125 = tpu.vector_load %arg10[%get3A_124] {strides = array<i32>} : memref<80xi32, #tpu.memory_space<vmem>>, vector<16xi32>,
        %jit3A_126 = arith.constant 640 : i32
        %div3A_127 = vector.broadcast %jit3A_126 : i32 to vector<16xi32>
        %div3A_128 = arith.divsi %get3A_125, %div3A_127 : vector<16xi32>
        %sign3A_129 = arith.constant 0 : i32
        %sign3A_130 = vector.broadcast %sign3A_129 : i32 to vector<16xi32>
        %sign3A_131 = arith.cmpi sgt, %get3A_125, %sign3A_130 : vector<16xi32>
        %sign3A_132 = arith.extui %sign3A_131 : vector<16xi1> to vector<16xi32>
        %sign3A_133 = arith.constant 0 : i32
        %sign3A_134 = vector.broadcast %sign3A_133 : i32 to vector<16xi32>
        %sign3A_135 = arith.cmpi slt, %get3A_125, %sign3A_134 : vector<16xi32>
        %sign3A_136 = arith.extui %sign3A_135 : vector<16xi1> to vector<16xi32>
        %sign3A_137 = arith.subi %sign3A_132, %sign3A_136 : vector<16xi32>
        %sign3A_138 = arith.constant 0 : i32
        %sign3A_139 = arith.cmpi sgt, %jit3A_126, %sign3A_138 : i32
        %sign3A_140 = arith.extui %sign3A_139 : i1 to i32
        %sign3A_141 = arith.constant 0 : i32
        %sign3A_142 = arith.cmpi slt, %jit3A_126, %sign3A_141 : i32
        %sign3A_143 = arith.extui %sign3A_142 : i1 to i32
        %sign3A_144 = arith.subi %sign3A_140, %sign3A_143 : i32
        %ne3A_145 = vector.broadcast %sign3A_144 : i32 to vector<16xi32>
        %ne3A_146 = arith.cmpi ne, %sign3A_137, %ne3A_145 : vector<16xi32>
        %rem3A_147 = vector.broadcast %jit3A_126 : i32 to vector<16xi32>
        %rem3A_148 = arith.remsi %get3A_125, %rem3A_147 : vector<16xi32>
        %ne3A_149 = arith.constant 0 : i32
        %ne3A_150 = vector.broadcast %ne3A_149 : i32 to vector<16xi32>
        %ne3A_151 = arith.cmpi ne, %rem3A_148, %ne3A_150 : vector<16xi32>
        %and3A_152 = arith.andi %ne3A_146, %ne3A_151 : vector<16xi1>
        %sub3A_153 = arith.constant 1 : i32
        %sub3A_154 = vector.broadcast %sub3A_153 : i32 to vector<16xi32>
        %sub3A_155 = arith.subi %div3A_128, %sub3A_154 : vector<16xi32>
        %select_n3A_156 = arith.select %and3A_152, %sub3A_155, %div3A_128 : vector<16xi1>, vector<16xi32>
        %jit3A_157 = arith.constant 640 : i32
        %eq3A_158 = arith.constant 0 : i32
        %eq3A_159 = arith.cmpi eq, %jit3A_157, %eq3A_158 : i32
        %jit3A_160 = arith.constant 1 : i32
        %select_n3A_161 = arith.select %eq3A_159, %jit3A_160, %jit3A_157 : i32
        %rem3A_162 = vector.broadcast %select_n3A_161 : i32 to vector<16xi32>
        %rem3A_163 = arith.remsi %get3A_125, %rem3A_162 : vector<16xi32>
        %ne3A_164 = arith.constant 0 : i32
        %ne3A_165 = vector.broadcast %ne3A_164 : i32 to vector<16xi32>
        %ne3A_166 = arith.cmpi ne, %rem3A_163, %ne3A_165 : vector<16xi32>
        %lt3A_167 = arith.constant 0 : i32
        %lt3A_168 = vector.broadcast %lt3A_167 : i32 to vector<16xi32>
        %lt3A_169 = arith.cmpi slt, %rem3A_163, %lt3A_168 : vector<16xi32>
        %lt3A_170 = arith.constant 0 : i32
        %lt3A_171 = arith.cmpi slt, %select_n3A_161, %lt3A_170 : i32
        %ne3A_172 = vector.broadcast %lt3A_171 : i1 to vector<16xi1>
        %ne3A_173 = vector.broadcast %ne3A_172 : vector<16xi1> to vector<16xi1>
        %ne3A_174 = arith.xori %lt3A_169, %ne3A_173 : vector<16xi1>
        %and3A_175 = arith.andi %ne3A_174, %ne3A_166 : vector<16xi1>
        %add3A_176 = vector.broadcast %select_n3A_161 : i32 to vector<16xi32>
        %add3A_177 = arith.addi %rem3A_163, %add3A_176 : vector<16xi32>
        %select_n3A_178 = arith.select %and3A_175, %add3A_177, %rem3A_163 : vector<16xi1>, vector<16xi32>
        tpu.vector_store_idx %arg15[%select_n3A_156, %select_n3A_178], %broadcast_in_dim3A_1 {add = true} : memref<16x640xf32, #tpu.memory_space<vmem>>[vector<16xi32>, vector<16xi32>], vector<16xf32>,
        %get3A_179 = arith.constant 32 : index
        %get3A_180 = tpu.vector_load %arg10[%get3A_179] {strides = array<i32>} : memref<80xi32, #tpu.memory_space<vmem>>, vector<16xi32>,
        %jit3A_181 = arith.constant 640 : i32
        %div3A_182 = vector.broadcast %jit3A_181 : i32 to vector<16xi32>
        %div3A_183 = arith.divsi %get3A_180, %div3A_182 : vector<16xi32>
        %sign3A_184 = arith.constant 0 : i32
        %sign3A_185 = vector.broadcast %sign3A_184 : i32 to vector<16xi32>
        %sign3A_186 = arith.cmpi sgt, %get3A_180, %sign3A_185 : vector<16xi32>
        %sign3A_187 = arith.extui %sign3A_186 : vector<16xi1> to vector<16xi32>
        %sign3A_188 = arith.constant 0 : i32
        %sign3A_189 = vector.broadcast %sign3A_188 : i32 to vector<16xi32>
        %sign3A_190 = arith.cmpi slt, %get3A_180, %sign3A_189 : vector<16xi32>
        %sign3A_191 = arith.extui %sign3A_190 : vector<16xi1> to vector<16xi32>
        %sign3A_192 = arith.subi %sign3A_187, %sign3A_191 : vector<16xi32>
        %sign3A_193 = arith.constant 0 : i32
        %sign3A_194 = arith.cmpi sgt, %jit3A_181, %sign3A_193 : i32
        %sign3A_195 = arith.extui %sign3A_194 : i1 to i32
        %sign3A_196 = arith.constant 0 : i32
        %sign3A_197 = arith.cmpi slt, %jit3A_181, %sign3A_196 : i32
        %sign3A_198 = arith.extui %sign3A_197 : i1 to i32
        %sign3A_199 = arith.subi %sign3A_195, %sign3A_198 : i32
        %ne3A_200 = vector.broadcast %sign3A_199 : i32 to vector<16xi32>
        %ne3A_201 = arith.cmpi ne, %sign3A_192, %ne3A_200 : vector<16xi32>
        %rem3A_202 = vector.broadcast %jit3A_181 : i32 to vector<16xi32>
        %rem3A_203 = arith.remsi %get3A_180, %rem3A_202 : vector<16xi32>
        %ne3A_204 = arith.constant 0 : i32
        %ne3A_205 = vector.broadcast %ne3A_204 : i32 to vector<16xi32>
        %ne3A_206 = arith.cmpi ne, %rem3A_203, %ne3A_205 : vector<16xi32>
        %and3A_207 = arith.andi %ne3A_201, %ne3A_206 : vector<16xi1>
        %sub3A_208 = arith.constant 1 : i32
        %sub3A_209 = vector.broadcast %sub3A_208 : i32 to vector<16xi32>
        %sub3A_210 = arith.subi %div3A_183, %sub3A_209 : vector<16xi32>
        %select_n3A_211 = arith.select %and3A_207, %sub3A_210, %div3A_183 : vector<16xi1>, vector<16xi32>
        %jit3A_212 = arith.constant 640 : i32
        %eq3A_213 = arith.constant 0 : i32
        %eq3A_214 = arith.cmpi eq, %jit3A_212, %eq3A_213 : i32
        %jit3A_215 = arith.constant 1 : i32
        %select_n3A_216 = arith.select %eq3A_214, %jit3A_215, %jit3A_212 : i32
        %rem3A_217 = vector.broadcast %select_n3A_216 : i32 to vector<16xi32>
        %rem3A_218 = arith.remsi %get3A_180, %rem3A_217 : vector<16xi32>
        %ne3A_219 = arith.constant 0 : i32
        %ne3A_220 = vector.broadcast %ne3A_219 : i32 to vector<16xi32>
        %ne3A_221 = arith.cmpi ne, %rem3A_218, %ne3A_220 : vector<16xi32>
        %lt3A_222 = arith.constant 0 : i32
        %lt3A_223 = vector.broadcast %lt3A_222 : i32 to vector<16xi32>
        %lt3A_224 = arith.cmpi slt, %rem3A_218, %lt3A_223 : vector<16xi32>
        %lt3A_225 = arith.constant 0 : i32
        %lt3A_226 = arith.cmpi slt, %select_n3A_216, %lt3A_225 : i32
        %ne3A_227 = vector.broadcast %lt3A_226 : i1 to vector<16xi1>
        %ne3A_228 = vector.broadcast %ne3A_227 : vector<16xi1> to vector<16xi1>
        %ne3A_229 = arith.xori %lt3A_224, %ne3A_228 : vector<16xi1>
        %and3A_230 = arith.andi %ne3A_229, %ne3A_221 : vector<16xi1>
        %add3A_231 = vector.broadcast %select_n3A_216 : i32 to vector<16xi32>
        %add3A_232 = arith.addi %rem3A_218, %add3A_231 : vector<16xi32>
        %select_n3A_233 = arith.select %and3A_230, %add3A_232, %rem3A_218 : vector<16xi1>, vector<16xi32>
        tpu.vector_store_idx %arg15[%select_n3A_211, %select_n3A_233], %broadcast_in_dim3A_1 {add = true} : memref<16x640xf32, #tpu.memory_space<vmem>>[vector<16xi32>, vector<16xi32>], vector<16xf32>,
        %get3A_234 = arith.constant 48 : index
        %get3A_235 = tpu.vector_load %arg10[%get3A_234] {strides = array<i32>} : memref<80xi32, #tpu.memory_space<vmem>>, vector<16xi32>,
        %jit3A_236 = arith.constant 640 : i32
        %div3A_237 = vector.broadcast %jit3A_236 : i32 to vector<16xi32>
        %div3A_238 = arith.divsi %get3A_235, %div3A_237 : vector<16xi32>
        %sign3A_239 = arith.constant 0 : i32
        %sign3A_240 = vector.broadcast %sign3A_239 : i32 to vector<16xi32>
        %sign3A_241 = arith.cmpi sgt, %get3A_235, %sign3A_240 : vector<16xi32>
        %sign3A_242 = arith.extui %sign3A_241 : vector<16xi1> to vector<16xi32>
        %sign3A_243 = arith.constant 0 : i32
        %sign3A_244 = vector.broadcast %sign3A_243 : i32 to vector<16xi32>
        %sign3A_245 = arith.cmpi slt, %get3A_235, %sign3A_244 : vector<16xi32>
        %sign3A_246 = arith.extui %sign3A_245 : vector<16xi1> to vector<16xi32>
        %sign3A_247 = arith.subi %sign3A_242, %sign3A_246 : vector<16xi32>
        %sign3A_248 = arith.constant 0 : i32
        %sign3A_249 = arith.cmpi sgt, %jit3A_236, %sign3A_248 : i32
        %sign3A_250 = arith.extui %sign3A_249 : i1 to i32
        %sign3A_251 = arith.constant 0 : i32
        %sign3A_252 = arith.cmpi slt, %jit3A_236, %sign3A_251 : i32
        %sign3A_253 = arith.extui %sign3A_252 : i1 to i32
        %sign3A_254 = arith.subi %sign3A_250, %sign3A_253 : i32
        %ne3A_255 = vector.broadcast %sign3A_254 : i32 to vector<16xi32>
        %ne3A_256 = arith.cmpi ne, %sign3A_247, %ne3A_255 : vector<16xi32>
        %rem3A_257 = vector.broadcast %jit3A_236 : i32 to vector<16xi32>
        %rem3A_258 = arith.remsi %get3A_235, %rem3A_257 : vector<16xi32>
        %ne3A_259 = arith.constant 0 : i32
        %ne3A_260 = vector.broadcast %ne3A_259 : i32 to vector<16xi32>
        %ne3A_261 = arith.cmpi ne, %rem3A_258, %ne3A_260 : vector<16xi32>
        %and3A_262 = arith.andi %ne3A_256, %ne3A_261 : vector<16xi1>
        %sub3A_263 = arith.constant 1 : i32
        %sub3A_264 = vector.broadcast %sub3A_263 : i32 to vector<16xi32>
        %sub3A_265 = arith.subi %div3A_238, %sub3A_264 : vector<16xi32>
        %select_n3A_266 = arith.select %and3A_262, %sub3A_265, %div3A_238 : vector<16xi1>, vector<16xi32>
        %jit3A_267 = arith.constant 640 : i32
        %eq3A_268 = arith.constant 0 : i32
        %eq3A_269 = arith.cmpi eq, %jit3A_267, %eq3A_268 : i32
        %jit3A_270 = arith.constant 1 : i32
        %select_n3A_271 = arith.select %eq3A_269, %jit3A_270, %jit3A_267 : i32
        %rem3A_272 = vector.broadcast %select_n3A_271 : i32 to vector<16xi32>
        %rem3A_273 = arith.remsi %get3A_235, %rem3A_272 : vector<16xi32>
        %ne3A_274 = arith.constant 0 : i32
        %ne3A_275 = vector.broadcast %ne3A_274 : i32 to vector<16xi32>
        %ne3A_276 = arith.cmpi ne, %rem3A_273, %ne3A_275 : vector<16xi32>
        %lt3A_277 = arith.constant 0 : i32
        %lt3A_278 = vector.broadcast %lt3A_277 : i32 to vector<16xi32>
        %lt3A_279 = arith.cmpi slt, %rem3A_273, %lt3A_278 : vector<16xi32>
        %lt3A_280 = arith.constant 0 : i32
        %lt3A_281 = arith.cmpi slt, %select_n3A_271, %lt3A_280 : i32
        %ne3A_282 = vector.broadcast %lt3A_281 : i1 to vector<16xi1>
        %ne3A_283 = vector.broadcast %ne3A_282 : vector<16xi1> to vector<16xi1>
        %ne3A_284 = arith.xori %lt3A_279, %ne3A_283 : vector<16xi1>
        %and3A_285 = arith.andi %ne3A_284, %ne3A_276 : vector<16xi1>
        %add3A_286 = vector.broadcast %select_n3A_271 : i32 to vector<16xi32>
        %add3A_287 = arith.addi %rem3A_273, %add3A_286 : vector<16xi32>
        %select_n3A_288 = arith.select %and3A_285, %add3A_287, %rem3A_273 : vector<16xi1>, vector<16xi32>
        tpu.vector_store_idx %arg15[%select_n3A_266, %select_n3A_288], %broadcast_in_dim3A_1 {add = true} : memref<16x640xf32, #tpu.memory_space<vmem>>[vector<16xi32>, vector<16xi32>], vector<16xf32>,
        %get3A_289 = arith.constant 64 : index
        %get3A_290 = tpu.vector_load %arg10[%get3A_289] {strides = array<i32>} : memref<80xi32, #tpu.memory_space<vmem>>, vector<16xi32>,
        %jit3A_291 = arith.constant 640 : i32
        %div3A_292 = vector.broadcast %jit3A_291 : i32 to vector<16xi32>
        %div3A_293 = arith.divsi %get3A_290, %div3A_292 : vector<16xi32>
        %sign3A_294 = arith.constant 0 : i32
        %sign3A_295 = vector.broadcast %sign3A_294 : i32 to vector<16xi32>
        %sign3A_296 = arith.cmpi sgt, %get3A_290, %sign3A_295 : vector<16xi32>
        %sign3A_297 = arith.extui %sign3A_296 : vector<16xi1> to vector<16xi32>
        %sign3A_298 = arith.constant 0 : i32
        %sign3A_299 = vector.broadcast %sign3A_298 : i32 to vector<16xi32>
        %sign3A_300 = arith.cmpi slt, %get3A_290, %sign3A_299 : vector<16xi32>
        %sign3A_301 = arith.extui %sign3A_300 : vector<16xi1> to vector<16xi32>
        %sign3A_302 = arith.subi %sign3A_297, %sign3A_301 : vector<16xi32>
        %sign3A_303 = arith.constant 0 : i32
        %sign3A_304 = arith.cmpi sgt, %jit3A_291, %sign3A_303 : i32
        %sign3A_305 = arith.extui %sign3A_304 : i1 to i32
        %sign3A_306 = arith.constant 0 : i32
        %sign3A_307 = arith.cmpi slt, %jit3A_291, %sign3A_306 : i32
        %sign3A_308 = arith.extui %sign3A_307 : i1 to i32
        %sign3A_309 = arith.subi %sign3A_305, %sign3A_308 : i32
        %ne3A_310 = vector.broadcast %sign3A_309 : i32 to vector<16xi32>
        %ne3A_311 = arith.cmpi ne, %sign3A_302, %ne3A_310 : vector<16xi32>
        %rem3A_312 = vector.broadcast %jit3A_291 : i32 to vector<16xi32>
        %rem3A_313 = arith.remsi %get3A_290, %rem3A_312 : vector<16xi32>
        %ne3A_314 = arith.constant 0 : i32
        %ne3A_315 = vector.broadcast %ne3A_314 : i32 to vector<16xi32>
        %ne3A_316 = arith.cmpi ne, %rem3A_313, %ne3A_315 : vector<16xi32>
        %and3A_317 = arith.andi %ne3A_311, %ne3A_316 : vector<16xi1>
        %sub3A_318 = arith.constant 1 : i32
        %sub3A_319 = vector.broadcast %sub3A_318 : i32 to vector<16xi32>
        %sub3A_320 = arith.subi %div3A_293, %sub3A_319 : vector<16xi32>
        %select_n3A_321 = arith.select %and3A_317, %sub3A_320, %div3A_293 : vector<16xi1>, vector<16xi32>
        %jit3A_322 = arith.constant 640 : i32
        %eq3A_323 = arith.constant 0 : i32
        %eq3A_324 = arith.cmpi eq, %jit3A_322, %eq3A_323 : i32
        %jit3A_325 = arith.constant 1 : i32
        %select_n3A_326 = arith.select %eq3A_324, %jit3A_325, %jit3A_322 : i32
        %rem3A_327 = vector.broadcast %select_n3A_326 : i32 to vector<16xi32>
        %rem3A_328 = arith.remsi %get3A_290, %rem3A_327 : vector<16xi32>
        %ne3A_329 = arith.constant 0 : i32
        %ne3A_330 = vector.broadcast %ne3A_329 : i32 to vector<16xi32>
        %ne3A_331 = arith.cmpi ne, %rem3A_328, %ne3A_330 : vector<16xi32>
        %lt3A_332 = arith.constant 0 : i32
        %lt3A_333 = vector.broadcast %lt3A_332 : i32 to vector<16xi32>
        %lt3A_334 = arith.cmpi slt, %rem3A_328, %lt3A_333 : vector<16xi32>
        %lt3A_335 = arith.constant 0 : i32
        %lt3A_336 = arith.cmpi slt, %select_n3A_326, %lt3A_335 : i32
        %ne3A_337 = vector.broadcast %lt3A_336 : i1 to vector<16xi1>
        %ne3A_338 = vector.broadcast %ne3A_337 : vector<16xi1> to vector<16xi1>
        %ne3A_339 = arith.xori %lt3A_334, %ne3A_338 : vector<16xi1>
        %and3A_340 = arith.andi %ne3A_339, %ne3A_331 : vector<16xi1>
        %add3A_341 = vector.broadcast %select_n3A_326 : i32 to vector<16xi32>
        %add3A_342 = arith.addi %rem3A_328, %add3A_341 : vector<16xi32>
        %select_n3A_343 = arith.select %and3A_340, %add3A_342, %rem3A_328 : vector<16xi1>, vector<16xi32>
        tpu.vector_store_idx %arg15[%select_n3A_321, %select_n3A_343], %broadcast_in_dim3A_1 {add = true} : memref<16x640xf32, #tpu.memory_space<vmem>>[vector<16xi32>, vector<16xi32>], vector<16xf32>,
      } else {
      }
      %jit3A_43 = arith.constant 2 : i32
      %eq3A_44 = arith.constant 0 : i32
      %eq3A_45 = arith.cmpi eq, %jit3A_43, %eq3A_44 : i32
      %jit3A_46 = arith.constant 1 : i32
      %select_n3A_47 = arith.select %eq3A_45, %jit3A_46, %jit3A_43 : i32
      %rem3A_48 = arith.remsi %scan3A_27, %select_n3A_47 : i32
      %ne3A_49 = arith.constant 0 : i32
      %ne3A_50 = arith.cmpi ne, %rem3A_48, %ne3A_49 : i32
      %lt3A_51 = arith.constant 0 : i32
      %lt3A_52 = arith.cmpi slt, %rem3A_48, %lt3A_51 : i32
      %lt3A_53 = arith.constant 0 : i32
      %lt3A_54 = arith.cmpi slt, %select_n3A_47, %lt3A_53 : i32
      %ne3A_55 = arith.xori %lt3A_52, %lt3A_54 : i1
      %and3A_56 = arith.andi %ne3A_55, %ne3A_50 : i1
      %add3A_57 = arith.addi %rem3A_48, %select_n3A_47 : i32
      %select_n3A_58 = arith.select %and3A_56, %add3A_57, %rem3A_48 : i32
      %eq3A_59 = arith.constant 1 : i32
      %eq3A_60 = arith.cmpi eq, %select_n3A_58, %eq3A_59 : i32
      %convert_element_type3A_61 = arith.extui %eq3A_60 : i1 to i32
      %cond3A_62 = arith.constant 0 : i32
      %cond3A_63 = arith.cmpi ne, %convert_element_type3A_61, %cond3A_62 : i32
      scf.if %cond3A_63 {
        %add3A_64 = arith.constant 1 : i32
        %add3A_65 = arith.addi %scan3A_27, %add3A_64 : i32
        %lt3A_66 = arith.constant 125 : i32
        %lt3A_67 = arith.cmpi slt, %add3A_65, %lt3A_66 : i32
        %convert_element_type3A_68 = arith.extui %lt3A_67 : i1 to i32
        %cond3A_69 = arith.constant 0 : i32
        %cond3A_70 = arith.cmpi ne, %convert_element_type3A_68, %cond3A_69 : i32
        scf.if %cond3A_70 {
          %add3A_344 = arith.constant 1 : i32
          %add3A_345 = arith.addi %scan3A_27, %add3A_344 : i32
          %mul3A_346 = arith.constant 10000 : i32
          %mul3A_347 = arith.muli %add3A, %mul3A_346 : i32
          %mul3A_348 = arith.constant 80 : i32
          %mul3A_349 = arith.muli %add3A_345, %mul3A_348 : i32
          %add3A_350 = arith.addi %mul3A_347, %mul3A_349 : i32
          "tpu.region"() ({
            %run_scoped3A = tpu.sem_alloc : memref<!tpu.dma_semaphore, #tpu.memory_space<semaphore_mem>>
            %dma_start3A_354 = tpu.memref_slice %arg4[%add3A_350] : memref<320000xi32, #tpu.memory_space<hbm>> -> memref<80xi32, #tpu.memory_space<hbm>>
            %dma_start3A_355 = tpu.memref_slice %arg4[%add3A_350] : memref<320000xi32, #tpu.memory_space<hbm>> -> memref<80xi32, #tpu.memory_space<hbm>>
            tpu.enqueue_dma source(%dma_start3A_355 : memref<80xi32, #tpu.memory_space<hbm>>) target(%arg10 : memref<80xi32, #tpu.memory_space<vmem>>) target_semaphore(%run_scoped3A : memref<!tpu.dma_semaphore, #tpu.memory_space<semaphore_mem>>)
            %dma_wait3A_356 = tpu.memref_slice %arg4[%add3A_350] : memref<320000xi32, #tpu.memory_space<hbm>> -> memref<80xi32, #tpu.memory_space<hbm>>
            %dma_wait3A_357 = tpu.memref_slice %arg4[%add3A_350] : memref<320000xi32, #tpu.memory_space<hbm>> -> memref<80xi32, #tpu.memory_space<hbm>>
            tpu.wait_dma2 semaphore(%run_scoped3A : memref<!tpu.dma_semaphore, #tpu.memory_space<semaphore_mem>>) src(%dma_wait3A_357 : memref<80xi32, #tpu.memory_space<hbm>>) dst(%arg10 : memref<80xi32, #tpu.memory_space<vmem>>)
            tpu.yield
          }) : () -> ()
          "tpu.region"() ({
            %run_scoped3A = tpu.sem_alloc : memref<!tpu.dma_semaphore, #tpu.memory_space<semaphore_mem>>
            %dma_start3A_354 = tpu.memref_slice %arg3[%add3A_350] : memref<320000xi32, #tpu.memory_space<hbm>> -> memref<80xi32, #tpu.memory_space<hbm>>
            %dma_start3A_355 = tpu.memref_slice %arg3[%add3A_350] : memref<320000xi32, #tpu.memory_space<hbm>> -> memref<80xi32, #tpu.memory_space<hbm>>
            tpu.enqueue_dma source(%dma_start3A_355 : memref<80xi32, #tpu.memory_space<hbm>>) target(%arg9 : memref<80xi32, #tpu.memory_space<vmem>>) target_semaphore(%run_scoped3A : memref<!tpu.dma_semaphore, #tpu.memory_space<semaphore_mem>>)
            %dma_wait3A_356 = tpu.memref_slice %arg3[%add3A_350] : memref<320000xi32, #tpu.memory_space<hbm>> -> memref<80xi32, #tpu.memory_space<hbm>>
            %dma_wait3A_357 = tpu.memref_slice %arg3[%add3A_350] : memref<320000xi32, #tpu.memory_space<hbm>> -> memref<80xi32, #tpu.memory_space<hbm>>
            tpu.wait_dma2 semaphore(%run_scoped3A : memref<!tpu.dma_semaphore, #tpu.memory_space<semaphore_mem>>) src(%dma_wait3A_357 : memref<80xi32, #tpu.memory_space<hbm>>) dst(%arg9 : memref<80xi32, #tpu.memory_space<vmem>>)
            tpu.yield
          }) : () -> ()
          %dma_start3A_351 = arith.constant 0 : i32
          %dma_start3A_352 = arith.constant 0 : i32
          %dma_start3A_353 = tpu.memref_slice %arg2[%dma_start3A_351, %dma_start3A_352] : memref<10000x128xf32, #tpu.memory_space<hbm>> -> memref<10000x128xf32, #tpu.memory_space<hbm>>
          tpu.enqueue_indirect_dma source(%dma_start3A_353 : memref<10000x128xf32, #tpu.memory_space<hbm>>) target(%arg11 : memref<80x128xf32, #tpu.memory_space<vmem>>) offsets(%arg9 : memref<80xi32, #tpu.memory_space<vmem>>) semaphore(%arg17 : memref<!tpu.dma_semaphore, #tpu.memory_space<semaphore_mem>>)
        } else {
        }
        %dma_wait3A = arith.constant 0 : i32
        %dma_wait3A_71 = arith.constant 0 : i32
        %dma_wait3A_72 = tpu.memref_slice %arg2[%dma_wait3A, %dma_wait3A_71] : memref<10000x128xf32, #tpu.memory_space<hbm>> -> memref<10000x128xf32, #tpu.memory_space<hbm>>
        tpu.wait_indirect_dma semaphore(%arg18 : memref<!tpu.dma_semaphore, #tpu.memory_space<semaphore_mem>>) src(%dma_wait3A_72 : memref<10000x128xf32, #tpu.memory_space<hbm>>) dst(%arg14 : memref<80x128xf32, #tpu.memory_space<vmem>>)
        "tpu.region"() ({
          %run_scoped3A = tpu.sem_alloc : memref<!tpu.dma_semaphore, #tpu.memory_space<semaphore_mem>>
          %dma_start3A_344 = arith.constant 0 : i32
          %dma_start3A_345 = arith.constant 0 : i32
          %dma_start3A_346 = tpu.memref_slice %arg16[%dma_start3A_344, %dma_start3A_345] : memref<10000x128xf32, #tpu.memory_space<vmem_shared>> -> memref<10000x128xf32, #tpu.memory_space<vmem_shared>>
          tpu.enqueue_indirect_dma source(%arg14 : memref<80x128xf32, #tpu.memory_space<vmem>>) target(%dma_start3A_346 : memref<10000x128xf32, #tpu.memory_space<vmem_shared>>) offsets(%arg13 : memref<80xi32, #tpu.memory_space<vmem>>) semaphore(%run_scoped3A : memref<!tpu.dma_semaphore, #tpu.memory_space<semaphore_mem>>) {add = true}
          %dma_wait3A_347 = arith.constant 0 : i32
          %dma_wait3A_348 = arith.constant 0 : i32
          %dma_wait3A_349 = tpu.memref_slice %arg16[%dma_wait3A_347, %dma_wait3A_348] : memref<10000x128xf32, #tpu.memory_space<vmem_shared>> -> memref<10000x128xf32, #tpu.memory_space<vmem_shared>>
          tpu.wait_indirect_dma semaphore(%run_scoped3A : memref<!tpu.dma_semaphore, #tpu.memory_space<semaphore_mem>>) src(%arg14 : memref<80x128xf32, #tpu.memory_space<vmem>>) dst(%dma_wait3A_349 : memref<10000x128xf32, #tpu.memory_space<vmem_shared>>)
          tpu.yield
        }) : () -> ()
        %get3A = arith.constant 0 : index
        %get3A_73 = tpu.vector_load %arg13[%get3A] {strides = array<i32>} : memref<80xi32, #tpu.memory_space<vmem>>, vector<16xi32>,
        %jit3A_74 = arith.constant 640 : i32
        %div3A = vector.broadcast %jit3A_74 : i32 to vector<16xi32>
        %div3A_75 = arith.divsi %get3A_73, %div3A : vector<16xi32>
        %sign3A = arith.constant 0 : i32
        %sign3A_76 = vector.broadcast %sign3A : i32 to vector<16xi32>
        %sign3A_77 = arith.cmpi sgt, %get3A_73, %sign3A_76 : vector<16xi32>
        %sign3A_78 = arith.extui %sign3A_77 : vector<16xi1> to vector<16xi32>
        %sign3A_79 = arith.constant 0 : i32
        %sign3A_80 = vector.broadcast %sign3A_79 : i32 to vector<16xi32>
        %sign3A_81 = arith.cmpi slt, %get3A_73, %sign3A_80 : vector<16xi32>
        %sign3A_82 = arith.extui %sign3A_81 : vector<16xi1> to vector<16xi32>
        %sign3A_83 = arith.subi %sign3A_78, %sign3A_82 : vector<16xi32>
        %sign3A_84 = arith.constant 0 : i32
        %sign3A_85 = arith.cmpi sgt, %jit3A_74, %sign3A_84 : i32
        %sign3A_86 = arith.extui %sign3A_85 : i1 to i32
        %sign3A_87 = arith.constant 0 : i32
        %sign3A_88 = arith.cmpi slt, %jit3A_74, %sign3A_87 : i32
        %sign3A_89 = arith.extui %sign3A_88 : i1 to i32
        %sign3A_90 = arith.subi %sign3A_86, %sign3A_89 : i32
        %ne3A_91 = vector.broadcast %sign3A_90 : i32 to vector<16xi32>
        %ne3A_92 = arith.cmpi ne, %sign3A_83, %ne3A_91 : vector<16xi32>
        %rem3A_93 = vector.broadcast %jit3A_74 : i32 to vector<16xi32>
        %rem3A_94 = arith.remsi %get3A_73, %rem3A_93 : vector<16xi32>
        %ne3A_95 = arith.constant 0 : i32
        %ne3A_96 = vector.broadcast %ne3A_95 : i32 to vector<16xi32>
        %ne3A_97 = arith.cmpi ne, %rem3A_94, %ne3A_96 : vector<16xi32>
        %and3A_98 = arith.andi %ne3A_92, %ne3A_97 : vector<16xi1>
        %sub3A = arith.constant 1 : i32
        %sub3A_99 = vector.broadcast %sub3A : i32 to vector<16xi32>
        %sub3A_100 = arith.subi %div3A_75, %sub3A_99 : vector<16xi32>
        %select_n3A_101 = arith.select %and3A_98, %sub3A_100, %div3A_75 : vector<16xi1>, vector<16xi32>
        %jit3A_102 = arith.constant 640 : i32
        %eq3A_103 = arith.constant 0 : i32
        %eq3A_104 = arith.cmpi eq, %jit3A_102, %eq3A_103 : i32
        %jit3A_105 = arith.constant 1 : i32
        %select_n3A_106 = arith.select %eq3A_104, %jit3A_105, %jit3A_102 : i32
        %rem3A_107 = vector.broadcast %select_n3A_106 : i32 to vector<16xi32>
        %rem3A_108 = arith.remsi %get3A_73, %rem3A_107 : vector<16xi32>
        %ne3A_109 = arith.constant 0 : i32
        %ne3A_110 = vector.broadcast %ne3A_109 : i32 to vector<16xi32>
        %ne3A_111 = arith.cmpi ne, %rem3A_108, %ne3A_110 : vector<16xi32>
        %lt3A_112 = arith.constant 0 : i32
        %lt3A_113 = vector.broadcast %lt3A_112 : i32 to vector<16xi32>
        %lt3A_114 = arith.cmpi slt, %rem3A_108, %lt3A_113 : vector<16xi32>
        %lt3A_115 = arith.constant 0 : i32
        %lt3A_116 = arith.cmpi slt, %select_n3A_106, %lt3A_115 : i32
        %ne3A_117 = vector.broadcast %lt3A_116 : i1 to vector<16xi1>
        %ne3A_118 = vector.broadcast %ne3A_117 : vector<16xi1> to vector<16xi1>
        %ne3A_119 = arith.xori %lt3A_114, %ne3A_118 : vector<16xi1>
        %and3A_120 = arith.andi %ne3A_119, %ne3A_111 : vector<16xi1>
        %add3A_121 = vector.broadcast %select_n3A_106 : i32 to vector<16xi32>
        %add3A_122 = arith.addi %rem3A_108, %add3A_121 : vector<16xi32>
        %select_n3A_123 = arith.select %and3A_120, %add3A_122, %rem3A_108 : vector<16xi1>, vector<16xi32>
        tpu.vector_store_idx %arg15[%select_n3A_101, %select_n3A_123], %broadcast_in_dim3A_1 {add = true} : memref<16x640xf32, #tpu.memory_space<vmem>>[vector<16xi32>, vector<16xi32>], vector<16xf32>,
        %get3A_124 = arith.constant 16 : index
        %get3A_125 = tpu.vector_load %arg13[%get3A_124] {strides = array<i32>} : memref<80xi32, #tpu.memory_space<vmem>>, vector<16xi32>,
        %jit3A_126 = arith.constant 640 : i32
        %div3A_127 = vector.broadcast %jit3A_126 : i32 to vector<16xi32>
        %div3A_128 = arith.divsi %get3A_125, %div3A_127 : vector<16xi32>
        %sign3A_129 = arith.constant 0 : i32
        %sign3A_130 = vector.broadcast %sign3A_129 : i32 to vector<16xi32>
        %sign3A_131 = arith.cmpi sgt, %get3A_125, %sign3A_130 : vector<16xi32>
        %sign3A_132 = arith.extui %sign3A_131 : vector<16xi1> to vector<16xi32>
        %sign3A_133 = arith.constant 0 : i32
        %sign3A_134 = vector.broadcast %sign3A_133 : i32 to vector<16xi32>
        %sign3A_135 = arith.cmpi slt, %get3A_125, %sign3A_134 : vector<16xi32>
        %sign3A_136 = arith.extui %sign3A_135 : vector<16xi1> to vector<16xi32>
        %sign3A_137 = arith.subi %sign3A_132, %sign3A_136 : vector<16xi32>
        %sign3A_138 = arith.constant 0 : i32
        %sign3A_139 = arith.cmpi sgt, %jit3A_126, %sign3A_138 : i32
        %sign3A_140 = arith.extui %sign3A_139 : i1 to i32
        %sign3A_141 = arith.constant 0 : i32
        %sign3A_142 = arith.cmpi slt, %jit3A_126, %sign3A_141 : i32
        %sign3A_143 = arith.extui %sign3A_142 : i1 to i32
        %sign3A_144 = arith.subi %sign3A_140, %sign3A_143 : i32
        %ne3A_145 = vector.broadcast %sign3A_144 : i32 to vector<16xi32>
        %ne3A_146 = arith.cmpi ne, %sign3A_137, %ne3A_145 : vector<16xi32>
        %rem3A_147 = vector.broadcast %jit3A_126 : i32 to vector<16xi32>
        %rem3A_148 = arith.remsi %get3A_125, %rem3A_147 : vector<16xi32>
        %ne3A_149 = arith.constant 0 : i32
        %ne3A_150 = vector.broadcast %ne3A_149 : i32 to vector<16xi32>
        %ne3A_151 = arith.cmpi ne, %rem3A_148, %ne3A_150 : vector<16xi32>
        %and3A_152 = arith.andi %ne3A_146, %ne3A_151 : vector<16xi1>
        %sub3A_153 = arith.constant 1 : i32
        %sub3A_154 = vector.broadcast %sub3A_153 : i32 to vector<16xi32>
        %sub3A_155 = arith.subi %div3A_128, %sub3A_154 : vector<16xi32>
        %select_n3A_156 = arith.select %and3A_152, %sub3A_155, %div3A_128 : vector<16xi1>, vector<16xi32>
        %jit3A_157 = arith.constant 640 : i32
        %eq3A_158 = arith.constant 0 : i32
        %eq3A_159 = arith.cmpi eq, %jit3A_157, %eq3A_158 : i32
        %jit3A_160 = arith.constant 1 : i32
        %select_n3A_161 = arith.select %eq3A_159, %jit3A_160, %jit3A_157 : i32
        %rem3A_162 = vector.broadcast %select_n3A_161 : i32 to vector<16xi32>
        %rem3A_163 = arith.remsi %get3A_125, %rem3A_162 : vector<16xi32>
        %ne3A_164 = arith.constant 0 : i32
        %ne3A_165 = vector.broadcast %ne3A_164 : i32 to vector<16xi32>
        %ne3A_166 = arith.cmpi ne, %rem3A_163, %ne3A_165 : vector<16xi32>
        %lt3A_167 = arith.constant 0 : i32
        %lt3A_168 = vector.broadcast %lt3A_167 : i32 to vector<16xi32>
        %lt3A_169 = arith.cmpi slt, %rem3A_163, %lt3A_168 : vector<16xi32>
        %lt3A_170 = arith.constant 0 : i32
        %lt3A_171 = arith.cmpi slt, %select_n3A_161, %lt3A_170 : i32
        %ne3A_172 = vector.broadcast %lt3A_171 : i1 to vector<16xi1>
        %ne3A_173 = vector.broadcast %ne3A_172 : vector<16xi1> to vector<16xi1>
        %ne3A_174 = arith.xori %lt3A_169, %ne3A_173 : vector<16xi1>
        %and3A_175 = arith.andi %ne3A_174, %ne3A_166 : vector<16xi1>
        %add3A_176 = vector.broadcast %select_n3A_161 : i32 to vector<16xi32>
        %add3A_177 = arith.addi %rem3A_163, %add3A_176 : vector<16xi32>
        %select_n3A_178 = arith.select %and3A_175, %add3A_177, %rem3A_163 : vector<16xi1>, vector<16xi32>
        tpu.vector_store_idx %arg15[%select_n3A_156, %select_n3A_178], %broadcast_in_dim3A_1 {add = true} : memref<16x640xf32, #tpu.memory_space<vmem>>[vector<16xi32>, vector<16xi32>], vector<16xf32>,
        %get3A_179 = arith.constant 32 : index
        %get3A_180 = tpu.vector_load %arg13[%get3A_179] {strides = array<i32>} : memref<80xi32, #tpu.memory_space<vmem>>, vector<16xi32>,
        %jit3A_181 = arith.constant 640 : i32
        %div3A_182 = vector.broadcast %jit3A_181 : i32 to vector<16xi32>
        %div3A_183 = arith.divsi %get3A_180, %div3A_182 : vector<16xi32>
        %sign3A_184 = arith.constant 0 : i32
        %sign3A_185 = vector.broadcast %sign3A_184 : i32 to vector<16xi32>
        %sign3A_186 = arith.cmpi sgt, %get3A_180, %sign3A_185 : vector<16xi32>
        %sign3A_187 = arith.extui %sign3A_186 : vector<16xi1> to vector<16xi32>
        %sign3A_188 = arith.constant 0 : i32
        %sign3A_189 = vector.broadcast %sign3A_188 : i32 to vector<16xi32>
        %sign3A_190 = arith.cmpi slt, %get3A_180, %sign3A_189 : vector<16xi32>
        %sign3A_191 = arith.extui %sign3A_190 : vector<16xi1> to vector<16xi32>
        %sign3A_192 = arith.subi %sign3A_187, %sign3A_191 : vector<16xi32>
        %sign3A_193 = arith.constant 0 : i32
        %sign3A_194 = arith.cmpi sgt, %jit3A_181, %sign3A_193 : i32
        %sign3A_195 = arith.extui %sign3A_194 : i1 to i32
        %sign3A_196 = arith.constant 0 : i32
        %sign3A_197 = arith.cmpi slt, %jit3A_181, %sign3A_196 : i32
        %sign3A_198 = arith.extui %sign3A_197 : i1 to i32
        %sign3A_199 = arith.subi %sign3A_195, %sign3A_198 : i32
        %ne3A_200 = vector.broadcast %sign3A_199 : i32 to vector<16xi32>
        %ne3A_201 = arith.cmpi ne, %sign3A_192, %ne3A_200 : vector<16xi32>
        %rem3A_202 = vector.broadcast %jit3A_181 : i32 to vector<16xi32>
        %rem3A_203 = arith.remsi %get3A_180, %rem3A_202 : vector<16xi32>
        %ne3A_204 = arith.constant 0 : i32
        %ne3A_205 = vector.broadcast %ne3A_204 : i32 to vector<16xi32>
        %ne3A_206 = arith.cmpi ne, %rem3A_203, %ne3A_205 : vector<16xi32>
        %and3A_207 = arith.andi %ne3A_201, %ne3A_206 : vector<16xi1>
        %sub3A_208 = arith.constant 1 : i32
        %sub3A_209 = vector.broadcast %sub3A_208 : i32 to vector<16xi32>
        %sub3A_210 = arith.subi %div3A_183, %sub3A_209 : vector<16xi32>
        %select_n3A_211 = arith.select %and3A_207, %sub3A_210, %div3A_183 : vector<16xi1>, vector<16xi32>
        %jit3A_212 = arith.constant 640 : i32
        %eq3A_213 = arith.constant 0 : i32
        %eq3A_214 = arith.cmpi eq, %jit3A_212, %eq3A_213 : i32
        %jit3A_215 = arith.constant 1 : i32
        %select_n3A_216 = arith.select %eq3A_214, %jit3A_215, %jit3A_212 : i32
        %rem3A_217 = vector.broadcast %select_n3A_216 : i32 to vector<16xi32>
        %rem3A_218 = arith.remsi %get3A_180, %rem3A_217 : vector<16xi32>
        %ne3A_219 = arith.constant 0 : i32
        %ne3A_220 = vector.broadcast %ne3A_219 : i32 to vector<16xi32>
        %ne3A_221 = arith.cmpi ne, %rem3A_218, %ne3A_220 : vector<16xi32>
        %lt3A_222 = arith.constant 0 : i32
        %lt3A_223 = vector.broadcast %lt3A_222 : i32 to vector<16xi32>
        %lt3A_224 = arith.cmpi slt, %rem3A_218, %lt3A_223 : vector<16xi32>
        %lt3A_225 = arith.constant 0 : i32
        %lt3A_226 = arith.cmpi slt, %select_n3A_216, %lt3A_225 : i32
        %ne3A_227 = vector.broadcast %lt3A_226 : i1 to vector<16xi1>
        %ne3A_228 = vector.broadcast %ne3A_227 : vector<16xi1> to vector<16xi1>
        %ne3A_229 = arith.xori %lt3A_224, %ne3A_228 : vector<16xi1>
        %and3A_230 = arith.andi %ne3A_229, %ne3A_221 : vector<16xi1>
        %add3A_231 = vector.broadcast %select_n3A_216 : i32 to vector<16xi32>
        %add3A_232 = arith.addi %rem3A_218, %add3A_231 : vector<16xi32>
        %select_n3A_233 = arith.select %and3A_230, %add3A_232, %rem3A_218 : vector<16xi1>, vector<16xi32>
        tpu.vector_store_idx %arg15[%select_n3A_211, %select_n3A_233], %broadcast_in_dim3A_1 {add = true} : memref<16x640xf32, #tpu.memory_space<vmem>>[vector<16xi32>, vector<16xi32>], vector<16xf32>,
        %get3A_234 = arith.constant 48 : index
        %get3A_235 = tpu.vector_load %arg13[%get3A_234] {strides = array<i32>} : memref<80xi32, #tpu.memory_space<vmem>>, vector<16xi32>,
        %jit3A_236 = arith.constant 640 : i32
        %div3A_237 = vector.broadcast %jit3A_236 : i32 to vector<16xi32>
        %div3A_238 = arith.divsi %get3A_235, %div3A_237 : vector<16xi32>
        %sign3A_239 = arith.constant 0 : i32
        %sign3A_240 = vector.broadcast %sign3A_239 : i32 to vector<16xi32>
        %sign3A_241 = arith.cmpi sgt, %get3A_235, %sign3A_240 : vector<16xi32>
        %sign3A_242 = arith.extui %sign3A_241 : vector<16xi1> to vector<16xi32>
        %sign3A_243 = arith.constant 0 : i32
        %sign3A_244 = vector.broadcast %sign3A_243 : i32 to vector<16xi32>
        %sign3A_245 = arith.cmpi slt, %get3A_235, %sign3A_244 : vector<16xi32>
        %sign3A_246 = arith.extui %sign3A_245 : vector<16xi1> to vector<16xi32>
        %sign3A_247 = arith.subi %sign3A_242, %sign3A_246 : vector<16xi32>
        %sign3A_248 = arith.constant 0 : i32
        %sign3A_249 = arith.cmpi sgt, %jit3A_236, %sign3A_248 : i32
        %sign3A_250 = arith.extui %sign3A_249 : i1 to i32
        %sign3A_251 = arith.constant 0 : i32
        %sign3A_252 = arith.cmpi slt, %jit3A_236, %sign3A_251 : i32
        %sign3A_253 = arith.extui %sign3A_252 : i1 to i32
        %sign3A_254 = arith.subi %sign3A_250, %sign3A_253 : i32
        %ne3A_255 = vector.broadcast %sign3A_254 : i32 to vector<16xi32>
        %ne3A_256 = arith.cmpi ne, %sign3A_247, %ne3A_255 : vector<16xi32>
        %rem3A_257 = vector.broadcast %jit3A_236 : i32 to vector<16xi32>
        %rem3A_258 = arith.remsi %get3A_235, %rem3A_257 : vector<16xi32>
        %ne3A_259 = arith.constant 0 : i32
        %ne3A_260 = vector.broadcast %ne3A_259 : i32 to vector<16xi32>
        %ne3A_261 = arith.cmpi ne, %rem3A_258, %ne3A_260 : vector<16xi32>
        %and3A_262 = arith.andi %ne3A_256, %ne3A_261 : vector<16xi1>
        %sub3A_263 = arith.constant 1 : i32
        %sub3A_264 = vector.broadcast %sub3A_263 : i32 to vector<16xi32>
        %sub3A_265 = arith.subi %div3A_238, %sub3A_264 : vector<16xi32>
        %select_n3A_266 = arith.select %and3A_262, %sub3A_265, %div3A_238 : vector<16xi1>, vector<16xi32>
        %jit3A_267 = arith.constant 640 : i32
        %eq3A_268 = arith.constant 0 : i32
        %eq3A_269 = arith.cmpi eq, %jit3A_267, %eq3A_268 : i32
        %jit3A_270 = arith.constant 1 : i32
        %select_n3A_271 = arith.select %eq3A_269, %jit3A_270, %jit3A_267 : i32
        %rem3A_272 = vector.broadcast %select_n3A_271 : i32 to vector<16xi32>
        %rem3A_273 = arith.remsi %get3A_235, %rem3A_272 : vector<16xi32>
        %ne3A_274 = arith.constant 0 : i32
        %ne3A_275 = vector.broadcast %ne3A_274 : i32 to vector<16xi32>
        %ne3A_276 = arith.cmpi ne, %rem3A_273, %ne3A_275 : vector<16xi32>
        %lt3A_277 = arith.constant 0 : i32
        %lt3A_278 = vector.broadcast %lt3A_277 : i32 to vector<16xi32>
        %lt3A_279 = arith.cmpi slt, %rem3A_273, %lt3A_278 : vector<16xi32>
        %lt3A_280 = arith.constant 0 : i32
        %lt3A_281 = arith.cmpi slt, %select_n3A_271, %lt3A_280 : i32
        %ne3A_282 = vector.broadcast %lt3A_281 : i1 to vector<16xi1>
        %ne3A_283 = vector.broadcast %ne3A_282 : vector<16xi1> to vector<16xi1>
        %ne3A_284 = arith.xori %lt3A_279, %ne3A_283 : vector<16xi1>
        %and3A_285 = arith.andi %ne3A_284, %ne3A_276 : vector<16xi1>
        %add3A_286 = vector.broadcast %select_n3A_271 : i32 to vector<16xi32>
        %add3A_287 = arith.addi %rem3A_273, %add3A_286 : vector<16xi32>
        %select_n3A_288 = arith.select %and3A_285, %add3A_287, %rem3A_273 : vector<16xi1>, vector<16xi32>
        tpu.vector_store_idx %arg15[%select_n3A_266, %select_n3A_288], %broadcast_in_dim3A_1 {add = true} : memref<16x640xf32, #tpu.memory_space<vmem>>[vector<16xi32>, vector<16xi32>], vector<16xf32>,
        %get3A_289 = arith.constant 64 : index
        %get3A_290 = tpu.vector_load %arg13[%get3A_289] {strides = array<i32>} : memref<80xi32, #tpu.memory_space<vmem>>, vector<16xi32>,
        %jit3A_291 = arith.constant 640 : i32
        %div3A_292 = vector.broadcast %jit3A_291 : i32 to vector<16xi32>
        %div3A_293 = arith.divsi %get3A_290, %div3A_292 : vector<16xi32>
        %sign3A_294 = arith.constant 0 : i32
        %sign3A_295 = vector.broadcast %sign3A_294 : i32 to vector<16xi32>
        %sign3A_296 = arith.cmpi sgt, %get3A_290, %sign3A_295 : vector<16xi32>
        %sign3A_297 = arith.extui %sign3A_296 : vector<16xi1> to vector<16xi32>
        %sign3A_298 = arith.constant 0 : i32
        %sign3A_299 = vector.broadcast %sign3A_298 : i32 to vector<16xi32>
        %sign3A_300 = arith.cmpi slt, %get3A_290, %sign3A_299 : vector<16xi32>
        %sign3A_301 = arith.extui %sign3A_300 : vector<16xi1> to vector<16xi32>
        %sign3A_302 = arith.subi %sign3A_297, %sign3A_301 : vector<16xi32>
        %sign3A_303 = arith.constant 0 : i32
        %sign3A_304 = arith.cmpi sgt, %jit3A_291, %sign3A_303 : i32
        %sign3A_305 = arith.extui %sign3A_304 : i1 to i32
        %sign3A_306 = arith.constant 0 : i32
        %sign3A_307 = arith.cmpi slt, %jit3A_291, %sign3A_306 : i32
        %sign3A_308 = arith.extui %sign3A_307 : i1 to i32
        %sign3A_309 = arith.subi %sign3A_305, %sign3A_308 : i32
        %ne3A_310 = vector.broadcast %sign3A_309 : i32 to vector<16xi32>
        %ne3A_311 = arith.cmpi ne, %sign3A_302, %ne3A_310 : vector<16xi32>
        %rem3A_312 = vector.broadcast %jit3A_291 : i32 to vector<16xi32>
        %rem3A_313 = arith.remsi %get3A_290, %rem3A_312 : vector<16xi32>
        %ne3A_314 = arith.constant 0 : i32
        %ne3A_315 = vector.broadcast %ne3A_314 : i32 to vector<16xi32>
        %ne3A_316 = arith.cmpi ne, %rem3A_313, %ne3A_315 : vector<16xi32>
        %and3A_317 = arith.andi %ne3A_311, %ne3A_316 : vector<16xi1>
        %sub3A_318 = arith.constant 1 : i32
        %sub3A_319 = vector.broadcast %sub3A_318 : i32 to vector<16xi32>
        %sub3A_320 = arith.subi %div3A_293, %sub3A_319 : vector<16xi32>
        %select_n3A_321 = arith.select %and3A_317, %sub3A_320, %div3A_293 : vector<16xi1>, vector<16xi32>
        %jit3A_322 = arith.constant 640 : i32
        %eq3A_323 = arith.constant 0 : i32
        %eq3A_324 = arith.cmpi eq, %jit3A_322, %eq3A_323 : i32
        %jit3A_325 = arith.constant 1 : i32
        %select_n3A_326 = arith.select %eq3A_324, %jit3A_325, %jit3A_322 : i32
        %rem3A_327 = vector.broadcast %select_n3A_326 : i32 to vector<16xi32>
        %rem3A_328 = arith.remsi %get3A_290, %rem3A_327 : vector<16xi32>
        %ne3A_329 = arith.constant 0 : i32
        %ne3A_330 = vector.broadcast %ne3A_329 : i32 to vector<16xi32>
        %ne3A_331 = arith.cmpi ne, %rem3A_328, %ne3A_330 : vector<16xi32>
        %lt3A_332 = arith.constant 0 : i32
        %lt3A_333 = vector.broadcast %lt3A_332 : i32 to vector<16xi32>
        %lt3A_334 = arith.cmpi slt, %rem3A_328, %lt3A_333 : vector<16xi32>
        %lt3A_335 = arith.constant 0 : i32
        %lt3A_336 = arith.cmpi slt, %select_n3A_326, %lt3A_335 : i32
        %ne3A_337 = vector.broadcast %lt3A_336 : i1 to vector<16xi1>
        %ne3A_338 = vector.broadcast %ne3A_337 : vector<16xi1> to vector<16xi1>
        %ne3A_339 = arith.xori %lt3A_334, %ne3A_338 : vector<16xi1>
        %and3A_340 = arith.andi %ne3A_339, %ne3A_331 : vector<16xi1>
        %add3A_341 = vector.broadcast %select_n3A_326 : i32 to vector<16xi32>
        %add3A_342 = arith.addi %rem3A_328, %add3A_341 : vector<16xi32>
        %select_n3A_343 = arith.select %and3A_340, %add3A_342, %rem3A_328 : vector<16xi1>, vector<16xi32>
        tpu.vector_store_idx %arg15[%select_n3A_321, %select_n3A_343], %broadcast_in_dim3A_1 {add = true} : memref<16x640xf32, #tpu.memory_space<vmem>>[vector<16xi32>, vector<16xi32>], vector<16xf32>,
      } else {
      }
    }
    %scan3A_16 = arith.constant 125 : i32
    "tpu.region"() ({
      %run_scoped3A = tpu.sem_alloc : memref<!tpu.dma_semaphore, #tpu.memory_space<semaphore_mem>>
      %dma_start3A_27 = arith.constant 0 : i32
      %dma_start3A_28 = arith.constant 0 : i32
      %dma_start3A_29 = tpu.memref_slice %arg8[%add3A, %dma_start3A_27, %dma_start3A_28] : memref<32x16x640xf32, #tpu.memory_space<hbm>> -> memref<1x16x640xf32, #tpu.memory_space<hbm>>
      %dma_start3A_30 = tpu.memref_squeeze %dma_start3A_29 : memref<1x16x640xf32, #tpu.memory_space<hbm>> -> memref<16x640xf32, #tpu.memory_space<hbm>>
      %dma_start3A_31 = arith.constant 0 : i32
      %dma_start3A_32 = arith.constant 0 : i32
      %dma_start3A_33 = tpu.memref_slice %arg8[%add3A, %dma_start3A_31, %dma_start3A_32] : memref<32x16x640xf32, #tpu.memory_space<hbm>> -> memref<1x16x640xf32, #tpu.memory_space<hbm>>
      %dma_start3A_34 = tpu.memref_squeeze %dma_start3A_33 : memref<1x16x640xf32, #tpu.memory_space<hbm>> -> memref<16x640xf32, #tpu.memory_space<hbm>>
      tpu.enqueue_dma source(%arg15 : memref<16x640xf32, #tpu.memory_space<vmem>>) target(%dma_start3A_34 : memref<16x640xf32, #tpu.memory_space<hbm>>) target_semaphore(%run_scoped3A : memref<!tpu.dma_semaphore, #tpu.memory_space<semaphore_mem>>)
      %dma_wait3A = arith.constant 0 : i32
      %dma_wait3A_35 = arith.constant 0 : i32
      %dma_wait3A_36 = tpu.memref_slice %arg8[%add3A, %dma_wait3A, %dma_wait3A_35] : memref<32x16x640xf32, #tpu.memory_space<hbm>> -> memref<1x16x640xf32, #tpu.memory_space<hbm>>
      %dma_wait3A_37 = tpu.memref_squeeze %dma_wait3A_36 : memref<1x16x640xf32, #tpu.memory_space<hbm>> -> memref<16x640xf32, #tpu.memory_space<hbm>>
      %dma_wait3A_38 = arith.constant 0 : i32
      %dma_wait3A_39 = arith.constant 0 : i32
      %dma_wait3A_40 = tpu.memref_slice %arg8[%add3A, %dma_wait3A_38, %dma_wait3A_39] : memref<32x16x640xf32, #tpu.memory_space<hbm>> -> memref<1x16x640xf32, #tpu.memory_space<hbm>>
      %dma_wait3A_41 = tpu.memref_squeeze %dma_wait3A_40 : memref<1x16x640xf32, #tpu.memory_space<hbm>> -> memref<16x640xf32, #tpu.memory_space<hbm>>
      tpu.wait_dma2 semaphore(%run_scoped3A : memref<!tpu.dma_semaphore, #tpu.memory_space<semaphore_mem>>) src(%arg15 : memref<16x640xf32, #tpu.memory_space<vmem>>) dst(%dma_wait3A_41 : memref<16x640xf32, #tpu.memory_space<hbm>>)
      tpu.yield
    }) : () -> ()
    %barrier3A_17 = arith.constant 0 : index
    tpu.barrier barrier_id(%barrier3A_17)
    %mul3A_18 = arith.constant 624 : i32
    %mul3A_19 = arith.muli %arg1, %mul3A_18 : i32
    %mul3A_20 = arith.constant 624 : i32
    %mul3A_21 = arith.muli %arg1, %mul3A_20 : i32
    "tpu.region"() ({
      %run_scoped3A = tpu.sem_alloc : memref<!tpu.dma_semaphore, #tpu.memory_space<semaphore_mem>>
      %dma_start3A_27 = arith.constant 0 : i32
      %dma_start3A_28 = tpu.memref_slice %arg7[%arg0, %mul3A_21, %dma_start3A_27] : memref<2x10000x128xf32, #tpu.memory_space<hbm>> -> memref<1x624x128xf32, #tpu.memory_space<hbm>>
      %dma_start3A_29 = tpu.memref_squeeze %dma_start3A_28 : memref<1x624x128xf32, #tpu.memory_space<hbm>> -> memref<624x128xf32, #tpu.memory_space<hbm>>
      %dma_start3A_30 = arith.constant 0 : i32
      %dma_start3A_31 = tpu.memref_slice %arg16[%mul3A_19, %dma_start3A_30] : memref<10000x128xf32, #tpu.memory_space<vmem_shared>> -> memref<624x128xf32, #tpu.memory_space<vmem_shared>>
      tpu.enqueue_dma source(%dma_start3A_31 : memref<624x128xf32, #tpu.memory_space<vmem_shared>>) target(%dma_start3A_29 : memref<624x128xf32, #tpu.memory_space<hbm>>) target_semaphore(%run_scoped3A : memref<!tpu.dma_semaphore, #tpu.memory_space<semaphore_mem>>)
      %dma_wait3A = arith.constant 0 : i32
      %dma_wait3A_32 = tpu.memref_slice %arg7[%arg0, %mul3A_21, %dma_wait3A] : memref<2x10000x128xf32, #tpu.memory_space<hbm>> -> memref<1x624x128xf32, #tpu.memory_space<hbm>>
      %dma_wait3A_33 = tpu.memref_squeeze %dma_wait3A_32 : memref<1x624x128xf32, #tpu.memory_space<hbm>> -> memref<624x128xf32, #tpu.memory_space<hbm>>
      %dma_wait3A_34 = arith.constant 0 : i32
      %dma_wait3A_35 = tpu.memref_slice %arg16[%mul3A_19, %dma_wait3A_34] : memref<10000x128xf32, #tpu.memory_space<vmem_shared>> -> memref<624x128xf32, #tpu.memory_space<vmem_shared>>
      tpu.wait_dma2 semaphore(%run_scoped3A : memref<!tpu.dma_semaphore, #tpu.memory_space<semaphore_mem>>) src(%dma_wait3A_35 : memref<624x128xf32, #tpu.memory_space<vmem_shared>>) dst(%dma_wait3A_33 : memref<624x128xf32, #tpu.memory_space<hbm>>)
      tpu.yield
    }) : () -> ()
    %eq3A_22 = arith.constant 0 : i32
    %eq3A_23 = arith.cmpi eq, %arg1, %eq3A_22 : i32
    %convert_element_type3A_24 = arith.extui %eq3A_23 : i1 to i32
    %cond3A_25 = arith.constant 0 : i32
    %cond3A_26 = arith.cmpi ne, %convert_element_type3A_24, %cond3A_25 : i32
    scf.if %cond3A_26 {
      "tpu.region"() ({
        %run_scoped3A = tpu.sem_alloc : memref<!tpu.dma_semaphore, #tpu.memory_space<semaphore_mem>>
        %dma_start3A_27 = arith.constant 9984 : i32
        %dma_start3A_28 = arith.constant 0 : i32
        %dma_start3A_29 = tpu.memref_slice %arg7[%arg0, %dma_start3A_27, %dma_start3A_28] : memref<2x10000x128xf32, #tpu.memory_space<hbm>> -> memref<1x16x128xf32, #tpu.memory_space<hbm>>
        %dma_start3A_30 = tpu.memref_squeeze %dma_start3A_29 : memref<1x16x128xf32, #tpu.memory_space<hbm>> -> memref<16x128xf32, #tpu.memory_space<hbm>>
        %dma_start3A_31 = arith.constant 9984 : i32
        %dma_start3A_32 = arith.constant 0 : i32
        %dma_start3A_33 = tpu.memref_slice %arg16[%dma_start3A_31, %dma_start3A_32] : memref<10000x128xf32, #tpu.memory_space<vmem_shared>> -> memref<16x128xf32, #tpu.memory_space<vmem_shared>>
        tpu.enqueue_dma source(%dma_start3A_33 : memref<16x128xf32, #tpu.memory_space<vmem_shared>>) target(%dma_start3A_30 : memref<16x128xf32, #tpu.memory_space<hbm>>) target_semaphore(%run_scoped3A : memref<!tpu.dma_semaphore, #tpu.memory_space<semaphore_mem>>)
        %dma_wait3A = arith.constant 9984 : i32
        %dma_wait3A_34 = arith.constant 0 : i32
        %dma_wait3A_35 = tpu.memref_slice %arg7[%arg0, %dma_wait3A, %dma_wait3A_34] : memref<2x10000x128xf32, #tpu.memory_space<hbm>> -> memref<1x16x128xf32, #tpu.memory_space<hbm>>
        %dma_wait3A_36 = tpu.memref_squeeze %dma_wait3A_35 : memref<1x16x128xf32, #tpu.memory_space<hbm>> -> memref<16x128xf32, #tpu.memory_space<hbm>>
        %dma_wait3A_37 = arith.constant 9984 : i32
        %dma_wait3A_38 = arith.constant 0 : i32
        %dma_wait3A_39 = tpu.memref_slice %arg16[%dma_wait3A_37, %dma_wait3A_38] : memref<10000x128xf32, #tpu.memory_space<vmem_shared>> -> memref<16x128xf32, #tpu.memory_space<vmem_shared>>
        tpu.wait_dma2 semaphore(%run_scoped3A : memref<!tpu.dma_semaphore, #tpu.memory_space<semaphore_mem>>) src(%dma_wait3A_39 : memref<16x128xf32, #tpu.memory_space<vmem_shared>>) dst(%dma_wait3A_36 : memref<16x128xf32, #tpu.memory_space<hbm>>)
        tpu.yield
      }) : () -> ()
    } else {
    }
    return
  }
}

#map = affine_map<(d0, d1) -> (0, 0)>
#map1 = affine_map<(d0, d1) -> (0)>
#map2 = affine_map<(d0, d1) -> (0, 0, 0)>
module attributes {stable_mosaic.version = 14 : i64} {
  func.func @seg(%arg0: i32, %arg1: i32, %arg2: memref<10000x128xf32, #tpu.memory_space<hbm>>, %arg3: memref<320000xi32, #tpu.memory_space<hbm>>, %arg4: memref<320000xi32, #tpu.memory_space<hbm>>, %arg5: memref<624x128xf32, #tpu.memory_space<hbm>>, %arg6: memref<16x640xf32, #tpu.memory_space<hbm>>, %arg7: memref<2x10000x128xf32, #tpu.memory_space<hbm>>, %arg8: memref<80xi32, #tpu.memory_space<vmem>>, %arg9: memref<80xi32, #tpu.memory_space<vmem>>, %arg10: memref<80x128xf32, #tpu.memory_space<vmem>>, %arg11: memref<80xi32, #tpu.memory_space<vmem>>, %arg12: memref<80xi32, #tpu.memory_space<vmem>>, %arg13: memref<80x128xf32, #tpu.memory_space<vmem>>, %arg14: memref<10000x128xf32, #tpu.memory_space<vmem_shared>>, %arg15: memref<!tpu.dma_semaphore, #tpu.memory_space<semaphore_mem>>, %arg16: memref<!tpu.dma_semaphore, #tpu.memory_space<semaphore_mem>>) attributes {dimension_semantics = [#tpu.dimension_semantics<core_parallel>, #tpu.dimension_semantics<subcore_parallel>], iteration_bounds = array<i64: 2, 16>, scalar_prefetch = 0 : i64, scratch_operands = 9 : i64, tpu.core_type = #tpu.core_type<sc_vector_subcore>, window_params = [{transform_indices = #map}, {transform_indices = #map1}, {transform_indices = #map1}, {transform_indices = #map}, {transform_indices = #map}, {transform_indices = #map2}]} {
    %mul3A = arith.constant 2 : i32
    %mul3A_0 = arith.muli %arg1, %mul3A : i32
    %add3A = arith.addi %mul3A_0, %arg0 : i32
    %broadcast_in_dim3A = arith.constant 1.000000e+00 : f32
    %broadcast_in_dim3A_1 = vector.broadcast %broadcast_in_dim3A : f32 to vector<16xf32>
    %mul3A_2 = arith.constant 624 : i32
    %mul3A_3 = arith.muli %arg1, %mul3A_2 : i32
    "tpu.region"() ({
      %run_scoped3A = tpu.sem_alloc : memref<!tpu.dma_semaphore, #tpu.memory_space<semaphore_mem>>
      %dma_start3A_27 = arith.constant 0 : i32
      %dma_start3A_28 = tpu.memref_slice %arg14[%mul3A_3, %dma_start3A_27] : memref<10000x128xf32, #tpu.memory_space<vmem_shared>> -> memref<624x128xf32, #tpu.memory_space<vmem_shared>>
      tpu.enqueue_dma source(%arg5 : memref<624x128xf32, #tpu.memory_space<hbm>>) target(%dma_start3A_28 : memref<624x128xf32, #tpu.memory_space<vmem_shared>>) target_semaphore(%run_scoped3A : memref<!tpu.dma_semaphore, #tpu.memory_space<semaphore_mem>>)
      %dma_wait3A = arith.constant 0 : i32
      %dma_wait3A_29 = tpu.memref_slice %arg14[%mul3A_3, %dma_wait3A] : memref<10000x128xf32, #tpu.memory_space<vmem_shared>> -> memref<624x128xf32, #tpu.memory_space<vmem_shared>>
      tpu.wait_dma2 semaphore(%run_scoped3A : memref<!tpu.dma_semaphore, #tpu.memory_space<semaphore_mem>>) src(%arg5 : memref<624x128xf32, #tpu.memory_space<hbm>>) dst(%dma_wait3A_29 : memref<624x128xf32, #tpu.memory_space<vmem_shared>>)
      tpu.yield
    }) : () -> ()
    %eq3A = arith.constant 0 : i32
    %eq3A_4 = arith.cmpi eq, %arg1, %eq3A : i32
    %convert_element_type3A = arith.extui %eq3A_4 : i1 to i32
    %cond3A = arith.constant 0 : i32
    %cond3A_5 = arith.cmpi ne, %convert_element_type3A, %cond3A : i32
    scf.if %cond3A_5 {
      "tpu.region"() ({
        %run_scoped3A = tpu.sem_alloc : memref<!tpu.dma_semaphore, #tpu.memory_space<semaphore_mem>>
        %dma_start3A_27 = arith.constant 9984 : i32
        %dma_start3A_28 = arith.constant 0 : i32
        %dma_start3A_29 = tpu.memref_slice %arg14[%dma_start3A_27, %dma_start3A_28] : memref<10000x128xf32, #tpu.memory_space<vmem_shared>> -> memref<16x128xf32, #tpu.memory_space<vmem_shared>>
        %dma_start3A_30 = arith.constant 0 : i32
        %dma_start3A_31 = arith.constant 0 : i32
        %dma_start3A_32 = tpu.memref_slice %arg5[%dma_start3A_30, %dma_start3A_31] : memref<624x128xf32, #tpu.memory_space<hbm>> -> memref<16x128xf32, #tpu.memory_space<hbm>>
        tpu.enqueue_dma source(%dma_start3A_32 : memref<16x128xf32, #tpu.memory_space<hbm>>) target(%dma_start3A_29 : memref<16x128xf32, #tpu.memory_space<vmem_shared>>) target_semaphore(%run_scoped3A : memref<!tpu.dma_semaphore, #tpu.memory_space<semaphore_mem>>)
        %dma_wait3A = arith.constant 9984 : i32
        %dma_wait3A_33 = arith.constant 0 : i32
        %dma_wait3A_34 = tpu.memref_slice %arg14[%dma_wait3A, %dma_wait3A_33] : memref<10000x128xf32, #tpu.memory_space<vmem_shared>> -> memref<16x128xf32, #tpu.memory_space<vmem_shared>>
        %dma_wait3A_35 = arith.constant 0 : i32
        %dma_wait3A_36 = arith.constant 0 : i32
        %dma_wait3A_37 = tpu.memref_slice %arg5[%dma_wait3A_35, %dma_wait3A_36] : memref<624x128xf32, #tpu.memory_space<hbm>> -> memref<16x128xf32, #tpu.memory_space<hbm>>
        tpu.wait_dma2 semaphore(%run_scoped3A : memref<!tpu.dma_semaphore, #tpu.memory_space<semaphore_mem>>) src(%dma_wait3A_37 : memref<16x128xf32, #tpu.memory_space<hbm>>) dst(%dma_wait3A_34 : memref<16x128xf32, #tpu.memory_space<vmem_shared>>)
        tpu.yield
      }) : () -> ()
    } else {
    }
    %barrier3A = arith.constant 0 : index
    tpu.barrier barrier_id(%barrier3A)
    %mul3A_6 = arith.constant 10000 : i32
    %mul3A_7 = arith.muli %add3A, %mul3A_6 : i32
    %add3A_8 = arith.constant 0 : i32
    %add3A_9 = arith.addi %mul3A_7, %add3A_8 : i32
    "tpu.region"() ({
      %run_scoped3A = tpu.sem_alloc : memref<!tpu.dma_semaphore, #tpu.memory_space<semaphore_mem>>
      %dma_start3A_27 = tpu.memref_slice %arg4[%add3A_9] : memref<320000xi32, #tpu.memory_space<hbm>> -> memref<80xi32, #tpu.memory_space<hbm>>
      %dma_start3A_28 = tpu.memref_slice %arg4[%add3A_9] : memref<320000xi32, #tpu.memory_space<hbm>> -> memref<80xi32, #tpu.memory_space<hbm>>
      tpu.enqueue_dma source(%dma_start3A_28 : memref<80xi32, #tpu.memory_space<hbm>>) target(%arg9 : memref<80xi32, #tpu.memory_space<vmem>>) target_semaphore(%run_scoped3A : memref<!tpu.dma_semaphore, #tpu.memory_space<semaphore_mem>>)
      %dma_wait3A = tpu.memref_slice %arg4[%add3A_9] : memref<320000xi32, #tpu.memory_space<hbm>> -> memref<80xi32, #tpu.memory_space<hbm>>
      %dma_wait3A_29 = tpu.memref_slice %arg4[%add3A_9] : memref<320000xi32, #tpu.memory_space<hbm>> -> memref<80xi32, #tpu.memory_space<hbm>>
      tpu.wait_dma2 semaphore(%run_scoped3A : memref<!tpu.dma_semaphore, #tpu.memory_space<semaphore_mem>>) src(%dma_wait3A_29 : memref<80xi32, #tpu.memory_space<hbm>>) dst(%arg9 : memref<80xi32, #tpu.memory_space<vmem>>)
      tpu.yield
    }) : () -> ()
    "tpu.region"() ({
      %run_scoped3A = tpu.sem_alloc : memref<!tpu.dma_semaphore, #tpu.memory_space<semaphore_mem>>
      %dma_start3A_27 = tpu.memref_slice %arg3[%add3A_9] : memref<320000xi32, #tpu.memory_space<hbm>> -> memref<80xi32, #tpu.memory_space<hbm>>
      %dma_start3A_28 = tpu.memref_slice %arg3[%add3A_9] : memref<320000xi32, #tpu.memory_space<hbm>> -> memref<80xi32, #tpu.memory_space<hbm>>
      tpu.enqueue_dma source(%dma_start3A_28 : memref<80xi32, #tpu.memory_space<hbm>>) target(%arg8 : memref<80xi32, #tpu.memory_space<vmem>>) target_semaphore(%run_scoped3A : memref<!tpu.dma_semaphore, #tpu.memory_space<semaphore_mem>>)
      %dma_wait3A = tpu.memref_slice %arg3[%add3A_9] : memref<320000xi32, #tpu.memory_space<hbm>> -> memref<80xi32, #tpu.memory_space<hbm>>
      %dma_wait3A_29 = tpu.memref_slice %arg3[%add3A_9] : memref<320000xi32, #tpu.memory_space<hbm>> -> memref<80xi32, #tpu.memory_space<hbm>>
      tpu.wait_dma2 semaphore(%run_scoped3A : memref<!tpu.dma_semaphore, #tpu.memory_space<semaphore_mem>>) src(%dma_wait3A_29 : memref<80xi32, #tpu.memory_space<hbm>>) dst(%arg8 : memref<80xi32, #tpu.memory_space<vmem>>)
      tpu.yield
    }) : () -> ()
    %dma_start3A = arith.constant 0 : i32
    %dma_start3A_10 = arith.constant 0 : i32
    %dma_start3A_11 = tpu.memref_slice %arg2[%dma_start3A, %dma_start3A_10] : memref<10000x128xf32, #tpu.memory_space<hbm>> -> memref<10000x128xf32, #tpu.memory_space<hbm>>
    tpu.enqueue_indirect_dma source(%dma_start3A_11 : memref<10000x128xf32, #tpu.memory_space<hbm>>) target(%arg10 : memref<80x128xf32, #tpu.memory_space<vmem>>) offsets(%arg8 : memref<80xi32, #tpu.memory_space<vmem>>) semaphore(%arg15 : memref<!tpu.dma_semaphore, #tpu.memory_space<semaphore_mem>>)
    %scan3A = arith.constant 0 : i32
    %scan3A_12 = arith.constant 0 : i32
    %scan3A_13 = arith.constant 125 : i32
    %scan3A_14 = arith.addi %scan3A_12, %scan3A_13 : i32
    %scan3A_15 = arith.constant 1 : i32
    scf.for %scan3A_27 = %scan3A_12 to %scan3A_14 step %scan3A_15  : i32 {
      %jit3A = arith.constant 2 : i32
      %eq3A_28 = arith.constant 0 : i32
      %eq3A_29 = arith.cmpi eq, %jit3A, %eq3A_28 : i32
      %jit3A_30 = arith.constant 1 : i32
      %select_n3A = arith.select %eq3A_29, %jit3A_30, %jit3A : i32
      %rem3A = arith.remsi %scan3A_27, %select_n3A : i32
      %ne3A = arith.constant 0 : i32
      %ne3A_31 = arith.cmpi ne, %rem3A, %ne3A : i32
      %lt3A = arith.constant 0 : i32
      %lt3A_32 = arith.cmpi slt, %rem3A, %lt3A : i32
      %lt3A_33 = arith.constant 0 : i32
      %lt3A_34 = arith.cmpi slt, %select_n3A, %lt3A_33 : i32
      %ne3A_35 = arith.xori %lt3A_32, %lt3A_34 : i1
      %and3A = arith.andi %ne3A_35, %ne3A_31 : i1
      %add3A_36 = arith.addi %rem3A, %select_n3A : i32
      %select_n3A_37 = arith.select %and3A, %add3A_36, %rem3A : i32
      %eq3A_38 = arith.constant 0 : i32
      %eq3A_39 = arith.cmpi eq, %select_n3A_37, %eq3A_38 : i32
      %convert_element_type3A_40 = arith.extui %eq3A_39 : i1 to i32
      %cond3A_41 = arith.constant 0 : i32
      %cond3A_42 = arith.cmpi ne, %convert_element_type3A_40, %cond3A_41 : i32
      scf.if %cond3A_42 {
        %add3A_64 = arith.constant 1 : i32
        %add3A_65 = arith.addi %scan3A_27, %add3A_64 : i32
        %lt3A_66 = arith.constant 125 : i32
        %lt3A_67 = arith.cmpi slt, %add3A_65, %lt3A_66 : i32
        %convert_element_type3A_68 = arith.extui %lt3A_67 : i1 to i32
        %cond3A_69 = arith.constant 0 : i32
        %cond3A_70 = arith.cmpi ne, %convert_element_type3A_68, %cond3A_69 : i32
        scf.if %cond3A_70 {
          %add3A_73 = arith.constant 1 : i32
          %add3A_74 = arith.addi %scan3A_27, %add3A_73 : i32
          %mul3A_75 = arith.constant 10000 : i32
          %mul3A_76 = arith.muli %add3A, %mul3A_75 : i32
          %mul3A_77 = arith.constant 80 : i32
          %mul3A_78 = arith.muli %add3A_74, %mul3A_77 : i32
          %add3A_79 = arith.addi %mul3A_76, %mul3A_78 : i32
          "tpu.region"() ({
            %run_scoped3A = tpu.sem_alloc : memref<!tpu.dma_semaphore, #tpu.memory_space<semaphore_mem>>
            %dma_start3A_83 = tpu.memref_slice %arg4[%add3A_79] : memref<320000xi32, #tpu.memory_space<hbm>> -> memref<80xi32, #tpu.memory_space<hbm>>
            %dma_start3A_84 = tpu.memref_slice %arg4[%add3A_79] : memref<320000xi32, #tpu.memory_space<hbm>> -> memref<80xi32, #tpu.memory_space<hbm>>
            tpu.enqueue_dma source(%dma_start3A_84 : memref<80xi32, #tpu.memory_space<hbm>>) target(%arg12 : memref<80xi32, #tpu.memory_space<vmem>>) target_semaphore(%run_scoped3A : memref<!tpu.dma_semaphore, #tpu.memory_space<semaphore_mem>>)
            %dma_wait3A_85 = tpu.memref_slice %arg4[%add3A_79] : memref<320000xi32, #tpu.memory_space<hbm>> -> memref<80xi32, #tpu.memory_space<hbm>>
            %dma_wait3A_86 = tpu.memref_slice %arg4[%add3A_79] : memref<320000xi32, #tpu.memory_space<hbm>> -> memref<80xi32, #tpu.memory_space<hbm>>
            tpu.wait_dma2 semaphore(%run_scoped3A : memref<!tpu.dma_semaphore, #tpu.memory_space<semaphore_mem>>) src(%dma_wait3A_86 : memref<80xi32, #tpu.memory_space<hbm>>) dst(%arg12 : memref<80xi32, #tpu.memory_space<vmem>>)
            tpu.yield
          }) : () -> ()
          "tpu.region"() ({
            %run_scoped3A = tpu.sem_alloc : memref<!tpu.dma_semaphore, #tpu.memory_space<semaphore_mem>>
            %dma_start3A_83 = tpu.memref_slice %arg3[%add3A_79] : memref<320000xi32, #tpu.memory_space<hbm>> -> memref<80xi32, #tpu.memory_space<hbm>>
            %dma_start3A_84 = tpu.memref_slice %arg3[%add3A_79] : memref<320000xi32, #tpu.memory_space<hbm>> -> memref<80xi32, #tpu.memory_space<hbm>>
            tpu.enqueue_dma source(%dma_start3A_84 : memref<80xi32, #tpu.memory_space<hbm>>) target(%arg11 : memref<80xi32, #tpu.memory_space<vmem>>) target_semaphore(%run_scoped3A : memref<!tpu.dma_semaphore, #tpu.memory_space<semaphore_mem>>)
            %dma_wait3A_85 = tpu.memref_slice %arg3[%add3A_79] : memref<320000xi32, #tpu.memory_space<hbm>> -> memref<80xi32, #tpu.memory_space<hbm>>
            %dma_wait3A_86 = tpu.memref_slice %arg3[%add3A_79] : memref<320000xi32, #tpu.memory_space<hbm>> -> memref<80xi32, #tpu.memory_space<hbm>>
            tpu.wait_dma2 semaphore(%run_scoped3A : memref<!tpu.dma_semaphore, #tpu.memory_space<semaphore_mem>>) src(%dma_wait3A_86 : memref<80xi32, #tpu.memory_space<hbm>>) dst(%arg11 : memref<80xi32, #tpu.memory_space<vmem>>)
            tpu.yield
          }) : () -> ()
          %dma_start3A_80 = arith.constant 0 : i32
          %dma_start3A_81 = arith.constant 0 : i32
          %dma_start3A_82 = tpu.memref_slice %arg2[%dma_start3A_80, %dma_start3A_81] : memref<10000x128xf32, #tpu.memory_space<hbm>> -> memref<10000x128xf32, #tpu.memory_space<hbm>>
          tpu.enqueue_indirect_dma source(%dma_start3A_82 : memref<10000x128xf32, #tpu.memory_space<hbm>>) target(%arg13 : memref<80x128xf32, #tpu.memory_space<vmem>>) offsets(%arg11 : memref<80xi32, #tpu.memory_space<vmem>>) semaphore(%arg16 : memref<!tpu.dma_semaphore, #tpu.memory_space<semaphore_mem>>)
        } else {
        }
        %dma_wait3A = arith.constant 0 : i32
        %dma_wait3A_71 = arith.constant 0 : i32
        %dma_wait3A_72 = tpu.memref_slice %arg2[%dma_wait3A, %dma_wait3A_71] : memref<10000x128xf32, #tpu.memory_space<hbm>> -> memref<10000x128xf32, #tpu.memory_space<hbm>>
        tpu.wait_indirect_dma semaphore(%arg15 : memref<!tpu.dma_semaphore, #tpu.memory_space<semaphore_mem>>) src(%dma_wait3A_72 : memref<10000x128xf32, #tpu.memory_space<hbm>>) dst(%arg10 : memref<80x128xf32, #tpu.memory_space<vmem>>)
        "tpu.region"() ({
          %run_scoped3A = tpu.sem_alloc : memref<!tpu.dma_semaphore, #tpu.memory_space<semaphore_mem>>
          %dma_start3A_73 = arith.constant 0 : i32
          %dma_start3A_74 = arith.constant 0 : i32
          %dma_start3A_75 = tpu.memref_slice %arg14[%dma_start3A_73, %dma_start3A_74] : memref<10000x128xf32, #tpu.memory_space<vmem_shared>> -> memref<10000x128xf32, #tpu.memory_space<vmem_shared>>
          tpu.enqueue_indirect_dma source(%arg10 : memref<80x128xf32, #tpu.memory_space<vmem>>) target(%dma_start3A_75 : memref<10000x128xf32, #tpu.memory_space<vmem_shared>>) offsets(%arg9 : memref<80xi32, #tpu.memory_space<vmem>>) semaphore(%run_scoped3A : memref<!tpu.dma_semaphore, #tpu.memory_space<semaphore_mem>>) {add = true}
          %dma_wait3A_76 = arith.constant 0 : i32
          %dma_wait3A_77 = arith.constant 0 : i32
          %dma_wait3A_78 = tpu.memref_slice %arg14[%dma_wait3A_76, %dma_wait3A_77] : memref<10000x128xf32, #tpu.memory_space<vmem_shared>> -> memref<10000x128xf32, #tpu.memory_space<vmem_shared>>
          tpu.wait_indirect_dma semaphore(%run_scoped3A : memref<!tpu.dma_semaphore, #tpu.memory_space<semaphore_mem>>) src(%arg10 : memref<80x128xf32, #tpu.memory_space<vmem>>) dst(%dma_wait3A_78 : memref<10000x128xf32, #tpu.memory_space<vmem_shared>>)
          tpu.yield
        }) : () -> ()
      } else {
      }
      %jit3A_43 = arith.constant 2 : i32
      %eq3A_44 = arith.constant 0 : i32
      %eq3A_45 = arith.cmpi eq, %jit3A_43, %eq3A_44 : i32
      %jit3A_46 = arith.constant 1 : i32
      %select_n3A_47 = arith.select %eq3A_45, %jit3A_46, %jit3A_43 : i32
      %rem3A_48 = arith.remsi %scan3A_27, %select_n3A_47 : i32
      %ne3A_49 = arith.constant 0 : i32
      %ne3A_50 = arith.cmpi ne, %rem3A_48, %ne3A_49 : i32
      %lt3A_51 = arith.constant 0 : i32
      %lt3A_52 = arith.cmpi slt, %rem3A_48, %lt3A_51 : i32
      %lt3A_53 = arith.constant 0 : i32
      %lt3A_54 = arith.cmpi slt, %select_n3A_47, %lt3A_53 : i32
      %ne3A_55 = arith.xori %lt3A_52, %lt3A_54 : i1
      %and3A_56 = arith.andi %ne3A_55, %ne3A_50 : i1
      %add3A_57 = arith.addi %rem3A_48, %select_n3A_47 : i32
      %select_n3A_58 = arith.select %and3A_56, %add3A_57, %rem3A_48 : i32
      %eq3A_59 = arith.constant 1 : i32
      %eq3A_60 = arith.cmpi eq, %select_n3A_58, %eq3A_59 : i32
      %convert_element_type3A_61 = arith.extui %eq3A_60 : i1 to i32
      %cond3A_62 = arith.constant 0 : i32
      %cond3A_63 = arith.cmpi ne, %convert_element_type3A_61, %cond3A_62 : i32
      scf.if %cond3A_63 {
        %add3A_64 = arith.constant 1 : i32
        %add3A_65 = arith.addi %scan3A_27, %add3A_64 : i32
        %lt3A_66 = arith.constant 125 : i32
        %lt3A_67 = arith.cmpi slt, %add3A_65, %lt3A_66 : i32
        %convert_element_type3A_68 = arith.extui %lt3A_67 : i1 to i32
        %cond3A_69 = arith.constant 0 : i32
        %cond3A_70 = arith.cmpi ne, %convert_element_type3A_68, %cond3A_69 : i32
        scf.if %cond3A_70 {
          %add3A_73 = arith.constant 1 : i32
          %add3A_74 = arith.addi %scan3A_27, %add3A_73 : i32
          %mul3A_75 = arith.constant 10000 : i32
          %mul3A_76 = arith.muli %add3A, %mul3A_75 : i32
          %mul3A_77 = arith.constant 80 : i32
          %mul3A_78 = arith.muli %add3A_74, %mul3A_77 : i32
          %add3A_79 = arith.addi %mul3A_76, %mul3A_78 : i32
          "tpu.region"() ({
            %run_scoped3A = tpu.sem_alloc : memref<!tpu.dma_semaphore, #tpu.memory_space<semaphore_mem>>
            %dma_start3A_83 = tpu.memref_slice %arg4[%add3A_79] : memref<320000xi32, #tpu.memory_space<hbm>> -> memref<80xi32, #tpu.memory_space<hbm>>
            %dma_start3A_84 = tpu.memref_slice %arg4[%add3A_79] : memref<320000xi32, #tpu.memory_space<hbm>> -> memref<80xi32, #tpu.memory_space<hbm>>
            tpu.enqueue_dma source(%dma_start3A_84 : memref<80xi32, #tpu.memory_space<hbm>>) target(%arg9 : memref<80xi32, #tpu.memory_space<vmem>>) target_semaphore(%run_scoped3A : memref<!tpu.dma_semaphore, #tpu.memory_space<semaphore_mem>>)
            %dma_wait3A_85 = tpu.memref_slice %arg4[%add3A_79] : memref<320000xi32, #tpu.memory_space<hbm>> -> memref<80xi32, #tpu.memory_space<hbm>>
            %dma_wait3A_86 = tpu.memref_slice %arg4[%add3A_79] : memref<320000xi32, #tpu.memory_space<hbm>> -> memref<80xi32, #tpu.memory_space<hbm>>
            tpu.wait_dma2 semaphore(%run_scoped3A : memref<!tpu.dma_semaphore, #tpu.memory_space<semaphore_mem>>) src(%dma_wait3A_86 : memref<80xi32, #tpu.memory_space<hbm>>) dst(%arg9 : memref<80xi32, #tpu.memory_space<vmem>>)
            tpu.yield
          }) : () -> ()
          "tpu.region"() ({
            %run_scoped3A = tpu.sem_alloc : memref<!tpu.dma_semaphore, #tpu.memory_space<semaphore_mem>>
            %dma_start3A_83 = tpu.memref_slice %arg3[%add3A_79] : memref<320000xi32, #tpu.memory_space<hbm>> -> memref<80xi32, #tpu.memory_space<hbm>>
            %dma_start3A_84 = tpu.memref_slice %arg3[%add3A_79] : memref<320000xi32, #tpu.memory_space<hbm>> -> memref<80xi32, #tpu.memory_space<hbm>>
            tpu.enqueue_dma source(%dma_start3A_84 : memref<80xi32, #tpu.memory_space<hbm>>) target(%arg8 : memref<80xi32, #tpu.memory_space<vmem>>) target_semaphore(%run_scoped3A : memref<!tpu.dma_semaphore, #tpu.memory_space<semaphore_mem>>)
            %dma_wait3A_85 = tpu.memref_slice %arg3[%add3A_79] : memref<320000xi32, #tpu.memory_space<hbm>> -> memref<80xi32, #tpu.memory_space<hbm>>
            %dma_wait3A_86 = tpu.memref_slice %arg3[%add3A_79] : memref<320000xi32, #tpu.memory_space<hbm>> -> memref<80xi32, #tpu.memory_space<hbm>>
            tpu.wait_dma2 semaphore(%run_scoped3A : memref<!tpu.dma_semaphore, #tpu.memory_space<semaphore_mem>>) src(%dma_wait3A_86 : memref<80xi32, #tpu.memory_space<hbm>>) dst(%arg8 : memref<80xi32, #tpu.memory_space<vmem>>)
            tpu.yield
          }) : () -> ()
          %dma_start3A_80 = arith.constant 0 : i32
          %dma_start3A_81 = arith.constant 0 : i32
          %dma_start3A_82 = tpu.memref_slice %arg2[%dma_start3A_80, %dma_start3A_81] : memref<10000x128xf32, #tpu.memory_space<hbm>> -> memref<10000x128xf32, #tpu.memory_space<hbm>>
          tpu.enqueue_indirect_dma source(%dma_start3A_82 : memref<10000x128xf32, #tpu.memory_space<hbm>>) target(%arg10 : memref<80x128xf32, #tpu.memory_space<vmem>>) offsets(%arg8 : memref<80xi32, #tpu.memory_space<vmem>>) semaphore(%arg15 : memref<!tpu.dma_semaphore, #tpu.memory_space<semaphore_mem>>)
        } else {
        }
        %dma_wait3A = arith.constant 0 : i32
        %dma_wait3A_71 = arith.constant 0 : i32
        %dma_wait3A_72 = tpu.memref_slice %arg2[%dma_wait3A, %dma_wait3A_71] : memref<10000x128xf32, #tpu.memory_space<hbm>> -> memref<10000x128xf32, #tpu.memory_space<hbm>>
        tpu.wait_indirect_dma semaphore(%arg16 : memref<!tpu.dma_semaphore, #tpu.memory_space<semaphore_mem>>) src(%dma_wait3A_72 : memref<10000x128xf32, #tpu.memory_space<hbm>>) dst(%arg13 : memref<80x128xf32, #tpu.memory_space<vmem>>)
        "tpu.region"() ({
          %run_scoped3A = tpu.sem_alloc : memref<!tpu.dma_semaphore, #tpu.memory_space<semaphore_mem>>
          %dma_start3A_73 = arith.constant 0 : i32
          %dma_start3A_74 = arith.constant 0 : i32
          %dma_start3A_75 = tpu.memref_slice %arg14[%dma_start3A_73, %dma_start3A_74] : memref<10000x128xf32, #tpu.memory_space<vmem_shared>> -> memref<10000x128xf32, #tpu.memory_space<vmem_shared>>
          tpu.enqueue_indirect_dma source(%arg13 : memref<80x128xf32, #tpu.memory_space<vmem>>) target(%dma_start3A_75 : memref<10000x128xf32, #tpu.memory_space<vmem_shared>>) offsets(%arg12 : memref<80xi32, #tpu.memory_space<vmem>>) semaphore(%run_scoped3A : memref<!tpu.dma_semaphore, #tpu.memory_space<semaphore_mem>>) {add = true}
          %dma_wait3A_76 = arith.constant 0 : i32
          %dma_wait3A_77 = arith.constant 0 : i32
          %dma_wait3A_78 = tpu.memref_slice %arg14[%dma_wait3A_76, %dma_wait3A_77] : memref<10000x128xf32, #tpu.memory_space<vmem_shared>> -> memref<10000x128xf32, #tpu.memory_space<vmem_shared>>
          tpu.wait_indirect_dma semaphore(%run_scoped3A : memref<!tpu.dma_semaphore, #tpu.memory_space<semaphore_mem>>) src(%arg13 : memref<80x128xf32, #tpu.memory_space<vmem>>) dst(%dma_wait3A_78 : memref<10000x128xf32, #tpu.memory_space<vmem_shared>>)
          tpu.yield
        }) : () -> ()
      } else {
      }
    }
    %scan3A_16 = arith.constant 125 : i32
    %barrier3A_17 = arith.constant 0 : index
    tpu.barrier barrier_id(%barrier3A_17)
    %mul3A_18 = arith.constant 624 : i32
    %mul3A_19 = arith.muli %arg1, %mul3A_18 : i32
    %mul3A_20 = arith.constant 624 : i32
    %mul3A_21 = arith.muli %arg1, %mul3A_20 : i32
    "tpu.region"() ({
      %run_scoped3A = tpu.sem_alloc : memref<!tpu.dma_semaphore, #tpu.memory_space<semaphore_mem>>
      %dma_start3A_27 = arith.constant 0 : i32
      %dma_start3A_28 = tpu.memref_slice %arg7[%arg0, %mul3A_21, %dma_start3A_27] : memref<2x10000x128xf32, #tpu.memory_space<hbm>> -> memref<1x624x128xf32, #tpu.memory_space<hbm>>
      %dma_start3A_29 = tpu.memref_squeeze %dma_start3A_28 : memref<1x624x128xf32, #tpu.memory_space<hbm>> -> memref<624x128xf32, #tpu.memory_space<hbm>>
      %dma_start3A_30 = arith.constant 0 : i32
      %dma_start3A_31 = tpu.memref_slice %arg14[%mul3A_19, %dma_start3A_30] : memref<10000x128xf32, #tpu.memory_space<vmem_shared>> -> memref<624x128xf32, #tpu.memory_space<vmem_shared>>
      tpu.enqueue_dma source(%dma_start3A_31 : memref<624x128xf32, #tpu.memory_space<vmem_shared>>) target(%dma_start3A_29 : memref<624x128xf32, #tpu.memory_space<hbm>>) target_semaphore(%run_scoped3A : memref<!tpu.dma_semaphore, #tpu.memory_space<semaphore_mem>>)
      %dma_wait3A = arith.constant 0 : i32
      %dma_wait3A_32 = tpu.memref_slice %arg7[%arg0, %mul3A_21, %dma_wait3A] : memref<2x10000x128xf32, #tpu.memory_space<hbm>> -> memref<1x624x128xf32, #tpu.memory_space<hbm>>
      %dma_wait3A_33 = tpu.memref_squeeze %dma_wait3A_32 : memref<1x624x128xf32, #tpu.memory_space<hbm>> -> memref<624x128xf32, #tpu.memory_space<hbm>>
      %dma_wait3A_34 = arith.constant 0 : i32
      %dma_wait3A_35 = tpu.memref_slice %arg14[%mul3A_19, %dma_wait3A_34] : memref<10000x128xf32, #tpu.memory_space<vmem_shared>> -> memref<624x128xf32, #tpu.memory_space<vmem_shared>>
      tpu.wait_dma2 semaphore(%run_scoped3A : memref<!tpu.dma_semaphore, #tpu.memory_space<semaphore_mem>>) src(%dma_wait3A_35 : memref<624x128xf32, #tpu.memory_space<vmem_shared>>) dst(%dma_wait3A_33 : memref<624x128xf32, #tpu.memory_space<hbm>>)
      tpu.yield
    }) : () -> ()
    %eq3A_22 = arith.constant 0 : i32
    %eq3A_23 = arith.cmpi eq, %arg1, %eq3A_22 : i32
    %convert_element_type3A_24 = arith.extui %eq3A_23 : i1 to i32
    %cond3A_25 = arith.constant 0 : i32
    %cond3A_26 = arith.cmpi ne, %convert_element_type3A_24, %cond3A_25 : i32
    scf.if %cond3A_26 {
      "tpu.region"() ({
        %run_scoped3A = tpu.sem_alloc : memref<!tpu.dma_semaphore, #tpu.memory_space<semaphore_mem>>
        %dma_start3A_27 = arith.constant 9984 : i32
        %dma_start3A_28 = arith.constant 0 : i32
        %dma_start3A_29 = tpu.memref_slice %arg7[%arg0, %dma_start3A_27, %dma_start3A_28] : memref<2x10000x128xf32, #tpu.memory_space<hbm>> -> memref<1x16x128xf32, #tpu.memory_space<hbm>>
        %dma_start3A_30 = tpu.memref_squeeze %dma_start3A_29 : memref<1x16x128xf32, #tpu.memory_space<hbm>> -> memref<16x128xf32, #tpu.memory_space<hbm>>
        %dma_start3A_31 = arith.constant 9984 : i32
        %dma_start3A_32 = arith.constant 0 : i32
        %dma_start3A_33 = tpu.memref_slice %arg14[%dma_start3A_31, %dma_start3A_32] : memref<10000x128xf32, #tpu.memory_space<vmem_shared>> -> memref<16x128xf32, #tpu.memory_space<vmem_shared>>
        tpu.enqueue_dma source(%dma_start3A_33 : memref<16x128xf32, #tpu.memory_space<vmem_shared>>) target(%dma_start3A_30 : memref<16x128xf32, #tpu.memory_space<hbm>>) target_semaphore(%run_scoped3A : memref<!tpu.dma_semaphore, #tpu.memory_space<semaphore_mem>>)
        %dma_wait3A = arith.constant 9984 : i32
        %dma_wait3A_34 = arith.constant 0 : i32
        %dma_wait3A_35 = tpu.memref_slice %arg7[%arg0, %dma_wait3A, %dma_wait3A_34] : memref<2x10000x128xf32, #tpu.memory_space<hbm>> -> memref<1x16x128xf32, #tpu.memory_space<hbm>>
        %dma_wait3A_36 = tpu.memref_squeeze %dma_wait3A_35 : memref<1x16x128xf32, #tpu.memory_space<hbm>> -> memref<16x128xf32, #tpu.memory_space<hbm>>
        %dma_wait3A_37 = arith.constant 9984 : i32
        %dma_wait3A_38 = arith.constant 0 : i32
        %dma_wait3A_39 = tpu.memref_slice %arg14[%dma_wait3A_37, %dma_wait3A_38] : memref<10000x128xf32, #tpu.memory_space<vmem_shared>> -> memref<16x128xf32, #tpu.memory_space<vmem_shared>>
        tpu.wait_dma2 semaphore(%run_scoped3A : memref<!tpu.dma_semaphore, #tpu.memory_space<semaphore_mem>>) src(%dma_wait3A_39 : memref<16x128xf32, #tpu.memory_space<vmem_shared>>) dst(%dma_wait3A_36 : memref<16x128xf32, #tpu.memory_space<hbm>>)
        tpu.yield
      }) : () -> ()
    } else {
    }
    return
  }
}

#map = affine_map<(d0, d1) -> (0, 0)>
#map1 = affine_map<(d0, d1) -> (0)>
module attributes {stable_mosaic.version = 14 : i64} {
  func.func @score(%arg0: i32, %arg1: i32, %arg2: memref<10000x128xf32, #tpu.memory_space<hbm>>, %arg3: memref<10000x128xf32, #tpu.memory_space<hbm>>, %arg4: memref<320000xi32, #tpu.memory_space<hbm>>, %arg5: memref<320000xi32, #tpu.memory_space<hbm>>, %arg6: memref<128xf32, #tpu.memory_space<hbm>>, %arg7: memref<16xf32, #tpu.memory_space<hbm>>, %arg8: memref<320000xf32, #tpu.memory_space<hbm>>, %arg9: memref<80xi32, #tpu.memory_space<vmem>>, %arg10: memref<80xi32, #tpu.memory_space<vmem>>, %arg11: memref<80x128xf32, #tpu.memory_space<vmem>>, %arg12: memref<80x128xf32, #tpu.memory_space<vmem>>, %arg13: memref<80xf32, #tpu.memory_space<vmem>>, %arg14: memref<128xf32, #tpu.memory_space<vmem>>, %arg15: memref<16xf32, #tpu.memory_space<vmem>>, %arg16: memref<!tpu.dma_semaphore, #tpu.memory_space<semaphore_mem>>) attributes {dimension_semantics = [#tpu.dimension_semantics<core_parallel>, #tpu.dimension_semantics<subcore_parallel>], iteration_bounds = array<i64: 2, 16>, scalar_prefetch = 0 : i64, scratch_operands = 8 : i64, tpu.core_type = #tpu.core_type<sc_vector_subcore>, window_params = [{transform_indices = #map}, {transform_indices = #map}, {transform_indices = #map1}, {transform_indices = #map1}, {transform_indices = #map1}, {transform_indices = #map1}, {transform_indices = #map1}]} {
    %mul3A = arith.constant 2 : i32
    %mul3A_0 = arith.muli %arg1, %mul3A : i32
    %add3A = arith.addi %mul3A_0, %arg0 : i32
    "tpu.region"() ({
      %run_scoped3A = tpu.sem_alloc : memref<!tpu.dma_semaphore, #tpu.memory_space<semaphore_mem>>
      tpu.enqueue_dma source(%arg6 : memref<128xf32, #tpu.memory_space<hbm>>) target(%arg14 : memref<128xf32, #tpu.memory_space<vmem>>) target_semaphore(%run_scoped3A : memref<!tpu.dma_semaphore, #tpu.memory_space<semaphore_mem>>)
      tpu.wait_dma2 semaphore(%run_scoped3A : memref<!tpu.dma_semaphore, #tpu.memory_space<semaphore_mem>>) src(%arg6 : memref<128xf32, #tpu.memory_space<hbm>>) dst(%arg14 : memref<128xf32, #tpu.memory_space<vmem>>)
      tpu.yield
    }) : () -> ()
    "tpu.region"() ({
      %run_scoped3A = tpu.sem_alloc : memref<!tpu.dma_semaphore, #tpu.memory_space<semaphore_mem>>
      tpu.enqueue_dma source(%arg7 : memref<16xf32, #tpu.memory_space<hbm>>) target(%arg15 : memref<16xf32, #tpu.memory_space<vmem>>) target_semaphore(%run_scoped3A : memref<!tpu.dma_semaphore, #tpu.memory_space<semaphore_mem>>)
      tpu.wait_dma2 semaphore(%run_scoped3A : memref<!tpu.dma_semaphore, #tpu.memory_space<semaphore_mem>>) src(%arg7 : memref<16xf32, #tpu.memory_space<hbm>>) dst(%arg15 : memref<16xf32, #tpu.memory_space<vmem>>)
      tpu.yield
    }) : () -> ()
    %iota3A = tpu.iota {dimensions = array<i32: 0>} : vector<16xi32>
    %scan3A = arith.constant 0 : i32
    %scan3A_1 = arith.constant 0 : i32
    %scan3A_2 = arith.constant 125 : i32
    %scan3A_3 = arith.addi %scan3A_1, %scan3A_2 : i32
    %scan3A_4 = arith.constant 1 : i32
    scf.for %scan3A_6 = %scan3A_1 to %scan3A_3 step %scan3A_4  : i32 {
      %mul3A_7 = arith.constant 10000 : i32
      %mul3A_8 = arith.muli %add3A, %mul3A_7 : i32
      %mul3A_9 = arith.constant 80 : i32
      %mul3A_10 = arith.muli %scan3A_6, %mul3A_9 : i32
      %add3A_11 = arith.addi %mul3A_8, %mul3A_10 : i32
      "tpu.region"() ({
        %run_scoped3A = tpu.sem_alloc : memref<!tpu.dma_semaphore, #tpu.memory_space<semaphore_mem>>
        %dma_start3A_28 = tpu.memref_slice %arg4[%add3A_11] : memref<320000xi32, #tpu.memory_space<hbm>> -> memref<80xi32, #tpu.memory_space<hbm>>
        %dma_start3A_29 = tpu.memref_slice %arg4[%add3A_11] : memref<320000xi32, #tpu.memory_space<hbm>> -> memref<80xi32, #tpu.memory_space<hbm>>
        tpu.enqueue_dma source(%dma_start3A_29 : memref<80xi32, #tpu.memory_space<hbm>>) target(%arg9 : memref<80xi32, #tpu.memory_space<vmem>>) target_semaphore(%run_scoped3A : memref<!tpu.dma_semaphore, #tpu.memory_space<semaphore_mem>>)
        %dma_wait3A_30 = tpu.memref_slice %arg4[%add3A_11] : memref<320000xi32, #tpu.memory_space<hbm>> -> memref<80xi32, #tpu.memory_space<hbm>>
        %dma_wait3A_31 = tpu.memref_slice %arg4[%add3A_11] : memref<320000xi32, #tpu.memory_space<hbm>> -> memref<80xi32, #tpu.memory_space<hbm>>
        tpu.wait_dma2 semaphore(%run_scoped3A : memref<!tpu.dma_semaphore, #tpu.memory_space<semaphore_mem>>) src(%dma_wait3A_31 : memref<80xi32, #tpu.memory_space<hbm>>) dst(%arg9 : memref<80xi32, #tpu.memory_space<vmem>>)
        tpu.yield
      }) : () -> ()
      "tpu.region"() ({
        %run_scoped3A = tpu.sem_alloc : memref<!tpu.dma_semaphore, #tpu.memory_space<semaphore_mem>>
        %dma_start3A_28 = tpu.memref_slice %arg5[%add3A_11] : memref<320000xi32, #tpu.memory_space<hbm>> -> memref<80xi32, #tpu.memory_space<hbm>>
        %dma_start3A_29 = tpu.memref_slice %arg5[%add3A_11] : memref<320000xi32, #tpu.memory_space<hbm>> -> memref<80xi32, #tpu.memory_space<hbm>>
        tpu.enqueue_dma source(%dma_start3A_29 : memref<80xi32, #tpu.memory_space<hbm>>) target(%arg10 : memref<80xi32, #tpu.memory_space<vmem>>) target_semaphore(%run_scoped3A : memref<!tpu.dma_semaphore, #tpu.memory_space<semaphore_mem>>)
        %dma_wait3A_30 = tpu.memref_slice %arg5[%add3A_11] : memref<320000xi32, #tpu.memory_space<hbm>> -> memref<80xi32, #tpu.memory_space<hbm>>
        %dma_wait3A_31 = tpu.memref_slice %arg5[%add3A_11] : memref<320000xi32, #tpu.memory_space<hbm>> -> memref<80xi32, #tpu.memory_space<hbm>>
        tpu.wait_dma2 semaphore(%run_scoped3A : memref<!tpu.dma_semaphore, #tpu.memory_space<semaphore_mem>>) src(%dma_wait3A_31 : memref<80xi32, #tpu.memory_space<hbm>>) dst(%arg10 : memref<80xi32, #tpu.memory_space<vmem>>)
        tpu.yield
      }) : () -> ()
      %dma_start3A = arith.constant 0 : i32
      %dma_start3A_12 = arith.constant 0 : i32
      %dma_start3A_13 = tpu.memref_slice %arg2[%dma_start3A, %dma_start3A_12] : memref<10000x128xf32, #tpu.memory_space<hbm>> -> memref<10000x128xf32, #tpu.memory_space<hbm>>
      tpu.enqueue_indirect_dma source(%dma_start3A_13 : memref<10000x128xf32, #tpu.memory_space<hbm>>) target(%arg11 : memref<80x128xf32, #tpu.memory_space<vmem>>) offsets(%arg9 : memref<80xi32, #tpu.memory_space<vmem>>) semaphore(%arg16 : memref<!tpu.dma_semaphore, #tpu.memory_space<semaphore_mem>>)
      %dma_start3A_14 = arith.constant 0 : i32
      %dma_start3A_15 = arith.constant 0 : i32
      %dma_start3A_16 = tpu.memref_slice %arg3[%dma_start3A_14, %dma_start3A_15] : memref<10000x128xf32, #tpu.memory_space<hbm>> -> memref<10000x128xf32, #tpu.memory_space<hbm>>
      tpu.enqueue_indirect_dma source(%dma_start3A_16 : memref<10000x128xf32, #tpu.memory_space<hbm>>) target(%arg12 : memref<80x128xf32, #tpu.memory_space<vmem>>) offsets(%arg10 : memref<80xi32, #tpu.memory_space<vmem>>) semaphore(%arg16 : memref<!tpu.dma_semaphore, #tpu.memory_space<semaphore_mem>>)
      %dma_wait3A = arith.constant 0 : i32
      %dma_wait3A_17 = arith.constant 0 : i32
      %dma_wait3A_18 = tpu.memref_slice %arg2[%dma_wait3A, %dma_wait3A_17] : memref<10000x128xf32, #tpu.memory_space<hbm>> -> memref<10000x128xf32, #tpu.memory_space<hbm>>
      tpu.wait_indirect_dma semaphore(%arg16 : memref<!tpu.dma_semaphore, #tpu.memory_space<semaphore_mem>>) src(%dma_wait3A_18 : memref<10000x128xf32, #tpu.memory_space<hbm>>) dst(%arg11 : memref<80x128xf32, #tpu.memory_space<vmem>>)
      %dma_wait3A_19 = arith.constant 0 : i32
      %dma_wait3A_20 = arith.constant 0 : i32
      %dma_wait3A_21 = tpu.memref_slice %arg3[%dma_wait3A_19, %dma_wait3A_20] : memref<10000x128xf32, #tpu.memory_space<hbm>> -> memref<10000x128xf32, #tpu.memory_space<hbm>>
      tpu.wait_indirect_dma semaphore(%arg16 : memref<!tpu.dma_semaphore, #tpu.memory_space<semaphore_mem>>) src(%dma_wait3A_21 : memref<10000x128xf32, #tpu.memory_space<hbm>>) dst(%arg12 : memref<80x128xf32, #tpu.memory_space<vmem>>)
      %scan3A_22 = arith.constant 0 : i32
      %scan3A_23 = arith.constant 0 : i32
      %scan3A_24 = arith.constant 5 : i32
      %scan3A_25 = arith.addi %scan3A_23, %scan3A_24 : i32
      %scan3A_26 = arith.constant 1 : i32
      scf.for %scan3A_28 = %scan3A_23 to %scan3A_25 step %scan3A_26  : i32 {
        %mul3A_29 = arith.constant 16 : i32
        %mul3A_30 = arith.muli %scan3A_28, %mul3A_29 : i32
        %add3A_31 = vector.broadcast %mul3A_30 : i32 to vector<16xi32>
        %add3A_32 = arith.addi %iota3A, %add3A_31 : vector<16xi32>
        %broadcast_in_dim3A = arith.constant 0.000000e+00 : f32
        %broadcast_in_dim3A_33 = vector.broadcast %broadcast_in_dim3A : f32 to vector<16xf32>
        %get3A = arith.constant 0 : index
        %get3A_34 = tpu.vector_load %arg15[%get3A] {strides = array<i32>} : memref<16xf32, #tpu.memory_space<vmem>>, vector<16xf32>,
        %scan3A_35 = arith.constant 0 : i32
        %scan3A_36 = arith.constant 8 : i32
        %scan3A_37 = arith.addi %scan3A_35, %scan3A_36 : i32
        %scan3A_38 = arith.constant 1 : i32
        %scan3A_39:4 = scf.for %scan3A_47 = %scan3A_35 to %scan3A_37 step %scan3A_38 iter_args(%scan3A_48 = %get3A_34, %scan3A_49 = %broadcast_in_dim3A_33, %scan3A_50 = %broadcast_in_dim3A_33, %scan3A_51 = %broadcast_in_dim3A_33) -> (vector<16xf32>, vector<16xf32>, vector<16xf32>, vector<16xf32>)  : i32 {
          %mul3A_52 = arith.constant 16 : i32
          %mul3A_53 = arith.muli %scan3A_47, %mul3A_52 : i32
          %get3A_54 = arith.index_cast %mul3A_53 : i32 to index
          %get3A_55 = tpu.vector_load %arg14[%get3A_54] {strides = array<i32>} : memref<128xf32, #tpu.memory_space<vmem>>, vector<16xf32>,
          %broadcast_in_dim3A_56 = arith.constant 0 : i32
          %broadcast_in_dim3A_57 = vector.broadcast %broadcast_in_dim3A_56 : i32 to vector<16xi32>
          %mul3A_58 = arith.constant 16 : i32
          %mul3A_59 = arith.muli %scan3A_47, %mul3A_58 : i32
          %add3A_60 = vector.broadcast %mul3A_59 : i32 to vector<16xi32>
          %add3A_61 = arith.addi %broadcast_in_dim3A_57, %add3A_60 : vector<16xi32>
          %add3A_62 = arith.constant 0 : i32
          %add3A_63 = vector.broadcast %add3A_62 : i32 to vector<16xi32>
          %add3A_64 = arith.addi %add3A_61, %add3A_63 : vector<16xi32>
          %gather3A = tpu.vector_load_idx %arg11[%add3A_32, %add3A_64] : memref<80x128xf32, #tpu.memory_space<vmem>>[vector<16xi32>, vector<16xi32>], vector<16xf32>,
          %add3A_65 = arith.constant 0 : i32
          %add3A_66 = vector.broadcast %add3A_65 : i32 to vector<16xi32>
          %add3A_67 = arith.addi %add3A_61, %add3A_66 : vector<16xi32>
          %gather3A_68 = tpu.vector_load_idx %arg12[%add3A_32, %add3A_67] : memref<80x128xf32, #tpu.memory_space<vmem>>[vector<16xi32>, vector<16xi32>], vector<16xf32>,
          %add3A_69 = arith.addf %gather3A, %gather3A_68 : vector<16xf32>
          %max3A = arith.constant 0.000000e+00 : f32
          %max3A_70 = vector.broadcast %max3A : f32 to vector<16xf32>
          %max3A_71 = arith.maximumf %add3A_69, %max3A_70 : vector<16xf32>
          %slice3A = vector.extract_strided_slice %get3A_55 {offsets = [0], sizes = [1], strides = [1]} : vector<16xf32> to vector<1xf32>
          %squeeze3A = vector.extract %slice3A[0] : f32 from vector<1xf32>
          %mul3A_72 = vector.broadcast %squeeze3A : f32 to vector<16xf32>
          %mul3A_73 = arith.mulf %max3A_71, %mul3A_72 : vector<16xf32>
          %add3A_74 = arith.addf %scan3A_48, %mul3A_73 : vector<16xf32>
          %add3A_75 = arith.constant 1 : i32
          %add3A_76 = vector.broadcast %add3A_75 : i32 to vector<16xi32>
          %add3A_77 = arith.addi %add3A_61, %add3A_76 : vector<16xi32>
          %gather3A_78 = tpu.vector_load_idx %arg11[%add3A_32, %add3A_77] : memref<80x128xf32, #tpu.memory_space<vmem>>[vector<16xi32>, vector<16xi32>], vector<16xf32>,
          %add3A_79 = arith.constant 1 : i32
          %add3A_80 = vector.broadcast %add3A_79 : i32 to vector<16xi32>
          %add3A_81 = arith.addi %add3A_61, %add3A_80 : vector<16xi32>
          %gather3A_82 = tpu.vector_load_idx %arg12[%add3A_32, %add3A_81] : memref<80x128xf32, #tpu.memory_space<vmem>>[vector<16xi32>, vector<16xi32>], vector<16xf32>,
          %add3A_83 = arith.addf %gather3A_78, %gather3A_82 : vector<16xf32>
          %max3A_84 = arith.constant 0.000000e+00 : f32
          %max3A_85 = vector.broadcast %max3A_84 : f32 to vector<16xf32>
          %max3A_86 = arith.maximumf %add3A_83, %max3A_85 : vector<16xf32>
          %slice3A_87 = vector.extract_strided_slice %get3A_55 {offsets = [1], sizes = [1], strides = [1]} : vector<16xf32> to vector<1xf32>
          %squeeze3A_88 = vector.extract %slice3A_87[0] : f32 from vector<1xf32>
          %mul3A_89 = vector.broadcast %squeeze3A_88 : f32 to vector<16xf32>
          %mul3A_90 = arith.mulf %max3A_86, %mul3A_89 : vector<16xf32>
          %add3A_91 = arith.addf %scan3A_49, %mul3A_90 : vector<16xf32>
          %add3A_92 = arith.constant 2 : i32
          %add3A_93 = vector.broadcast %add3A_92 : i32 to vector<16xi32>
          %add3A_94 = arith.addi %add3A_61, %add3A_93 : vector<16xi32>
          %gather3A_95 = tpu.vector_load_idx %arg11[%add3A_32, %add3A_94] : memref<80x128xf32, #tpu.memory_space<vmem>>[vector<16xi32>, vector<16xi32>], vector<16xf32>,
          %add3A_96 = arith.constant 2 : i32
          %add3A_97 = vector.broadcast %add3A_96 : i32 to vector<16xi32>
          %add3A_98 = arith.addi %add3A_61, %add3A_97 : vector<16xi32>
          %gather3A_99 = tpu.vector_load_idx %arg12[%add3A_32, %add3A_98] : memref<80x128xf32, #tpu.memory_space<vmem>>[vector<16xi32>, vector<16xi32>], vector<16xf32>,
          %add3A_100 = arith.addf %gather3A_95, %gather3A_99 : vector<16xf32>
          %max3A_101 = arith.constant 0.000000e+00 : f32
          %max3A_102 = vector.broadcast %max3A_101 : f32 to vector<16xf32>
          %max3A_103 = arith.maximumf %add3A_100, %max3A_102 : vector<16xf32>
          %slice3A_104 = vector.extract_strided_slice %get3A_55 {offsets = [2], sizes = [1], strides = [1]} : vector<16xf32> to vector<1xf32>
          %squeeze3A_105 = vector.extract %slice3A_104[0] : f32 from vector<1xf32>
          %mul3A_106 = vector.broadcast %squeeze3A_105 : f32 to vector<16xf32>
          %mul3A_107 = arith.mulf %max3A_103, %mul3A_106 : vector<16xf32>
          %add3A_108 = arith.addf %scan3A_50, %mul3A_107 : vector<16xf32>
          %add3A_109 = arith.constant 3 : i32
          %add3A_110 = vector.broadcast %add3A_109 : i32 to vector<16xi32>
          %add3A_111 = arith.addi %add3A_61, %add3A_110 : vector<16xi32>
          %gather3A_112 = tpu.vector_load_idx %arg11[%add3A_32, %add3A_111] : memref<80x128xf32, #tpu.memory_space<vmem>>[vector<16xi32>, vector<16xi32>], vector<16xf32>,
          %add3A_113 = arith.constant 3 : i32
          %add3A_114 = vector.broadcast %add3A_113 : i32 to vector<16xi32>
          %add3A_115 = arith.addi %add3A_61, %add3A_114 : vector<16xi32>
          %gather3A_116 = tpu.vector_load_idx %arg12[%add3A_32, %add3A_115] : memref<80x128xf32, #tpu.memory_space<vmem>>[vector<16xi32>, vector<16xi32>], vector<16xf32>,
          %add3A_117 = arith.addf %gather3A_112, %gather3A_116 : vector<16xf32>
          %max3A_118 = arith.constant 0.000000e+00 : f32
          %max3A_119 = vector.broadcast %max3A_118 : f32 to vector<16xf32>
          %max3A_120 = arith.maximumf %add3A_117, %max3A_119 : vector<16xf32>
          %slice3A_121 = vector.extract_strided_slice %get3A_55 {offsets = [3], sizes = [1], strides = [1]} : vector<16xf32> to vector<1xf32>
          %squeeze3A_122 = vector.extract %slice3A_121[0] : f32 from vector<1xf32>
          %mul3A_123 = vector.broadcast %squeeze3A_122 : f32 to vector<16xf32>
          %mul3A_124 = arith.mulf %max3A_120, %mul3A_123 : vector<16xf32>
          %add3A_125 = arith.addf %scan3A_51, %mul3A_124 : vector<16xf32>
          %add3A_126 = arith.constant 4 : i32
          %add3A_127 = vector.broadcast %add3A_126 : i32 to vector<16xi32>
          %add3A_128 = arith.addi %add3A_61, %add3A_127 : vector<16xi32>
          %gather3A_129 = tpu.vector_load_idx %arg11[%add3A_32, %add3A_128] : memref<80x128xf32, #tpu.memory_space<vmem>>[vector<16xi32>, vector<16xi32>], vector<16xf32>,
          %add3A_130 = arith.constant 4 : i32
          %add3A_131 = vector.broadcast %add3A_130 : i32 to vector<16xi32>
          %add3A_132 = arith.addi %add3A_61, %add3A_131 : vector<16xi32>
          %gather3A_133 = tpu.vector_load_idx %arg12[%add3A_32, %add3A_132] : memref<80x128xf32, #tpu.memory_space<vmem>>[vector<16xi32>, vector<16xi32>], vector<16xf32>,
          %add3A_134 = arith.addf %gather3A_129, %gather3A_133 : vector<16xf32>
          %max3A_135 = arith.constant 0.000000e+00 : f32
          %max3A_136 = vector.broadcast %max3A_135 : f32 to vector<16xf32>
          %max3A_137 = arith.maximumf %add3A_134, %max3A_136 : vector<16xf32>
          %slice3A_138 = vector.extract_strided_slice %get3A_55 {offsets = [4], sizes = [1], strides = [1]} : vector<16xf32> to vector<1xf32>
          %squeeze3A_139 = vector.extract %slice3A_138[0] : f32 from vector<1xf32>
          %mul3A_140 = vector.broadcast %squeeze3A_139 : f32 to vector<16xf32>
          %mul3A_141 = arith.mulf %max3A_137, %mul3A_140 : vector<16xf32>
          %add3A_142 = arith.addf %add3A_74, %mul3A_141 : vector<16xf32>
          %add3A_143 = arith.constant 5 : i32
          %add3A_144 = vector.broadcast %add3A_143 : i32 to vector<16xi32>
          %add3A_145 = arith.addi %add3A_61, %add3A_144 : vector<16xi32>
          %gather3A_146 = tpu.vector_load_idx %arg11[%add3A_32, %add3A_145] : memref<80x128xf32, #tpu.memory_space<vmem>>[vector<16xi32>, vector<16xi32>], vector<16xf32>,
          %add3A_147 = arith.constant 5 : i32
          %add3A_148 = vector.broadcast %add3A_147 : i32 to vector<16xi32>
          %add3A_149 = arith.addi %add3A_61, %add3A_148 : vector<16xi32>
          %gather3A_150 = tpu.vector_load_idx %arg12[%add3A_32, %add3A_149] : memref<80x128xf32, #tpu.memory_space<vmem>>[vector<16xi32>, vector<16xi32>], vector<16xf32>,
          %add3A_151 = arith.addf %gather3A_146, %gather3A_150 : vector<16xf32>
          %max3A_152 = arith.constant 0.000000e+00 : f32
          %max3A_153 = vector.broadcast %max3A_152 : f32 to vector<16xf32>
          %max3A_154 = arith.maximumf %add3A_151, %max3A_153 : vector<16xf32>
          %slice3A_155 = vector.extract_strided_slice %get3A_55 {offsets = [5], sizes = [1], strides = [1]} : vector<16xf32> to vector<1xf32>
          %squeeze3A_156 = vector.extract %slice3A_155[0] : f32 from vector<1xf32>
          %mul3A_157 = vector.broadcast %squeeze3A_156 : f32 to vector<16xf32>
          %mul3A_158 = arith.mulf %max3A_154, %mul3A_157 : vector<16xf32>
          %add3A_159 = arith.addf %add3A_91, %mul3A_158 : vector<16xf32>
          %add3A_160 = arith.constant 6 : i32
          %add3A_161 = vector.broadcast %add3A_160 : i32 to vector<16xi32>
          %add3A_162 = arith.addi %add3A_61, %add3A_161 : vector<16xi32>
          %gather3A_163 = tpu.vector_load_idx %arg11[%add3A_32, %add3A_162] : memref<80x128xf32, #tpu.memory_space<vmem>>[vector<16xi32>, vector<16xi32>], vector<16xf32>,
          %add3A_164 = arith.constant 6 : i32
          %add3A_165 = vector.broadcast %add3A_164 : i32 to vector<16xi32>
          %add3A_166 = arith.addi %add3A_61, %add3A_165 : vector<16xi32>
          %gather3A_167 = tpu.vector_load_idx %arg12[%add3A_32, %add3A_166] : memref<80x128xf32, #tpu.memory_space<vmem>>[vector<16xi32>, vector<16xi32>], vector<16xf32>,
          %add3A_168 = arith.addf %gather3A_163, %gather3A_167 : vector<16xf32>
          %max3A_169 = arith.constant 0.000000e+00 : f32
          %max3A_170 = vector.broadcast %max3A_169 : f32 to vector<16xf32>
          %max3A_171 = arith.maximumf %add3A_168, %max3A_170 : vector<16xf32>
          %slice3A_172 = vector.extract_strided_slice %get3A_55 {offsets = [6], sizes = [1], strides = [1]} : vector<16xf32> to vector<1xf32>
          %squeeze3A_173 = vector.extract %slice3A_172[0] : f32 from vector<1xf32>
          %mul3A_174 = vector.broadcast %squeeze3A_173 : f32 to vector<16xf32>
          %mul3A_175 = arith.mulf %max3A_171, %mul3A_174 : vector<16xf32>
          %add3A_176 = arith.addf %add3A_108, %mul3A_175 : vector<16xf32>
          %add3A_177 = arith.constant 7 : i32
          %add3A_178 = vector.broadcast %add3A_177 : i32 to vector<16xi32>
          %add3A_179 = arith.addi %add3A_61, %add3A_178 : vector<16xi32>
          %gather3A_180 = tpu.vector_load_idx %arg11[%add3A_32, %add3A_179] : memref<80x128xf32, #tpu.memory_space<vmem>>[vector<16xi32>, vector<16xi32>], vector<16xf32>,
          %add3A_181 = arith.constant 7 : i32
          %add3A_182 = vector.broadcast %add3A_181 : i32 to vector<16xi32>
          %add3A_183 = arith.addi %add3A_61, %add3A_182 : vector<16xi32>
          %gather3A_184 = tpu.vector_load_idx %arg12[%add3A_32, %add3A_183] : memref<80x128xf32, #tpu.memory_space<vmem>>[vector<16xi32>, vector<16xi32>], vector<16xf32>,
          %add3A_185 = arith.addf %gather3A_180, %gather3A_184 : vector<16xf32>
          %max3A_186 = arith.constant 0.000000e+00 : f32
          %max3A_187 = vector.broadcast %max3A_186 : f32 to vector<16xf32>
          %max3A_188 = arith.maximumf %add3A_185, %max3A_187 : vector<16xf32>
          %slice3A_189 = vector.extract_strided_slice %get3A_55 {offsets = [7], sizes = [1], strides = [1]} : vector<16xf32> to vector<1xf32>
          %squeeze3A_190 = vector.extract %slice3A_189[0] : f32 from vector<1xf32>
          %mul3A_191 = vector.broadcast %squeeze3A_190 : f32 to vector<16xf32>
          %mul3A_192 = arith.mulf %max3A_188, %mul3A_191 : vector<16xf32>
          %add3A_193 = arith.addf %add3A_125, %mul3A_192 : vector<16xf32>
          %add3A_194 = arith.constant 8 : i32
          %add3A_195 = vector.broadcast %add3A_194 : i32 to vector<16xi32>
          %add3A_196 = arith.addi %add3A_61, %add3A_195 : vector<16xi32>
          %gather3A_197 = tpu.vector_load_idx %arg11[%add3A_32, %add3A_196] : memref<80x128xf32, #tpu.memory_space<vmem>>[vector<16xi32>, vector<16xi32>], vector<16xf32>,
          %add3A_198 = arith.constant 8 : i32
          %add3A_199 = vector.broadcast %add3A_198 : i32 to vector<16xi32>
          %add3A_200 = arith.addi %add3A_61, %add3A_199 : vector<16xi32>
          %gather3A_201 = tpu.vector_load_idx %arg12[%add3A_32, %add3A_200] : memref<80x128xf32, #tpu.memory_space<vmem>>[vector<16xi32>, vector<16xi32>], vector<16xf32>,
          %add3A_202 = arith.addf %gather3A_197, %gather3A_201 : vector<16xf32>
          %max3A_203 = arith.constant 0.000000e+00 : f32
          %max3A_204 = vector.broadcast %max3A_203 : f32 to vector<16xf32>
          %max3A_205 = arith.maximumf %add3A_202, %max3A_204 : vector<16xf32>
          %slice3A_206 = vector.extract_strided_slice %get3A_55 {offsets = [8], sizes = [1], strides = [1]} : vector<16xf32> to vector<1xf32>
          %squeeze3A_207 = vector.extract %slice3A_206[0] : f32 from vector<1xf32>
          %mul3A_208 = vector.broadcast %squeeze3A_207 : f32 to vector<16xf32>
          %mul3A_209 = arith.mulf %max3A_205, %mul3A_208 : vector<16xf32>
          %add3A_210 = arith.addf %add3A_142, %mul3A_209 : vector<16xf32>
          %add3A_211 = arith.constant 9 : i32
          %add3A_212 = vector.broadcast %add3A_211 : i32 to vector<16xi32>
          %add3A_213 = arith.addi %add3A_61, %add3A_212 : vector<16xi32>
          %gather3A_214 = tpu.vector_load_idx %arg11[%add3A_32, %add3A_213] : memref<80x128xf32, #tpu.memory_space<vmem>>[vector<16xi32>, vector<16xi32>], vector<16xf32>,
          %add3A_215 = arith.constant 9 : i32
          %add3A_216 = vector.broadcast %add3A_215 : i32 to vector<16xi32>
          %add3A_217 = arith.addi %add3A_61, %add3A_216 : vector<16xi32>
          %gather3A_218 = tpu.vector_load_idx %arg12[%add3A_32, %add3A_217] : memref<80x128xf32, #tpu.memory_space<vmem>>[vector<16xi32>, vector<16xi32>], vector<16xf32>,
          %add3A_219 = arith.addf %gather3A_214, %gather3A_218 : vector<16xf32>
          %max3A_220 = arith.constant 0.000000e+00 : f32
          %max3A_221 = vector.broadcast %max3A_220 : f32 to vector<16xf32>
          %max3A_222 = arith.maximumf %add3A_219, %max3A_221 : vector<16xf32>
          %slice3A_223 = vector.extract_strided_slice %get3A_55 {offsets = [9], sizes = [1], strides = [1]} : vector<16xf32> to vector<1xf32>
          %squeeze3A_224 = vector.extract %slice3A_223[0] : f32 from vector<1xf32>
          %mul3A_225 = vector.broadcast %squeeze3A_224 : f32 to vector<16xf32>
          %mul3A_226 = arith.mulf %max3A_222, %mul3A_225 : vector<16xf32>
          %add3A_227 = arith.addf %add3A_159, %mul3A_226 : vector<16xf32>
          %add3A_228 = arith.constant 10 : i32
          %add3A_229 = vector.broadcast %add3A_228 : i32 to vector<16xi32>
          %add3A_230 = arith.addi %add3A_61, %add3A_229 : vector<16xi32>
          %gather3A_231 = tpu.vector_load_idx %arg11[%add3A_32, %add3A_230] : memref<80x128xf32, #tpu.memory_space<vmem>>[vector<16xi32>, vector<16xi32>], vector<16xf32>,
          %add3A_232 = arith.constant 10 : i32
          %add3A_233 = vector.broadcast %add3A_232 : i32 to vector<16xi32>
          %add3A_234 = arith.addi %add3A_61, %add3A_233 : vector<16xi32>
          %gather3A_235 = tpu.vector_load_idx %arg12[%add3A_32, %add3A_234] : memref<80x128xf32, #tpu.memory_space<vmem>>[vector<16xi32>, vector<16xi32>], vector<16xf32>,
          %add3A_236 = arith.addf %gather3A_231, %gather3A_235 : vector<16xf32>
          %max3A_237 = arith.constant 0.000000e+00 : f32
          %max3A_238 = vector.broadcast %max3A_237 : f32 to vector<16xf32>
          %max3A_239 = arith.maximumf %add3A_236, %max3A_238 : vector<16xf32>
          %slice3A_240 = vector.extract_strided_slice %get3A_55 {offsets = [10], sizes = [1], strides = [1]} : vector<16xf32> to vector<1xf32>
          %squeeze3A_241 = vector.extract %slice3A_240[0] : f32 from vector<1xf32>
          %mul3A_242 = vector.broadcast %squeeze3A_241 : f32 to vector<16xf32>
          %mul3A_243 = arith.mulf %max3A_239, %mul3A_242 : vector<16xf32>
          %add3A_244 = arith.addf %add3A_176, %mul3A_243 : vector<16xf32>
          %add3A_245 = arith.constant 11 : i32
          %add3A_246 = vector.broadcast %add3A_245 : i32 to vector<16xi32>
          %add3A_247 = arith.addi %add3A_61, %add3A_246 : vector<16xi32>
          %gather3A_248 = tpu.vector_load_idx %arg11[%add3A_32, %add3A_247] : memref<80x128xf32, #tpu.memory_space<vmem>>[vector<16xi32>, vector<16xi32>], vector<16xf32>,
          %add3A_249 = arith.constant 11 : i32
          %add3A_250 = vector.broadcast %add3A_249 : i32 to vector<16xi32>
          %add3A_251 = arith.addi %add3A_61, %add3A_250 : vector<16xi32>
          %gather3A_252 = tpu.vector_load_idx %arg12[%add3A_32, %add3A_251] : memref<80x128xf32, #tpu.memory_space<vmem>>[vector<16xi32>, vector<16xi32>], vector<16xf32>,
          %add3A_253 = arith.addf %gather3A_248, %gather3A_252 : vector<16xf32>
          %max3A_254 = arith.constant 0.000000e+00 : f32
          %max3A_255 = vector.broadcast %max3A_254 : f32 to vector<16xf32>
          %max3A_256 = arith.maximumf %add3A_253, %max3A_255 : vector<16xf32>
          %slice3A_257 = vector.extract_strided_slice %get3A_55 {offsets = [11], sizes = [1], strides = [1]} : vector<16xf32> to vector<1xf32>
          %squeeze3A_258 = vector.extract %slice3A_257[0] : f32 from vector<1xf32>
          %mul3A_259 = vector.broadcast %squeeze3A_258 : f32 to vector<16xf32>
          %mul3A_260 = arith.mulf %max3A_256, %mul3A_259 : vector<16xf32>
          %add3A_261 = arith.addf %add3A_193, %mul3A_260 : vector<16xf32>
          %add3A_262 = arith.constant 12 : i32
          %add3A_263 = vector.broadcast %add3A_262 : i32 to vector<16xi32>
          %add3A_264 = arith.addi %add3A_61, %add3A_263 : vector<16xi32>
          %gather3A_265 = tpu.vector_load_idx %arg11[%add3A_32, %add3A_264] : memref<80x128xf32, #tpu.memory_space<vmem>>[vector<16xi32>, vector<16xi32>], vector<16xf32>,
          %add3A_266 = arith.constant 12 : i32
          %add3A_267 = vector.broadcast %add3A_266 : i32 to vector<16xi32>
          %add3A_268 = arith.addi %add3A_61, %add3A_267 : vector<16xi32>
          %gather3A_269 = tpu.vector_load_idx %arg12[%add3A_32, %add3A_268] : memref<80x128xf32, #tpu.memory_space<vmem>>[vector<16xi32>, vector<16xi32>], vector<16xf32>,
          %add3A_270 = arith.addf %gather3A_265, %gather3A_269 : vector<16xf32>
          %max3A_271 = arith.constant 0.000000e+00 : f32
          %max3A_272 = vector.broadcast %max3A_271 : f32 to vector<16xf32>
          %max3A_273 = arith.maximumf %add3A_270, %max3A_272 : vector<16xf32>
          %slice3A_274 = vector.extract_strided_slice %get3A_55 {offsets = [12], sizes = [1], strides = [1]} : vector<16xf32> to vector<1xf32>
          %squeeze3A_275 = vector.extract %slice3A_274[0] : f32 from vector<1xf32>
          %mul3A_276 = vector.broadcast %squeeze3A_275 : f32 to vector<16xf32>
          %mul3A_277 = arith.mulf %max3A_273, %mul3A_276 : vector<16xf32>
          %add3A_278 = arith.addf %add3A_210, %mul3A_277 : vector<16xf32>
          %add3A_279 = arith.constant 13 : i32
          %add3A_280 = vector.broadcast %add3A_279 : i32 to vector<16xi32>
          %add3A_281 = arith.addi %add3A_61, %add3A_280 : vector<16xi32>
          %gather3A_282 = tpu.vector_load_idx %arg11[%add3A_32, %add3A_281] : memref<80x128xf32, #tpu.memory_space<vmem>>[vector<16xi32>, vector<16xi32>], vector<16xf32>,
          %add3A_283 = arith.constant 13 : i32
          %add3A_284 = vector.broadcast %add3A_283 : i32 to vector<16xi32>
          %add3A_285 = arith.addi %add3A_61, %add3A_284 : vector<16xi32>
          %gather3A_286 = tpu.vector_load_idx %arg12[%add3A_32, %add3A_285] : memref<80x128xf32, #tpu.memory_space<vmem>>[vector<16xi32>, vector<16xi32>], vector<16xf32>,
          %add3A_287 = arith.addf %gather3A_282, %gather3A_286 : vector<16xf32>
          %max3A_288 = arith.constant 0.000000e+00 : f32
          %max3A_289 = vector.broadcast %max3A_288 : f32 to vector<16xf32>
          %max3A_290 = arith.maximumf %add3A_287, %max3A_289 : vector<16xf32>
          %slice3A_291 = vector.extract_strided_slice %get3A_55 {offsets = [13], sizes = [1], strides = [1]} : vector<16xf32> to vector<1xf32>
          %squeeze3A_292 = vector.extract %slice3A_291[0] : f32 from vector<1xf32>
          %mul3A_293 = vector.broadcast %squeeze3A_292 : f32 to vector<16xf32>
          %mul3A_294 = arith.mulf %max3A_290, %mul3A_293 : vector<16xf32>
          %add3A_295 = arith.addf %add3A_227, %mul3A_294 : vector<16xf32>
          %add3A_296 = arith.constant 14 : i32
          %add3A_297 = vector.broadcast %add3A_296 : i32 to vector<16xi32>
          %add3A_298 = arith.addi %add3A_61, %add3A_297 : vector<16xi32>
          %gather3A_299 = tpu.vector_load_idx %arg11[%add3A_32, %add3A_298] : memref<80x128xf32, #tpu.memory_space<vmem>>[vector<16xi32>, vector<16xi32>], vector<16xf32>,
          %add3A_300 = arith.constant 14 : i32
          %add3A_301 = vector.broadcast %add3A_300 : i32 to vector<16xi32>
          %add3A_302 = arith.addi %add3A_61, %add3A_301 : vector<16xi32>
          %gather3A_303 = tpu.vector_load_idx %arg12[%add3A_32, %add3A_302] : memref<80x128xf32, #tpu.memory_space<vmem>>[vector<16xi32>, vector<16xi32>], vector<16xf32>,
          %add3A_304 = arith.addf %gather3A_299, %gather3A_303 : vector<16xf32>
          %max3A_305 = arith.constant 0.000000e+00 : f32
          %max3A_306 = vector.broadcast %max3A_305 : f32 to vector<16xf32>
          %max3A_307 = arith.maximumf %add3A_304, %max3A_306 : vector<16xf32>
          %slice3A_308 = vector.extract_strided_slice %get3A_55 {offsets = [14], sizes = [1], strides = [1]} : vector<16xf32> to vector<1xf32>
          %squeeze3A_309 = vector.extract %slice3A_308[0] : f32 from vector<1xf32>
          %mul3A_310 = vector.broadcast %squeeze3A_309 : f32 to vector<16xf32>
          %mul3A_311 = arith.mulf %max3A_307, %mul3A_310 : vector<16xf32>
          %add3A_312 = arith.addf %add3A_244, %mul3A_311 : vector<16xf32>
          %add3A_313 = arith.constant 15 : i32
          %add3A_314 = vector.broadcast %add3A_313 : i32 to vector<16xi32>
          %add3A_315 = arith.addi %add3A_61, %add3A_314 : vector<16xi32>
          %gather3A_316 = tpu.vector_load_idx %arg11[%add3A_32, %add3A_315] : memref<80x128xf32, #tpu.memory_space<vmem>>[vector<16xi32>, vector<16xi32>], vector<16xf32>,
          %add3A_317 = arith.constant 15 : i32
          %add3A_318 = vector.broadcast %add3A_317 : i32 to vector<16xi32>
          %add3A_319 = arith.addi %add3A_61, %add3A_318 : vector<16xi32>
          %gather3A_320 = tpu.vector_load_idx %arg12[%add3A_32, %add3A_319] : memref<80x128xf32, #tpu.memory_space<vmem>>[vector<16xi32>, vector<16xi32>], vector<16xf32>,
          %add3A_321 = arith.addf %gather3A_316, %gather3A_320 : vector<16xf32>
          %max3A_322 = arith.constant 0.000000e+00 : f32
          %max3A_323 = vector.broadcast %max3A_322 : f32 to vector<16xf32>
          %max3A_324 = arith.maximumf %add3A_321, %max3A_323 : vector<16xf32>
          %slice3A_325 = vector.extract_strided_slice %get3A_55 {offsets = [15], sizes = [1], strides = [1]} : vector<16xf32> to vector<1xf32>
          %squeeze3A_326 = vector.extract %slice3A_325[0] : f32 from vector<1xf32>
          %mul3A_327 = vector.broadcast %squeeze3A_326 : f32 to vector<16xf32>
          %mul3A_328 = arith.mulf %max3A_324, %mul3A_327 : vector<16xf32>
          %add3A_329 = arith.addf %add3A_261, %mul3A_328 : vector<16xf32>
          scf.yield %add3A_278, %add3A_295, %add3A_312, %add3A_329 : vector<16xf32>, vector<16xf32>, vector<16xf32>, vector<16xf32>
        }
        %scan3A_40 = arith.constant 8 : i32
        %add3A_41 = arith.addf %scan3A_39#0, %scan3A_39#1 : vector<16xf32>
        %add3A_42 = arith.addf %scan3A_39#2, %scan3A_39#3 : vector<16xf32>
        %add3A_43 = arith.addf %add3A_41, %add3A_42 : vector<16xf32>
        %mul3A_44 = arith.constant 16 : i32
        %mul3A_45 = arith.muli %scan3A_28, %mul3A_44 : i32
        %swap3A = arith.index_cast %mul3A_45 : i32 to index
        %swap3A_46 = tpu.vector_load %arg13[%swap3A] {strides = array<i32>} : memref<80xf32, #tpu.memory_space<vmem>>, vector<16xf32>,
        tpu.vector_store %arg13[%swap3A], %add3A_43 {strides = array<i32>} : memref<80xf32, #tpu.memory_space<vmem>>, vector<16xf32>,
      }
      %scan3A_27 = arith.constant 5 : i32
      "tpu.region"() ({
        %run_scoped3A = tpu.sem_alloc : memref<!tpu.dma_semaphore, #tpu.memory_space<semaphore_mem>>
        %dma_start3A_28 = tpu.memref_slice %arg8[%add3A_11] : memref<320000xf32, #tpu.memory_space<hbm>> -> memref<80xf32, #tpu.memory_space<hbm>>
        %dma_start3A_29 = tpu.memref_slice %arg8[%add3A_11] : memref<320000xf32, #tpu.memory_space<hbm>> -> memref<80xf32, #tpu.memory_space<hbm>>
        tpu.enqueue_dma source(%arg13 : memref<80xf32, #tpu.memory_space<vmem>>) target(%dma_start3A_29 : memref<80xf32, #tpu.memory_space<hbm>>) target_semaphore(%run_scoped3A : memref<!tpu.dma_semaphore, #tpu.memory_space<semaphore_mem>>)
        %dma_wait3A_30 = tpu.memref_slice %arg8[%add3A_11] : memref<320000xf32, #tpu.memory_space<hbm>> -> memref<80xf32, #tpu.memory_space<hbm>>
        %dma_wait3A_31 = tpu.memref_slice %arg8[%add3A_11] : memref<320000xf32, #tpu.memory_space<hbm>> -> memref<80xf32, #tpu.memory_space<hbm>>
        tpu.wait_dma2 semaphore(%run_scoped3A : memref<!tpu.dma_semaphore, #tpu.memory_space<semaphore_mem>>) src(%arg13 : memref<80xf32, #tpu.memory_space<vmem>>) dst(%dma_wait3A_31 : memref<80xf32, #tpu.memory_space<hbm>>)
        tpu.yield
      }) : () -> ()
    }
    %scan3A_5 = arith.constant 125 : i32
    return
  }
}

#map = affine_map<(d0, d1) -> (0, 0)>
#map1 = affine_map<(d0, d1) -> (0)>
#map2 = affine_map<(d0, d1) -> (0, 0, 0)>
module attributes {stable_mosaic.version = 14 : i64} {
  func.func @seg(%arg0: i32, %arg1: i32, %arg2: memref<10000x128xf32, #tpu.memory_space<hbm>>, %arg3: memref<320000xi32, #tpu.memory_space<hbm>>, %arg4: memref<320000xi32, #tpu.memory_space<hbm>>, %arg5: memref<624x128xf32, #tpu.memory_space<hbm>>, %arg6: memref<16x640xf32, #tpu.memory_space<hbm>>, %arg7: memref<2x10000x128xf32, #tpu.memory_space<hbm>>, %arg8: memref<80xi32, #tpu.memory_space<vmem>>, %arg9: memref<80xi32, #tpu.memory_space<vmem>>, %arg10: memref<80x128xf32, #tpu.memory_space<vmem>>, %arg11: memref<80xi32, #tpu.memory_space<vmem>>, %arg12: memref<80xi32, #tpu.memory_space<vmem>>, %arg13: memref<80x128xf32, #tpu.memory_space<vmem>>, %arg14: memref<10000x128xf32, #tpu.memory_space<vmem_shared>>, %arg15: memref<!tpu.dma_semaphore, #tpu.memory_space<semaphore_mem>>, %arg16: memref<!tpu.dma_semaphore, #tpu.memory_space<semaphore_mem>>) attributes {dimension_semantics = [#tpu.dimension_semantics<core_parallel>, #tpu.dimension_semantics<subcore_parallel>], iteration_bounds = array<i64: 2, 16>, scalar_prefetch = 0 : i64, scratch_operands = 9 : i64, tpu.core_type = #tpu.core_type<sc_vector_subcore>, window_params = [{transform_indices = #map}, {transform_indices = #map1}, {transform_indices = #map1}, {transform_indices = #map}, {transform_indices = #map}, {transform_indices = #map2}]} {
    %mul3A = arith.constant 2 : i32
    %mul3A_0 = arith.muli %arg1, %mul3A : i32
    %add3A = arith.addi %mul3A_0, %arg0 : i32
    %broadcast_in_dim3A = arith.constant 1.000000e+00 : f32
    %broadcast_in_dim3A_1 = vector.broadcast %broadcast_in_dim3A : f32 to vector<16xf32>
    %mul3A_2 = arith.constant 624 : i32
    %mul3A_3 = arith.muli %arg1, %mul3A_2 : i32
    "tpu.region"() ({
      %run_scoped3A = tpu.sem_alloc : memref<!tpu.dma_semaphore, #tpu.memory_space<semaphore_mem>>
      %dma_start3A_27 = arith.constant 0 : i32
      %dma_start3A_28 = tpu.memref_slice %arg14[%mul3A_3, %dma_start3A_27] : memref<10000x128xf32, #tpu.memory_space<vmem_shared>> -> memref<624x128xf32, #tpu.memory_space<vmem_shared>>
      tpu.enqueue_dma source(%arg5 : memref<624x128xf32, #tpu.memory_space<hbm>>) target(%dma_start3A_28 : memref<624x128xf32, #tpu.memory_space<vmem_shared>>) target_semaphore(%run_scoped3A : memref<!tpu.dma_semaphore, #tpu.memory_space<semaphore_mem>>)
      %dma_wait3A = arith.constant 0 : i32
      %dma_wait3A_29 = tpu.memref_slice %arg14[%mul3A_3, %dma_wait3A] : memref<10000x128xf32, #tpu.memory_space<vmem_shared>> -> memref<624x128xf32, #tpu.memory_space<vmem_shared>>
      tpu.wait_dma2 semaphore(%run_scoped3A : memref<!tpu.dma_semaphore, #tpu.memory_space<semaphore_mem>>) src(%arg5 : memref<624x128xf32, #tpu.memory_space<hbm>>) dst(%dma_wait3A_29 : memref<624x128xf32, #tpu.memory_space<vmem_shared>>)
      tpu.yield
    }) : () -> ()
    %eq3A = arith.constant 0 : i32
    %eq3A_4 = arith.cmpi eq, %arg1, %eq3A : i32
    %convert_element_type3A = arith.extui %eq3A_4 : i1 to i32
    %cond3A = arith.constant 0 : i32
    %cond3A_5 = arith.cmpi ne, %convert_element_type3A, %cond3A : i32
    scf.if %cond3A_5 {
      "tpu.region"() ({
        %run_scoped3A = tpu.sem_alloc : memref<!tpu.dma_semaphore, #tpu.memory_space<semaphore_mem>>
        %dma_start3A_27 = arith.constant 9984 : i32
        %dma_start3A_28 = arith.constant 0 : i32
        %dma_start3A_29 = tpu.memref_slice %arg14[%dma_start3A_27, %dma_start3A_28] : memref<10000x128xf32, #tpu.memory_space<vmem_shared>> -> memref<16x128xf32, #tpu.memory_space<vmem_shared>>
        %dma_start3A_30 = arith.constant 0 : i32
        %dma_start3A_31 = arith.constant 0 : i32
        %dma_start3A_32 = tpu.memref_slice %arg5[%dma_start3A_30, %dma_start3A_31] : memref<624x128xf32, #tpu.memory_space<hbm>> -> memref<16x128xf32, #tpu.memory_space<hbm>>
        tpu.enqueue_dma source(%dma_start3A_32 : memref<16x128xf32, #tpu.memory_space<hbm>>) target(%dma_start3A_29 : memref<16x128xf32, #tpu.memory_space<vmem_shared>>) target_semaphore(%run_scoped3A : memref<!tpu.dma_semaphore, #tpu.memory_space<semaphore_mem>>)
        %dma_wait3A = arith.constant 9984 : i32
        %dma_wait3A_33 = arith.constant 0 : i32
        %dma_wait3A_34 = tpu.memref_slice %arg14[%dma_wait3A, %dma_wait3A_33] : memref<10000x128xf32, #tpu.memory_space<vmem_shared>> -> memref<16x128xf32, #tpu.memory_space<vmem_shared>>
        %dma_wait3A_35 = arith.constant 0 : i32
        %dma_wait3A_36 = arith.constant 0 : i32
        %dma_wait3A_37 = tpu.memref_slice %arg5[%dma_wait3A_35, %dma_wait3A_36] : memref<624x128xf32, #tpu.memory_space<hbm>> -> memref<16x128xf32, #tpu.memory_space<hbm>>
        tpu.wait_dma2 semaphore(%run_scoped3A : memref<!tpu.dma_semaphore, #tpu.memory_space<semaphore_mem>>) src(%dma_wait3A_37 : memref<16x128xf32, #tpu.memory_space<hbm>>) dst(%dma_wait3A_34 : memref<16x128xf32, #tpu.memory_space<vmem_shared>>)
        tpu.yield
      }) : () -> ()
    } else {
    }
    %barrier3A = arith.constant 0 : index
    tpu.barrier barrier_id(%barrier3A)
    %mul3A_6 = arith.constant 10000 : i32
    %mul3A_7 = arith.muli %add3A, %mul3A_6 : i32
    %add3A_8 = arith.constant 0 : i32
    %add3A_9 = arith.addi %mul3A_7, %add3A_8 : i32
    "tpu.region"() ({
      %run_scoped3A = tpu.sem_alloc : memref<!tpu.dma_semaphore, #tpu.memory_space<semaphore_mem>>
      %dma_start3A_27 = tpu.memref_slice %arg4[%add3A_9] : memref<320000xi32, #tpu.memory_space<hbm>> -> memref<80xi32, #tpu.memory_space<hbm>>
      %dma_start3A_28 = tpu.memref_slice %arg4[%add3A_9] : memref<320000xi32, #tpu.memory_space<hbm>> -> memref<80xi32, #tpu.memory_space<hbm>>
      tpu.enqueue_dma source(%dma_start3A_28 : memref<80xi32, #tpu.memory_space<hbm>>) target(%arg9 : memref<80xi32, #tpu.memory_space<vmem>>) target_semaphore(%run_scoped3A : memref<!tpu.dma_semaphore, #tpu.memory_space<semaphore_mem>>)
      %dma_wait3A = tpu.memref_slice %arg4[%add3A_9] : memref<320000xi32, #tpu.memory_space<hbm>> -> memref<80xi32, #tpu.memory_space<hbm>>
      %dma_wait3A_29 = tpu.memref_slice %arg4[%add3A_9] : memref<320000xi32, #tpu.memory_space<hbm>> -> memref<80xi32, #tpu.memory_space<hbm>>
      tpu.wait_dma2 semaphore(%run_scoped3A : memref<!tpu.dma_semaphore, #tpu.memory_space<semaphore_mem>>) src(%dma_wait3A_29 : memref<80xi32, #tpu.memory_space<hbm>>) dst(%arg9 : memref<80xi32, #tpu.memory_space<vmem>>)
      tpu.yield
    }) : () -> ()
    "tpu.region"() ({
      %run_scoped3A = tpu.sem_alloc : memref<!tpu.dma_semaphore, #tpu.memory_space<semaphore_mem>>
      %dma_start3A_27 = tpu.memref_slice %arg3[%add3A_9] : memref<320000xi32, #tpu.memory_space<hbm>> -> memref<80xi32, #tpu.memory_space<hbm>>
      %dma_start3A_28 = tpu.memref_slice %arg3[%add3A_9] : memref<320000xi32, #tpu.memory_space<hbm>> -> memref<80xi32, #tpu.memory_space<hbm>>
      tpu.enqueue_dma source(%dma_start3A_28 : memref<80xi32, #tpu.memory_space<hbm>>) target(%arg8 : memref<80xi32, #tpu.memory_space<vmem>>) target_semaphore(%run_scoped3A : memref<!tpu.dma_semaphore, #tpu.memory_space<semaphore_mem>>)
      %dma_wait3A = tpu.memref_slice %arg3[%add3A_9] : memref<320000xi32, #tpu.memory_space<hbm>> -> memref<80xi32, #tpu.memory_space<hbm>>
      %dma_wait3A_29 = tpu.memref_slice %arg3[%add3A_9] : memref<320000xi32, #tpu.memory_space<hbm>> -> memref<80xi32, #tpu.memory_space<hbm>>
      tpu.wait_dma2 semaphore(%run_scoped3A : memref<!tpu.dma_semaphore, #tpu.memory_space<semaphore_mem>>) src(%dma_wait3A_29 : memref<80xi32, #tpu.memory_space<hbm>>) dst(%arg8 : memref<80xi32, #tpu.memory_space<vmem>>)
      tpu.yield
    }) : () -> ()
    %dma_start3A = arith.constant 0 : i32
    %dma_start3A_10 = arith.constant 0 : i32
    %dma_start3A_11 = tpu.memref_slice %arg2[%dma_start3A, %dma_start3A_10] : memref<10000x128xf32, #tpu.memory_space<hbm>> -> memref<10000x128xf32, #tpu.memory_space<hbm>>
    tpu.enqueue_indirect_dma source(%dma_start3A_11 : memref<10000x128xf32, #tpu.memory_space<hbm>>) target(%arg10 : memref<80x128xf32, #tpu.memory_space<vmem>>) offsets(%arg8 : memref<80xi32, #tpu.memory_space<vmem>>) semaphore(%arg15 : memref<!tpu.dma_semaphore, #tpu.memory_space<semaphore_mem>>)
    %scan3A = arith.constant 0 : i32
    %scan3A_12 = arith.constant 0 : i32
    %scan3A_13 = arith.constant 125 : i32
    %scan3A_14 = arith.addi %scan3A_12, %scan3A_13 : i32
    %scan3A_15 = arith.constant 1 : i32
    scf.for %scan3A_27 = %scan3A_12 to %scan3A_14 step %scan3A_15  : i32 {
      %jit3A = arith.constant 2 : i32
      %eq3A_28 = arith.constant 0 : i32
      %eq3A_29 = arith.cmpi eq, %jit3A, %eq3A_28 : i32
      %jit3A_30 = arith.constant 1 : i32
      %select_n3A = arith.select %eq3A_29, %jit3A_30, %jit3A : i32
      %rem3A = arith.remsi %scan3A_27, %select_n3A : i32
      %ne3A = arith.constant 0 : i32
      %ne3A_31 = arith.cmpi ne, %rem3A, %ne3A : i32
      %lt3A = arith.constant 0 : i32
      %lt3A_32 = arith.cmpi slt, %rem3A, %lt3A : i32
      %lt3A_33 = arith.constant 0 : i32
      %lt3A_34 = arith.cmpi slt, %select_n3A, %lt3A_33 : i32
      %ne3A_35 = arith.xori %lt3A_32, %lt3A_34 : i1
      %and3A = arith.andi %ne3A_35, %ne3A_31 : i1
      %add3A_36 = arith.addi %rem3A, %select_n3A : i32
      %select_n3A_37 = arith.select %and3A, %add3A_36, %rem3A : i32
      %eq3A_38 = arith.constant 0 : i32
      %eq3A_39 = arith.cmpi eq, %select_n3A_37, %eq3A_38 : i32
      %convert_element_type3A_40 = arith.extui %eq3A_39 : i1 to i32
      %cond3A_41 = arith.constant 0 : i32
      %cond3A_42 = arith.cmpi ne, %convert_element_type3A_40, %cond3A_41 : i32
      scf.if %cond3A_42 {
        %add3A_64 = arith.constant 1 : i32
        %add3A_65 = arith.addi %scan3A_27, %add3A_64 : i32
        %lt3A_66 = arith.constant 125 : i32
        %lt3A_67 = arith.cmpi slt, %add3A_65, %lt3A_66 : i32
        %convert_element_type3A_68 = arith.extui %lt3A_67 : i1 to i32
        %cond3A_69 = arith.constant 0 : i32
        %cond3A_70 = arith.cmpi ne, %convert_element_type3A_68, %cond3A_69 : i32
        scf.if %cond3A_70 {
          %add3A_73 = arith.constant 1 : i32
          %add3A_74 = arith.addi %scan3A_27, %add3A_73 : i32
          %mul3A_75 = arith.constant 10000 : i32
          %mul3A_76 = arith.muli %add3A, %mul3A_75 : i32
          %mul3A_77 = arith.constant 80 : i32
          %mul3A_78 = arith.muli %add3A_74, %mul3A_77 : i32
          %add3A_79 = arith.addi %mul3A_76, %mul3A_78 : i32
          "tpu.region"() ({
            %run_scoped3A = tpu.sem_alloc : memref<!tpu.dma_semaphore, #tpu.memory_space<semaphore_mem>>
            %dma_start3A_83 = tpu.memref_slice %arg4[%add3A_79] : memref<320000xi32, #tpu.memory_space<hbm>> -> memref<80xi32, #tpu.memory_space<hbm>>
            %dma_start3A_84 = tpu.memref_slice %arg4[%add3A_79] : memref<320000xi32, #tpu.memory_space<hbm>> -> memref<80xi32, #tpu.memory_space<hbm>>
            tpu.enqueue_dma source(%dma_start3A_84 : memref<80xi32, #tpu.memory_space<hbm>>) target(%arg12 : memref<80xi32, #tpu.memory_space<vmem>>) target_semaphore(%run_scoped3A : memref<!tpu.dma_semaphore, #tpu.memory_space<semaphore_mem>>)
            %dma_wait3A_85 = tpu.memref_slice %arg4[%add3A_79] : memref<320000xi32, #tpu.memory_space<hbm>> -> memref<80xi32, #tpu.memory_space<hbm>>
            %dma_wait3A_86 = tpu.memref_slice %arg4[%add3A_79] : memref<320000xi32, #tpu.memory_space<hbm>> -> memref<80xi32, #tpu.memory_space<hbm>>
            tpu.wait_dma2 semaphore(%run_scoped3A : memref<!tpu.dma_semaphore, #tpu.memory_space<semaphore_mem>>) src(%dma_wait3A_86 : memref<80xi32, #tpu.memory_space<hbm>>) dst(%arg12 : memref<80xi32, #tpu.memory_space<vmem>>)
            tpu.yield
          }) : () -> ()
          "tpu.region"() ({
            %run_scoped3A = tpu.sem_alloc : memref<!tpu.dma_semaphore, #tpu.memory_space<semaphore_mem>>
            %dma_start3A_83 = tpu.memref_slice %arg3[%add3A_79] : memref<320000xi32, #tpu.memory_space<hbm>> -> memref<80xi32, #tpu.memory_space<hbm>>
            %dma_start3A_84 = tpu.memref_slice %arg3[%add3A_79] : memref<320000xi32, #tpu.memory_space<hbm>> -> memref<80xi32, #tpu.memory_space<hbm>>
            tpu.enqueue_dma source(%dma_start3A_84 : memref<80xi32, #tpu.memory_space<hbm>>) target(%arg11 : memref<80xi32, #tpu.memory_space<vmem>>) target_semaphore(%run_scoped3A : memref<!tpu.dma_semaphore, #tpu.memory_space<semaphore_mem>>)
            %dma_wait3A_85 = tpu.memref_slice %arg3[%add3A_79] : memref<320000xi32, #tpu.memory_space<hbm>> -> memref<80xi32, #tpu.memory_space<hbm>>
            %dma_wait3A_86 = tpu.memref_slice %arg3[%add3A_79] : memref<320000xi32, #tpu.memory_space<hbm>> -> memref<80xi32, #tpu.memory_space<hbm>>
            tpu.wait_dma2 semaphore(%run_scoped3A : memref<!tpu.dma_semaphore, #tpu.memory_space<semaphore_mem>>) src(%dma_wait3A_86 : memref<80xi32, #tpu.memory_space<hbm>>) dst(%arg11 : memref<80xi32, #tpu.memory_space<vmem>>)
            tpu.yield
          }) : () -> ()
          %dma_start3A_80 = arith.constant 0 : i32
          %dma_start3A_81 = arith.constant 0 : i32
          %dma_start3A_82 = tpu.memref_slice %arg2[%dma_start3A_80, %dma_start3A_81] : memref<10000x128xf32, #tpu.memory_space<hbm>> -> memref<10000x128xf32, #tpu.memory_space<hbm>>
          tpu.enqueue_indirect_dma source(%dma_start3A_82 : memref<10000x128xf32, #tpu.memory_space<hbm>>) target(%arg13 : memref<80x128xf32, #tpu.memory_space<vmem>>) offsets(%arg11 : memref<80xi32, #tpu.memory_space<vmem>>) semaphore(%arg16 : memref<!tpu.dma_semaphore, #tpu.memory_space<semaphore_mem>>)
        } else {
        }
        %dma_wait3A = arith.constant 0 : i32
        %dma_wait3A_71 = arith.constant 0 : i32
        %dma_wait3A_72 = tpu.memref_slice %arg2[%dma_wait3A, %dma_wait3A_71] : memref<10000x128xf32, #tpu.memory_space<hbm>> -> memref<10000x128xf32, #tpu.memory_space<hbm>>
        tpu.wait_indirect_dma semaphore(%arg15 : memref<!tpu.dma_semaphore, #tpu.memory_space<semaphore_mem>>) src(%dma_wait3A_72 : memref<10000x128xf32, #tpu.memory_space<hbm>>) dst(%arg10 : memref<80x128xf32, #tpu.memory_space<vmem>>)
        "tpu.region"() ({
          %run_scoped3A = tpu.sem_alloc : memref<!tpu.dma_semaphore, #tpu.memory_space<semaphore_mem>>
          %dma_start3A_73 = arith.constant 0 : i32
          %dma_start3A_74 = arith.constant 0 : i32
          %dma_start3A_75 = tpu.memref_slice %arg14[%dma_start3A_73, %dma_start3A_74] : memref<10000x128xf32, #tpu.memory_space<vmem_shared>> -> memref<10000x128xf32, #tpu.memory_space<vmem_shared>>
          tpu.enqueue_indirect_dma source(%arg10 : memref<80x128xf32, #tpu.memory_space<vmem>>) target(%dma_start3A_75 : memref<10000x128xf32, #tpu.memory_space<vmem_shared>>) offsets(%arg9 : memref<80xi32, #tpu.memory_space<vmem>>) semaphore(%run_scoped3A : memref<!tpu.dma_semaphore, #tpu.memory_space<semaphore_mem>>) {add = true}
          %dma_wait3A_76 = arith.constant 0 : i32
          %dma_wait3A_77 = arith.constant 0 : i32
          %dma_wait3A_78 = tpu.memref_slice %arg14[%dma_wait3A_76, %dma_wait3A_77] : memref<10000x128xf32, #tpu.memory_space<vmem_shared>> -> memref<10000x128xf32, #tpu.memory_space<vmem_shared>>
          tpu.wait_indirect_dma semaphore(%run_scoped3A : memref<!tpu.dma_semaphore, #tpu.memory_space<semaphore_mem>>) src(%arg10 : memref<80x128xf32, #tpu.memory_space<vmem>>) dst(%dma_wait3A_78 : memref<10000x128xf32, #tpu.memory_space<vmem_shared>>)
          tpu.yield
        }) : () -> ()
      } else {
      }
      %jit3A_43 = arith.constant 2 : i32
      %eq3A_44 = arith.constant 0 : i32
      %eq3A_45 = arith.cmpi eq, %jit3A_43, %eq3A_44 : i32
      %jit3A_46 = arith.constant 1 : i32
      %select_n3A_47 = arith.select %eq3A_45, %jit3A_46, %jit3A_43 : i32
      %rem3A_48 = arith.remsi %scan3A_27, %select_n3A_47 : i32
      %ne3A_49 = arith.constant 0 : i32
      %ne3A_50 = arith.cmpi ne, %rem3A_48, %ne3A_49 : i32
      %lt3A_51 = arith.constant 0 : i32
      %lt3A_52 = arith.cmpi slt, %rem3A_48, %lt3A_51 : i32
      %lt3A_53 = arith.constant 0 : i32
      %lt3A_54 = arith.cmpi slt, %select_n3A_47, %lt3A_53 : i32
      %ne3A_55 = arith.xori %lt3A_52, %lt3A_54 : i1
      %and3A_56 = arith.andi %ne3A_55, %ne3A_50 : i1
      %add3A_57 = arith.addi %rem3A_48, %select_n3A_47 : i32
      %select_n3A_58 = arith.select %and3A_56, %add3A_57, %rem3A_48 : i32
      %eq3A_59 = arith.constant 1 : i32
      %eq3A_60 = arith.cmpi eq, %select_n3A_58, %eq3A_59 : i32
      %convert_element_type3A_61 = arith.extui %eq3A_60 : i1 to i32
      %cond3A_62 = arith.constant 0 : i32
      %cond3A_63 = arith.cmpi ne, %convert_element_type3A_61, %cond3A_62 : i32
      scf.if %cond3A_63 {
        %add3A_64 = arith.constant 1 : i32
        %add3A_65 = arith.addi %scan3A_27, %add3A_64 : i32
        %lt3A_66 = arith.constant 125 : i32
        %lt3A_67 = arith.cmpi slt, %add3A_65, %lt3A_66 : i32
        %convert_element_type3A_68 = arith.extui %lt3A_67 : i1 to i32
        %cond3A_69 = arith.constant 0 : i32
        %cond3A_70 = arith.cmpi ne, %convert_element_type3A_68, %cond3A_69 : i32
        scf.if %cond3A_70 {
          %add3A_73 = arith.constant 1 : i32
          %add3A_74 = arith.addi %scan3A_27, %add3A_73 : i32
          %mul3A_75 = arith.constant 10000 : i32
          %mul3A_76 = arith.muli %add3A, %mul3A_75 : i32
          %mul3A_77 = arith.constant 80 : i32
          %mul3A_78 = arith.muli %add3A_74, %mul3A_77 : i32
          %add3A_79 = arith.addi %mul3A_76, %mul3A_78 : i32
          "tpu.region"() ({
            %run_scoped3A = tpu.sem_alloc : memref<!tpu.dma_semaphore, #tpu.memory_space<semaphore_mem>>
            %dma_start3A_83 = tpu.memref_slice %arg4[%add3A_79] : memref<320000xi32, #tpu.memory_space<hbm>> -> memref<80xi32, #tpu.memory_space<hbm>>
            %dma_start3A_84 = tpu.memref_slice %arg4[%add3A_79] : memref<320000xi32, #tpu.memory_space<hbm>> -> memref<80xi32, #tpu.memory_space<hbm>>
            tpu.enqueue_dma source(%dma_start3A_84 : memref<80xi32, #tpu.memory_space<hbm>>) target(%arg9 : memref<80xi32, #tpu.memory_space<vmem>>) target_semaphore(%run_scoped3A : memref<!tpu.dma_semaphore, #tpu.memory_space<semaphore_mem>>)
            %dma_wait3A_85 = tpu.memref_slice %arg4[%add3A_79] : memref<320000xi32, #tpu.memory_space<hbm>> -> memref<80xi32, #tpu.memory_space<hbm>>
            %dma_wait3A_86 = tpu.memref_slice %arg4[%add3A_79] : memref<320000xi32, #tpu.memory_space<hbm>> -> memref<80xi32, #tpu.memory_space<hbm>>
            tpu.wait_dma2 semaphore(%run_scoped3A : memref<!tpu.dma_semaphore, #tpu.memory_space<semaphore_mem>>) src(%dma_wait3A_86 : memref<80xi32, #tpu.memory_space<hbm>>) dst(%arg9 : memref<80xi32, #tpu.memory_space<vmem>>)
            tpu.yield
          }) : () -> ()
          "tpu.region"() ({
            %run_scoped3A = tpu.sem_alloc : memref<!tpu.dma_semaphore, #tpu.memory_space<semaphore_mem>>
            %dma_start3A_83 = tpu.memref_slice %arg3[%add3A_79] : memref<320000xi32, #tpu.memory_space<hbm>> -> memref<80xi32, #tpu.memory_space<hbm>>
            %dma_start3A_84 = tpu.memref_slice %arg3[%add3A_79] : memref<320000xi32, #tpu.memory_space<hbm>> -> memref<80xi32, #tpu.memory_space<hbm>>
            tpu.enqueue_dma source(%dma_start3A_84 : memref<80xi32, #tpu.memory_space<hbm>>) target(%arg8 : memref<80xi32, #tpu.memory_space<vmem>>) target_semaphore(%run_scoped3A : memref<!tpu.dma_semaphore, #tpu.memory_space<semaphore_mem>>)
            %dma_wait3A_85 = tpu.memref_slice %arg3[%add3A_79] : memref<320000xi32, #tpu.memory_space<hbm>> -> memref<80xi32, #tpu.memory_space<hbm>>
            %dma_wait3A_86 = tpu.memref_slice %arg3[%add3A_79] : memref<320000xi32, #tpu.memory_space<hbm>> -> memref<80xi32, #tpu.memory_space<hbm>>
            tpu.wait_dma2 semaphore(%run_scoped3A : memref<!tpu.dma_semaphore, #tpu.memory_space<semaphore_mem>>) src(%dma_wait3A_86 : memref<80xi32, #tpu.memory_space<hbm>>) dst(%arg8 : memref<80xi32, #tpu.memory_space<vmem>>)
            tpu.yield
          }) : () -> ()
          %dma_start3A_80 = arith.constant 0 : i32
          %dma_start3A_81 = arith.constant 0 : i32
          %dma_start3A_82 = tpu.memref_slice %arg2[%dma_start3A_80, %dma_start3A_81] : memref<10000x128xf32, #tpu.memory_space<hbm>> -> memref<10000x128xf32, #tpu.memory_space<hbm>>
          tpu.enqueue_indirect_dma source(%dma_start3A_82 : memref<10000x128xf32, #tpu.memory_space<hbm>>) target(%arg10 : memref<80x128xf32, #tpu.memory_space<vmem>>) offsets(%arg8 : memref<80xi32, #tpu.memory_space<vmem>>) semaphore(%arg15 : memref<!tpu.dma_semaphore, #tpu.memory_space<semaphore_mem>>)
        } else {
        }
        %dma_wait3A = arith.constant 0 : i32
        %dma_wait3A_71 = arith.constant 0 : i32
        %dma_wait3A_72 = tpu.memref_slice %arg2[%dma_wait3A, %dma_wait3A_71] : memref<10000x128xf32, #tpu.memory_space<hbm>> -> memref<10000x128xf32, #tpu.memory_space<hbm>>
        tpu.wait_indirect_dma semaphore(%arg16 : memref<!tpu.dma_semaphore, #tpu.memory_space<semaphore_mem>>) src(%dma_wait3A_72 : memref<10000x128xf32, #tpu.memory_space<hbm>>) dst(%arg13 : memref<80x128xf32, #tpu.memory_space<vmem>>)
        "tpu.region"() ({
          %run_scoped3A = tpu.sem_alloc : memref<!tpu.dma_semaphore, #tpu.memory_space<semaphore_mem>>
          %dma_start3A_73 = arith.constant 0 : i32
          %dma_start3A_74 = arith.constant 0 : i32
          %dma_start3A_75 = tpu.memref_slice %arg14[%dma_start3A_73, %dma_start3A_74] : memref<10000x128xf32, #tpu.memory_space<vmem_shared>> -> memref<10000x128xf32, #tpu.memory_space<vmem_shared>>
          tpu.enqueue_indirect_dma source(%arg13 : memref<80x128xf32, #tpu.memory_space<vmem>>) target(%dma_start3A_75 : memref<10000x128xf32, #tpu.memory_space<vmem_shared>>) offsets(%arg12 : memref<80xi32, #tpu.memory_space<vmem>>) semaphore(%run_scoped3A : memref<!tpu.dma_semaphore, #tpu.memory_space<semaphore_mem>>) {add = true}
          %dma_wait3A_76 = arith.constant 0 : i32
          %dma_wait3A_77 = arith.constant 0 : i32
          %dma_wait3A_78 = tpu.memref_slice %arg14[%dma_wait3A_76, %dma_wait3A_77] : memref<10000x128xf32, #tpu.memory_space<vmem_shared>> -> memref<10000x128xf32, #tpu.memory_space<vmem_shared>>
          tpu.wait_indirect_dma semaphore(%run_scoped3A : memref<!tpu.dma_semaphore, #tpu.memory_space<semaphore_mem>>) src(%arg13 : memref<80x128xf32, #tpu.memory_space<vmem>>) dst(%dma_wait3A_78 : memref<10000x128xf32, #tpu.memory_space<vmem_shared>>)
          tpu.yield
        }) : () -> ()
      } else {
      }
    }
    %scan3A_16 = arith.constant 125 : i32
    %barrier3A_17 = arith.constant 0 : index
    tpu.barrier barrier_id(%barrier3A_17)
    %mul3A_18 = arith.constant 624 : i32
    %mul3A_19 = arith.muli %arg1, %mul3A_18 : i32
    %mul3A_20 = arith.constant 624 : i32
    %mul3A_21 = arith.muli %arg1, %mul3A_20 : i32
    "tpu.region"() ({
      %run_scoped3A = tpu.sem_alloc : memref<!tpu.dma_semaphore, #tpu.memory_space<semaphore_mem>>
      %dma_start3A_27 = arith.constant 0 : i32
      %dma_start3A_28 = tpu.memref_slice %arg7[%arg0, %mul3A_21, %dma_start3A_27] : memref<2x10000x128xf32, #tpu.memory_space<hbm>> -> memref<1x624x128xf32, #tpu.memory_space<hbm>>
      %dma_start3A_29 = tpu.memref_squeeze %dma_start3A_28 : memref<1x624x128xf32, #tpu.memory_space<hbm>> -> memref<624x128xf32, #tpu.memory_space<hbm>>
      %dma_start3A_30 = arith.constant 0 : i32
      %dma_start3A_31 = tpu.memref_slice %arg14[%mul3A_19, %dma_start3A_30] : memref<10000x128xf32, #tpu.memory_space<vmem_shared>> -> memref<624x128xf32, #tpu.memory_space<vmem_shared>>
      tpu.enqueue_dma source(%dma_start3A_31 : memref<624x128xf32, #tpu.memory_space<vmem_shared>>) target(%dma_start3A_29 : memref<624x128xf32, #tpu.memory_space<hbm>>) target_semaphore(%run_scoped3A : memref<!tpu.dma_semaphore, #tpu.memory_space<semaphore_mem>>)
      %dma_wait3A = arith.constant 0 : i32
      %dma_wait3A_32 = tpu.memref_slice %arg7[%arg0, %mul3A_21, %dma_wait3A] : memref<2x10000x128xf32, #tpu.memory_space<hbm>> -> memref<1x624x128xf32, #tpu.memory_space<hbm>>
      %dma_wait3A_33 = tpu.memref_squeeze %dma_wait3A_32 : memref<1x624x128xf32, #tpu.memory_space<hbm>> -> memref<624x128xf32, #tpu.memory_space<hbm>>
      %dma_wait3A_34 = arith.constant 0 : i32
      %dma_wait3A_35 = tpu.memref_slice %arg14[%mul3A_19, %dma_wait3A_34] : memref<10000x128xf32, #tpu.memory_space<vmem_shared>> -> memref<624x128xf32, #tpu.memory_space<vmem_shared>>
      tpu.wait_dma2 semaphore(%run_scoped3A : memref<!tpu.dma_semaphore, #tpu.memory_space<semaphore_mem>>) src(%dma_wait3A_35 : memref<624x128xf32, #tpu.memory_space<vmem_shared>>) dst(%dma_wait3A_33 : memref<624x128xf32, #tpu.memory_space<hbm>>)
      tpu.yield
    }) : () -> ()
    %eq3A_22 = arith.constant 0 : i32
    %eq3A_23 = arith.cmpi eq, %arg1, %eq3A_22 : i32
    %convert_element_type3A_24 = arith.extui %eq3A_23 : i1 to i32
    %cond3A_25 = arith.constant 0 : i32
    %cond3A_26 = arith.cmpi ne, %convert_element_type3A_24, %cond3A_25 : i32
    scf.if %cond3A_26 {
      "tpu.region"() ({
        %run_scoped3A = tpu.sem_alloc : memref<!tpu.dma_semaphore, #tpu.memory_space<semaphore_mem>>
        %dma_start3A_27 = arith.constant 9984 : i32
        %dma_start3A_28 = arith.constant 0 : i32
        %dma_start3A_29 = tpu.memref_slice %arg7[%arg0, %dma_start3A_27, %dma_start3A_28] : memref<2x10000x128xf32, #tpu.memory_space<hbm>> -> memref<1x16x128xf32, #tpu.memory_space<hbm>>
        %dma_start3A_30 = tpu.memref_squeeze %dma_start3A_29 : memref<1x16x128xf32, #tpu.memory_space<hbm>> -> memref<16x128xf32, #tpu.memory_space<hbm>>
        %dma_start3A_31 = arith.constant 9984 : i32
        %dma_start3A_32 = arith.constant 0 : i32
        %dma_start3A_33 = tpu.memref_slice %arg14[%dma_start3A_31, %dma_start3A_32] : memref<10000x128xf32, #tpu.memory_space<vmem_shared>> -> memref<16x128xf32, #tpu.memory_space<vmem_shared>>
        tpu.enqueue_dma source(%dma_start3A_33 : memref<16x128xf32, #tpu.memory_space<vmem_shared>>) target(%dma_start3A_30 : memref<16x128xf32, #tpu.memory_space<hbm>>) target_semaphore(%run_scoped3A : memref<!tpu.dma_semaphore, #tpu.memory_space<semaphore_mem>>)
        %dma_wait3A = arith.constant 9984 : i32
        %dma_wait3A_34 = arith.constant 0 : i32
        %dma_wait3A_35 = tpu.memref_slice %arg7[%arg0, %dma_wait3A, %dma_wait3A_34] : memref<2x10000x128xf32, #tpu.memory_space<hbm>> -> memref<1x16x128xf32, #tpu.memory_space<hbm>>
        %dma_wait3A_36 = tpu.memref_squeeze %dma_wait3A_35 : memref<1x16x128xf32, #tpu.memory_space<hbm>> -> memref<16x128xf32, #tpu.memory_space<hbm>>
        %dma_wait3A_37 = arith.constant 9984 : i32
        %dma_wait3A_38 = arith.constant 0 : i32
        %dma_wait3A_39 = tpu.memref_slice %arg14[%dma_wait3A_37, %dma_wait3A_38] : memref<10000x128xf32, #tpu.memory_space<vmem_shared>> -> memref<16x128xf32, #tpu.memory_space<vmem_shared>>
        tpu.wait_dma2 semaphore(%run_scoped3A : memref<!tpu.dma_semaphore, #tpu.memory_space<semaphore_mem>>) src(%dma_wait3A_39 : memref<16x128xf32, #tpu.memory_space<vmem_shared>>) dst(%dma_wait3A_36 : memref<16x128xf32, #tpu.memory_space<hbm>>)
        tpu.yield
      }) : () -> ()
    } else {
    }
    return
  }
}

module attributes {stable_mosaic.version = 14 : i64} {
  func.func @body(%arg0: memref<10000x128xf32, #tpu.memory_space<vmem>>, %arg1: memref<128x128xf32, #tpu.memory_space<vmem>>, %arg2: memref<128x128xf32, #tpu.memory_space<vmem>>, %arg3: memref<1x128xf32, #tpu.memory_space<vmem>>, %arg4: memref<10000x128xf32, #tpu.memory_space<vmem>>, %arg5: memref<10000x128xf32, #tpu.memory_space<vmem>>) attributes {dimension_semantics = [], scalar_prefetch = 0 : i64, scratch_operands = 0 : i64, tpu.core_type = #tpu.core_type<tc>} {
    %get3A = arith.constant 0 : index
    %get3A_0 = arith.constant 0 : index
    %get3A_1 = vector.load %arg0[%get3A, %get3A_0] : memref<10000x128xf32, #tpu.memory_space<vmem>>, vector<10000x128xf32>
    %get3A_2 = arith.constant 0 : index
    %get3A_3 = arith.constant 0 : index
    %get3A_4 = vector.load %arg1[%get3A_2, %get3A_3] : memref<128x128xf32, #tpu.memory_space<vmem>>, vector<128x128xf32>
    %dot_general3A = arith.constant dense<0.000000e+00> : vector<10000x128xf32>
    %dot_general3A_5 = tpu.matmul %get3A_1, %get3A_4, %dot_general3A {dimension_numbers = #tpu.dot_dimension_numbers<[1], [0], [0], [1], [0, 0, 1, 1], [], []>, transpose_lhs_hint = false} : vector<10000x128xf32>, vector<128x128xf32>, vector<10000x128xf32> -> vector<10000x128xf32>
    %swap3A = arith.constant 0 : index
    %swap3A_6 = arith.constant 0 : index
    %swap3A_7 = vector.load %arg4[%swap3A, %swap3A_6] : memref<10000x128xf32, #tpu.memory_space<vmem>>, vector<10000x128xf32>
    tpu.vector_store %arg4[%swap3A, %swap3A_6], %dot_general3A_5 {strides = array<i32>} : memref<10000x128xf32, #tpu.memory_space<vmem>>, vector<10000x128xf32>,
    %get3A_8 = arith.constant 0 : index
    %get3A_9 = arith.constant 0 : index
    %get3A_10 = vector.load %arg2[%get3A_8, %get3A_9] : memref<128x128xf32, #tpu.memory_space<vmem>>, vector<128x128xf32>
    %dot_general3A_11 = arith.constant dense<0.000000e+00> : vector<10000x128xf32>
    %dot_general3A_12 = tpu.matmul %get3A_1, %get3A_10, %dot_general3A_11 {dimension_numbers = #tpu.dot_dimension_numbers<[1], [0], [0], [1], [0, 0, 1, 1], [], []>, transpose_lhs_hint = false} : vector<10000x128xf32>, vector<128x128xf32>, vector<10000x128xf32> -> vector<10000x128xf32>
    %get3A_13 = arith.constant 0 : index
    %get3A_14 = arith.constant 0 : index
    %get3A_15 = vector.load %arg3[%get3A_13, %get3A_14] : memref<1x128xf32, #tpu.memory_space<vmem>>, vector<1x128xf32>
    %add3A = vector.broadcast %get3A_15 : vector<1x128xf32> to vector<10000x128xf32>
    %add3A_16 = arith.addf %dot_general3A_12, %add3A : vector<10000x128xf32>
    %swap3A_17 = arith.constant 0 : index
    %swap3A_18 = arith.constant 0 : index
    %swap3A_19 = vector.load %arg5[%swap3A_17, %swap3A_18] : memref<10000x128xf32, #tpu.memory_space<vmem>>, vector<10000x128xf32>
    tpu.vector_store %arg5[%swap3A_17, %swap3A_18], %add3A_16 {strides = array<i32>} : memref<10000x128xf32, #tpu.memory_space<vmem>>, vector<10000x128xf32>,
    return
  }
}

module attributes {stable_mosaic.version = 14 : i64} {
  func.func @body(%arg0: memref<10000x128xf32, #tpu.memory_space<vmem>>, %arg1: memref<2x10000x128xf32, #tpu.memory_space<vmem>>, %arg2: memref<10000x1xf32, #tpu.memory_space<vmem>>, %arg3: memref<128x128xf32, #tpu.memory_space<vmem>>, %arg4: memref<128x128xf32, #tpu.memory_space<vmem>>, %arg5: memref<1x128xf32, #tpu.memory_space<vmem>>, %arg6: memref<10000x128xf32, #tpu.memory_space<vmem>>, %arg7: memref<10000x128xf32, #tpu.memory_space<vmem>>) attributes {dimension_semantics = [], scalar_prefetch = 0 : i64, scratch_operands = 0 : i64, tpu.core_type = #tpu.core_type<tc>} {
    %get3A = arith.constant 0 : index
    %get3A_0 = arith.constant 0 : index
    %get3A_1 = vector.load %arg0[%get3A, %get3A_0] : memref<10000x128xf32, #tpu.memory_space<vmem>>, vector<10000x128xf32>
    %get3A_2 = arith.constant 0 : index
    %get3A_3 = arith.constant 0 : index
    %get3A_4 = arith.constant 0 : index
    %get3A_5 = vector.load %arg1[%get3A_2, %get3A_3, %get3A_4] : memref<2x10000x128xf32, #tpu.memory_space<vmem>>, vector<1x10000x128xf32>
    %get3A_6 = vector.shape_cast %get3A_5 : vector<1x10000x128xf32> to vector<10000x128xf32>
    %get3A_7 = arith.constant 1 : index
    %get3A_8 = arith.constant 0 : index
    %get3A_9 = arith.constant 0 : index
    %get3A_10 = vector.load %arg1[%get3A_7, %get3A_8, %get3A_9] : memref<2x10000x128xf32, #tpu.memory_space<vmem>>, vector<1x10000x128xf32>
    %get3A_11 = vector.shape_cast %get3A_10 : vector<1x10000x128xf32> to vector<10000x128xf32>
    %add3A = arith.addf %get3A_6, %get3A_11 : vector<10000x128xf32>
    %get3A_12 = arith.constant 0 : index
    %get3A_13 = arith.constant 0 : index
    %get3A_14 = vector.load %arg2[%get3A_12, %get3A_13] : memref<10000x1xf32, #tpu.memory_space<vmem>>, vector<10000x1xf32>
    %mul3A = vector.broadcast %get3A_14 : vector<10000x1xf32> to vector<10000x128xf32>
    %mul3A_15 = arith.mulf %add3A, %mul3A : vector<10000x128xf32>
    %add3A_16 = arith.addf %get3A_1, %mul3A_15 : vector<10000x128xf32>
    %max3A = arith.constant 0.000000e+00 : f32
    %max3A_17 = vector.broadcast %max3A : f32 to vector<10000x128xf32>
    %max3A_18 = arith.maximumf %add3A_16, %max3A_17 : vector<10000x128xf32>
    %get3A_19 = arith.constant 0 : index
    %get3A_20 = arith.constant 0 : index
    %get3A_21 = vector.load %arg3[%get3A_19, %get3A_20] : memref<128x128xf32, #tpu.memory_space<vmem>>, vector<128x128xf32>
    %dot_general3A = arith.constant dense<0.000000e+00> : vector<10000x128xf32>
    %dot_general3A_22 = tpu.matmul %max3A_18, %get3A_21, %dot_general3A {dimension_numbers = #tpu.dot_dimension_numbers<[1], [0], [0], [1], [0, 0, 1, 1], [], []>, transpose_lhs_hint = false} : vector<10000x128xf32>, vector<128x128xf32>, vector<10000x128xf32> -> vector<10000x128xf32>
    %swap3A = arith.constant 0 : index
    %swap3A_23 = arith.constant 0 : index
    %swap3A_24 = vector.load %arg6[%swap3A, %swap3A_23] : memref<10000x128xf32, #tpu.memory_space<vmem>>, vector<10000x128xf32>
    tpu.vector_store %arg6[%swap3A, %swap3A_23], %dot_general3A_22 {strides = array<i32>} : memref<10000x128xf32, #tpu.memory_space<vmem>>, vector<10000x128xf32>,
    %get3A_25 = arith.constant 0 : index
    %get3A_26 = arith.constant 0 : index
    %get3A_27 = vector.load %arg4[%get3A_25, %get3A_26] : memref<128x128xf32, #tpu.memory_space<vmem>>, vector<128x128xf32>
    %dot_general3A_28 = arith.constant dense<0.000000e+00> : vector<10000x128xf32>
    %dot_general3A_29 = tpu.matmul %max3A_18, %get3A_27, %dot_general3A_28 {dimension_numbers = #tpu.dot_dimension_numbers<[1], [0], [0], [1], [0, 0, 1, 1], [], []>, transpose_lhs_hint = false} : vector<10000x128xf32>, vector<128x128xf32>, vector<10000x128xf32> -> vector<10000x128xf32>
    %get3A_30 = arith.constant 0 : index
    %get3A_31 = arith.constant 0 : index
    %get3A_32 = vector.load %arg5[%get3A_30, %get3A_31] : memref<1x128xf32, #tpu.memory_space<vmem>>, vector<1x128xf32>
    %add3A_33 = vector.broadcast %get3A_32 : vector<1x128xf32> to vector<10000x128xf32>
    %add3A_34 = arith.addf %dot_general3A_29, %add3A_33 : vector<10000x128xf32>
    %swap3A_35 = arith.constant 0 : index
    %swap3A_36 = arith.constant 0 : index
    %swap3A_37 = vector.load %arg7[%swap3A_35, %swap3A_36] : memref<10000x128xf32, #tpu.memory_space<vmem>>, vector<10000x128xf32>
    tpu.vector_store %arg7[%swap3A_35, %swap3A_36], %add3A_34 {strides = array<i32>} : memref<10000x128xf32, #tpu.memory_space<vmem>>, vector<10000x128xf32>,
    return
  }
}

</mosaic_0001>

<sc_bundles>
// kernel: kernel.10.cloned.1.call-start
scs
__scs_entry_jumppad:
0x0: {  	(pc) =	sbr.rel $0x88, $3  }
0x1: {  	(tag) =	ssettag $0x0;
	lr =	simm.s32 $0x1  }
0x2: {  	[smem:$0x3F92] =	sst lr;
	_ =	strace $0xD0000000  }
0x3: {  	_ = 	snop  }
0x4: {  	_ = 	snop  }
0x5: {  	_ = 	snop  }
0x6: {  	_ = 	snop  }
0x7: {  	_ = 	snop  }
__scs_overlays_trampoline_lowered:
0x8: {  	[smem:$0x3FA1] =	sst s0  }
0x9: {  	[smem:$0x3FA2] =	sst s1  }
0xa: {  	[smem:$0x3FA3] =	sst s2  }
0xb: {  	[smem:$0x3FA4] =	sst s3  }
0xc: {  	[smem:$0x3FA5] =	sst s4  }
0xd: {  	[smem:$0x3FA6] =	sst s5  }
0xe: {  	[smem:$0x3FA7] =	sst s6  }
0xf: {  	[smem:$0x3FA8] =	sst s7  }
0x10: {  	[smem:$0x3FA9] =	sst s8  }
0x11: {  	[smem:$0x3FAA] =	sst s9;
	s0 =	simm.s32 @!p0 $0x0  }
0x12: {  	s1 =	sld [smem:$0x3F90];
	s0 =	simm.s32 @p0 $0x1  }
0x13: {  	[smem:$0x3FAB] =	sst s0;
	s0 =	simm.s32 @!p1 $0x0  }
0x14: {  	s2 =	sld [smem:$0x3F8F];
	s0 =	simm.s32 @p1 $0x1  }
0x15: {  	[smem:$0x3FAC] =	sst s0;
	s0 =	simm.s32 @!p2 $0x0  }
0x16: {  	s3 =	sld [smem:$0x3FDB];
	s0 =	simm.s32 @p2 $0x1  }
0x17: {  	s4 =	simm.s32 $0x1BF5;
	[smem:$0x3FAE] =	sst s0  }
0x18: {  	s0 =	sld [smem:$0x3F91];
	_ =	swait.ge [sflag:s4], $0x0  }
0x19: {  	s7 =	sld [smem:$0x3F92]  }
0x1a: {  	s8 =	sadd.s32 $0xFFFFE003, lr  }
0x1b: {  	s9 =	sadd.s32 $0xFFFFFEF7, lr;
	s5 =	simm.s32 $0xFFFFFFFF;
	p2 =	slt.u32 s8, $0xFFFFF086  }
0x1c: {  	p1 =	slt.u32 s9, $0xF7A;
	s5 =	simm.s32 @!p2 $0x0  }
0x1d: {  	s5 =	simm.s32 @p1 $0x1;
	p0 =	seq.s32 s7, s2  }
0x1e: {  	s7 =	smul.u32 @!p0 $0xF7A, s2;
	p2 =	seq.s32 @!p0 s5, $0x0  }
0x1f: {  	s9 =	smul.u32 $0xF7A, s1;
	s8 =	simm.s32 @!p0 $0x1BF5;
	p2 =	por !p2, p0  }
0x20: {  	[sflag:s8] =	ssyncset.s32 @!p0 $0xFFFFF086;
	s6 =	sadd.s32 @!p0 s3, s7;
	s7 =	simm.s32 @!p0 $0x108  }
0x21: {  	s3 =	sadd.s32 s3, s9;
	s6 =	sadd.s32 @!p0 $0x88, s6;
	s7 =	simm.s32 @p2 $0x1082  }
0x22: {  	[simem:s7], [sflag:s8] =	dma.local @!p0 [hbm:s6], $0xF7A  }
0x23: {  	s9 =	sor.u32 $0xD0000000, s2;
	s6 =	simm.s32 $0x108;
	_ =	swait.ge @!p0 [sflag:s8], $0x0  }
0x24: {  	s3 =	sadd.s32 $0x88, s3;
	s6 =	simm.s32 @!p1 $0x1082;
	[sflag:s4] =	ssyncset.s32 $0xFFFFF086  }
0x25: {  	[simem:s6], [sflag:s4] =	dma.local [hbm:s3], $0xF7A  }
0x26: {  	[smem:$0x3F92] =	sst s1;
	(tag) =	ssettag s2;
	_ =	strace s9  }
0x27: {  	s1 =	sld [smem:$0x3FA2]  }
0x28: {  	s2 =	sld [smem:$0x3FA3]  }
0x29: {  	s4 =	sld [smem:$0x3FA5]  }
0x2a: {  	p0 =	seq.s32 s5, $0x0;
	s5 =	sld [smem:$0x3FA6]  }
0x2b: {  	s6 =	sld [smem:$0x3FA7]  }
0x2c: {  	s7 =	sld [smem:$0x3FA8]  }
0x2d: {  	s3 =	simm.s32 $0x108;
	s8 =	sld [smem:$0x3FA9]  }
0x2e: {  	s3 =	simm.s32 @!p0 $0x1082;
	s9 =	sld [smem:$0x3FAA]  }
0x2f: {  	lr =	sadd.s32 s0, s3;
	s0 =	sld [smem:$0x3FA1]  }
0x30: {  	s3 =	sld [smem:$0x3FA4]  }
0x31: {  	[smem:$0x3FAD] =	sst s10  }
0x32: {  	s10 =	sld [smem:$0x3FAB];
	_ =	sdelay $0x3  }
0x33: {  	p0 =	seq.s32 s10, $0x1;
	s10 =	sld [smem:$0x3FAD];
	_ =	sdelay $0x3  }
0x34: {  	[smem:$0x3FAD] =	sst s10  }
0x35: {  	s10 =	sld [smem:$0x3FAC];
	_ =	sdelay $0x3  }
0x36: {  	p1 =	seq.s32 s10, $0x1;
	s10 =	sld [smem:$0x3FAD];
	_ =	sdelay $0x3  }
0x37: {  	[smem:$0x3FAD] =	sst s10  }
0x38: {  	s10 =	sld [smem:$0x3FAE]  }
0x39: {  	_ = 	snop;
	(pc) =	sbr.ind lr, $3  }
0x3a: {  	_ = 	snop  }
0x3b: {  	_ = 	snop  }
0x3c: {  	p2 =	seq.s32 s10, $0x1;
	s10 =	sld [smem:$0x3FAD]  }
0x3d: {  	_ =	shalt  }
0x3e: {  	_ =	shalt  }
0x3f: {  	_ =	shalt  }
0x40: {  	_ =	shalt  }
0x41: {  	_ =	shalt  }
0x42: {  	_ =	shalt  }
0x43: {  	_ =	shalt  }
0x44: {  	_ =	shalt  }
0x45: {  	_ =	shalt  }
0x46: {  	_ =	shalt  }
0x47: {  	_ =	shalt  }
0x48: {  	_ =	shalt  }
0x49: {  	_ =	shalt  }
0x4a: {  	_ =	shalt  }
0x4b: {  	_ =	shalt  }
0x4c: {  	_ =	shalt  }
0x4d: {  	_ =	shalt  }
0x4e: {  	_ =	shalt  }
0x4f: {  	_ =	shalt  }
0x50: {  	_ =	shalt  }
0x51: {  	_ =	shalt  }
0x52: {  	_ =	shalt  }
0x53: {  	_ =	shalt  }
0x54: {  	_ =	shalt  }
0x55: {  	_ =	shalt  }
0x56: {  	_ =	shalt  }
0x57: {  	_ =	shalt  }
0x58: {  	_ =	shalt  }
0x59: {  	_ =	shalt  }
0x5a: {  	_ =	shalt  }
0x5b: {  	_ =	shalt  }
0x5c: {  	_ =	shalt  }
0x5d: {  	_ =	shalt  }
0x5e: {  	_ =	shalt  }
0x5f: {  	_ =	shalt  }
0x60: {  	_ =	shalt  }
0x61: {  	_ =	shalt  }
0x62: {  	_ =	shalt  }
0x63: {  	_ =	shalt  }
0x64: {  	_ =	shalt  }
0x65: {  	_ =	shalt  }
0x66: {  	_ =	shalt  }
0x67: {  	_ =	shalt  }
0x68: {  	_ =	shalt  }
0x69: {  	_ =	shalt  }
0x6a: {  	_ =	shalt  }
0x6b: {  	_ =	shalt  }
0x6c: {  	_ =	shalt  }
0x6d: {  	_ =	shalt  }
0x6e: {  	_ =	shalt  }
0x6f: {  	_ =	shalt  }
0x70: {  	_ =	shalt  }
0x71: {  	_ =	shalt  }
0x72: {  	_ =	shalt  }
0x73: {  	_ =	shalt  }
0x74: {  	_ =	shalt  }
0x75: {  	_ =	shalt  }
0x76: {  	_ =	shalt  }
0x77: {  	_ =	shalt  }
0x78: {  	_ =	shalt  }
0x79: {  	_ =	shalt  }
0x7a: {  	_ =	shalt  }
0x7b: {  	_ =	shalt  }
0x7c: {  	_ =	shalt  }
0x7d: {  	_ =	shalt  }
0x7e: {  	_ =	shalt  }
0x7f: {  	_ =	shalt  }
0x80: {  	_ =	shalt  }
0x81: {  	_ =	shalt  }
0x82: {  	_ =	shalt  }
0x83: {  	_ =	shalt  }
0x84: {  	_ =	shalt  }
0x85: {  	_ =	shalt  }
0x86: {  	_ =	shalt  }
0x87: {  	_ =	shalt  }
.Lfunc_end0:
.L_simem_size_0:
called_computation_lowered:
.L_overlay_start_0:
0x88: {  	s2 =	sld [smem:$0x3FD9]  }
0x89: {  	s3 =	sld [smem:$0x3FFE];
	_ =	sdelay $0x1  }
0x8a: {  	s1 =	srdreg.scid  }
0x8b: {  	s0 =	sand.u32 $0x1, s1  }
0x8c: {  	s17 =	sshll.u32 s0, $0xA;
	s2 =	sadd.s32 s3, s2  }
0x8d: {  	s2 =	sadd.s32 s2, s17  }
0x8e: {  	[smem:$0x3FB9] =	sst s2  }
0x8f: {  	_ = 	snop  }
0x90: {  	s2 =	sld [smem:$0x3FD0];
	(tm) =	ssettm $0x1  }
0x91: {  	s18 =	sld [smem:$0x3FFB];
	_ =	sdelay $0x3  }
0x92: {  	_ =	strace s18  }
0x93: {  	s3 =	sld [smem:$0x3FFC];
	_ =	sdelay $0x3  }
0x94: {  	_ =	strace s3  }
0x95: {  	s3 =	sld [smem:$0x3FFD];
	_ =	sdelay $0x3  }
0x96: {  	_ =	strace s3  }
0x97: {  	_ =	strace $0x8FFFFFFF  }
0x98: {  	s19 =	sld [smem:$0x3FDB];
	_ =	sdelay $0x1  }
0x99: {  	s4 =	simm.s32 $_scs_section_size  }
0x9a: {  	s5 =	simm.s32 $_size__tile_overlayer_lowered;
	s6 =	simm.s32 $_tile_overlayer_lowered  }
0x9b: {  	s22 =	simm.s32 $0x1BFF;
	s21 =	sshll.u32 s6, $0x1;
	s3 =	sadd.s32 s4, s19  }
0x9c: {  	s7 =	simm.s32 $0x0;
	s20 =	sshll.u32 s5, $0x1;
	s5 =	sadd.s32 s21, s3  }
0x9d: {  	[timem:s7], [sflag:s22] =	dma.local [hbm:s5], s20  }
0x9e: {  	_ =	swait.ge [sflag:s22], s20  }
0x9f: {  	s4 =	ssub.s32 $0x0, s20;
	[sflag:s22] =	ssyncset.done $0x0  }
0xa0: {  	[sflag:s22] =	ssyncadd.s32 s4;
	_ =	sdelay $0x1  }
0xa1: {  	s23 =	simm.s32 $0x1B8B  }
0xa2: {  	_ =	swait.ge [sflag:s23], $0x1  }
0xa3: {  	[sflag:s23] =	ssyncset.done $0x0  }
0xa4: {  	s25 =	simm.s32 $0x1B8E;
	s24 =	sld [smem:$0x3FFE];
	[sflag:s23] =	ssyncadd.s32 $0xFFFFFFFF  }
0xa5: {  	s26 =	simm.s32 $execute0_lowered;
	[smem:$0x3FD2] =	sst s25  }
0xa6: {  	s5 =	sshll.u32 s26, $0x1;
	_ =	strace $0x80000046;
	[dreg:$0x1] =	wrdreg $0xFFFFFFFF  }
0xa7: {  	s28 =	simm.s32 $_size_execute0_lowered;
	s3 =	sadd.s32 s3, s5;
	[dreg:$0x0] =	wrdreg $0x0  }
0xa8: {  	s5 =	sshll.u32 s28, $0x1;
	[dreg:$0x2] =	wrdreg s3  }
0xa9: {  	[dreg:$0x3] =	wrdreg s5  }
0xaa: {  	[dreg:$0x4] =	wrdreg $0xC0  }
0xab: {  	_ =	task [dreg:s7], $0x5FFFF  }
0xac: {  	[dreg:$0x1] =	wrdreg $0xFFFFFFFF  }
0xad: {  	[dreg:$0x0] =	wrdreg $0x60  }
0xae: {  	[dreg:$0x2] =	wrdreg s24  }
0xaf: {  	[dreg:$0x3] =	wrdreg s2  }
0xb0: {  	[dreg:$0x4] =	wrdreg $0x7A000  }
0xb1: {  	[dreg:$0x5] =	wrdreg $0x9  }
0xb2: {  	_ =	task.clear_ibuf [dreg:s7], $0x6FFFF;
	_ =	strace $0x90000046  }
0xb3: {  	s29 =	simm.s32 $0x9;
	_ =	strace $0x80000048  }
0xb4: {  	_ =	swait.ge [sflag:s29], $0x1  }
0xb5: {  	[sflag:s29] =	ssyncadd.s32 $0xFFFFFFFF  }
0xb6: {  	_ =	strace $0x90000048  }
0xb7: {  	_ =	sfence  }
0xb8: {  	s30 =	sld [smem:$0x0];
	_ =	sdelay $0x2  }
0xb9: {  	s31 =	sshll.u32 s1, $0xD;
	s1 =	sshrl.u32 s1, $0x2  }
0xba: {  	s3 =	sand.u32 $0x4000, s31;
	s1 =	sadd.s32 s1, s30  }
0xbb: {  	s0 =	sor.u32 s3, s0;
	s1 =	sshll.u32 s1, $0x11  }
0xbc: {  	s0 =	sor.u32 s1, s0  }
0xbd: {  	s0 =	sadd.s32 $0x8F2B, s0  }
0xbe: {  	[sflag:s0] =	ssyncadd.remote.s32 $0x1  }
0xbf: {  	_ =	sfence.sel $0xFFFF  }
0xc0: {  	[dreg:$0x0] =	wrdreg $0xFFFFFFFF;
	(pc) =	sbr.abs _section_cstart, $3  }
0xc1: {  	[dreg:$0x1] =	wrdreg $0xFFFFFFFF  }
0xc2: {  	_ =	task.clear_ibuf [dreg:s7], $0x2FFFF;
	_ =	strace $0x9FFFFFFF  }
0xc3: {  	(tm) =	ssettm $0x7FFFFFFF  }
tec
execute0_lowered:
.L_overlay_start_1:
0x0: {  	(tag) =	ssettag $0x1  }
0x1: {  	s0 =	rddreg [dreg:$0x0]  }
0x2: {  	s2 =	rddreg [dreg:$0x2]  }
0x3: {  	s3 =	simm.s32 $0x0;
	s1 =	srdreg.scid;
	s7 =	stileid.u32  }
0x4: {  	[smem:$0x7FF] =	sst s3;
	s1 =	sand.u32 $0x1, s1;
	s5 =	sshll.u32 s7, $0x1  }
0x5: {  	s4 =	sadd.s32 $0x16E00, s0;
	s17 =	sadd.s32 $0xD000, s0;
	s18 =	sadd.s32 $0x3200, s0  }
0x6: {  	s6 =	sadd.s32 $0x3E000, s0;
	s11 =	smul.u32 $0x4E000, s7;
	s12 =	sadd.s32 $0x48600, s0  }
0x7: {  	s22 =	sshll.u32 s7, $0x6;
	s14 =	smul.u32 $0x13800, s7;
	s15 =	sadd.s32 $0x138000, s2  }
0x8: {  	s16 =	smul.u32 $0x4E20, s7;
	_ =	strace $0x80000047;
	[dreg:$0x4] =	wrdreg s4  }
0x9: {  	p0 =	sne.s32 s7, $0x0;
	s8 =	sor.u32 s1, s5;
	[dreg:$0x7] =	wrdreg s6  }
0xa: {  	s10 =	ssub.s32 $0x2, s1;
	s13 =	smul.u32 $0x138800, s1;
	[dreg:$0x6] =	wrdreg s18  }
0xb: {  	s6 =	sor.u32 $0x1C03, s22;
	[dreg:$0x5] =	wrdreg s17;
	s1 =	smul.u32 $0x2710, s1  }
0xc: {  	s5 =	sshrl.u32 @!p0 s15, $0x3;
	s9 =	smul.u32 $0x500, s8;
	s19 =	sshrl.u32 s10, $0x1  }
0xd: {  	s20 =	sshrl.u32 s11, $0x2;
	s21 =	smul.u32 $0x2710, s8;
	[dreg:$0x8] =	wrdreg s6  }
0xe: {  	[dreg:$0x11] =	wrdreg s5;
	s25 =	sadd.s32 s14, s13;
	s1 =	sadd.s32 s1, s16  }
0xf: {  	s28 =	sshrl.u32 s13, $0x3;
	s11 =	sshrl.u32 s21, $0x3;
	s31 =	sadd.s32 $0x50, s1  }
0x10: {  	s0 =	sadd.s32 s9, s0;
	s23 =	sadd.s32 s18, s11;
	[dreg:$0xf] =	wrdreg s31  }
0x11: {  	s9 =	ssub.s32 s10, s19;
	s24 =	sadd.s32 s17, s11;
	[dreg:$0x9] =	wrdreg s23  }
0x12: {  	s10 =	sadd.s32 s20, s2;
	s0 =	sadd.s32 $0x3E600, s0;
	[dreg:$0xa] =	wrdreg s24  }
.Ltmp0:
0x13: {  	s30 =	smax.u32 s9, $0x1;
	[dreg:$0xb] =	wrdreg s0;
	(pc) =	sbr.rel .LBB2_1-.Ltmp0, $4  }
0x14: {  	v0 =	vimm.s32 $0xECA86420;
	s26 =	sshrl.u32 s25, $0x3;
	s2 =	sshrl.u32 s10, $0x3;
	[dreg:$0xe] =	wrdreg s30  }
0x15: {  	vm0 =	vmmov $0xff;
	v2 =	vimm.s32 $0x0;
	v0 =	vunpack.c.l.s4.s8 v0;
	s29 =	sadd.s32 s12, s28;
	s0 =	sadd.s32 s12, s26;
	[dreg:$0x10] =	wrdreg s2  }
0x16: {  	v1 =	vlaneseq.u32;
	v3 =	vimm.f32 $1.000000000e+00;
	v2 =	vsel vm0, $0xFFFFFFFF, v2;
	s7 =	simm.s32 $0x5200;
	[dreg:$0xc] =	wrdreg s0;
	s0 =	sadd.s32 $0x27000, s29  }
0x17: {  	v1 =	vmul.u32 $0x2, v1;
	s4 =	simm.s32 $0x3;
	[tilespmem:$0x1FFF0] =	vst v2;
	v2 =	vimm.s32 $0x0;
	v0 =	vunpack.c.0.s8.s32 v0;
	s8 =	simm.s32 $0x0;
	[dreg:$0xd] =	wrdreg s0  }
.LBB2_5:
0x18: {  	s3 =	simm.s32 $0x0  }
0x19: {  	s0 =	rddreg [dreg:$0xb];
	s7 =	simm.s32 $0x5200;
	s4 =	simm.s32 $0x3  }
0x1a: {  	[hbm4b:s0+s3] =	stream.linear.scatter [tilespmem:s7], [sflag:$0x3], $0x2800, $0x38;
	[tilespmem:$0x1B280] =	vst v63  }
0x1b: {  	_ =	swait.ge [sflag:s4], $0x2800  }
0x1c: {  	[sflag:s4] =	ssyncset.done $0x0  }
0x1d: {  	[sflag:s4] =	ssyncadd.s32 $0xFFFFD800  }
0x1e: {  	[bflag:$0x0] =	sbarrier.arrive $0xFFFF  }
0x1f: {  	s6 =	rddreg [dreg:$0x8]  }
0x20: {  	s31 =	rddreg [dreg:$0xc]  }
0x21: {  	s2 =	rddreg [dreg:$0x10]  }
0x22: {  	[hbm:s31], [sflag:s6] =	dma.local [spmem:s2], $0x2700  }
0x23: {  	_ =	swait.ge [sflag:s4], $0x2700  }
0x24: {  	[sflag:s4] =	ssyncset.done $0x0;
	s0 =	rddreg [dreg:$0xd]  }
0x25: {  	s5 =	rddreg [dreg:$0x11];
	[sflag:s4] =	ssyncadd.s32 $0xFFFFD900  }
0x26: {  	[hbm:s0], [sflag:s6] =	dma.local @!p0 [spmem:s5], $0x100  }
0x27: {  	s0 =	simm.s32 @!p0 $0x3  }
0x28: {  	_ =	swait.ge @!p0 [sflag:s0], $0x100  }
0x29: {  	s8 =	rddreg [dreg:$0x12]  }
0x2a: {  	s1 =	rddreg [dreg:$0xe];
	s8 =	sadd.s32 $0x1, s8  }
0x2b: {  	p1 =	sne.s32 s8, s1  }
.Ltmp1:
0x2c: {  	_ = 	snop;
	(pc) =	sbr.rel @!p1 .LBB2_6-.Ltmp1, $3  }
0x2d: {  	_ =	sdelay $0x1  }
0x2e: {  	[sflag:s0] =	ssyncset.done @!p0 $0x0  }
0x2f: {  	[sflag:s0] =	ssyncadd.s32 @!p0 $0xFFFFFF00  }
.LBB2_1:
0x30: {  	[dreg:$0x12] =	wrdreg s8  }
0x31: {  	s0 =	rddreg [dreg:$0x1]  }
0x32: {  	[spmem:s2], [sflag:s6] =	dma.local [hbm:s0], $0x2700  }
0x33: {  	_ =	swait.ge [sflag:s4], $0x2700  }
0x34: {  	[sflag:s4] =	ssyncset.done $0x0  }
0x35: {  	[sflag:s4] =	ssyncadd.s32 $0xFFFFD900  }
0x36: {  	[spmem:s5], [sflag:s6] =	dma.local @!p0 [hbm:s0], $0x100  }
0x37: {  	s0 =	simm.s32 @!p0 $0x3  }
0x38: {  	_ =	swait.ge @!p0 [sflag:s0], $0x100  }
0x39: {  	[sflag:s0] =	ssyncset.done @!p0 $0x0  }
0x3a: {  	s23 =	rddreg [dreg:$0x7];
	[sflag:s0] =	ssyncadd.s32 @!p0 $0xFFFFFF00  }
0x3b: {  	[tilespmem:s7], [sflag:$0x3] =	stream.linear.gather [hbm4b:s23+s3], $0x2800, $0x38;
	[tilespmem:$0x1B280] =	vst v63  }
0x3c: {  	_ =	swait.ge [sflag:s4], $0x2800  }
0x3d: {  	[sflag:s4] =	ssyncset.done $0x0  }
0x3e: {  	[sflag:s4] =	ssyncadd.s32 $0xFFFFD800  }
0x3f: {  	[bflag:$0x0] =	sbarrier.arrive $0xFFFF  }
0x40: {  	s1 =	simm.s32 $0x80;
	s24 =	rddreg [dreg:$0x9]  }
0x41: {  	[tilespmem:s1], [sflag:$0x3] =	stream.linear.gather [hbm4b:s24+s3], $0x50, $0x38;
	[tilespmem:$0x1B280] =	vst v63  }
0x42: {  	_ =	swait.ge [sflag:s4], $0x50  }
0x43: {  	[sflag:s4] =	ssyncset.done $0x0  }
0x44: {  	s25 =	rddreg [dreg:$0xa];
	[sflag:s4] =	ssyncadd.s32 $0xFFFFFFB0  }
0x45: {  	[tilespmem:s3], [sflag:$0x3] =	stream.linear.gather [hbm4b:s25+s3], $0x50, $0x38;
	[tilespmem:$0x1B280] =	vst v63  }
.Ltmp2:
0x46: {  	_ = 	snop;
	(pc) =	sbr.rel .LBB2_2-.Ltmp2, $4  }
0x47: {  	s30 =	simm.s32 $0x50;
	_ =	swait.ge [sflag:s4], $0x50  }
0x48: {  	s31 =	simm.s32 $0x100;
	[sflag:s4] =	ssyncset.done $0x0;
	s26 =	rddreg [dreg:$0x4]  }
0x49: {  	s29 =	simm.s32 $0x0;
	s28 =	rddreg [dreg:$0xf];
	[sflag:s4] =	ssyncadd.s32 $0xFFFFFFB0  }
0x4a: {  	[tilespmem:s31], [sflag:$0x1] =	stream.indirect.gather [hbm4b:s26+s30], $0x80, s3, s30, $0xb8;
	[tilespmem:$0x1B280] =	vst v63  }
.LBB2_4:
0x4b: {  	s29 =	sadd.s32 $0x1, s29  }
0x4c: {  	p1 =	sne.s32 s29, $0x7D  }
.Ltmp3:
0x4d: {  	_ = 	snop;
	(pc) =	sbr.rel @!p1 .LBB2_5-.Ltmp3, $2  }
0x4e: {  	_ =	sdelay $0x2  }
0x4f: {  	s28 =	sadd.s32 $0x50, s28  }
.LBB2_2:
0x50: {  	s30 =	sand.u32 $0x1, s29  }
0x51: {  	p1 =	seq.s32 s30, $0x1  }
0x52: {  	p2 =	seq.s32 @!p1 s29, $0x7C  }
0x53: {  	p2 =	por p2, p1  }
0x54: {  	s1 =	rddreg [dreg:$0x6];
	s0 =	sshrl.u32 @!p2 s28, $0x3  }
0x55: {  	s7 =	simm.s32 @!p2 $0x0;
	s9 =	simm.s32 @!p2 $0x2980;
	s1 =	sadd.s32 @!p2 s1, s0  }
0x56: {  	[tilespmem:s9], [sflag:$0x3] =	stream.linear.gather @!p2 [hbm4b:s1+s7], $0x50, $0x38;
	[tilespmem:$0x1B280] =	vst v63  }
0x57: {  	s1 =	simm.s32 @!p2 $0x3  }
0x58: {  	_ =	swait.ge @!p2 [sflag:s1], $0x50  }
0x59: {  	[sflag:s1] =	ssyncset.done @!p2 $0x0;
	s2 =	rddreg [dreg:$0x5]  }
0x5a: {  	s9 =	simm.s32 @!p2 $0x2900;
	[sflag:s1] =	ssyncadd.s32 @!p2 $0xFFFFFFB0;
	s0 =	sadd.s32 @!p2 s2, s0  }
0x5b: {  	[tilespmem:s9], [sflag:$0x3] =	stream.linear.gather @!p2 [hbm4b:s0+s7], $0x50, $0x38;
	[tilespmem:$0x1B280] =	vst v63  }
0x5c: {  	_ =	swait.ge @!p2 [sflag:s1], $0x50  }
0x5d: {  	s0 =	simm.s32 @!p2 $0x50;
	[sflag:s1] =	ssyncset.done @!p2 $0x0  }
0x5e: {  	s2 =	rddreg [dreg:$0x4];
	[sflag:s1] =	ssyncadd.s32 @!p2 $0xFFFFFFB0;
	s1 =	simm.s32 @!p2 $0x2A00  }
0x5f: {  	[tilespmem:s1], [sflag:$0x2] =	stream.indirect.gather @!p2 [hbm4b:s2+s0], $0x80, s9, s0, $0xb8;
	[tilespmem:$0x1B280] =	vst v63  }
0x60: {  	s0 =	simm.s32 @!p1 $0x1  }
0x61: {  	_ =	swait.ge @!p1 [sflag:s0], $0x2800  }
0x62: {  	[sflag:s0] =	ssyncset.done @!p1 $0x0  }
0x63: {  	s7 =	simm.s32 @!p1 $0x100;
	[sflag:s0] =	ssyncadd.s32 @!p1 $0xFFFFD800  }
0x64: {  	s1 =	simm.s32 @!p1 $0x80;
	s0 =	simm.s32 @!p1 $0x50;
	s2 =	rddreg [dreg:$0x2]  }
0x65: {  	[spmem:s2] =	stream.indirect.scatter.add.f32 @!p1 [tilespmem:s7], [sflag:$0x3], $0x80, s1, s0, $0xb8;
	[tilespmem:$0x1B280] =	vst v63  }
0x66: {  	s0 =	simm.s32 @!p1 $0x3  }
0x67: {  	_ =	swait.ge @!p1 [sflag:s0], $0x2800  }
0x68: {  	[sflag:s0] =	ssyncset.done @!p1 $0x0  }
0x69: {  	[sflag:s0] =	ssyncadd.s32 @!p1 $0xFFFFD800  }
0x6a: {  	v6 =	vld @!p1 [tilespmem:$0x80];
	_ =	sdelay $0x4  }
0x6b: {  	(v2sf) =	vpush @!p1 v6, $0xD;
	_ =	sdelay $0x1  }
0x6c: {  	(v2sf) =	vpush @!p1 v6, $0xC;
	_ =	sdelay $0x1  }
0x6d: {  	(v2sf) =	vpush @!p1 v6, $0xE;
	_ =	sdelay $0x1  }
0x6e: {  	(v2sf) =	vpush @!p1 v6, $0xF;
	_ =	sdelay $0x1  }
0x6f: {  	(v2sf) =	vpush @!p1 v6, $0x9;
	_ =	sdelay $0x1  }
0x70: {  	(v2sf) =	vpush @!p1 v6, $0x8;
	_ =	sdelay $0x1  }
0x71: {  	(v2sf) =	vpush @!p1 v6, $0xA;
	_ =	sdelay $0x1  }
0x72: {  	(v2sf) =	vpush @!p1 v6, $0xB  }
0x73: {  	s0 =	spop @!p1 (v2sf)  }
0x74: {  	(v2sf) =	vpush @!p1 v6, $0x0;
	s1 =	smulhi.u32 @!p1 $0x66666667, s0;
	s0 =	sshra.s32 @!p1 s0, $0x1F  }
0x75: {  	s7 =	spop @!p1 (v2sf);
	s0 =	smul.u32 @!p1 $0x66666667, s0  }
0x76: {  	(v2sf) =	vpush @!p1 v6, $0x1;
	s9 =	smulhi.u32 @!p1 $0x66666667, s7;
	s7 =	sshra.s32 @!p1 s7, $0x1F  }
0x77: {  	s10 =	spop @!p1 (v2sf);
	s7 =	smul.u32 @!p1 $0x66666667, s7  }
0x78: {  	(v2sf) =	vpush @!p1 v6, $0x2;
	s11 =	smulhi.u32 @!p1 $0x66666667, s10;
	s10 =	sshra.s32 @!p1 s10, $0x1F  }
0x79: {  	s12 =	spop @!p1 (v2sf);
	s10 =	smul.u32 @!p1 $0x66666667, s10  }
0x7a: {  	(v2sf) =	vpush @!p1 v6, $0x3;
	s13 =	smulhi.u32 @!p1 $0x66666667, s12;
	s12 =	sshra.s32 @!p1 s12, $0x1F  }
0x7b: {  	s31 =	sadd.s32 @!p1 s0, s1;
	s1 =	spop @!p1 (v2sf);
	(v2sf) =	vpush @!p1 v6, $0x4;
	s0 =	smul.u32 @!p1 $0x66666667, s12  }
0x7c: {  	s12 =	sshrl.u32 @!p1 s31, $0x1F;
	s14 =	smulhi.u32 @!p1 $0x66666667, s1;
	s1 =	sshra.s32 @!p1 s1, $0x1F;
	(v2sf) =	vpush @!p1 v6, $0x5  }
0x7d: {  	s22 =	sadd.s32 @!p1 s7, s9;
	s7 =	spop @!p1 (v2sf);
	s1 =	smul.u32 @!p1 $0x66666667, s1;
	(v2sf) =	vpush @!p1 v6, $0x6  }
0x7e: {  	s15 =	sshrl.u32 @!p1 s22, $0x1F;
	s9 =	smulhi.u32 @!p1 $0x66666667, s7;
	s7 =	sshra.s32 @!p1 s7, $0x1F;
	(v2sf) =	vpush @!p1 v6, $0x7  }
0x7f: {  	s20 =	sadd.s32 @!p1 s10, s11;
	s10 =	spop @!p1 (v2sf);
	s7 =	smul.u32 @!p1 $0x66666667, s7  }
0x80: {  	s11 =	sshrl.u32 @!p1 s20, $0x1F;
	s16 =	smulhi.u32 @!p1 $0x66666667, s10;
	s10 =	sshra.s32 @!p1 s10, $0x1F  }
0x81: {  	s0 =	sadd.s32 @!p1 s0, s13;
	s13 =	smul.u32 @!p1 $0x66666667, s10;
	s10 =	spop @!p1 (v2sf)  }
0x82: {  	s18 =	sshrl.u32 @!p1 s0, $0x1F;
	s3 =	smulhi.u32 @!p1 $0x66666667, s10;
	s10 =	sshra.s32 @!p1 s10, $0x1F  }
0x83: {  	s1 =	sadd.s32 @!p1 s1, s14;
	s14 =	smul.u32 @!p1 $0x66666667, s10;
	s10 =	spop @!p1 (v2sf)  }
0x84: {  	s8 =	sshrl.u32 @!p1 s1, $0x1F;
	s26 =	smulhi.u32 @!p1 $0x66666667, s10;
	s24 =	sshra.s32 @!p1 s10, $0x1F  }
0x85: {  	s10 =	sadd.s32 @!p1 s7, s9;
	s7 =	spop @!p1 (v2sf);
	s24 =	smul.u32 @!p1 $0x66666667, s24  }
0x86: {  	s25 =	sshrl.u32 @!p1 s10, $0x1F;
	s21 =	smulhi.u32 @!p1 $0x66666667, s7;
	s9 =	sshra.s32 @!p1 s7, $0x1F  }
0x87: {  	s7 =	sadd.s32 @!p1 s13, s16;
	s13 =	smul.u32 @!p1 $0x66666667, s9;
	s9 =	spop @!p1 (v2sf)  }
0x88: {  	s16 =	sshrl.u32 @!p1 s7, $0x1F;
	s2 =	smulhi.u32 @!p1 $0x66666667, s9;
	s23 =	sshra.s32 @!p1 s9, $0x1F  }
0x89: {  	s9 =	sadd.s32 @!p1 s14, s3;
	s14 =	spop @!p1 (v2sf);
	s3 =	smul.u32 @!p1 $0x66666667, s23  }
0x8a: {  	s23 =	smulhi.u32 @!p1 $0x66666667, s14;
	s14 =	sshra.s32 @!p1 s14, $0x1F;
	s17 =	spop @!p1 (v2sf)  }
0x8b: {  	s24 =	sadd.s32 @!p1 s24, s26;
	s14 =	smul.u32 @!p1 $0x66666667, s14;
	s26 =	spop @!p1 (v2sf)  }
0x8c: {  	vm11 =	vcmask @!p1 $0xB08;
	v4 =	vmov @!p1 s15;
	s15 =	smulhi.u32 @!p1 $0x66666667, s17;
	s17 =	sshra.s32 @!p1 s17, $0x1F;
	s19 =	spop @!p1 (v2sf)  }
0x8d: {  	vm9 =	vcmask @!p1 $0x1310;
	v4 =	vsel @!p1 vm11, s12, v4;
	s12 =	sshrl.u32 @!p1 s9, $0x1F;
	s17 =	smul.u32 @!p1 $0x66666667, s17;
	s5 =	spop @!p1 (v2sf)  }
0x8e: {  	v4 =	vsel @!p1 vm9, s11, v4;
	v5 =	vmov @!p1 s25;
	s25 =	sshrl.u32 @!p1 s24, $0x1F;
	s11 =	smulhi.u32 @!p1 $0x66666667, s5;
	s5 =	sshra.s32 @!p1 s5, $0x1F  }
0x8f: {  	vm5 =	vcmask @!p1 $0x300;
	v5 =	vsel @!p1 vm11, s8, v5;
	s8 =	sadd.s32 @!p1 s13, s21;
	v7 =	vmov @!p1 s25;
	s2 =	sadd.s32 @!p1 s3, s2;
	s3 =	smul.u32 @!p1 $0x66666667, s5  }
0x90: {  	vm10 =	vcmask @!p1 $0x1B18;
	v5 =	vsel @!p1 vm9, s16, v5;
	s16 =	sshra.s32 @!p1 s24, $0x8;
	v7 =	vnsel @!p1 vm5, $0x0, v7;
	s13 =	sshrl.u32 @!p1 s2, $0x1F;
	s5 =	sshrl.u32 @!p1 s8, $0x1F  }
0x91: {  	v4 =	vsel @!p1 vm10, s18, v4;
	v5 =	vsel @!p1 vm10, s12, v5;
	s14 =	sadd.s32 @!p1 s14, s23;
	s12 =	sadd.s32 @!p1 s17, s15;
	v7 =	vsel @!p1 vm11, s5, v7;
	s11 =	sadd.s32 @!p1 s3, s11  }
0x92: {  	v8 =	vcombine.low @!p1 v5, v4;
	v4 =	vsel @!p1 vm9, s13, v7;
	s3 =	smulhi.u32 @!p1 $0x66666667, s26;
	s13 =	sshra.s32 @!p1 s26, $0x1F;
	s15 =	sshra.s32 @!p1 s11, $0x1F  }
0x93: {  	vm13 =	vcmask @!p1 $0x2320;
	vm1 =	vcmask @!p1 $0x704;
	s17 =	sshra.s32 @!p1 s19, $0x1F;
	s5 =	sshrl.u32 @!p1 s14, $0x1F;
	s13 =	smul.u32 @!p1 $0x66666667, s13;
	v7 =	vmov @!p1 s15  }
0x94: {  	vm4 =	vcmask @!p1 $0x2B28;
	v4 =	vsel @!p1 vm10, s5, v4;
	s5 =	sshrl.u32 @!p1 s12, $0x1F;
	s15 =	smulhi.u32 @!p1 $0x66666667, s19;
	v7 =	vsel @!p1 vm5, s16, v7;
	s16 =	sshra.s32 @!p1 s24, $0x1F  }
0x95: {  	v5 =	vimm.s32 @!p1 $0xECA86420;
	v9 =	vsel @!p1 vm13, s5, v4;
	s5 =	smul.u32 @!p1 $0x66666667, s17;
	s3 =	sadd.s32 @!p1 s13, s3;
	s13 =	sshra.s32 @!p1 s8, $0x8;
	v4 =	vsel @!p1 vm1, s16, v7  }
0x96: {  	vm2 =	vcmask @!p1 $0xF0C;
	v5 =	vunpack.c.l.s4.s8 @!p1 v5;
	s8 =	sshra.s32 @!p1 s8, $0x1F;
	v7 =	vsel @!p1 vm11, s13, v4  }
0x97: {  	vm6 =	vcmask @!p1 $0x3330;
	vm7 =	vcmask @!p1 $0x1714;
	s16 =	sshrl.u32 @!p1 s3, $0x1F;
	s5 =	sadd.s32 @!p1 s5, s15;
	v7 =	vsel @!p1 vm2, s8, v7;
	s8 =	sshra.s32 @!p1 s2, $0x8  }
0x98: {  	v4 =	vunpack.c.0.s8.s32 @!p1 v5;
	v5 =	vsel @!p1 vm4, s16, v9;
	s13 =	sshrl.u32 @!p1 s5, $0x1F;
	s2 =	sshra.s32 @!p1 s2, $0x1F;
	v7 =	vsel @!p1 vm9, s8, v7  }
0x99: {  	vm3 =	vcmask @!p1 $0x3B38;
	v9 =	vsel @!p1 vm6, s13, v5;
	v5 =	vsel @!p1 vm7, s2, v7;
	s2 =	sshra.s32 @!p1 s14, $0x8  }
0x9a: {  	vm8 =	vcmask @!p1 $0x1F1C;
	vm12 =	vcmask @!p1 $0x2724;
	v10 =	vsel @!p1 vm10, s2, v5;
	s2 =	sshra.s32 @!p1 s14, $0x1F  }
0x9b: {  	vm15 =	vcmask @!p1 $0x2F2C;
	s8 =	sshra.s32 @!p1 s22, $0x8;
	v7 =	vlaneseq.u32 @!p1;
	v10 =	vsel @!p1 vm8, s2, v10;
	s2 =	sshra.s32 @!p1 s12, $0x8  }
0x9c: {  	s10 =	sshra.s32 @!p1 s10, $0x8;
	s13 =	sshra.s32 @!p1 s31, $0x8;
	v5 =	vmul.u32 @!p1 $0x2, v7;
	v7 =	vmov @!p1 s8;
	v10 =	vsel @!p1 vm13, s2, v10;
	s2 =	sshra.s32 @!p1 s12, $0x1F  }
0x9d: {  	s1 =	sshra.s32 @!p1 s1, $0x8;
	v11 =	vmov @!p1 s10;
	s8 =	sshra.s32 @!p1 s20, $0x8;
	v7 =	vsel @!p1 vm11, s13, v7;
	v10 =	vsel @!p1 vm12, s2, v10;
	s2 =	sshra.s32 @!p1 s3, $0x8  }
0x9e: {  	s0 =	sshra.s32 @!p1 s0, $0x8;
	v11 =	vsel @!p1 vm11, s1, v11;
	s1 =	sshra.s32 @!p1 s7, $0x8;
	v7 =	vsel @!p1 vm9, s8, v7;
	v10 =	vsel @!p1 vm4, s2, v10;
	s2 =	sshra.s32 @!p1 s3, $0x1F  }
0x9f: {  	v11 =	vsel @!p1 vm9, s1, v11;
	s1 =	sshra.s32 @!p1 s5, $0x8;
	v7 =	vsel @!p1 vm10, s0, v7;
	s0 =	sshra.s32 @!p1 s9, $0x8;
	v10 =	vsel @!p1 vm15, s2, v10  }
0xa0: {  	vm14 =	vcmask @!p1 $0x3734;
	v11 =	vsel @!p1 vm10, s0, v11;
	s0 =	sshra.s32 @!p1 s5, $0x1F;
	s2 =	sshrl.u32 @!p1 s11, $0x1F;
	v10 =	vsel @!p1 vm6, s1, v10  }
0xa1: {  	v7 =	vcombine.low @!p1 v11, v7;
	v9 =	vsel @!p1 vm3, s2, v9;
	v10 =	vsel @!p1 vm14, s0, v10;
	s0 =	sshra.s32 @!p1 s11, $0x8  }
0xa2: {  	v8 =	vperm.xlane @!p1 v8, v4;
	v9 =	vperm.xlane @!p1 v9, v5;
	v10 =	vsel @!p1 vm3, s0, v10  }
0xa3: {  	v7 =	vperm.xlane @!p1 v7, v4;
	v10 =	vperm.xlane @!p1 v10, v5  }
0xa4: {  	vm4 =	vmmov @!p1 $0xff  }
0xa5: {  	v8 =	vsel @!p1 vm4, v9, v8;
	v7 =	vsel @!p1 vm4, v10, v7  }
0xa6: {  	v8 =	vadd.s32 @!p1 v8, v7  }
0xa7: {  	v7 =	vmul.u32 @!p1 $0xFFFFFD80, v8;
	_ =	sdelay $0x1  }
0xa8: {  	v9 =	vadd.s32 @!p1 v6, v7  }
0xa9: {  	vm0 =	vlt.s32 @!p1 v6, $0x1;
	vm6 =	vne.s32 @!p1 v9, $0x0  }
0xaa: {  	v7 =	vimm.s32 @!p1 $0x0;
	vm0 =	vmand @!p1 vm0, vm6  }
0xab: {  	v6 =	vsel @!p1 vm0, $0xFFFFFFFF, v7  }
0xac: {  	vm0 =	vlt.s32 @!p1 v9, $0x0;
	v6 =	vadd.s32 @!p1 v6, v8;
	v8 =	vadd.s32 @!p1 $0x280, v9  }
0xad: {  	v8 =	vsel @!p1 vm0, v8, v9;
	v9 =	vshrl.u32 @!p1 v6, $0x3  }
0xae: {  	v9 =	vmul.u32 @!p1 $0x1400, v9;
	v10 =	vshll.u32 @!p1 v8, $0x3  }
0xaf: {  	v6 =	vshll.u32 @!p1 v6, $0x7;
	v10 =	vand.u32 @!p1 $0xFFFFFC00, v10  }
0xb0: {  	v6 =	vand.u32 @!p1 $0x380, v6;
	v9 =	vadd.s32 @!p1 v10, v9  }
0xb1: {  	v8 =	vand.u32 @!p1 $0x7F, v8;
	v6 =	vor.u32 @!p1 v6, v9  }
0xb2: {  	v8 =	vor.u32 @!p1 v8, v6;
	_ =	sdelay $0x3  }
0xb3: {  	s31 =	simm.s32 @!p1 $0x5200;
	v6 =	vimm.f32 @!p1 $1.000000000e+00  }
0xb4: {  	[tilespmem:v8+s31+$0x0] =	vst.idx.add.f32.msk @!p1 $0xffff, v6  }
0xb5: {  	v8 =	vld @!p1 [tilespmem:$0x90];
	_ =	sdelay $0x4  }
0xb6: {  	(v2sf) =	vpush @!p1 v8, $0xD;
	_ =	sdelay $0x1  }
0xb7: {  	(v2sf) =	vpush @!p1 v8, $0xC;
	_ =	sdelay $0x1  }
0xb8: {  	(v2sf) =	vpush @!p1 v8, $0xE;
	_ =	sdelay $0x1  }
0xb9: {  	(v2sf) =	vpush @!p1 v8, $0xF;
	_ =	sdelay $0x1  }
0xba: {  	(v2sf) =	vpush @!p1 v8, $0x9;
	_ =	sdelay $0x1  }
0xbb: {  	(v2sf) =	vpush @!p1 v8, $0x8;
	_ =	sdelay $0x1  }
0xbc: {  	(v2sf) =	vpush @!p1 v8, $0xA;
	_ =	sdelay $0x1  }
0xbd: {  	(v2sf) =	vpush @!p1 v8, $0xB  }
0xbe: {  	s0 =	spop @!p1 (v2sf)  }
0xbf: {  	(v2sf) =	vpush @!p1 v8, $0x0;
	s1 =	smulhi.u32 @!p1 $0x66666667, s0;
	s0 =	sshra.s32 @!p1 s0, $0x1F  }
0xc0: {  	s2 =	spop @!p1 (v2sf);
	s0 =	smul.u32 @!p1 $0x66666667, s0  }
0xc1: {  	(v2sf) =	vpush @!p1 v8, $0x1;
	s3 =	smulhi.u32 @!p1 $0x66666667, s2;
	s2 =	sshra.s32 @!p1 s2, $0x1F  }
0xc2: {  	s5 =	spop @!p1 (v2sf);
	(v2sf) =	vpush @!p1 v8, $0x2;
	s2 =	smul.u32 @!p1 $0x66666667, s2  }
0xc3: {  	s7 =	smulhi.u32 @!p1 $0x66666667, s5;
	s5 =	sshra.s32 @!p1 s5, $0x1F;
	(v2sf) =	vpush @!p1 v8, $0x3  }
0xc4: {  	s8 =	spop @!p1 (v2sf);
	s5 =	smul.u32 @!p1 $0x66666667, s5;
	(v2sf) =	vpush @!p1 v8, $0x4  }
0xc5: {  	s10 =	smulhi.u32 @!p1 $0x66666667, s8;
	s8 =	sshra.s32 @!p1 s8, $0x1F;
	(v2sf) =	vpush @!p1 v8, $0x5  }
0xc6: {  	s9 =	spop @!p1 (v2sf);
	s8 =	smul.u32 @!p1 $0x66666667, s8;
	(v2sf) =	vpush @!p1 v8, $0x6  }
0xc7: {  	s11 =	smulhi.u32 @!p1 $0x66666667, s9;
	s9 =	sshra.s32 @!p1 s9, $0x1F;
	(v2sf) =	vpush @!p1 v8, $0x7  }
0xc8: {  	s0 =	sadd.s32 @!p1 s0, s1;
	s1 =	spop @!p1 (v2sf);
	s12 =	smul.u32 @!p1 $0x66666667, s9  }
0xc9: {  	s13 =	sshrl.u32 @!p1 s0, $0x1F;
	s14 =	smulhi.u32 @!p1 $0x66666667, s1;
	s1 =	sshra.s32 @!p1 s1, $0x1F  }
0xca: {  	s9 =	sadd.s32 @!p1 s2, s3;
	s2 =	smul.u32 @!p1 $0x66666667, s1;
	s1 =	spop @!p1 (v2sf)  }
0xcb: {  	s3 =	sshrl.u32 @!p1 s9, $0x1F;
	s15 =	smulhi.u32 @!p1 $0x66666667, s1;
	s16 =	sshra.s32 @!p1 s1, $0x1F  }
0xcc: {  	s1 =	sadd.s32 @!p1 s5, s7;
	s7 =	spop @!p1 (v2sf);
	s5 =	smul.u32 @!p1 $0x66666667, s16  }
0xcd: {  	s16 =	sshrl.u32 @!p1 s1, $0x1F;
	s17 =	smulhi.u32 @!p1 $0x66666667, s7;
	s18 =	sshra.s32 @!p1 s7, $0x1F  }
0xce: {  	s7 =	sadd.s32 @!p1 s8, s10;
	s8 =	smul.u32 @!p1 $0x66666667, s18;
	s10 =	spop @!p1 (v2sf)  }
0xcf: {  	s18 =	sshrl.u32 @!p1 s7, $0x1F;
	s19 =	smulhi.u32 @!p1 $0x66666667, s10;
	s20 =	sshra.s32 @!p1 s10, $0x1F  }
0xd0: {  	s10 =	sadd.s32 @!p1 s12, s11;
	s12 =	spop @!p1 (v2sf);
	s11 =	smul.u32 @!p1 $0x66666667, s20  }
0xd1: {  	s21 =	smulhi.u32 @!p1 $0x66666667, s12;
	s20 =	sshra.s32 @!p1 s12, $0x1F;
	s22 =	spop @!p1 (v2sf)  }
0xd2: {  	s12 =	sadd.s32 @!p1 s2, s14;
	s2 =	smul.u32 @!p1 $0x66666667, s20;
	s14 =	spop @!p1 (v2sf)  }
0xd3: {  	s23 =	smulhi.u32 @!p1 $0x66666667, s22;
	s22 =	sshra.s32 @!p1 s22, $0x1F;
	s24 =	spop @!p1 (v2sf)  }
0xd4: {  	s20 =	sadd.s32 @!p1 s5, s15;
	s5 =	smul.u32 @!p1 $0x66666667, s22;
	s15 =	spop @!p1 (v2sf)  }
0xd5: {  	s25 =	smulhi.u32 @!p1 $0x66666667, s14;
	s14 =	sshra.s32 @!p1 s14, $0x1F;
	s26 =	spop @!p1 (v2sf)  }
0xd6: {  	s22 =	sadd.s32 @!p1 s8, s17;
	s8 =	smul.u32 @!p1 $0x66666667, s14;
	s14 =	spop @!p1 (v2sf)  }
0xd7: {  	s17 =	sadd.s32 @!p1 s11, s19;
	s11 =	smulhi.u32 @!p1 $0x66666667, s14;
	s14 =	sshra.s32 @!p1 s14, $0x1F  }
0xd8: {  	s19 =	sshrl.u32 @!p1 s10, $0x1F;
	s6 =	sshrl.u32 @!p1 s20, $0x1F;
	s14 =	smul.u32 @!p1 $0x66666667, s14  }
0xd9: {  	s2 =	sadd.s32 @!p1 s2, s21;
	s21 =	sshrl.u32 @!p1 s17, $0x1F;
	s5 =	sadd.s32 @!p1 s5, s23  }
0xda: {  	s23 =	smulhi.u32 @!p1 $0x66666667, s24;
	s24 =	sshra.s32 @!p1 s24, $0x1F;
	s11 =	sadd.s32 @!p1 s14, s11  }
0xdb: {  	v10 =	vmov @!p1 s3;
	s4 =	smulhi.u32 @!p1 $0x66666667, s15;
	s8 =	sadd.s32 @!p1 s8, s25;
	s25 =	sshra.s32 @!p1 s11, $0x1F  }
0xdc: {  	v10 =	vsel @!p1 vm11, s13, v10;
	s3 =	sshrl.u32 @!p1 s22, $0x1F;
	s14 =	smul.u32 @!p1 $0x66666667, s24;
	s24 =	sshra.s32 @!p1 s17, $0x8;
	v9 =	vmov @!p1 s25  }
0xdd: {  	v10 =	vsel @!p1 vm9, s16, v10;
	s13 =	sshra.s32 @!p1 s15, $0x1F;
	s15 =	sshrl.u32 @!p1 s5, $0x1F;
	s17 =	sshra.s32 @!p1 s17, $0x1F;
	v9 =	vsel @!p1 vm5, s24, v9  }
0xde: {  	v10 =	vsel @!p1 vm10, s18, v10;
	v11 =	vmov @!p1 s21;
	s13 =	smul.u32 @!p1 $0x66666667, s13;
	s18 =	sshra.s32 @!p1 s26, $0x1F;
	v9 =	vsel @!p1 vm1, s17, v9;
	s17 =	sshra.s32 @!p1 s2, $0x8  }
0xdf: {  	vm6 =	vcmask @!p1 $0x3330;
	v11 =	vnsel @!p1 vm5, $0x0, v11;
	s16 =	sshrl.u32 @!p1 s8, $0x1F;
	s24 =	sshrl.u32 @!p1 s2, $0x1F;
	s2 =	sshra.s32 @!p1 s2, $0x1F;
	v9 =	vsel @!p1 vm11, s17, v9  }
0xe0: {  	vm0 =	vcmask @!p1 $0x2B28;
	s25 =	sshrl.u32 @!p1 s12, $0x1F;
	v11 =	vsel @!p1 vm11, s24, v11;
	s17 =	smulhi.u32 @!p1 $0x66666667, s26;
	v9 =	vsel @!p1 vm2, s2, v9;
	s2 =	sshra.s32 @!p1 s5, $0x8  }
0xe1: {  	s14 =	sadd.s32 @!p1 s14, s23;
	v12 =	vmov @!p1 s25;
	v11 =	vsel @!p1 vm9, s15, v11;
	s15 =	smul.u32 @!p1 $0x66666667, s18;
	v9 =	vsel @!p1 vm9, s2, v9;
	s2 =	sshra.s32 @!p1 s5, $0x1F  }
0xe2: {  	s4 =	sadd.s32 @!p1 s13, s4;
	v12 =	vsel @!p1 vm11, s19, v12;
	v11 =	vsel @!p1 vm10, s16, v11;
	s5 =	sshrl.u32 @!p1 s14, $0x1F;
	v9 =	vsel @!p1 vm7, s2, v9;
	s2 =	sshra.s32 @!p1 s8, $0x8  }
0xe3: {  	v12 =	vsel @!p1 vm9, s6, v12;
	s6 =	sadd.s32 @!p1 s15, s17;
	v11 =	vsel @!p1 vm13, s5, v11;
	s5 =	sshrl.u32 @!p1 s4, $0x1F;
	v9 =	vsel @!p1 vm10, s2, v9;
	s2 =	sshra.s32 @!p1 s8, $0x1F  }
0xe4: {  	v12 =	vsel @!p1 vm10, s3, v12;
	s3 =	sshrl.u32 @!p1 s6, $0x1F;
	v11 =	vsel @!p1 vm0, s5, v11;
	v9 =	vsel @!p1 vm8, s2, v9;
	s2 =	sshra.s32 @!p1 s14, $0x8  }
0xe5: {  	v10 =	vcombine.low @!p1 v12, v10;
	s5 =	sshra.s32 @!p1 s12, $0x8;
	v11 =	vsel @!p1 vm6, s3, v11;
	s3 =	sshra.s32 @!p1 s9, $0x8;
	v9 =	vsel @!p1 vm13, s2, v9;
	s2 =	sshra.s32 @!p1 s14, $0x1F  }
0xe6: {  	s0 =	sshra.s32 @!p1 s0, $0x8;
	v13 =	vmov @!p1 s5;
	v12 =	vmov @!p1 s3;
	s3 =	sshra.s32 @!p1 s10, $0x8;
	v9 =	vsel @!p1 vm12, s2, v9;
	s2 =	sshra.s32 @!p1 s4, $0x8  }
0xe7: {  	v12 =	vsel @!p1 vm11, s0, v12;
	s0 =	sshra.s32 @!p1 s1, $0x8;
	v13 =	vsel @!p1 vm11, s3, v13;
	s1 =	sshra.s32 @!p1 s20, $0x8;
	v9 =	vsel @!p1 vm0, s2, v9;
	s2 =	sshra.s32 @!p1 s4, $0x1F  }
0xe8: {  	v12 =	vsel @!p1 vm9, s0, v12;
	s0 =	sshra.s32 @!p1 s7, $0x8;
	v13 =	vsel @!p1 vm9, s1, v13;
	s1 =	sshra.s32 @!p1 s22, $0x8;
	v9 =	vsel @!p1 vm15, s2, v9;
	s2 =	sshra.s32 @!p1 s6, $0x8  }
0xe9: {  	s3 =	sshrl.u32 @!p1 s11, $0x1F;
	v12 =	vsel @!p1 vm10, s0, v12;
	v13 =	vsel @!p1 vm10, s1, v13;
	s0 =	sshra.s32 @!p1 s6, $0x1F;
	v9 =	vsel @!p1 vm6, s2, v9  }
0xea: {  	v11 =	vsel @!p1 vm3, s3, v11;
	v12 =	vcombine.low @!p1 v13, v12;
	v9 =	vsel @!p1 vm14, s0, v9;
	s0 =	sshra.s32 @!p1 s11, $0x8  }
0xeb: {  	v10 =	vperm.xlane @!p1 v10, v4;
	v11 =	vperm.xlane @!p1 v11, v5;
	v9 =	vsel @!p1 vm3, s0, v9  }
0xec: {  	v12 =	vperm.xlane @!p1 v12, v4;
	v9 =	vperm.xlane @!p1 v9, v5;
	_ =	sdelay $0x1  }
0xed: {  	v10 =	vsel @!p1 vm4, v11, v10;
	v9 =	vsel @!p1 vm4, v9, v12  }
0xee: {  	v9 =	vadd.s32 @!p1 v10, v9  }
0xef: {  	v10 =	vmul.u32 @!p1 $0xFFFFFD80, v9;
	_ =	sdelay $0x1  }
0xf0: {  	v10 =	vadd.s32 @!p1 v8, v10  }
0xf1: {  	vm8 =	vmmov vm0;
	vm0 =	vlt.s32 @!p1 v8, $0x1;
	vm6 =	vne.s32 @!p1 v10, $0x0  }
0xf2: {  	vm0 =	vmand @!p1 vm0, vm6  }
0xf3: {  	v8 =	vsel @!p1 vm0, $0xFFFFFFFF, v7  }
0xf4: {  	vm0 =	vlt.s32 @!p1 v10, $0x0;
	v8 =	vadd.s32 @!p1 v8, v9;
	v9 =	vadd.s32 @!p1 $0x280, v10  }
0xf5: {  	v9 =	vsel @!p1 vm0, v9, v10;
	v10 =	vshrl.u32 @!p1 v8, $0x3  }
0xf6: {  	v10 =	vmul.u32 @!p1 $0x1400, v10;
	v11 =	vshll.u32 @!p1 v9, $0x3  }
0xf7: {  	v8 =	vshll.u32 @!p1 v8, $0x7;
	v11 =	vand.u32 @!p1 $0xFFFFFC00, v11  }
0xf8: {  	v8 =	vand.u32 @!p1 $0x380, v8;
	v10 =	vadd.s32 @!p1 v11, v10  }
0xf9: {  	v9 =	vand.u32 @!p1 $0x7F, v9;
	v8 =	vor.u32 @!p1 v8, v10  }
0xfa: {  	v8 =	vor.u32 @!p1 v9, v8;
	_ =	sdelay $0x4  }
0xfb: {  	[tilespmem:v8+s31+$0x0] =	vst.idx.add.f32.msk @!p1 $0xffff, v6  }
0xfc: {  	v8 =	vld @!p1 [tilespmem:$0xA0];
	_ =	sdelay $0x4  }
0xfd: {  	(v2sf) =	vpush @!p1 v8, $0xD;
	_ =	sdelay $0x1  }
0xfe: {  	(v2sf) =	vpush @!p1 v8, $0xC;
	_ =	sdelay $0x1  }
0xff: {  	(v2sf) =	vpush @!p1 v8, $0xE;
	_ =	sdelay $0x1  }
0x100: {  	(v2sf) =	vpush @!p1 v8, $0xF;
	_ =	sdelay $0x1  }
0x101: {  	(v2sf) =	vpush @!p1 v8, $0x9;
	_ =	sdelay $0x1  }
0x102: {  	(v2sf) =	vpush @!p1 v8, $0x8;
	_ =	sdelay $0x1  }
0x103: {  	(v2sf) =	vpush @!p1 v8, $0xA;
	_ =	sdelay $0x1  }
0x104: {  	(v2sf) =	vpush @!p1 v8, $0xB  }
0x105: {  	s0 =	spop @!p1 (v2sf)  }
0x106: {  	(v2sf) =	vpush @!p1 v8, $0x0;
	s1 =	smulhi.u32 @!p1 $0x66666667, s0;
	s0 =	sshra.s32 @!p1 s0, $0x1F  }
0x107: {  	s2 =	spop @!p1 (v2sf);
	s0 =	smul.u32 @!p1 $0x66666667, s0  }
0x108: {  	(v2sf) =	vpush @!p1 v8, $0x1;
	s3 =	smulhi.u32 @!p1 $0x66666667, s2;
	s2 =	sshra.s32 @!p1 s2, $0x1F  }
0x109: {  	s4 =	spop @!p1 (v2sf);
	(v2sf) =	vpush @!p1 v8, $0x2;
	s2 =	smul.u32 @!p1 $0x66666667, s2  }
0x10a: {  	s5 =	smulhi.u32 @!p1 $0x66666667, s4;
	s4 =	sshra.s32 @!p1 s4, $0x1F;
	(v2sf) =	vpush @!p1 v8, $0x3  }
0x10b: {  	s6 =	spop @!p1 (v2sf);
	s4 =	smul.u32 @!p1 $0x66666667, s4;
	(v2sf) =	vpush @!p1 v8, $0x4  }
0x10c: {  	s7 =	smulhi.u32 @!p1 $0x66666667, s6;
	s6 =	sshra.s32 @!p1 s6, $0x1F;
	(v2sf) =	vpush @!p1 v8, $0x5  }
0x10d: {  	s8 =	spop @!p1 (v2sf);
	s6 =	smul.u32 @!p1 $0x66666667, s6;
	(v2sf) =	vpush @!p1 v8, $0x6  }
0x10e: {  	s10 =	smulhi.u32 @!p1 $0x66666667, s8;
	s8 =	sshra.s32 @!p1 s8, $0x1F;
	(v2sf) =	vpush @!p1 v8, $0x7  }
0x10f: {  	s0 =	sadd.s32 @!p1 s0, s1;
	s1 =	spop @!p1 (v2sf);
	s8 =	smul.u32 @!p1 $0x66666667, s8  }
0x110: {  	s13 =	sshrl.u32 @!p1 s0, $0x1F;
	s11 =	smulhi.u32 @!p1 $0x66666667, s1;
	s1 =	sshra.s32 @!p1 s1, $0x1F  }
0x111: {  	s9 =	sadd.s32 @!p1 s2, s3;
	s2 =	smul.u32 @!p1 $0x66666667, s1;
	s1 =	spop @!p1 (v2sf)  }
0x112: {  	s3 =	sshrl.u32 @!p1 s9, $0x1F;
	s14 =	smulhi.u32 @!p1 $0x66666667, s1;
	s12 =	sshra.s32 @!p1 s1, $0x1F  }
0x113: {  	s1 =	sadd.s32 @!p1 s4, s5;
	s5 =	spop @!p1 (v2sf);
	s4 =	smul.u32 @!p1 $0x66666667, s12  }
0x114: {  	s7 =	sadd.s32 @!p1 s6, s7;
	s16 =	smulhi.u32 @!p1 $0x66666667, s5;
	s5 =	sshra.s32 @!p1 s5, $0x1F  }
0x115: {  	s17 =	sshrl.u32 @!p1 s7, $0x1F;
	s5 =	smul.u32 @!p1 $0x66666667, s5;
	s6 =	spop @!p1 (v2sf)  }
0x116: {  	s10 =	sadd.s32 @!p1 s8, s10;
	s18 =	smulhi.u32 @!p1 $0x66666667, s6;
	s6 =	sshra.s32 @!p1 s6, $0x1F  }
0x117: {  	s15 =	sshrl.u32 @!p1 s1, $0x1F;
	s8 =	spop @!p1 (v2sf);
	s6 =	smul.u32 @!p1 $0x66666667, s6  }
0x118: {  	s19 =	smulhi.u32 @!p1 $0x66666667, s8;
	s8 =	sshra.s32 @!p1 s8, $0x1F;
	s20 =	spop @!p1 (v2sf)  }
0x119: {  	s12 =	sadd.s32 @!p1 s2, s11;
	s2 =	smul.u32 @!p1 $0x66666667, s8;
	s8 =	spop @!p1 (v2sf)  }
0x11a: {  	s11 =	smulhi.u32 @!p1 $0x66666667, s20;
	s21 =	sshra.s32 @!p1 s20, $0x1F;
	s23 =	spop @!p1 (v2sf)  }
0x11b: {  	s20 =	sadd.s32 @!p1 s4, s14;
	s4 =	smul.u32 @!p1 $0x66666667, s21;
	s14 =	spop @!p1 (v2sf)  }
0x11c: {  	s21 =	smulhi.u32 @!p1 $0x66666667, s8;
	s8 =	sshra.s32 @!p1 s8, $0x1F;
	s24 =	spop @!p1 (v2sf)  }
0x11d: {  	s22 =	sadd.s32 @!p1 s5, s16;
	s5 =	smul.u32 @!p1 $0x66666667, s8;
	s8 =	spop @!p1 (v2sf)  }
0x11e: {  	v10 =	vmov @!p1 s3;
	s3 =	sshrl.u32 @!p1 s22, $0x1F;
	s16 =	smulhi.u32 @!p1 $0x66666667, s8;
	s8 =	sshra.s32 @!p1 s8, $0x1F  }
0x11f: {  	s6 =	sadd.s32 @!p1 s6, s18;
	s18 =	sshrl.u32 @!p1 s10, $0x1F;
	s8 =	smul.u32 @!p1 $0x66666667, s8  }
0x120: {  	s25 =	sshrl.u32 @!p1 s20, $0x1F;
	s4 =	sadd.s32 @!p1 s4, s11;
	s5 =	sadd.s32 @!p1 s5, s21  }
0x121: {  	s21 =	smulhi.u32 @!p1 $0x66666667, s23;
	s23 =	sshra.s32 @!p1 s23, $0x1F;
	s11 =	sadd.s32 @!p1 s8, s16  }
0x122: {  	vm7 =	vcmask @!p1 $0x1F1C;
	vm3 =	vmmov vm1;
	s2 =	sadd.s32 @!p1 s2, s19;
	s8 =	smul.u32 @!p1 $0x66666667, s23;
	s23 =	sshra.s32 @!p1 s11, $0x1F  }
0x123: {  	vm0 =	vcmask @!p1 $0x3B38;
	v10 =	vsel @!p1 vm11, s13, v10;
	s19 =	sshrl.u32 @!p1 s6, $0x1F;
	s26 =	smulhi.u32 @!p1 $0x66666667, s14;
	s16 =	sshra.s32 @!p1 s6, $0x8;
	v9 =	vmov @!p1 s23  }
0x124: {  	v10 =	vsel @!p1 vm9, s15, v10;
	v11 =	vmov @!p1 s19;
	s13 =	sshrl.u32 @!p1 s4, $0x1F;
	s15 =	smulhi.u32 @!p1 $0x66666667, s24;
	s6 =	sshra.s32 @!p1 s6, $0x1F;
	v9 =	vsel @!p1 vm5, s16, v9  }
0x125: {  	v10 =	vsel @!p1 vm10, s17, v10;
	v11 =	vnsel @!p1 vm5, $0x0, v11;
	s23 =	sshrl.u32 @!p1 s12, $0x1F;
	v9 =	vsel @!p1 vm1, s6, v9;
	s6 =	sshra.s32 @!p1 s14, $0x1F;
	s14 =	sshra.s32 @!p1 s2, $0x8  }
0x126: {  	s8 =	sadd.s32 @!p1 s8, s21;
	s16 =	sshrl.u32 @!p1 s2, $0x1F;
	vm5 =	vmmov vm2;
	v12 =	vmov @!p1 s23;
	s2 =	sshra.s32 @!p1 s2, $0x1F;
	v9 =	vsel @!p1 vm11, s14, v9  }
0x127: {  	v11 =	vsel @!p1 vm11, s16, v11;
	s16 =	sshra.s32 @!p1 s24, $0x1F;
	v12 =	vsel @!p1 vm11, s18, v12;
	s6 =	smul.u32 @!p1 $0x66666667, s6;
	v9 =	vsel @!p1 vm2, s2, v9;
	s2 =	sshra.s32 @!p1 s4, $0x8  }
0x128: {  	s14 =	sshrl.u32 @!p1 s5, $0x1F;
	v11 =	vsel @!p1 vm9, s13, v11;
	s13 =	smul.u32 @!p1 $0x66666667, s16;
	vm2 =	vcmask @!p1 $0x1714;
	v9 =	vsel @!p1 vm9, s2, v9;
	s2 =	sshra.s32 @!p1 s4, $0x1F  }
0x129: {  	vm1 =	vcmask @!p1 $0x3330;
	v11 =	vsel @!p1 vm10, s14, v11;
	s4 =	sshrl.u32 @!p1 s8, $0x1F;
	s6 =	sadd.s32 @!p1 s6, s26;
	v9 =	vsel @!p1 vm2, s2, v9;
	s2 =	sshra.s32 @!p1 s5, $0x8  }
0x12a: {  	v12 =	vsel @!p1 vm9, s25, v12;
	s13 =	sadd.s32 @!p1 s13, s15;
	v11 =	vsel @!p1 vm13, s4, v11;
	s4 =	sshrl.u32 @!p1 s6, $0x1F;
	v9 =	vsel @!p1 vm10, s2, v9;
	s2 =	sshra.s32 @!p1 s5, $0x1F  }
0x12b: {  	v12 =	vsel @!p1 vm10, s3, v12;
	s3 =	sshrl.u32 @!p1 s13, $0x1F;
	v11 =	vsel @!p1 vm8, s4, v11;
	v9 =	vsel @!p1 vm7, s2, v9;
	s2 =	sshra.s32 @!p1 s8, $0x8  }
0x12c: {  	v10 =	vcombine.low @!p1 v12, v10;
	s4 =	sshra.s32 @!p1 s12, $0x8;
	v11 =	vsel @!p1 vm1, s3, v11;
	s3 =	sshra.s32 @!p1 s9, $0x8;
	v9 =	vsel @!p1 vm13, s2, v9;
	s2 =	sshra.s32 @!p1 s8, $0x1F  }
0x12d: {  	s0 =	sshra.s32 @!p1 s0, $0x8;
	v13 =	vmov @!p1 s4;
	v12 =	vmov @!p1 s3;
	s3 =	sshra.s32 @!p1 s10, $0x8;
	v9 =	vsel @!p1 vm12, s2, v9;
	s2 =	sshra.s32 @!p1 s6, $0x8  }
0x12e: {  	v12 =	vsel @!p1 vm11, s0, v12;
	s0 =	sshra.s32 @!p1 s1, $0x8;
	v13 =	vsel @!p1 vm11, s3, v13;
	s1 =	sshra.s32 @!p1 s20, $0x8;
	v9 =	vsel @!p1 vm8, s2, v9;
	s2 =	sshra.s32 @!p1 s6, $0x1F  }
0x12f: {  	v12 =	vsel @!p1 vm9, s0, v12;
	s0 =	sshra.s32 @!p1 s7, $0x8;
	v13 =	vsel @!p1 vm9, s1, v13;
	s1 =	sshra.s32 @!p1 s22, $0x8;
	v9 =	vsel @!p1 vm15, s2, v9;
	s2 =	sshra.s32 @!p1 s13, $0x8  }
0x130: {  	s3 =	sshrl.u32 @!p1 s11, $0x1F;
	v12 =	vsel @!p1 vm10, s0, v12;
	v13 =	vsel @!p1 vm10, s1, v13;
	s0 =	sshra.s32 @!p1 s13, $0x1F;
	v9 =	vsel @!p1 vm1, s2, v9  }
0x131: {  	v11 =	vsel @!p1 vm0, s3, v11;
	v12 =	vcombine.low @!p1 v13, v12;
	v9 =	vsel @!p1 vm14, s0, v9;
	s0 =	sshra.s32 @!p1 s11, $0x8  }
0x132: {  	v10 =	vperm.xlane @!p1 v10, v4;
	v11 =	vperm.xlane @!p1 v11, v5;
	v9 =	vsel @!p1 vm0, s0, v9  }
0x133: {  	v12 =	vperm.xlane @!p1 v12, v4;
	v9 =	vperm.xlane @!p1 v9, v5;
	_ =	sdelay $0x1  }
0x134: {  	v10 =	vsel @!p1 vm4, v11, v10;
	v9 =	vsel @!p1 vm4, v9, v12  }
0x135: {  	v9 =	vadd.s32 @!p1 v10, v9  }
0x136: {  	v10 =	vmul.u32 @!p1 $0xFFFFFD80, v9;
	_ =	sdelay $0x1  }
0x137: {  	v10 =	vadd.s32 @!p1 v8, v10  }
0x138: {  	vm0 =	vlt.s32 @!p1 v8, $0x1;
	vm6 =	vne.s32 @!p1 v10, $0x0  }
0x139: {  	vm0 =	vmand @!p1 vm0, vm6  }
0x13a: {  	v8 =	vsel @!p1 vm0, $0xFFFFFFFF, v7  }
0x13b: {  	vm0 =	vlt.s32 @!p1 v10, $0x0;
	v8 =	vadd.s32 @!p1 v8, v9;
	v9 =	vadd.s32 @!p1 $0x280, v10  }
0x13c: {  	v9 =	vsel @!p1 vm0, v9, v10;
	v10 =	vshrl.u32 @!p1 v8, $0x3  }
0x13d: {  	v10 =	vmul.u32 @!p1 $0x1400, v10;
	v11 =	vshll.u32 @!p1 v9, $0x3  }
0x13e: {  	v8 =	vshll.u32 @!p1 v8, $0x7;
	v11 =	vand.u32 @!p1 $0xFFFFFC00, v11  }
0x13f: {  	v8 =	vand.u32 @!p1 $0x380, v8;
	v10 =	vadd.s32 @!p1 v11, v10  }
0x140: {  	v9 =	vand.u32 @!p1 $0x7F, v9;
	v8 =	vor.u32 @!p1 v8, v10  }
0x141: {  	v8 =	vor.u32 @!p1 v9, v8;
	_ =	sdelay $0x4  }
0x142: {  	[tilespmem:v8+s31+$0x0] =	vst.idx.add.f32.msk @!p1 $0xffff, v6  }
0x143: {  	v8 =	vld @!p1 [tilespmem:$0xB0];
	_ =	sdelay $0x4  }
0x144: {  	(v2sf) =	vpush @!p1 v8, $0xD;
	_ =	sdelay $0x1  }
0x145: {  	(v2sf) =	vpush @!p1 v8, $0xC;
	_ =	sdelay $0x1  }
0x146: {  	(v2sf) =	vpush @!p1 v8, $0xE;
	_ =	sdelay $0x1  }
0x147: {  	(v2sf) =	vpush @!p1 v8, $0xF;
	_ =	sdelay $0x1  }
0x148: {  	(v2sf) =	vpush @!p1 v8, $0x9  }
0x149: {  	(v2sf) =	vpush @!p1 v8, $0x8;
	_ =	sdelay $0x2  }
0x14a: {  	(v2sf) =	vpush @!p1 v8, $0xA;
	_ =	sdelay $0x1  }
0x14b: {  	(v2sf) =	vpush @!p1 v8, $0xB  }
0x14c: {  	s0 =	spop @!p1 (v2sf)  }
0x14d: {  	(v2sf) =	vpush @!p1 v8, $0x0;
	s1 =	smulhi.u32 @!p1 $0x66666667, s0;
	s0 =	sshra.s32 @!p1 s0, $0x1F  }
0x14e: {  	s2 =	spop @!p1 (v2sf);
	s0 =	smul.u32 @!p1 $0x66666667, s0  }
0x14f: {  	(v2sf) =	vpush @!p1 v8, $0x1;
	s3 =	smulhi.u32 @!p1 $0x66666667, s2;
	s2 =	sshra.s32 @!p1 s2, $0x1F  }
0x150: {  	s4 =	spop @!p1 (v2sf);
	(v2sf) =	vpush @!p1 v8, $0x2;
	s2 =	smul.u32 @!p1 $0x66666667, s2  }
0x151: {  	s5 =	smulhi.u32 @!p1 $0x66666667, s4;
	s4 =	sshra.s32 @!p1 s4, $0x1F;
	(v2sf) =	vpush @!p1 v8, $0x3  }
0x152: {  	s6 =	spop @!p1 (v2sf);
	s4 =	smul.u32 @!p1 $0x66666667, s4;
	(v2sf) =	vpush @!p1 v8, $0x4  }
0x153: {  	s7 =	smulhi.u32 @!p1 $0x66666667, s6;
	s6 =	sshra.s32 @!p1 s6, $0x1F;
	(v2sf) =	vpush @!p1 v8, $0x5  }
0x154: {  	s8 =	spop @!p1 (v2sf);
	s0 =	sadd.s32 @!p1 s0, s1;
	s6 =	smul.u32 @!p1 $0x66666667, s6;
	(v2sf) =	vpush @!p1 v8, $0x6  }
0x155: {  	s10 =	smulhi.u32 @!p1 $0x66666667, s8;
	s8 =	sshra.s32 @!p1 s8, $0x1F;
	s1 =	spop @!p1 (v2sf);
	(v2sf) =	vpush @!p1 v8, $0x7  }
0x156: {  	s13 =	sshrl.u32 @!p1 s0, $0x1F;
	s9 =	sadd.s32 @!p1 s2, s3;
	s8 =	smul.u32 @!p1 $0x66666667, s8  }
0x157: {  	s11 =	smulhi.u32 @!p1 $0x66666667, s1;
	s1 =	sshra.s32 @!p1 s1, $0x1F;
	s3 =	sshrl.u32 @!p1 s9, $0x1F  }
0x158: {  	s2 =	smul.u32 @!p1 $0x66666667, s1;
	s1 =	spop @!p1 (v2sf);
	s7 =	sadd.s32 @!p1 s6, s7  }
0x159: {  	s14 =	smulhi.u32 @!p1 $0x66666667, s1;
	s12 =	sshra.s32 @!p1 s1, $0x1F;
	s1 =	sadd.s32 @!p1 s4, s5  }
0x15a: {  	s5 =	spop @!p1 (v2sf);
	s17 =	sshrl.u32 @!p1 s7, $0x1F;
	s4 =	smul.u32 @!p1 $0x66666667, s12  }
0x15b: {  	s10 =	sadd.s32 @!p1 s8, s10;
	s16 =	smulhi.u32 @!p1 $0x66666667, s5;
	s5 =	sshra.s32 @!p1 s5, $0x1F  }
0x15c: {  	s15 =	sshrl.u32 @!p1 s1, $0x1F;
	s5 =	smul.u32 @!p1 $0x66666667, s5;
	s6 =	spop @!p1 (v2sf)  }
0x15d: {  	s12 =	sadd.s32 @!p1 s2, s11;
	s18 =	smulhi.u32 @!p1 $0x66666667, s6;
	s6 =	sshra.s32 @!p1 s6, $0x1F  }
0x15e: {  	s22 =	sadd.s32 @!p1 s5, s16;
	s8 =	spop @!p1 (v2sf);
	s6 =	smul.u32 @!p1 $0x66666667, s6  }
0x15f: {  	s19 =	smulhi.u32 @!p1 $0x66666667, s8;
	s8 =	sshra.s32 @!p1 s8, $0x1F;
	s20 =	spop @!p1 (v2sf)  }
0x160: {  	v10 =	vmov @!p1 s3;
	s3 =	sshrl.u32 @!p1 s22, $0x1F;
	s2 =	smul.u32 @!p1 $0x66666667, s8;
	s8 =	spop @!p1 (v2sf)  }
0x161: {  	s11 =	smulhi.u32 @!p1 $0x66666667, s20;
	s21 =	sshra.s32 @!p1 s20, $0x1F;
	s23 =	spop @!p1 (v2sf)  }
0x162: {  	s20 =	sadd.s32 @!p1 s4, s14;
	s4 =	smul.u32 @!p1 $0x66666667, s21;
	s14 =	spop @!p1 (v2sf)  }
0x163: {  	s21 =	smulhi.u32 @!p1 $0x66666667, s8;
	s8 =	sshra.s32 @!p1 s8, $0x1F;
	s24 =	spop @!p1 (v2sf)  }
0x164: {  	s6 =	sadd.s32 @!p1 s6, s18;
	s5 =	smul.u32 @!p1 $0x66666667, s8;
	s8 =	spop @!p1 (v2sf)  }
0x165: {  	s18 =	sshrl.u32 @!p1 s10, $0x1F;
	s16 =	smulhi.u32 @!p1 $0x66666667, s8;
	s8 =	sshra.s32 @!p1 s8, $0x1F  }
0x166: {  	s25 =	sshrl.u32 @!p1 s20, $0x1F;
	s2 =	sadd.s32 @!p1 s2, s19;
	s8 =	smul.u32 @!p1 $0x66666667, s8  }
0x167: {  	s4 =	sadd.s32 @!p1 s4, s11;
	s26 =	smulhi.u32 @!p1 $0x66666667, s14;
	s5 =	sadd.s32 @!p1 s5, s21  }
0x168: {  	vm12 =	vmmov vm14;
	s21 =	smulhi.u32 @!p1 $0x66666667, s23;
	s23 =	sshra.s32 @!p1 s23, $0x1F;
	s11 =	sadd.s32 @!p1 s8, s16  }
0x169: {  	vm15 =	vmmov vm2;
	vm14 =	vcmask @!p1 $0x300;
	v10 =	vsel @!p1 vm11, s13, v10;
	s19 =	sshrl.u32 @!p1 s6, $0x1F;
	s8 =	smul.u32 @!p1 $0x66666667, s23;
	s23 =	sshra.s32 @!p1 s11, $0x1F  }
0x16a: {  	v10 =	vsel @!p1 vm9, s15, v10;
	v11 =	vmov @!p1 s19;
	s13 =	sshrl.u32 @!p1 s4, $0x1F;
	s15 =	smulhi.u32 @!p1 $0x66666667, s24;
	s16 =	sshra.s32 @!p1 s6, $0x8;
	v9 =	vmov @!p1 s23  }
0x16b: {  	v10 =	vsel @!p1 vm10, s17, v10;
	v11 =	vnsel @!p1 vm14, $0x0, v11;
	s6 =	sshra.s32 @!p1 s6, $0x1F;
	s23 =	sshrl.u32 @!p1 s12, $0x1F;
	v9 =	vsel @!p1 vm14, s16, v9;
	s16 =	sshrl.u32 @!p1 s2, $0x1F  }
0x16c: {  	s8 =	sadd.s32 @!p1 s8, s21;
	v12 =	vmov @!p1 s23;
	v9 =	vsel @!p1 vm3, s6, v9;
	s6 =	sshra.s32 @!p1 s14, $0x1F;
	s14 =	sshra.s32 @!p1 s2, $0x8;
	v11 =	vsel @!p1 vm11, s16, v11  }
0x16d: {  	s2 =	sshra.s32 @!p1 s2, $0x1F;
	s16 =	sshra.s32 @!p1 s24, $0x1F;
	v12 =	vsel @!p1 vm11, s18, v12;
	vm3 =	vcmask @!p1 $0x2F2C;
	v9 =	vsel @!p1 vm11, s14, v9;
	s6 =	smul.u32 @!p1 $0x66666667, s6  }
0x16e: {  	s14 =	sshrl.u32 @!p1 s5, $0x1F;
	v11 =	vsel @!p1 vm9, s13, v11;
	s13 =	smul.u32 @!p1 $0x66666667, s16;
	v12 =	vsel @!p1 vm9, s25, v12;
	v9 =	vsel @!p1 vm5, s2, v9;
	s2 =	sshra.s32 @!p1 s4, $0x8  }
0x16f: {  	v11 =	vsel @!p1 vm10, s14, v11;
	v12 =	vsel @!p1 vm10, s3, v12;
	v9 =	vsel @!p1 vm9, s2, v9;
	s2 =	sshra.s32 @!p1 s4, $0x1F;
	s4 =	sshrl.u32 @!p1 s8, $0x1F;
	s6 =	sadd.s32 @!p1 s6, s26  }
0x170: {  	vm5 =	vmmov vm13;
	s13 =	sadd.s32 @!p1 s13, s15;
	v9 =	vsel @!p1 vm2, s2, v9;
	s2 =	sshra.s32 @!p1 s5, $0x8;
	v11 =	vsel @!p1 vm13, s4, v11;
	s4 =	sshrl.u32 @!p1 s6, $0x1F  }
0x171: {  	v10 =	vcombine.low @!p1 v12, v10;
	s3 =	sshrl.u32 @!p1 s13, $0x1F;
	v9 =	vsel @!p1 vm10, s2, v9;
	s2 =	sshra.s32 @!p1 s5, $0x1F;
	v11 =	vsel @!p1 vm8, s4, v11  }
0x172: {  	vm2 =	vcmask @!p1 $0x2724;
	s4 =	sshra.s32 @!p1 s12, $0x8;
	v9 =	vsel @!p1 vm7, s2, v9;
	s2 =	sshra.s32 @!p1 s8, $0x8;
	v11 =	vsel @!p1 vm1, s3, v11;
	s3 =	sshra.s32 @!p1 s9, $0x8  }
0x173: {  	s0 =	sshra.s32 @!p1 s0, $0x8;
	v13 =	vmov @!p1 s4;
	v9 =	vsel @!p1 vm13, s2, v9;
	s2 =	sshra.s32 @!p1 s8, $0x1F;
	v12 =	vmov @!p1 s3  }
0x174: {  	s3 =	sshra.s32 @!p1 s10, $0x8;
	vm13 =	vmmov vm1;
	v9 =	vsel @!p1 vm2, s2, v9;
	s2 =	sshra.s32 @!p1 s6, $0x8;
	v12 =	vsel @!p1 vm11, s0, v12;
	s0 =	sshra.s32 @!p1 s1, $0x8  }
0x175: {  	v13 =	vsel @!p1 vm11, s3, v13;
	s1 =	sshra.s32 @!p1 s20, $0x8;
	v9 =	vsel @!p1 vm8, s2, v9;
	s2 =	sshra.s32 @!p1 s6, $0x1F;
	v12 =	vsel @!p1 vm9, s0, v12;
	s0 =	sshra.s32 @!p1 s7, $0x8  }
0x176: {  	v13 =	vsel @!p1 vm9, s1, v13;
	s1 =	sshra.s32 @!p1 s22, $0x8;
	v9 =	vsel @!p1 vm3, s2, v9;
	s2 =	sshra.s32 @!p1 s13, $0x8;
	v12 =	vsel @!p1 vm10, s0, v12  }
0x177: {  	s3 =	sshrl.u32 @!p1 s11, $0x1F;
	v13 =	vsel @!p1 vm10, s1, v13;
	s0 =	sshra.s32 @!p1 s13, $0x1F;
	v9 =	vsel @!p1 vm1, s2, v9;
	vm1 =	vcmask @!p1 $0x3B38  }
0x178: {  	v12 =	vcombine.low @!p1 v13, v12;
	v11 =	vsel @!p1 vm1, s3, v11;
	v9 =	vsel @!p1 vm12, s0, v9;
	s0 =	sshra.s32 @!p1 s11, $0x8  }
0x179: {  	v10 =	vperm.xlane @!p1 v10, v4;
	v11 =	vperm.xlane @!p1 v11, v5;
	v9 =	vsel @!p1 vm1, s0, v9  }
0x17a: {  	v12 =	vperm.xlane @!p1 v12, v4;
	v9 =	vperm.xlane @!p1 v9, v5;
	_ =	sdelay $0x1  }
0x17b: {  	v10 =	vsel @!p1 vm4, v11, v10;
	v9 =	vsel @!p1 vm4, v9, v12  }
0x17c: {  	v9 =	vadd.s32 @!p1 v10, v9  }
0x17d: {  	v10 =	vmul.u32 @!p1 $0xFFFFFD80, v9;
	_ =	sdelay $0x1  }
0x17e: {  	v10 =	vadd.s32 @!p1 v8, v10  }
0x17f: {  	vm0 =	vlt.s32 @!p1 v8, $0x1;
	vm6 =	vne.s32 @!p1 v10, $0x0  }
0x180: {  	vm0 =	vmand @!p1 vm0, vm6  }
0x181: {  	v8 =	vsel @!p1 vm0, $0xFFFFFFFF, v7  }
0x182: {  	vm0 =	vlt.s32 @!p1 v10, $0x0;
	v8 =	vadd.s32 @!p1 v8, v9;
	v9 =	vadd.s32 @!p1 $0x280, v10  }
0x183: {  	v9 =	vsel @!p1 vm0, v9, v10;
	v10 =	vshrl.u32 @!p1 v8, $0x3  }
0x184: {  	v10 =	vmul.u32 @!p1 $0x1400, v10;
	v11 =	vshll.u32 @!p1 v9, $0x3  }
0x185: {  	v8 =	vshll.u32 @!p1 v8, $0x7;
	v11 =	vand.u32 @!p1 $0xFFFFFC00, v11  }
0x186: {  	v8 =	vand.u32 @!p1 $0x380, v8;
	v10 =	vadd.s32 @!p1 v11, v10  }
0x187: {  	v9 =	vand.u32 @!p1 $0x7F, v9;
	v8 =	vor.u32 @!p1 v8, v10  }
0x188: {  	v8 =	vor.u32 @!p1 v9, v8;
	_ =	sdelay $0x4  }
0x189: {  	[tilespmem:v8+s31+$0x0] =	vst.idx.add.f32.msk @!p1 $0xffff, v6  }
0x18a: {  	v8 =	vld @!p1 [tilespmem:$0xC0];
	_ =	sdelay $0x4  }
0x18b: {  	(v2sf) =	vpush @!p1 v8, $0xD;
	_ =	sdelay $0x1  }
0x18c: {  	(v2sf) =	vpush @!p1 v8, $0xC;
	_ =	sdelay $0x1  }
0x18d: {  	(v2sf) =	vpush @!p1 v8, $0xE;
	_ =	sdelay $0x1  }
0x18e: {  	(v2sf) =	vpush @!p1 v8, $0xF;
	_ =	sdelay $0x1  }
0x18f: {  	(v2sf) =	vpush @!p1 v8, $0x9;
	_ =	sdelay $0x1  }
0x190: {  	(v2sf) =	vpush @!p1 v8, $0x8  }
0x191: {  	(v2sf) =	vpush @!p1 v8, $0xA  }
0x192: {  	(v2sf) =	vpush @!p1 v8, $0xB  }
0x193: {  	(v2sf) =	vpush @!p1 v8, $0x0  }
0x194: {  	(v2sf) =	vpush @!p1 v8, $0x1  }
0x195: {  	(v2sf) =	vpush @!p1 v8, $0x2;
	s0 =	spop @!p1 (v2sf)  }
0x196: {  	(v2sf) =	vpush @!p1 v8, $0x3;
	s1 =	smulhi.u32 @!p1 $0x66666667, s0;
	s0 =	sshra.s32 @!p1 s0, $0x1F  }
0x197: {  	(v2sf) =	vpush @!p1 v8, $0x4;
	s2 =	spop @!p1 (v2sf);
	s0 =	smul.u32 @!p1 $0x66666667, s0  }
0x198: {  	(v2sf) =	vpush @!p1 v8, $0x5;
	s4 =	smulhi.u32 @!p1 $0x66666667, s2;
	s2 =	sshra.s32 @!p1 s2, $0x1F  }
0x199: {  	(v2sf) =	vpush @!p1 v8, $0x6;
	s3 =	spop @!p1 (v2sf);
	s2 =	smul.u32 @!p1 $0x66666667, s2  }
0x19a: {  	(v2sf) =	vpush @!p1 v8, $0x7;
	s8 =	smulhi.u32 @!p1 $0x66666667, s3;
	s3 =	sshra.s32 @!p1 s3, $0x1F  }
0x19b: {  	s5 =	spop @!p1 (v2sf);
	s3 =	smul.u32 @!p1 $0x66666667, s3  }
0x19c: {  	s11 =	smulhi.u32 @!p1 $0x66666667, s5;
	s5 =	sshra.s32 @!p1 s5, $0x1F  }
0x19d: {  	s6 =	spop @!p1 (v2sf);
	s5 =	smul.u32 @!p1 $0x66666667, s5  }
0x19e: {  	s17 =	smulhi.u32 @!p1 $0x66666667, s6;
	s6 =	sshra.s32 @!p1 s6, $0x1F  }
0x19f: {  	s10 =	sadd.s32 @!p1 s0, s1;
	s7 =	spop @!p1 (v2sf);
	s6 =	smul.u32 @!p1 $0x66666667, s6  }
0x1a0: {  	s9 =	spop @!p1 (v2sf);
	s20 =	smulhi.u32 @!p1 $0x66666667, s7;
	s7 =	sshra.s32 @!p1 s7, $0x1F  }
0x1a1: {  	s13 =	sadd.s32 @!p1 s2, s4;
	s12 =	spop @!p1 (v2sf);
	s23 =	smul.u32 @!p1 $0x66666667, s7  }
0x1a2: {  	s25 =	smulhi.u32 @!p1 $0x66666667, s9;
	s7 =	sshra.s32 @!p1 s9, $0x1F;
	s15 =	spop @!p1 (v2sf)  }
0x1a3: {  	s9 =	sadd.s32 @!p1 s3, s8;
	s0 =	smul.u32 @!p1 $0x66666667, s7;
	s18 =	spop @!p1 (v2sf)  }
0x1a4: {  	s26 =	smulhi.u32 @!p1 $0x66666667, s12;
	s22 =	sadd.s32 @!p1 s6, s17;
	s19 =	spop @!p1 (v2sf)  }
0x1a5: {  	s17 =	sshra.s32 @!p1 s12, $0x1F;
	s2 =	smulhi.u32 @!p1 $0x66666667, s15;
	s21 =	spop @!p1 (v2sf)  }
0x1a6: {  	s1 =	sshra.s32 @!p1 s15, $0x1F;
	s17 =	smul.u32 @!p1 $0x66666667, s17;
	s24 =	spop @!p1 (v2sf)  }
0x1a7: {  	s3 =	smul.u32 @!p1 $0x66666667, s1;
	s1 =	sadd.s32 @!p1 s5, s11;
	s14 =	spop @!p1 (v2sf)  }
0x1a8: {  	s5 =	smulhi.u32 @!p1 $0x66666667, s18;
	s8 =	sshra.s32 @!p1 s18, $0x1F;
	s7 =	spop @!p1 (v2sf)  }
0x1a9: {  	s6 =	smul.u32 @!p1 $0x66666667, s8;
	s8 =	spop @!p1 (v2sf)  }
0x1aa: {  	s16 =	sshrl.u32 @!p1 s10, $0x1F;
	s15 =	smulhi.u32 @!p1 $0x66666667, s8;
	s8 =	sshra.s32 @!p1 s8, $0x1F  }
0x1ab: {  	s4 =	sshrl.u32 @!p1 s13, $0x1F;
	s18 =	sadd.s32 @!p1 s23, s20;
	s8 =	smul.u32 @!p1 $0x66666667, s8  }
0x1ac: {  	s20 =	sshrl.u32 @!p1 s9, $0x1F;
	s12 =	sadd.s32 @!p1 s0, s25;
	s11 =	sshrl.u32 @!p1 s1, $0x1F  }
0x1ad: {  	s2 =	sadd.s32 @!p1 s3, s2;
	s3 =	sadd.s32 @!p1 s6, s5;
	s0 =	sadd.s32 @!p1 s8, s15  }
0x1ae: {  	s5 =	smulhi.u32 @!p1 $0x66666667, s19;
	s6 =	sshra.s32 @!p1 s19, $0x1F;
	s8 =	sshra.s32 @!p1 s0, $0x1F  }
0x1af: {  	s19 =	sshrl.u32 @!p1 s22, $0x1F;
	s6 =	smul.u32 @!p1 $0x66666667, s6;
	v9 =	vmov @!p1 s8;
	s8 =	sshra.s32 @!p1 s2, $0x8  }
0x1b0: {  	vm0 =	vcmask @!p1 $0x704;
	s15 =	sshra.s32 @!p1 s2, $0x1F;
	v9 =	vsel @!p1 vm14, s8, v9;
	s8 =	smulhi.u32 @!p1 $0x66666667, s21;
	s21 =	sshra.s32 @!p1 s21, $0x1F  }
0x1b1: {  	v9 =	vsel @!p1 vm0, s15, v9;
	s15 =	sadd.s32 @!p1 s17, s26;
	s17 =	smul.u32 @!p1 $0x66666667, s21;
	s21 =	sshra.s32 @!p1 s3, $0x8  }
0x1b2: {  	s23 =	sshra.s32 @!p1 s24, $0x1F;
	s5 =	sadd.s32 @!p1 s6, s5;
	vm0 =	vcmask @!p1 $0xF0C;
	v9 =	vsel @!p1 vm11, s21, v9;
	s21 =	sshra.s32 @!p1 s3, $0x1F  }
0x1b3: {  	s23 =	smul.u32 @!p1 $0x66666667, s23;
	v9 =	vsel @!p1 vm0, s21, v9;
	s8 =	sadd.s32 @!p1 s17, s8;
	s17 =	sshra.s32 @!p1 s5, $0x8  }
0x1b4: {  	s2 =	sshrl.u32 @!p1 s2, $0x1F;
	v9 =	vsel @!p1 vm9, s17, v9;
	s17 =	smulhi.u32 @!p1 $0x66666667, s24;
	s24 =	sshra.s32 @!p1 s5, $0x1F  }
0x1b5: {  	s6 =	sshrl.u32 @!p1 s18, $0x1F;
	v10 =	vmov @!p1 s2;
	s2 =	sshrl.u32 @!p1 s3, $0x1F;
	v9 =	vsel @!p1 vm15, s24, v9;
	s24 =	sshra.s32 @!p1 s8, $0x8  }
0x1b6: {  	v10 =	vnsel @!p1 vm14, $0x0, v10;
	s3 =	sshrl.u32 @!p1 s5, $0x1F;
	s21 =	sshrl.u32 @!p1 s12, $0x1F;
	s5 =	sshra.s32 @!p1 s8, $0x1F;
	v9 =	vsel @!p1 vm10, s24, v9  }
0x1b7: {  	v11 =	vmov @!p1 s4;
	v10 =	vsel @!p1 vm11, s2, v10;
	s2 =	sshrl.u32 @!p1 s8, $0x1F;
	v9 =	vsel @!p1 vm7, s5, v9;
	s5 =	smulhi.u32 @!p1 $0x66666667, s14;
	s14 =	sshra.s32 @!p1 s14, $0x1F  }
0x1b8: {  	v11 =	vsel @!p1 vm11, s16, v11;
	v12 =	vmov @!p1 s6;
	s8 =	sshra.s32 @!p1 s13, $0x8;
	s4 =	sadd.s32 @!p1 s23, s17;
	s6 =	smul.u32 @!p1 $0x66666667, s14  }
0x1b9: {  	v11 =	vsel @!p1 vm9, s20, v11;
	v10 =	vsel @!p1 vm9, s3, v10;
	v13 =	vmov @!p1 s8;
	s8 =	sshra.s32 @!p1 s10, $0x8;
	s10 =	sshra.s32 @!p1 s18, $0x8;
	s3 =	sshrl.u32 @!p1 s4, $0x1F  }
0x1ba: {  	v10 =	vsel @!p1 vm10, s2, v10;
	v13 =	vsel @!p1 vm11, s8, v13;
	v14 =	vmov @!p1 s10;
	s2 =	sadd.s32 @!p1 s6, s5;
	s5 =	sshra.s32 @!p1 s22, $0x8;
	s6 =	sshra.s32 @!p1 s4, $0x8  }
0x1bb: {  	v10 =	vsel @!p1 vm5, s3, v10;
	s3 =	smulhi.u32 @!p1 $0x66666667, s7;
	v14 =	vsel @!p1 vm11, s5, v14;
	v9 =	vsel @!p1 vm5, s6, v9;
	s5 =	sshra.s32 @!p1 s7, $0x1F;
	s6 =	sshra.s32 @!p1 s9, $0x8  }
0x1bc: {  	v11 =	vsel @!p1 vm10, s11, v11;
	v12 =	vsel @!p1 vm11, s19, v12;
	s4 =	sshra.s32 @!p1 s4, $0x1F;
	s5 =	smul.u32 @!p1 $0x66666667, s5;
	v13 =	vsel @!p1 vm9, s6, v13;
	s6 =	sshra.s32 @!p1 s12, $0x8  }
0x1bd: {  	s1 =	sshra.s32 @!p1 s1, $0x8;
	v12 =	vsel @!p1 vm9, s21, v12;
	v9 =	vsel @!p1 vm2, s4, v9;
	s4 =	sshrl.u32 @!p1 s15, $0x1F;
	v14 =	vsel @!p1 vm9, s6, v14;
	s6 =	sshra.s32 @!p1 s2, $0x8  }
0x1be: {  	v12 =	vsel @!p1 vm10, s4, v12;
	v13 =	vsel @!p1 vm10, s1, v13;
	s1 =	sshra.s32 @!p1 s15, $0x8;
	s4 =	sshra.s32 @!p1 s2, $0x1F;
	s3 =	sadd.s32 @!p1 s5, s3;
	v9 =	vsel @!p1 vm8, s6, v9  }
0x1bf: {  	v14 =	vsel @!p1 vm10, s1, v14;
	v11 =	vcombine.low @!p1 v12, v11;
	s1 =	sshrl.u32 @!p1 s2, $0x1F;
	v9 =	vsel @!p1 vm3, s4, v9;
	s2 =	sshra.s32 @!p1 s3, $0x8  }
0x1c0: {  	v10 =	vsel @!p1 vm8, s1, v10;
	v12 =	vcombine.low @!p1 v14, v13;
	s1 =	sshrl.u32 @!p1 s3, $0x1F;
	v9 =	vsel @!p1 vm13, s2, v9;
	s2 =	sshra.s32 @!p1 s3, $0x1F  }
0x1c1: {  	v10 =	vsel @!p1 vm13, s1, v10;
	v11 =	vperm.xlane @!p1 v11, v4;
	s1 =	sshrl.u32 @!p1 s0, $0x1F;
	s0 =	sshra.s32 @!p1 s0, $0x8;
	v9 =	vsel @!p1 vm12, s2, v9  }
0x1c2: {  	v4 =	vperm.xlane @!p1 v12, v4;
	v10 =	vsel @!p1 vm1, s1, v10;
	v9 =	vsel @!p1 vm1, s0, v9  }
0x1c3: {  	v10 =	vperm.xlane @!p1 v10, v5;
	v5 =	vperm.xlane @!p1 v9, v5;
	_ =	sdelay $0x1  }
0x1c4: {  	v9 =	vsel @!p1 vm4, v10, v11;
	v4 =	vsel @!p1 vm4, v5, v4  }
0x1c5: {  	v4 =	vadd.s32 @!p1 v9, v4  }
0x1c6: {  	v5 =	vmul.u32 @!p1 $0xFFFFFD80, v4;
	_ =	sdelay $0x1  }
0x1c7: {  	v5 =	vadd.s32 @!p1 v8, v5  }
0x1c8: {  	vm0 =	vlt.s32 @!p1 v8, $0x1;
	vm1 =	vne.s32 @!p1 v5, $0x0  }
0x1c9: {  	vm0 =	vmand @!p1 vm0, vm1  }
0x1ca: {  	v7 =	vsel @!p1 vm0, $0xFFFFFFFF, v7  }
0x1cb: {  	vm0 =	vlt.s32 @!p1 v5, $0x0;
	v4 =	vadd.s32 @!p1 v7, v4;
	v7 =	vadd.s32 @!p1 $0x280, v5  }
0x1cc: {  	v5 =	vsel @!p1 vm0, v7, v5;
	v7 =	vshrl.u32 @!p1 v4, $0x3  }
0x1cd: {  	v7 =	vmul.u32 @!p1 $0x1400, v7;
	v8 =	vshll.u32 @!p1 v5, $0x3  }
0x1ce: {  	v4 =	vshll.u32 @!p1 v4, $0x7;
	v8 =	vand.u32 @!p1 $0xFFFFFC00, v8  }
0x1cf: {  	v4 =	vand.u32 @!p1 $0x380, v4;
	v7 =	vadd.s32 @!p1 v8, v7  }
0x1d0: {  	p2 =	seq.s32 @!p1 s30, $0x0;
	v5 =	vand.u32 @!p1 $0x7F, v5;
	v4 =	vor.u32 @!p1 v4, v7  }
0x1d1: {  	p2 =	por p1, !p2;
	v4 =	vor.u32 @!p1 v5, v4  }
.Ltmp4:
0x1d2: {  	_ = 	snop;
	(pc) =	sbr.rel @!p2 .LBB2_4-.Ltmp4, $2  }
0x1d3: {  	_ =	sdelay $0x2  }
0x1d4: {  	[tilespmem:v4+s31+$0x0] =	vst.idx.add.f32.msk @!p1 $0xffff, v6  }
0x1d5: {  	p1 =	seq.s32 s29, $0x7C  }
0x1d6: {  	s1 =	rddreg [dreg:$0x6];
	s0 =	sshrl.u32 @!p1 s28, $0x3  }
0x1d7: {  	s2 =	simm.s32 @!p1 $0x0;
	s3 =	simm.s32 @!p1 $0x80;
	s1 =	sadd.s32 @!p1 s1, s0  }
0x1d8: {  	[tilespmem:s3], [sflag:$0x3] =	stream.linear.gather @!p1 [hbm4b:s1+s2], $0x50, $0x38;
	[tilespmem:$0x1B280] =	vst v63  }
0x1d9: {  	s1 =	simm.s32 @!p1 $0x3  }
0x1da: {  	_ =	swait.ge @!p1 [sflag:s1], $0x50  }
0x1db: {  	[sflag:s1] =	ssyncset.done @!p1 $0x0;
	s3 =	rddreg [dreg:$0x5]  }
0x1dc: {  	[sflag:s1] =	ssyncadd.s32 @!p1 $0xFFFFFFB0;
	s0 =	sadd.s32 @!p1 s3, s0  }
0x1dd: {  	[tilespmem:s2], [sflag:$0x3] =	stream.linear.gather @!p1 [hbm4b:s0+s2], $0x50, $0x38;
	[tilespmem:$0x1B280] =	vst v63  }
0x1de: {  	_ =	swait.ge @!p1 [sflag:s1], $0x50  }
0x1df: {  	s11 =	simm.s32 $0x2;
	s0 =	simm.s32 @!p1 $0x50;
	[sflag:s1] =	ssyncset.done @!p1 $0x0  }
0x1e0: {  	s3 =	rddreg [dreg:$0x4];
	[sflag:s1] =	ssyncadd.s32 @!p1 $0xFFFFFFB0;
	s1 =	simm.s32 @!p1 $0x100  }
0x1e1: {  	[tilespmem:s1], [sflag:$0x1] =	stream.indirect.gather @!p1 [hbm4b:s3+s0], $0x80, s2, s0, $0xb8;
	[tilespmem:$0x1B280] =	vst v63  }
0x1e2: {  	_ =	swait.ge [sflag:s11], $0x2800  }
0x1e3: {  	[sflag:s11] =	ssyncset.done $0x0  }
0x1e4: {  	s12 =	simm.s32 $0x50;
	s13 =	simm.s32 $0x2980;
	[sflag:s11] =	ssyncadd.s32 $0xFFFFD800  }
0x1e5: {  	s14 =	simm.s32 $0x2A00;
	s15 =	simm.s32 $0x3;
	s0 =	rddreg [dreg:$0x2]  }
0x1e6: {  	[spmem:s0] =	stream.indirect.scatter.add.f32 [tilespmem:s14], [sflag:$0x3], $0x80, s13, s12, $0xb8;
	[tilespmem:$0x1B280] =	vst v63  }
0x1e7: {  	_ =	swait.ge [sflag:s15], $0x2800  }
0x1e8: {  	[sflag:s15] =	ssyncset.done $0x0  }
0x1e9: {  	[sflag:s15] =	ssyncadd.s32 $0xFFFFD800  }
0x1ea: {  	v4 =	vld [tilespmem:$0x2980];
	_ =	sdelay $0x4  }
0x1eb: {  	(v2sf) =	vpush v4, $0xD;
	_ =	sdelay $0x1  }
0x1ec: {  	(v2sf) =	vpush v4, $0xC;
	_ =	sdelay $0x1  }
0x1ed: {  	(v2sf) =	vpush v4, $0xE;
	_ =	sdelay $0x1  }
0x1ee: {  	(v2sf) =	vpush v4, $0xF;
	_ =	sdelay $0x1  }
0x1ef: {  	(v2sf) =	vpush v4, $0x9;
	_ =	sdelay $0x1  }
0x1f0: {  	(v2sf) =	vpush v4, $0x8;
	_ =	sdelay $0x1  }
0x1f1: {  	(v2sf) =	vpush v4, $0xA;
	_ =	sdelay $0x1  }
0x1f2: {  	(v2sf) =	vpush v4, $0xB  }
0x1f3: {  	s16 =	spop (v2sf)  }
0x1f4: {  	(v2sf) =	vpush v4, $0x0;
	s17 =	smulhi.u32 $0x66666667, s16;
	s0 =	sshra.s32 s16, $0x1F  }
0x1f5: {  	s18 =	spop (v2sf);
	(v2sf) =	vpush v4, $0x1;
	s0 =	smul.u32 $0x66666667, s0  }
0x1f6: {  	s19 =	smulhi.u32 $0x66666667, s18;
	s2 =	sshra.s32 s18, $0x1F;
	(v2sf) =	vpush v4, $0x2  }
0x1f7: {  	s4 =	spop (v2sf);
	s2 =	smul.u32 $0x66666667, s2;
	(v2sf) =	vpush v4, $0x3  }
0x1f8: {  	s5 =	smulhi.u32 $0x66666667, s4;
	s4 =	sshra.s32 s4, $0x1F;
	(v2sf) =	vpush v4, $0x4  }
0x1f9: {  	s6 =	spop (v2sf);
	s4 =	smul.u32 $0x66666667, s4;
	(v2sf) =	vpush v4, $0x5  }
0x1fa: {  	s0 =	sadd.s32 s0, s17;
	s8 =	smulhi.u32 $0x66666667, s6;
	s20 =	sshra.s32 s6, $0x1F;
	(v2sf) =	vpush v4, $0x6  }
0x1fb: {  	s21 =	spop (v2sf);
	s12 =	sshrl.u32 s0, $0x1F;
	s6 =	smul.u32 $0x66666667, s20;
	(v2sf) =	vpush v4, $0x7  }
0x1fc: {  	s7 =	sadd.s32 s2, s19;
	s22 =	smulhi.u32 $0x66666667, s21;
	s1 =	sshra.s32 s21, $0x1F  }
0x1fd: {  	s10 =	spop (v2sf);
	s0 =	sshra.s32 s0, $0x8;
	s9 =	smul.u32 $0x66666667, s1  }
0x1fe: {  	s3 =	sshrl.u32 s7, $0x1F;
	s23 =	smulhi.u32 $0x66666667, s10;
	s25 =	sshra.s32 s10, $0x1F  }
0x1ff: {  	s1 =	sadd.s32 s4, s5;
	s26 =	spop (v2sf);
	s5 =	smul.u32 $0x66666667, s25  }
0x200: {  	s13 =	sshrl.u32 s1, $0x1F;
	s30 =	smulhi.u32 $0x66666667, s26;
	s24 =	sshra.s32 s26, $0x1F  }
0x201: {  	s20 =	sadd.s32 s6, s8;
	s25 =	spop (v2sf);
	s8 =	smul.u32 $0x66666667, s24  }
0x202: {  	s14 =	sshrl.u32 s20, $0x1F;
	s26 =	smulhi.u32 $0x66666667, s25;
	s10 =	sshra.s32 s25, $0x1F  }
0x203: {  	s9 =	sadd.s32 s9, s22;
	s10 =	smul.u32 $0x66666667, s10;
	s11 =	spop (v2sf)  }
0x204: {  	s15 =	smulhi.u32 $0x66666667, s11;
	s16 =	sshra.s32 s11, $0x1F;
	s17 =	spop (v2sf)  }
0x205: {  	s11 =	sadd.s32 s5, s23;
	s16 =	smul.u32 $0x66666667, s16;
	s23 =	spop (v2sf)  }
0x206: {  	s24 =	smulhi.u32 $0x66666667, s17;
	s17 =	sshra.s32 s17, $0x1F;
	s18 =	spop (v2sf)  }
0x207: {  	s31 =	sshrl.u32 s9, $0x1F;
	s17 =	smul.u32 $0x66666667, s17;
	s21 =	spop (v2sf)  }
0x208: {  	s22 =	smulhi.u32 $0x66666667, s23;
	s5 =	sshra.s32 s23, $0x1F;
	s23 =	spop (v2sf)  }
0x209: {  	s30 =	sadd.s32 s8, s30;
	s5 =	smul.u32 $0x66666667, s5;
	s6 =	spop (v2sf)  }
0x20a: {  	s10 =	sadd.s32 s10, s26;
	s2 =	smulhi.u32 $0x66666667, s18;
	s25 =	spop (v2sf)  }
0x20b: {  	s4 =	sadd.s32 s16, s15;
	s26 =	smulhi.u32 $0x66666667, s25;
	s8 =	sshra.s32 s25, $0x1F  }
0x20c: {  	vm5 =	vcmask $0x300;
	vm2 =	vcmask $0xB08;
	vm11 =	vcmask $0x704;
	s16 =	sadd.s32 s17, s24;
	s24 =	sshra.s32 s18, $0x1F;
	s8 =	smul.u32 $0x66666667, s8  }
0x20d: {  	vm3 =	vcmask $0x1310;
	vm4 =	vcmask $0x1B18;
	vm12 =	vcmask $0xF0C;
	s19 =	sshrl.u32 s11, $0x1F;
	s18 =	sshrl.u32 s30, $0x1F;
	s17 =	smul.u32 $0x66666667, s24  }
0x20e: {  	vm13 =	vcmask $0x1714;
	vm14 =	vcmask $0x1F1C;
	v6 =	vmov s3;
	s15 =	smulhi.u32 $0x66666667, s21;
	s5 =	sadd.s32 s5, s22;
	s22 =	sadd.s32 s8, s26  }
0x20f: {  	vm8 =	vcmask $0x3330;
	vm15 =	vcmask $0x2724;
	v6 =	vsel vm2, s12, v6;
	s24 =	sshrl.u32 s10, $0x1F;
	s2 =	sadd.s32 s17, s2;
	s25 =	sshra.s32 s22, $0x1F  }
0x210: {  	vm9 =	vcmask $0x3B38;
	v6 =	vsel vm3, s13, v6;
	s17 =	sshrl.u32 s5, $0x1F;
	s26 =	sshra.s32 s21, $0x1F;
	v5 =	vmov s25;
	s25 =	sshra.s32 s4, $0x8  }
0x211: {  	v6 =	vsel vm4, s14, v6;
	v8 =	vmov s19;
	s8 =	sshrl.u32 s4, $0x1F;
	s3 =	smul.u32 $0x66666667, s26;
	s4 =	sshra.s32 s4, $0x1F;
	v5 =	vsel vm5, s25, v5  }
0x212: {  	v8 =	vsel vm2, s31, v8;
	v7 =	vmov s8;
	s8 =	smulhi.u32 $0x66666667, s23;
	s23 =	sshra.s32 s23, $0x1F;
	s25 =	sshra.s32 s16, $0x8;
	v5 =	vsel vm11, s4, v5  }
0x213: {  	v8 =	vsel vm3, s18, v8;
	s21 =	sshrl.u32 s16, $0x1F;
	v7 =	vnsel vm5, $0x0, v7;
	s12 =	smul.u32 $0x66666667, s23;
	s16 =	sshra.s32 s16, $0x1F;
	v5 =	vsel vm2, s25, v5  }
0x214: {  	v8 =	vsel vm4, s24, v8;
	s23 =	sshra.s32 s5, $0x8;
	v7 =	vsel vm2, s21, v7;
	s21 =	smulhi.u32 $0x66666667, s6;
	s6 =	sshra.s32 s6, $0x1F;
	v5 =	vsel vm12, s16, v5  }
0x215: {  	vm6 =	vcmask $0x3734;
	v6 =	vcombine.low v8, v6;
	s3 =	sadd.s32 s3, s15;
	s15 =	sshra.s32 s7, $0x8;
	s25 =	sshra.s32 s5, $0x1F;
	v5 =	vsel vm3, s23, v5  }
0x216: {  	s31 =	sshra.s32 s2, $0x8;
	s26 =	sshrl.u32 s2, $0x1F;
	v7 =	vsel vm3, s17, v7;
	s6 =	smul.u32 $0x66666667, s6;
	v32 =	vmov s15;
	v5 =	vsel vm13, s25, v5  }
0x217: {  	s2 =	sshra.s32 s2, $0x1F;
	s14 =	sshra.s32 s3, $0x8;
	v7 =	vsel vm4, s26, v7;
	s26 =	sshrl.u32 s3, $0x1F;
	vm12 =	vcmask $0x2320;
	v5 =	vsel vm4, s31, v5  }
0x218: {  	v8 =	vsel vm2, s0, v32;
	s6 =	sadd.s32 s6, s21;
	s16 =	sshra.s32 s11, $0x8;
	s21 =	sshra.s32 s1, $0x8;
	v7 =	vsel vm12, s26, v7;
	v5 =	vsel vm14, s2, v5  }
0x219: {  	s18 =	sshra.s32 s9, $0x8;
	s8 =	sadd.s32 s12, s8;
	s17 =	sshra.s32 s3, $0x1F;
	v9 =	vmov s16;
	v8 =	vsel vm3, s21, v8;
	v5 =	vsel vm12, s14, v5  }
0x21a: {  	s12 =	sshrl.u32 s8, $0x1F;
	s19 =	sshra.s32 s8, $0x8;
	vm13 =	vcmask $0x2B28;
	v9 =	vsel vm2, s18, v9;
	v5 =	vsel vm15, s17, v5  }
0x21b: {  	s24 =	sshra.s32 s8, $0x1F;
	s23 =	sshra.s32 s30, $0x8;
	s25 =	sshra.s32 s20, $0x8;
	v7 =	vsel vm13, s12, v7;
	vm14 =	vcmask $0x2F2C;
	v5 =	vsel vm13, s19, v5  }
0x21c: {  	v33 =	vld [tilespmem:$0x1FFF0];
	s13 =	sshrl.u32 s6, $0x1F;
	s26 =	sshra.s32 s10, $0x8;
	s30 =	sshra.s32 s6, $0x8;
	v9 =	vsel vm3, s23, v9;
	v8 =	vsel vm4, s25, v8;
	v5 =	vsel vm14, s24, v5  }
0x21d: {  	s1 =	sshra.s32 s6, $0x1F;
	s31 =	sshrl.u32 s22, $0x1F;
	v7 =	vsel vm8, s13, v7;
	v9 =	vsel vm4, s26, v9;
	v5 =	vsel vm8, s30, v5  }
0x21e: {  	s2 =	sshra.s32 s22, $0x8;
	v7 =	vsel vm9, s31, v7;
	v8 =	vcombine.low v9, v8;
	v5 =	vsel vm6, s1, v5  }
0x21f: {  	v6 =	vperm.xlane v6, v0;
	v7 =	vperm.xlane v7, v1;
	v5 =	vsel vm9, s2, v5  }
0x220: {  	v8 =	vperm.xlane v8, v0;
	v5 =	vperm.xlane v5, v1  }
0x221: {  	vm10 =	vnez.u8 v33  }
0x222: {  	v6 =	vsel vm10, v7, v6;
	v5 =	vsel vm10, v5, v8  }
0x223: {  	v5 =	vadd.s32 v6, v5  }
0x224: {  	v6 =	vmul.u32 $0xFFFFFD80, v5;
	_ =	sdelay $0x1  }
0x225: {  	v6 =	vadd.s32 v4, v6  }
0x226: {  	vm0 =	vlt.s32 v4, $0x1;
	vm1 =	vne.s32 v6, $0x0  }
0x227: {  	vm0 =	vmand vm0, vm1  }
0x228: {  	v4 =	vsel vm0, $0xFFFFFFFF, v2  }
0x229: {  	vm7 =	vlt.s32 v6, $0x0;
	v4 =	vadd.s32 v4, v5;
	v5 =	vadd.s32 $0x280, v6  }
0x22a: {  	v5 =	vsel vm7, v5, v6;
	v34 =	vshrl.u32 v4, $0x3  }
0x22b: {  	v6 =	vmul.u32 $0x1400, v34;
	v35 =	vshll.u32 v5, $0x3  }
0x22c: {  	v4 =	vshll.u32 v4, $0x7;
	v7 =	vand.u32 $0xFFFFFC00, v35  }
0x22d: {  	v4 =	vand.u32 $0x380, v4;
	v6 =	vadd.s32 v7, v6  }
0x22e: {  	v5 =	vand.u32 $0x7F, v5;
	v4 =	vor.u32 v4, v6  }
0x22f: {  	v4 =	vor.u32 v5, v4;
	_ =	sdelay $0x3  }
0x230: {  	s3 =	simm.s32 $0x5200  }
0x231: {  	[tilespmem:v4+s3+$0x0] =	vst.idx.add.f32.msk $0xffff, v3  }
0x232: {  	v4 =	vld [tilespmem:$0x2990];
	_ =	sdelay $0x4  }
0x233: {  	(v2sf) =	vpush v4, $0xD;
	_ =	sdelay $0x1  }
0x234: {  	(v2sf) =	vpush v4, $0xC;
	_ =	sdelay $0x1  }
0x235: {  	(v2sf) =	vpush v4, $0xE;
	_ =	sdelay $0x1  }
0x236: {  	(v2sf) =	vpush v4, $0xF;
	_ =	sdelay $0x1  }
0x237: {  	(v2sf) =	vpush v4, $0x9;
	_ =	sdelay $0x1  }
0x238: {  	(v2sf) =	vpush v4, $0x8;
	_ =	sdelay $0x1  }
0x239: {  	(v2sf) =	vpush v4, $0xA;
	_ =	sdelay $0x1  }
0x23a: {  	(v2sf) =	vpush v4, $0xB  }
0x23b: {  	s4 =	spop (v2sf)  }
0x23c: {  	(v2sf) =	vpush v4, $0x0;
	s5 =	smulhi.u32 $0x66666667, s4;
	s0 =	sshra.s32 s4, $0x1F  }
0x23d: {  	s6 =	spop (v2sf);
	s0 =	smul.u32 $0x66666667, s0  }
0x23e: {  	(v2sf) =	vpush v4, $0x1;
	s7 =	smulhi.u32 $0x66666667, s6;
	s2 =	sshra.s32 s6, $0x1F  }
0x23f: {  	(v2sf) =	vpush v4, $0x2;
	s8 =	spop (v2sf);
	s2 =	smul.u32 $0x66666667, s2  }
0x240: {  	(v2sf) =	vpush v4, $0x3;
	s9 =	smulhi.u32 $0x66666667, s8;
	s4 =	sshra.s32 s8, $0x1F  }
0x241: {  	(v2sf) =	vpush v4, $0x4;
	s10 =	spop (v2sf);
	s4 =	smul.u32 $0x66666667, s4  }
0x242: {  	(v2sf) =	vpush v4, $0x5;
	s11 =	smulhi.u32 $0x66666667, s10;
	s13 =	sshra.s32 s10, $0x1F  }
0x243: {  	s14 =	spop (v2sf);
	(v2sf) =	vpush v4, $0x6;
	s6 =	smul.u32 $0x66666667, s13  }
0x244: {  	s0 =	sadd.s32 s0, s5;
	s15 =	smulhi.u32 $0x66666667, s14;
	s1 =	sshra.s32 s14, $0x1F;
	(v2sf) =	vpush v4, $0x7  }
0x245: {  	s12 =	sshrl.u32 s0, $0x1F;
	s17 =	spop (v2sf);
	s16 =	smul.u32 $0x66666667, s1  }
0x246: {  	s7 =	sadd.s32 s2, s7;
	s18 =	smulhi.u32 $0x66666667, s17;
	s24 =	sshra.s32 s17, $0x1F  }
0x247: {  	s3 =	sshrl.u32 s7, $0x1F;
	s25 =	spop (v2sf);
	s5 =	smul.u32 $0x66666667, s24  }
0x248: {  	s1 =	sadd.s32 s4, s9;
	s30 =	smulhi.u32 $0x66666667, s25;
	s19 =	sshra.s32 s25, $0x1F  }
0x249: {  	s13 =	sshrl.u32 s1, $0x1F;
	s21 =	spop (v2sf);
	s8 =	smul.u32 $0x66666667, s19  }
0x24a: {  	s20 =	sadd.s32 s6, s11;
	s2 =	smulhi.u32 $0x66666667, s21;
	s10 =	sshra.s32 s21, $0x1F  }
0x24b: {  	s14 =	sshrl.u32 s20, $0x1F;
	s22 =	spop (v2sf);
	s10 =	smul.u32 $0x66666667, s10  }
0x24c: {  	s9 =	sadd.s32 s16, s15;
	s15 =	smulhi.u32 $0x66666667, s22;
	s23 =	sshra.s32 s22, $0x1F  }
0x24d: {  	s31 =	sshrl.u32 s9, $0x1F;
	s24 =	spop (v2sf);
	s25 =	smul.u32 $0x66666667, s23  }
0x24e: {  	s16 =	smulhi.u32 $0x66666667, s24;
	s17 =	sshra.s32 s24, $0x1F;
	s23 =	spop (v2sf)  }
0x24f: {  	s11 =	sadd.s32 s5, s18;
	s17 =	smul.u32 $0x66666667, s17;
	s18 =	spop (v2sf)  }
0x250: {  	s22 =	smulhi.u32 $0x66666667, s23;
	s5 =	sshra.s32 s23, $0x1F;
	s21 =	spop (v2sf)  }
0x251: {  	s19 =	sshrl.u32 s11, $0x1F;
	s5 =	smul.u32 $0x66666667, s5;
	s23 =	spop (v2sf)  }
0x252: {  	s10 =	sadd.s32 s10, s2;
	s2 =	smulhi.u32 $0x66666667, s18;
	s6 =	spop (v2sf)  }
0x253: {  	v36 =	vmov s3;
	s4 =	sadd.s32 s25, s15;
	s15 =	smulhi.u32 $0x66666667, s21;
	s24 =	spop (v2sf)  }
0x254: {  	v6 =	vsel vm2, s12, v36;
	s30 =	sadd.s32 s8, s30;
	s25 =	smulhi.u32 $0x66666667, s24;
	s8 =	sshra.s32 s24, $0x1F  }
0x255: {  	v6 =	vsel vm3, s13, v6;
	s16 =	sadd.s32 s17, s16;
	s5 =	sadd.s32 s5, s22;
	s8 =	smul.u32 $0x66666667, s8  }
0x256: {  	v6 =	vsel vm4, s14, v6;
	s12 =	sshra.s32 s23, $0x1F;
	s14 =	smulhi.u32 $0x66666667, s6;
	s6 =	sshra.s32 s6, $0x1F  }
0x257: {  	s24 =	sshra.s32 s18, $0x1F;
	s6 =	smul.u32 $0x66666667, s6;
	s22 =	sadd.s32 s8, s25  }
0x258: {  	vm11 =	vmmov vm5;
	s18 =	sshrl.u32 s30, $0x1F;
	s17 =	smul.u32 $0x66666667, s24;
	s25 =	sshra.s32 s22, $0x1F  }
0x259: {  	vm6 =	vcmask $0xF0C;
	vm7 =	vmmov vm12;
	s24 =	sshrl.u32 s10, $0x1F;
	s6 =	sadd.s32 s6, s14;
	v5 =	vmov s25;
	s25 =	sshra.s32 s4, $0x8  }
0x25a: {  	v38 =	vmov s19;
	s14 =	sshra.s32 s7, $0x8;
	s8 =	sshrl.u32 s4, $0x1F;
	s4 =	sshra.s32 s4, $0x1F;
	v5 =	vsel vm5, s25, v5;
	vm5 =	vcmask $0x704  }
0x25b: {  	v8 =	vsel vm2, s31, v38;
	s2 =	sadd.s32 s17, s2;
	s17 =	sshra.s32 s21, $0x1F;
	v37 =	vmov s8;
	s25 =	sshra.s32 s16, $0x8;
	v5 =	vsel vm5, s4, v5  }
0x25c: {  	v8 =	vsel vm3, s18, v8;
	s21 =	sshrl.u32 s16, $0x1F;
	s3 =	smul.u32 $0x66666667, s17;
	v7 =	vnsel vm11, $0x0, v37;
	v5 =	vsel vm2, s25, v5;
	s25 =	sshra.s32 s16, $0x1F  }
0x25d: {  	v8 =	vsel vm4, s24, v8;
	s17 =	sshrl.u32 s5, $0x1F;
	s8 =	smulhi.u32 $0x66666667, s23;
	v7 =	vsel vm2, s21, v7;
	s16 =	sshra.s32 s5, $0x8;
	v5 =	vsel vm6, s25, v5  }
0x25e: {  	s23 =	sshrl.u32 s2, $0x1F;
	vm11 =	vcmask $0x1714;
	s3 =	sadd.s32 s3, s15;
	s21 =	sshra.s32 s5, $0x1F;
	v7 =	vsel vm3, s17, v7;
	v5 =	vsel vm3, s16, v5  }
0x25f: {  	v39 =	vmov s14;
	v7 =	vsel vm4, s23, v7;
	s23 =	sshrl.u32 s3, $0x1F;
	s25 =	sshra.s32 s2, $0x8;
	v5 =	vsel vm11, s21, v5  }
0x260: {  	s0 =	sshra.s32 s0, $0x8;
	s12 =	smul.u32 $0x66666667, s12;
	v7 =	vsel vm12, s23, v7;
	s2 =	sshra.s32 s2, $0x1F;
	vm12 =	vcmask $0x1F1C;
	v5 =	vsel vm4, s25, v5  }
0x261: {  	s19 =	sshra.s32 s1, $0x8;
	s24 =	sshra.s32 s20, $0x8;
	v6 =	vcombine.low v8, v6;
	v8 =	vsel vm2, s0, v39;
	s13 =	sshra.s32 s3, $0x8;
	v5 =	vsel vm12, s2, v5  }
0x262: {  	v8 =	vsel vm3, s19, v8;
	s8 =	sadd.s32 s12, s8;
	s15 =	sshra.s32 s11, $0x8;
	s16 =	sshra.s32 s3, $0x1F;
	v5 =	vsel vm7, s13, v5  }
0x263: {  	v8 =	vsel vm4, s24, v8;
	s31 =	sshrl.u32 s8, $0x1F;
	s17 =	sshra.s32 s9, $0x8;
	v40 =	vmov s15;
	s18 =	sshra.s32 s8, $0x8;
	v5 =	vsel vm15, s16, v5  }
0x264: {  	s12 =	sshrl.u32 s6, $0x1F;
	v9 =	vsel vm2, s17, v40;
	s23 =	sshra.s32 s8, $0x1F;
	v7 =	vsel vm13, s31, v7;
	s21 =	sshra.s32 s30, $0x8;
	v5 =	vsel vm13, s18, v5  }
0x265: {  	v7 =	vsel vm8, s12, v7;
	s30 =	sshra.s32 s6, $0x8;
	v9 =	vsel vm3, s21, v9;
	s25 =	sshra.s32 s10, $0x8;
	v5 =	vsel vm14, s23, v5  }
0x266: {  	s31 =	sshrl.u32 s22, $0x1F;
	v9 =	vsel vm4, s25, v9;
	s2 =	sshra.s32 s6, $0x1F;
	v5 =	vsel vm8, s30, v5;
	vm8 =	vcmask $0x3734  }
0x267: {  	s3 =	sshra.s32 s22, $0x8;
	v7 =	vsel vm9, s31, v7;
	v8 =	vcombine.low v9, v8;
	v5 =	vsel vm8, s2, v5  }
0x268: {  	v6 =	vperm.xlane v6, v0;
	v7 =	vperm.xlane v7, v1;
	v5 =	vsel vm9, s3, v5  }
0x269: {  	v8 =	vperm.xlane v8, v0;
	v5 =	vperm.xlane v5, v1;
	_ =	sdelay $0x1  }
0x26a: {  	v6 =	vsel vm10, v7, v6;
	v5 =	vsel vm10, v5, v8  }
0x26b: {  	v5 =	vadd.s32 v6, v5  }
0x26c: {  	v6 =	vmul.u32 $0xFFFFFD80, v5;
	_ =	sdelay $0x1  }
0x26d: {  	v6 =	vadd.s32 v4, v6  }
0x26e: {  	vm9 =	vlt.s32 v4, $0x1;
	vm7 =	vne.s32 v6, $0x0  }
0x26f: {  	vm0 =	vmand vm9, vm7  }
0x270: {  	v4 =	vsel vm0, $0xFFFFFFFF, v2  }
0x271: {  	vm9 =	vlt.s32 v6, $0x0;
	v4 =	vadd.s32 v4, v5;
	v5 =	vadd.s32 $0x280, v6  }
0x272: {  	v5 =	vsel vm9, v5, v6;
	v41 =	vshrl.u32 v4, $0x3  }
0x273: {  	v6 =	vmul.u32 $0x1400, v41;
	v42 =	vshll.u32 v5, $0x3  }
0x274: {  	v4 =	vshll.u32 v4, $0x7;
	v7 =	vand.u32 $0xFFFFFC00, v42  }
0x275: {  	v4 =	vand.u32 $0x380, v4;
	v6 =	vadd.s32 v7, v6  }
0x276: {  	v5 =	vand.u32 $0x7F, v5;
	v4 =	vor.u32 v4, v6  }
0x277: {  	v4 =	vor.u32 v5, v4;
	_ =	sdelay $0x3  }
0x278: {  	s26 =	simm.s32 $0x5200  }
0x279: {  	[tilespmem:v4+s26+$0x0] =	vst.idx.add.f32.msk $0xffff, v3  }
0x27a: {  	v4 =	vld [tilespmem:$0x29A0];
	_ =	sdelay $0x4  }
0x27b: {  	(v2sf) =	vpush v4, $0xD;
	_ =	sdelay $0x1  }
0x27c: {  	(v2sf) =	vpush v4, $0xC;
	_ =	sdelay $0x1  }
0x27d: {  	(v2sf) =	vpush v4, $0xE;
	_ =	sdelay $0x1  }
0x27e: {  	(v2sf) =	vpush v4, $0xF;
	_ =	sdelay $0x1  }
0x27f: {  	(v2sf) =	vpush v4, $0x9;
	_ =	sdelay $0x1  }
0x280: {  	(v2sf) =	vpush v4, $0x8;
	_ =	sdelay $0x1  }
0x281: {  	(v2sf) =	vpush v4, $0xA;
	_ =	sdelay $0x1  }
0x282: {  	(v2sf) =	vpush v4, $0xB  }
0x283: {  	s4 =	spop (v2sf)  }
0x284: {  	(v2sf) =	vpush v4, $0x0;
	s5 =	smulhi.u32 $0x66666667, s4;
	s0 =	sshra.s32 s4, $0x1F  }
0x285: {  	s6 =	spop (v2sf);
	s0 =	smul.u32 $0x66666667, s0  }
0x286: {  	(v2sf) =	vpush v4, $0x1;
	s7 =	smulhi.u32 $0x66666667, s6;
	s2 =	sshra.s32 s6, $0x1F  }
0x287: {  	(v2sf) =	vpush v4, $0x2;
	s8 =	spop (v2sf);
	s2 =	smul.u32 $0x66666667, s2  }
0x288: {  	(v2sf) =	vpush v4, $0x3;
	s9 =	smulhi.u32 $0x66666667, s8;
	s4 =	sshra.s32 s8, $0x1F  }
0x289: {  	(v2sf) =	vpush v4, $0x4;
	s10 =	spop (v2sf);
	s4 =	smul.u32 $0x66666667, s4  }
0x28a: {  	(v2sf) =	vpush v4, $0x5;
	s11 =	smulhi.u32 $0x66666667, s10;
	s13 =	sshra.s32 s10, $0x1F  }
0x28b: {  	s14 =	spop (v2sf);
	(v2sf) =	vpush v4, $0x6;
	s6 =	smul.u32 $0x66666667, s13  }
0x28c: {  	s15 =	smulhi.u32 $0x66666667, s14;
	s1 =	sshra.s32 s14, $0x1F;
	(v2sf) =	vpush v4, $0x7  }
0x28d: {  	s0 =	sadd.s32 s0, s5;
	s17 =	spop (v2sf);
	s16 =	smul.u32 $0x66666667, s1  }
0x28e: {  	s12 =	sshrl.u32 s0, $0x1F;
	s18 =	smulhi.u32 $0x66666667, s17;
	s24 =	sshra.s32 s17, $0x1F  }
0x28f: {  	s7 =	sadd.s32 s2, s7;
	s25 =	spop (v2sf);
	s5 =	smul.u32 $0x66666667, s24  }
0x290: {  	s0 =	sshra.s32 s0, $0x8;
	s30 =	smulhi.u32 $0x66666667, s25;
	s19 =	sshra.s32 s25, $0x1F  }
0x291: {  	s3 =	sshrl.u32 s7, $0x1F;
	s21 =	spop (v2sf);
	s8 =	smul.u32 $0x66666667, s19  }
0x292: {  	s1 =	sadd.s32 s4, s9;
	s2 =	smulhi.u32 $0x66666667, s21;
	s10 =	sshra.s32 s21, $0x1F  }
0x293: {  	s13 =	sshrl.u32 s1, $0x1F;
	s22 =	spop (v2sf);
	s10 =	smul.u32 $0x66666667, s10  }
0x294: {  	s9 =	sadd.s32 s16, s15;
	s15 =	smulhi.u32 $0x66666667, s22;
	s23 =	sshra.s32 s22, $0x1F  }
0x295: {  	s20 =	sadd.s32 s6, s11;
	s24 =	spop (v2sf);
	s25 =	smul.u32 $0x66666667, s23  }
0x296: {  	s16 =	smulhi.u32 $0x66666667, s24;
	s17 =	sshra.s32 s24, $0x1F;
	s23 =	spop (v2sf)  }
0x297: {  	s11 =	sadd.s32 s5, s18;
	s17 =	smul.u32 $0x66666667, s17;
	s18 =	spop (v2sf)  }
0x298: {  	s22 =	smulhi.u32 $0x66666667, s23;
	s5 =	sshra.s32 s23, $0x1F;
	s21 =	spop (v2sf)  }
0x299: {  	s14 =	sshrl.u32 s20, $0x1F;
	s5 =	smul.u32 $0x66666667, s5;
	s23 =	spop (v2sf)  }
0x29a: {  	s10 =	sadd.s32 s10, s2;
	s2 =	smulhi.u32 $0x66666667, s18;
	s6 =	spop (v2sf)  }
0x29b: {  	s4 =	sadd.s32 s25, s15;
	s15 =	smulhi.u32 $0x66666667, s21;
	s24 =	spop (v2sf)  }
0x29c: {  	v43 =	vmov s3;
	s30 =	sadd.s32 s8, s30;
	s25 =	smulhi.u32 $0x66666667, s24;
	s8 =	sshra.s32 s24, $0x1F  }
0x29d: {  	v6 =	vsel vm2, s12, v43;
	s31 =	sshrl.u32 s9, $0x1F;
	s12 =	sshra.s32 s23, $0x1F;
	s8 =	smul.u32 $0x66666667, s8  }
0x29e: {  	v6 =	vsel vm3, s13, v6;
	s19 =	sshrl.u32 s11, $0x1F;
	s16 =	sadd.s32 s17, s16;
	s12 =	smul.u32 $0x66666667, s12  }
0x29f: {  	v6 =	vsel vm4, s14, v6;
	s5 =	sadd.s32 s5, s22;
	s14 =	smulhi.u32 $0x66666667, s6;
	s22 =	sadd.s32 s8, s25  }
0x2a0: {  	s6 =	sshra.s32 s6, $0x1F;
	s24 =	sshra.s32 s18, $0x1F;
	s25 =	sshra.s32 s22, $0x1F  }
0x2a1: {  	vm7 =	vcmask $0x300;
	s18 =	sshrl.u32 s30, $0x1F;
	s6 =	smul.u32 $0x66666667, s6;
	v5 =	vmov s25;
	s25 =	sshra.s32 s4, $0x8  }
0x2a2: {  	v45 =	vmov s19;
	s17 =	smul.u32 $0x66666667, s24;
	s8 =	sshrl.u32 s4, $0x1F;
	s4 =	sshra.s32 s4, $0x1F;
	v5 =	vsel vm7, s25, v5  }
0x2a3: {  	v8 =	vsel vm2, s31, v45;
	s24 =	sshrl.u32 s10, $0x1F;
	s6 =	sadd.s32 s6, s14;
	s25 =	sshra.s32 s16, $0x8;
	v5 =	vsel vm5, s4, v5  }
0x2a4: {  	v8 =	vsel vm3, s18, v8;
	s14 =	sshra.s32 s7, $0x8;
	s2 =	sadd.s32 s17, s2;
	v44 =	vmov s8;
	v5 =	vsel vm2, s25, v5;
	s25 =	sshra.s32 s16, $0x1F  }
0x2a5: {  	v8 =	vsel vm4, s24, v8;
	s17 =	sshra.s32 s21, $0x1F;
	s21 =	sshrl.u32 s16, $0x1F;
	v7 =	vnsel vm7, $0x0, v44;
	s16 =	sshra.s32 s5, $0x8;
	v5 =	vsel vm6, s25, v5  }
0x2a6: {  	s19 =	sshra.s32 s1, $0x8;
	v46 =	vmov s14;
	s3 =	smul.u32 $0x66666667, s17;
	v7 =	vsel vm2, s21, v7;
	s21 =	sshra.s32 s5, $0x1F;
	v5 =	vsel vm3, s16, v5  }
0x2a7: {  	s24 =	sshra.s32 s20, $0x8;
	v6 =	vcombine.low v8, v6;
	s8 =	smulhi.u32 $0x66666667, s23;
	v8 =	vsel vm2, s0, v46;
	s25 =	sshra.s32 s2, $0x8;
	v5 =	vsel vm11, s21, v5  }
0x2a8: {  	vm1 =	vcmask $0x3330;
	s23 =	sshrl.u32 s2, $0x1F;
	v8 =	vsel vm3, s19, v8;
	s3 =	sadd.s32 s3, s15;
	s2 =	sshra.s32 s2, $0x1F;
	v5 =	vsel vm4, s25, v5  }
0x2a9: {  	vm0 =	vcmask $0x2320;
	s17 =	sshrl.u32 s5, $0x1F;
	s15 =	sshra.s32 s11, $0x8;
	v8 =	vsel vm4, s24, v8;
	s13 =	sshra.s32 s3, $0x8;
	v5 =	vsel vm12, s2, v5  }
0x2aa: {  	s8 =	sadd.s32 s12, s8;
	v7 =	vsel vm3, s17, v7;
	s17 =	sshra.s32 s9, $0x8;
	v47 =	vmov s15;
	s16 =	sshra.s32 s3, $0x1F;
	v5 =	vsel vm0, s13, v5  }
0x2ab: {  	s18 =	sshra.s32 s8, $0x8;
	v7 =	vsel vm4, s23, v7;
	s23 =	sshrl.u32 s3, $0x1F;
	v9 =	vsel vm2, s17, v47;
	v5 =	vsel vm15, s16, v5  }
0x2ac: {  	s31 =	sshrl.u32 s8, $0x1F;
	v7 =	vsel vm0, s23, v7;
	s23 =	sshra.s32 s8, $0x1F;
	vm6 =	vcmask $0x3B38;
	s21 =	sshra.s32 s30, $0x8;
	v5 =	vsel vm13, s18, v5  }
0x2ad: {  	s12 =	sshrl.u32 s6, $0x1F;
	v7 =	vsel vm13, s31, v7;
	s30 =	sshra.s32 s6, $0x8;
	v9 =	vsel vm3, s21, v9;
	s25 =	sshra.s32 s10, $0x8;
	v5 =	vsel vm14, s23, v5  }
0x2ae: {  	s31 =	sshrl.u32 s22, $0x1F;
	v7 =	vsel vm1, s12, v7;
	v9 =	vsel vm4, s25, v9;
	s2 =	sshra.s32 s6, $0x1F;
	v5 =	vsel vm1, s30, v5  }
0x2af: {  	s3 =	sshra.s32 s22, $0x8;
	v7 =	vsel vm6, s31, v7;
	v8 =	vcombine.low v9, v8;
	v5 =	vsel vm8, s2, v5  }
0x2b0: {  	v6 =	vperm.xlane v6, v0;
	v7 =	vperm.xlane v7, v1;
	v5 =	vsel vm6, s3, v5  }
0x2b1: {  	v8 =	vperm.xlane v8, v0;
	v5 =	vperm.xlane v5, v1;
	_ =	sdelay $0x1  }
0x2b2: {  	v6 =	vsel vm10, v7, v6;
	v5 =	vsel vm10, v5, v8  }
0x2b3: {  	v5 =	vadd.s32 v6, v5  }
0x2b4: {  	v6 =	vmul.u32 $0xFFFFFD80, v5;
	_ =	sdelay $0x1  }
0x2b5: {  	v6 =	vadd.s32 v4, v6  }
0x2b6: {  	vm15 =	vmmov vm8;
	vm8 =	vlt.s32 v4, $0x1;
	vm6 =	vne.s32 v6, $0x0  }
0x2b7: {  	vm0 =	vmand vm8, vm6  }
0x2b8: {  	v4 =	vsel vm0, $0xFFFFFFFF, v2  }
0x2b9: {  	vm8 =	vlt.s32 v6, $0x0;
	v4 =	vadd.s32 v4, v5;
	v5 =	vadd.s32 $0x280, v6  }
0x2ba: {  	v5 =	vsel vm8, v5, v6;
	v48 =	vshrl.u32 v4, $0x3  }
0x2bb: {  	v6 =	vmul.u32 $0x1400, v48;
	v49 =	vshll.u32 v5, $0x3  }
0x2bc: {  	v4 =	vshll.u32 v4, $0x7;
	v7 =	vand.u32 $0xFFFFFC00, v49  }
0x2bd: {  	v4 =	vand.u32 $0x380, v4;
	v6 =	vadd.s32 v7, v6  }
0x2be: {  	v5 =	vand.u32 $0x7F, v5;
	v4 =	vor.u32 v4, v6  }
0x2bf: {  	v4 =	vor.u32 v5, v4;
	_ =	sdelay $0x4  }
0x2c0: {  	[tilespmem:v4+s26+$0x0] =	vst.idx.add.f32.msk $0xffff, v3  }
0x2c1: {  	v4 =	vld [tilespmem:$0x29B0];
	_ =	sdelay $0x4  }
0x2c2: {  	(v2sf) =	vpush v4, $0xD;
	_ =	sdelay $0x1  }
0x2c3: {  	(v2sf) =	vpush v4, $0xC;
	_ =	sdelay $0x1  }
0x2c4: {  	(v2sf) =	vpush v4, $0xE;
	_ =	sdelay $0x1  }
0x2c5: {  	(v2sf) =	vpush v4, $0xF;
	_ =	sdelay $0x1  }
0x2c6: {  	(v2sf) =	vpush v4, $0x9;
	_ =	sdelay $0x1  }
0x2c7: {  	(v2sf) =	vpush v4, $0x8;
	_ =	sdelay $0x1  }
0x2c8: {  	(v2sf) =	vpush v4, $0xA;
	_ =	sdelay $0x1  }
0x2c9: {  	(v2sf) =	vpush v4, $0xB  }
0x2ca: {  	s4 =	spop (v2sf)  }
0x2cb: {  	(v2sf) =	vpush v4, $0x0;
	s5 =	smulhi.u32 $0x66666667, s4;
	s0 =	sshra.s32 s4, $0x1F  }
0x2cc: {  	s6 =	spop (v2sf);
	s0 =	smul.u32 $0x66666667, s0  }
0x2cd: {  	(v2sf) =	vpush v4, $0x1;
	s7 =	smulhi.u32 $0x66666667, s6;
	s2 =	sshra.s32 s6, $0x1F  }
0x2ce: {  	(v2sf) =	vpush v4, $0x2;
	s8 =	spop (v2sf);
	s2 =	smul.u32 $0x66666667, s2  }
0x2cf: {  	(v2sf) =	vpush v4, $0x3;
	s9 =	smulhi.u32 $0x66666667, s8;
	s4 =	sshra.s32 s8, $0x1F  }
0x2d0: {  	(v2sf) =	vpush v4, $0x4;
	s10 =	spop (v2sf);
	s4 =	smul.u32 $0x66666667, s4  }
0x2d1: {  	(v2sf) =	vpush v4, $0x5;
	s11 =	smulhi.u32 $0x66666667, s10;
	s14 =	sshra.s32 s10, $0x1F  }
0x2d2: {  	s15 =	spop (v2sf);
	(v2sf) =	vpush v4, $0x6;
	s6 =	smul.u32 $0x66666667, s14  }
0x2d3: {  	s0 =	sadd.s32 s0, s5;
	s16 =	smulhi.u32 $0x66666667, s15;
	s1 =	sshra.s32 s15, $0x1F;
	(v2sf) =	vpush v4, $0x7  }
0x2d4: {  	s12 =	sshrl.u32 s0, $0x1F;
	s18 =	spop (v2sf);
	s17 =	smul.u32 $0x66666667, s1  }
0x2d5: {  	s7 =	sadd.s32 s2, s7;
	s19 =	smulhi.u32 $0x66666667, s18;
	s25 =	sshra.s32 s18, $0x1F  }
0x2d6: {  	s3 =	sshrl.u32 s7, $0x1F;
	s26 =	spop (v2sf);
	s5 =	smul.u32 $0x66666667, s25  }
0x2d7: {  	s1 =	sadd.s32 s4, s9;
	s30 =	smulhi.u32 $0x66666667, s26;
	s21 =	sshra.s32 s26, $0x1F  }
0x2d8: {  	s13 =	sshrl.u32 s1, $0x1F;
	s22 =	spop (v2sf);
	s8 =	smul.u32 $0x66666667, s21  }
0x2d9: {  	s20 =	sadd.s32 s6, s11;
	s2 =	smulhi.u32 $0x66666667, s22;
	s10 =	sshra.s32 s22, $0x1F  }
0x2da: {  	s9 =	sadd.s32 s17, s16;
	s23 =	spop (v2sf);
	s10 =	smul.u32 $0x66666667, s10  }
0x2db: {  	s14 =	sshrl.u32 s20, $0x1F;
	s31 =	sshrl.u32 s9, $0x1F;
	s15 =	smulhi.u32 $0x66666667, s23  }
0x2dc: {  	s24 =	sshra.s32 s23, $0x1F;
	s25 =	spop (v2sf);
	s11 =	sadd.s32 s5, s19  }
0x2dd: {  	s9 =	sshra.s32 s9, $0x8;
	s26 =	smul.u32 $0x66666667, s24;
	s16 =	spop (v2sf)  }
0x2de: {  	s18 =	smulhi.u32 $0x66666667, s25;
	s17 =	sshra.s32 s25, $0x1F;
	s24 =	spop (v2sf)  }
0x2df: {  	s19 =	sshrl.u32 s11, $0x1F;
	s30 =	sadd.s32 s8, s30;
	s21 =	spop (v2sf)  }
0x2e0: {  	v50 =	vmov s3;
	s17 =	smul.u32 $0x66666667, s17;
	s10 =	sadd.s32 s10, s2;
	s23 =	spop (v2sf)  }
0x2e1: {  	v6 =	vsel vm2, s12, v50;
	s22 =	smulhi.u32 $0x66666667, s16;
	s5 =	sshra.s32 s16, $0x1F;
	s6 =	spop (v2sf)  }
0x2e2: {  	v6 =	vsel vm3, s13, v6;
	s13 =	sshra.s32 s30, $0x8;
	s5 =	smul.u32 $0x66666667, s5;
	s25 =	spop (v2sf)  }
0x2e3: {  	v52 =	vmov s19;
	s4 =	sadd.s32 s26, s15;
	s26 =	smulhi.u32 $0x66666667, s25;
	s8 =	sshra.s32 s25, $0x1F  }
0x2e4: {  	v8 =	vsel vm2, s31, v52;
	s31 =	sshra.s32 s11, $0x8;
	s16 =	sadd.s32 s17, s18;
	s8 =	smul.u32 $0x66666667, s8  }
0x2e5: {  	s18 =	sshrl.u32 s30, $0x1F;
	s2 =	smulhi.u32 $0x66666667, s24;
	s24 =	sshra.s32 s24, $0x1F  }
0x2e6: {  	vm9 =	vmmov vm5;
	s17 =	smul.u32 $0x66666667, s24;
	s5 =	sadd.s32 s5, s22;
	s22 =	sadd.s32 s8, s26  }
0x2e7: {  	vm5 =	vmmov vm7;
	vm7 =	vmmov vm13;
	vm13 =	vmmov vm14;
	s24 =	sshrl.u32 s10, $0x1F;
	s15 =	smulhi.u32 $0x66666667, s21;
	s25 =	sshra.s32 s22, $0x1F  }
0x2e8: {  	vm14 =	vmmov vm1;
	vm6 =	vmmov vm5;
	s2 =	sadd.s32 s17, s2;
	s17 =	sshra.s32 s21, $0x1F;
	s26 =	sshra.s32 s4, $0x8;
	v5 =	vmov s25  }
0x2e9: {  	vm8 =	vmmov vm14;
	v54 =	vmov s31;
	s3 =	smul.u32 $0x66666667, s17;
	s8 =	sshrl.u32 s4, $0x1F;
	s4 =	sshra.s32 s4, $0x1F;
	v5 =	vsel vm5, s26, v5  }
0x2ea: {  	v6 =	vsel vm4, s14, v6;
	v9 =	vsel vm2, s9, v54;
	s21 =	sshrl.u32 s16, $0x1F;
	s25 =	sshra.s32 s23, $0x1F;
	s26 =	sshra.s32 s16, $0x8;
	v5 =	vsel vm9, s4, v5  }
0x2eb: {  	s3 =	sadd.s32 s3, s15;
	v51 =	vmov s8;
	s12 =	smul.u32 $0x66666667, s25;
	s25 =	sshra.s32 s16, $0x1F;
	vm9 =	vcmask $0xF0C;
	v5 =	vsel vm2, s26, v5  }
0x2ec: {  	v9 =	vsel vm3, s13, v9;
	s17 =	sshrl.u32 s5, $0x1F;
	s19 =	sshrl.u32 s3, $0x1F;
	v7 =	vnsel vm5, $0x0, v51;
	s16 =	sshra.s32 s5, $0x8;
	v5 =	vsel vm9, s25, v5  }
0x2ed: {  	v8 =	vsel vm3, s18, v8;
	s8 =	smulhi.u32 $0x66666667, s23;
	s23 =	sshrl.u32 s2, $0x1F;
	v7 =	vsel vm2, s21, v7;
	s5 =	sshra.s32 s5, $0x1F;
	v5 =	vsel vm3, s16, v5  }
0x2ee: {  	v8 =	vsel vm4, s24, v8;
	s21 =	sshra.s32 s2, $0x8;
	v7 =	vsel vm3, s17, v7;
	s26 =	smulhi.u32 $0x66666667, s6;
	s6 =	sshra.s32 s6, $0x1F;
	v5 =	vsel vm11, s5, v5  }
0x2ef: {  	vm5 =	vcmask $0x2320;
	s2 =	sshra.s32 s2, $0x1F;
	v7 =	vsel vm4, s23, v7;
	s8 =	sadd.s32 s12, s8;
	s6 =	smul.u32 $0x66666667, s6;
	v5 =	vsel vm4, s21, v5  }
0x2f0: {  	v6 =	vcombine.low v8, v6;
	v7 =	vsel vm5, s19, v7;
	s23 =	sshrl.u32 s8, $0x1F;
	s25 =	sshra.s32 s3, $0x8;
	s16 =	sshra.s32 s10, $0x8;
	v5 =	vsel vm12, s2, v5  }
0x2f1: {  	v7 =	vsel vm7, s23, v7;
	s6 =	sadd.s32 s6, s26;
	s26 =	sshra.s32 s7, $0x8;
	s7 =	sshra.s32 s3, $0x1F;
	vm11 =	vcmask $0x2724;
	v5 =	vsel vm5, s25, v5  }
0x2f2: {  	s0 =	sshra.s32 s0, $0x8;
	s11 =	sshra.s32 s8, $0x8;
	v9 =	vsel vm4, s16, v9;
	s24 =	sshrl.u32 s6, $0x1F;
	v53 =	vmov s26;
	v5 =	vsel vm11, s7, v5  }
0x2f3: {  	s12 =	sshra.s32 s1, $0x8;
	s14 =	sshra.s32 s8, $0x1F;
	v7 =	vsel vm14, s24, v7;
	v8 =	vsel vm2, s0, v53;
	v5 =	vsel vm7, s11, v5  }
0x2f4: {  	s15 =	sshra.s32 s20, $0x8;
	s17 =	sshra.s32 s6, $0x8;
	vm14 =	vmmov vm5;
	v8 =	vsel vm3, s12, v8;
	v5 =	vsel vm13, s14, v5  }
0x2f5: {  	s18 =	sshrl.u32 s22, $0x1F;
	s19 =	sshra.s32 s6, $0x1F;
	vm5 =	vcmask $0x3B38;
	v8 =	vsel vm4, s15, v8;
	v5 =	vsel vm8, s17, v5  }
0x2f6: {  	s20 =	sshra.s32 s22, $0x8;
	v7 =	vsel vm5, s18, v7;
	v8 =	vcombine.low v9, v8;
	v5 =	vsel vm15, s19, v5  }
0x2f7: {  	v6 =	vperm.xlane v6, v0;
	v7 =	vperm.xlane v7, v1;
	v5 =	vsel vm5, s20, v5  }
0x2f8: {  	v8 =	vperm.xlane v8, v0;
	v5 =	vperm.xlane v5, v1;
	_ =	sdelay $0x1  }
0x2f9: {  	v6 =	vsel vm10, v7, v6;
	v5 =	vsel vm10, v5, v8  }
0x2fa: {  	v5 =	vadd.s32 v6, v5  }
0x2fb: {  	v6 =	vmul.u32 $0xFFFFFD80, v5;
	_ =	sdelay $0x1  }
0x2fc: {  	v6 =	vadd.s32 v4, v6  }
0x2fd: {  	vm0 =	vlt.s32 v4, $0x1;
	vm1 =	vne.s32 v6, $0x0  }
0x2fe: {  	vm0 =	vmand vm0, vm1  }
0x2ff: {  	v4 =	vsel vm0, $0xFFFFFFFF, v2  }
0x300: {  	vm0 =	vlt.s32 v6, $0x0;
	v4 =	vadd.s32 v4, v5;
	v5 =	vadd.s32 $0x280, v6  }
0x301: {  	v5 =	vsel vm0, v5, v6;
	v55 =	vshrl.u32 v4, $0x3  }
0x302: {  	v6 =	vmul.u32 $0x1400, v55;
	v56 =	vshll.u32 v5, $0x3  }
0x303: {  	v4 =	vshll.u32 v4, $0x7;
	v7 =	vand.u32 $0xFFFFFC00, v56  }
0x304: {  	v4 =	vand.u32 $0x380, v4;
	v6 =	vadd.s32 v7, v6  }
0x305: {  	v5 =	vand.u32 $0x7F, v5;
	v4 =	vor.u32 v4, v6  }
0x306: {  	v4 =	vor.u32 v5, v4;
	_ =	sdelay $0x3  }
0x307: {  	s30 =	simm.s32 $0x5200  }
0x308: {  	[tilespmem:v4+s30+$0x0] =	vst.idx.add.f32.msk $0xffff, v3  }
0x309: {  	v4 =	vld [tilespmem:$0x29C0];
	_ =	sdelay $0x4  }
0x30a: {  	(v2sf) =	vpush v4, $0xD;
	_ =	sdelay $0x1  }
0x30b: {  	(v2sf) =	vpush v4, $0xC;
	_ =	sdelay $0x1  }
0x30c: {  	(v2sf) =	vpush v4, $0xE;
	_ =	sdelay $0x1  }
0x30d: {  	(v2sf) =	vpush v4, $0xF;
	_ =	sdelay $0x1  }
0x30e: {  	(v2sf) =	vpush v4, $0x9;
	_ =	sdelay $0x1  }
0x30f: {  	(v2sf) =	vpush v4, $0x8;
	_ =	sdelay $0x1  }
0x310: {  	(v2sf) =	vpush v4, $0xA;
	_ =	sdelay $0x1  }
0x311: {  	(v2sf) =	vpush v4, $0xB  }
0x312: {  	s21 =	spop (v2sf)  }
0x313: {  	(v2sf) =	vpush v4, $0x0;
	s1 =	smulhi.u32 $0x66666667, s21;
	s0 =	sshra.s32 s21, $0x1F  }
0x314: {  	s22 =	spop (v2sf);
	s0 =	smul.u32 $0x66666667, s0  }
0x315: {  	(v2sf) =	vpush v4, $0x1;
	s3 =	smulhi.u32 $0x66666667, s22;
	s2 =	sshra.s32 s22, $0x1F  }
0x316: {  	s23 =	spop (v2sf);
	s2 =	smul.u32 $0x66666667, s2  }
0x317: {  	(v2sf) =	vpush v4, $0x2;
	s5 =	smulhi.u32 $0x66666667, s23;
	s4 =	sshra.s32 s23, $0x1F  }
0x318: {  	s24 =	spop (v2sf);
	s4 =	smul.u32 $0x66666667, s4  }
0x319: {  	(v2sf) =	vpush v4, $0x3;
	s8 =	smulhi.u32 $0x66666667, s24;
	s6 =	sshra.s32 s24, $0x1F  }
0x31a: {  	(v2sf) =	vpush v4, $0x4;
	s25 =	spop (v2sf);
	s6 =	smul.u32 $0x66666667, s6  }
0x31b: {  	(v2sf) =	vpush v4, $0x5;
	s9 =	smulhi.u32 $0x66666667, s25;
	s7 =	sshra.s32 s25, $0x1F  }
0x31c: {  	(v2sf) =	vpush v4, $0x6;
	s26 =	spop (v2sf);
	s10 =	smul.u32 $0x66666667, s7  }
0x31d: {  	(v2sf) =	vpush v4, $0x7;
	s11 =	smulhi.u32 $0x66666667, s26;
	s7 =	sshra.s32 s26, $0x1F  }
0x31e: {  	s31 =	spop (v2sf);
	s13 =	smul.u32 $0x66666667, s7  }
0x31f: {  	s14 =	smulhi.u32 $0x66666667, s31;
	s12 =	sshra.s32 s31, $0x1F  }
0x320: {  	s15 =	spop (v2sf);
	s16 =	smul.u32 $0x66666667, s12  }
0x321: {  	s17 =	smulhi.u32 $0x66666667, s15;
	s7 =	sshra.s32 s15, $0x1F  }
0x322: {  	s18 =	spop (v2sf);
	s19 =	smul.u32 $0x66666667, s7  }
0x323: {  	s1 =	sadd.s32 s0, s1;
	s23 =	smulhi.u32 $0x66666667, s18;
	s31 =	sshra.s32 s18, $0x1F  }
0x324: {  	s0 =	sadd.s32 s6, s8;
	s20 =	spop (v2sf);
	s24 =	smul.u32 $0x66666667, s31  }
0x325: {  	s12 =	sadd.s32 s2, s3;
	s25 =	smulhi.u32 $0x66666667, s20;
	s7 =	sshra.s32 s20, $0x1F  }
0x326: {  	s18 =	sshrl.u32 s1, $0x1F;
	s2 =	smul.u32 $0x66666667, s7;
	s21 =	spop (v2sf)  }
0x327: {  	s7 =	sadd.s32 s4, s5;
	s3 =	smulhi.u32 $0x66666667, s21;
	s20 =	sshra.s32 s21, $0x1F  }
0x328: {  	s2 =	sadd.s32 s2, s25;
	s22 =	spop (v2sf);
	s4 =	smul.u32 $0x66666667, s20  }
0x329: {  	s15 =	spop (v2sf);
	s20 =	sadd.s32 s10, s9;
	s6 =	smulhi.u32 $0x66666667, s22  }
0x32a: {  	s21 =	sshra.s32 s22, $0x1F;
	s22 =	sadd.s32 s13, s11;
	s26 =	spop (v2sf)  }
0x32b: {  	s10 =	sadd.s32 s16, s14;
	s8 =	smul.u32 $0x66666667, s21;
	s5 =	spop (v2sf)  }
0x32c: {  	s31 =	smulhi.u32 $0x66666667, s15;
	s16 =	sshra.s32 s15, $0x1F;
	s21 =	spop (v2sf)  }
0x32d: {  	s15 =	sadd.s32 s24, s23;
	s23 =	smulhi.u32 $0x66666667, s21;
	s14 =	sshra.s32 s21, $0x1F  }
0x32e: {  	s9 =	sadd.s32 s19, s17;
	s19 =	sshrl.u32 s7, $0x1F;
	s14 =	smul.u32 $0x66666667, s14  }
0x32f: {  	s24 =	sshrl.u32 s12, $0x1F;
	s13 =	smul.u32 $0x66666667, s16;
	s3 =	sadd.s32 s4, s3  }
0x330: {  	s4 =	sshrl.u32 s0, $0x1F;
	s25 =	smulhi.u32 $0x66666667, s26;
	s11 =	sadd.s32 s14, s23  }
0x331: {  	s26 =	sshra.s32 s26, $0x1F;
	v57 =	vmov s24;
	s24 =	sshrl.u32 s15, $0x1F;
	s16 =	sshra.s32 s11, $0x1F  }
0x332: {  	s6 =	sadd.s32 s8, s6;
	s8 =	sadd.s32 s13, s31;
	s31 =	sshra.s32 s15, $0x8;
	v5 =	vmov s16  }
0x333: {  	vm0 =	vcmask $0x704;
	v6 =	vsel vm2, s18, v57;
	s18 =	sshrl.u32 s10, $0x1F;
	s15 =	sshra.s32 s15, $0x1F;
	s14 =	smul.u32 $0x66666667, s26;
	v5 =	vsel vm6, s31, v5  }
0x334: {  	v58 =	vmov s24;
	s21 =	sshrl.u32 s20, $0x1F;
	v6 =	vsel vm3, s19, v6;
	s23 =	sshrl.u32 s22, $0x1F;
	s26 =	sshra.s32 s2, $0x8;
	v5 =	vsel vm0, s15, v5  }
0x335: {  	v7 =	vnsel vm6, $0x0, v58;
	v59 =	vmov s23;
	s13 =	sadd.s32 s14, s25;
	s25 =	sshrl.u32 s2, $0x1F;
	s2 =	sshra.s32 s2, $0x1F;
	v5 =	vsel vm2, s26, v5  }
0x336: {  	v6 =	vsel vm4, s4, v6;
	s16 =	sshra.s32 s3, $0x8;
	v8 =	vsel vm2, s21, v59;
	s31 =	smulhi.u32 $0x66666667, s5;
	s5 =	sshra.s32 s5, $0x1F;
	v5 =	vsel vm9, s2, v5  }
0x337: {  	s14 =	sshrl.u32 s3, $0x1F;
	s3 =	sshra.s32 s3, $0x1F;
	v7 =	vsel vm2, s25, v7;
	s5 =	smul.u32 $0x66666667, s5;
	vm9 =	vcmask $0x1714;
	v5 =	vsel vm3, s16, v5  }
0x338: {  	s19 =	sshrl.u32 s6, $0x1F;
	s24 =	sshra.s32 s6, $0x8;
	v8 =	vsel vm3, s18, v8;
	s25 =	sshrl.u32 s9, $0x1F;
	v7 =	vsel vm3, s14, v7;
	v5 =	vsel vm9, s3, v5  }
0x339: {  	v8 =	vsel vm4, s25, v8;
	s14 =	sshra.s32 s12, $0x8;
	v7 =	vsel vm4, s19, v7;
	s2 =	sadd.s32 s5, s31;
	s31 =	sshra.s32 s6, $0x1F;
	v5 =	vsel vm4, s24, v5  }
0x33a: {  	s1 =	sshra.s32 s1, $0x8;
	s23 =	sshrl.u32 s8, $0x1F;
	s15 =	sshra.s32 s8, $0x8;
	v60 =	vmov s14;
	v6 =	vcombine.low v8, v6;
	v5 =	vsel vm12, s31, v5  }
0x33b: {  	s17 =	sshra.s32 s8, $0x1F;
	s26 =	sshrl.u32 s13, $0x1F;
	v7 =	vsel vm14, s23, v7;
	v9 =	vsel vm2, s1, v60;
	s16 =	sshra.s32 s22, $0x8;
	v5 =	vsel vm14, s15, v5  }
0x33c: {  	s18 =	sshra.s32 s7, $0x8;
	s19 =	sshra.s32 s20, $0x8;
	s20 =	sshra.s32 s13, $0x8;
	v7 =	vsel vm7, s26, v7;
	v10 =	vmov s16;
	v5 =	vsel vm11, s17, v5  }
0x33d: {  	s21 =	sshra.s32 s10, $0x8;
	s6 =	sshrl.u32 s2, $0x1F;
	v9 =	vsel vm3, s18, v9;
	s22 =	sshra.s32 s13, $0x1F;
	v10 =	vsel vm2, s19, v10;
	v5 =	vsel vm7, s20, v5  }
0x33e: {  	s0 =	sshra.s32 s0, $0x8;
	s23 =	sshra.s32 s9, $0x8;
	v7 =	vsel vm8, s6, v7;
	s24 =	sshra.s32 s2, $0x8;
	v10 =	vsel vm3, s21, v10;
	v5 =	vsel vm13, s22, v5  }
0x33f: {  	s25 =	sshrl.u32 s11, $0x1F;
	s26 =	sshra.s32 s2, $0x1F;
	v9 =	vsel vm4, s0, v9;
	v10 =	vsel vm4, s23, v10;
	v5 =	vsel vm8, s24, v5  }
0x340: {  	v7 =	vsel vm5, s25, v7;
	s31 =	sshra.s32 s11, $0x8;
	v61 =	vcombine.low v10, v9;
	v5 =	vsel vm15, s26, v5  }
0x341: {  	v6 =	vperm.xlane v6, v0;
	v7 =	vperm.xlane v7, v1;
	v5 =	vsel vm5, s31, v5  }
0x342: {  	v8 =	vperm.xlane v61, v0;
	v5 =	vperm.xlane v5, v1;
	_ =	sdelay $0x1  }
0x343: {  	v6 =	vsel vm10, v7, v6;
	v5 =	vsel vm10, v5, v8  }
0x344: {  	v5 =	vadd.s32 v6, v5  }
0x345: {  	v6 =	vmul.u32 $0xFFFFFD80, v5;
	_ =	sdelay $0x1  }
0x346: {  	v6 =	vadd.s32 v4, v6  }
0x347: {  	vm13 =	vlt.s32 v4, $0x1;
	vm14 =	vne.s32 v6, $0x0  }
0x348: {  	vm0 =	vmand vm13, vm14  }
0x349: {  	v4 =	vsel vm0, $0xFFFFFFFF, v2  }
0x34a: {  	vm15 =	vlt.s32 v6, $0x0;
	v4 =	vadd.s32 v4, v5;
	v5 =	vadd.s32 $0x280, v6  }
0x34b: {  	v5 =	vsel vm15, v5, v6;
	v62 =	vshrl.u32 v4, $0x3  }
0x34c: {  	v6 =	vmul.u32 $0x1400, v62;
	v63 =	vshll.u32 v5, $0x3  }
0x34d: {  	v4 =	vshll.u32 v4, $0x7;
	v7 =	vand.u32 $0xFFFFFC00, v63  }
0x34e: {  	v4 =	vand.u32 $0x380, v4;
	v6 =	vadd.s32 v7, v6  }
0x34f: {  	v5 =	vand.u32 $0x7F, v5;
	v4 =	vor.u32 v4, v6  }
0x350: {  	v4 =	vor.u32 v5, v4  }
.Ltmp5:
0x351: {  	_ = 	snop;
	(pc) =	sbr.rel .LBB2_4-.Ltmp5, $2  }
0x352: {  	_ =	sdelay $0x2  }
0x353: {  	[tilespmem:v4+s30+$0x0] =	vst.idx.add.f32.msk $0xffff, v3  }
.LBB2_6:
0x354: {  	_ =	sfence.sel $0x180000  }
0x355: {  	[bflag:$0x0] =	sbarrier.arrive $0xFFFF  }
0x356: {  	_ =	strace $0x90000047  }
0x357: {  	[bflag:$0x2] =	sbarrier.arrive $0xFFFF  }
0x358: {  	s0 =	rddreg [dreg:$0x3]  }
0x359: {  	s0 =	sadd.s32 @!p0 $0x100000, s0  }
0x35a: {  	[sflag:s0] =	ssyncadd.tile.s32 @!p0 $0x1;
	_ =	shalt  }
.Lfunc_end2:
_tile_overlayer_lowered:
.L_overlay_start_2:
0x35b: {  	(tag) =	ssettag $0x2  }
0x35c: {  	s0 =	rddreg [dreg:$0x0];
	s2 =	stileid.u32  }
0x35d: {  	s1 =	rddreg [dreg:$0x1];
	p0 =	sne.s32 s2, $0x0  }
0x35e: {  	s3 =	rddreg [dreg:$0x2];
	[bflag:$0x3] =	sbarrier.arrive $0xFFFF;
	s2 =	simm.s32 @!p0 $0x1C03  }
0x35f: {  	[timem:s3], [sflag:s2] =	dma.local @!p0 [hbm:s0], s1  }
0x360: {  	s0 =	simm.s32 @!p0 $0x3  }
0x361: {  	_ =	swait.ge @!p0 [sflag:s0], s1  }
0x362: {  	s1 =	ssub.s32 @!p0 $0x0, s1;
	[sflag:s0] =	ssyncset.done @!p0 $0x0  }
0x363: {  	[sflag:s0] =	ssyncadd.s32 @!p0 s1  }
0x364: {  	[bflag:$0x3] =	sbarrier.arrive $0xFFFF  }
0x365: {  	_ =	shalt  }

// kernel: kernel.13.cloned.1.call-start
scs
__scs_entry_jumppad:
0x0: {  	(pc) =	sbr.rel $0x88, $3  }
0x1: {  	(tag) =	ssettag $0x0;
	lr =	simm.s32 $0x1  }
0x2: {  	[smem:$0x3F92] =	sst lr;
	_ =	strace $0xD0000000  }
0x3: {  	_ = 	snop  }
0x4: {  	_ = 	snop  }
0x5: {  	_ = 	snop  }
0x6: {  	_ = 	snop  }
0x7: {  	_ = 	snop  }
__scs_overlays_trampoline_lowered:
0x8: {  	[smem:$0x3FA1] =	sst s0  }
0x9: {  	[smem:$0x3FA2] =	sst s1  }
0xa: {  	[smem:$0x3FA3] =	sst s2  }
0xb: {  	[smem:$0x3FA4] =	sst s3  }
0xc: {  	[smem:$0x3FA5] =	sst s4  }
0xd: {  	[smem:$0x3FA6] =	sst s5  }
0xe: {  	[smem:$0x3FA7] =	sst s6  }
0xf: {  	[smem:$0x3FA8] =	sst s7  }
0x10: {  	[smem:$0x3FA9] =	sst s8  }
0x11: {  	[smem:$0x3FAA] =	sst s9;
	s0 =	simm.s32 @!p0 $0x0  }
0x12: {  	s1 =	sld [smem:$0x3F90];
	s0 =	simm.s32 @p0 $0x1  }
0x13: {  	[smem:$0x3FAB] =	sst s0;
	s0 =	simm.s32 @!p1 $0x0  }
0x14: {  	s2 =	sld [smem:$0x3F8F];
	s0 =	simm.s32 @p1 $0x1  }
0x15: {  	[smem:$0x3FAC] =	sst s0;
	s0 =	simm.s32 @!p2 $0x0  }
0x16: {  	s3 =	sld [smem:$0x3FDB];
	s0 =	simm.s32 @p2 $0x1  }
0x17: {  	s4 =	simm.s32 $0x1BF5;
	[smem:$0x3FAE] =	sst s0  }
0x18: {  	s0 =	sld [smem:$0x3F91];
	_ =	swait.ge [sflag:s4], $0x0  }
0x19: {  	s7 =	sld [smem:$0x3F92]  }
0x1a: {  	s8 =	sadd.s32 $0xFFFFE003, lr  }
0x1b: {  	s9 =	sadd.s32 $0xFFFFFEF7, lr;
	s5 =	simm.s32 $0xFFFFFFFF;
	p2 =	slt.u32 s8, $0xFFFFF086  }
0x1c: {  	p1 =	slt.u32 s9, $0xF7A;
	s5 =	simm.s32 @!p2 $0x0  }
0x1d: {  	s5 =	simm.s32 @p1 $0x1;
	p0 =	seq.s32 s7, s2  }
0x1e: {  	s7 =	smul.u32 @!p0 $0xF7A, s2;
	p2 =	seq.s32 @!p0 s5, $0x0  }
0x1f: {  	s9 =	smul.u32 $0xF7A, s1;
	s8 =	simm.s32 @!p0 $0x1BF5;
	p2 =	por !p2, p0  }
0x20: {  	[sflag:s8] =	ssyncset.s32 @!p0 $0xFFFFF086;
	s6 =	sadd.s32 @!p0 s3, s7;
	s7 =	simm.s32 @!p0 $0x108  }
0x21: {  	s3 =	sadd.s32 s3, s9;
	s6 =	sadd.s32 @!p0 $0x88, s6;
	s7 =	simm.s32 @p2 $0x1082  }
0x22: {  	[simem:s7], [sflag:s8] =	dma.local @!p0 [hbm:s6], $0xF7A  }
0x23: {  	s9 =	sor.u32 $0xD0000000, s2;
	s6 =	simm.s32 $0x108;
	_ =	swait.ge @!p0 [sflag:s8], $0x0  }
0x24: {  	s3 =	sadd.s32 $0x88, s3;
	s6 =	simm.s32 @!p1 $0x1082;
	[sflag:s4] =	ssyncset.s32 $0xFFFFF086  }
0x25: {  	[simem:s6], [sflag:s4] =	dma.local [hbm:s3], $0xF7A  }
0x26: {  	[smem:$0x3F92] =	sst s1;
	(tag) =	ssettag s2;
	_ =	strace s9  }
0x27: {  	s1 =	sld [smem:$0x3FA2]  }
0x28: {  	s2 =	sld [smem:$0x3FA3]  }
0x29: {  	s4 =	sld [smem:$0x3FA5]  }
0x2a: {  	p0 =	seq.s32 s5, $0x0;
	s5 =	sld [smem:$0x3FA6]  }
0x2b: {  	s6 =	sld [smem:$0x3FA7]  }
0x2c: {  	s7 =	sld [smem:$0x3FA8]  }
0x2d: {  	s3 =	simm.s32 $0x108;
	s8 =	sld [smem:$0x3FA9]  }
0x2e: {  	s3 =	simm.s32 @!p0 $0x1082;
	s9 =	sld [smem:$0x3FAA]  }
0x2f: {  	lr =	sadd.s32 s0, s3;
	s0 =	sld [smem:$0x3FA1]  }
0x30: {  	s3 =	sld [smem:$0x3FA4]  }
0x31: {  	[smem:$0x3FAD] =	sst s10  }
0x32: {  	s10 =	sld [smem:$0x3FAB];
	_ =	sdelay $0x3  }
0x33: {  	p0 =	seq.s32 s10, $0x1;
	s10 =	sld [smem:$0x3FAD];
	_ =	sdelay $0x3  }
0x34: {  	[smem:$0x3FAD] =	sst s10  }
0x35: {  	s10 =	sld [smem:$0x3FAC];
	_ =	sdelay $0x3  }
0x36: {  	p1 =	seq.s32 s10, $0x1;
	s10 =	sld [smem:$0x3FAD];
	_ =	sdelay $0x3  }
0x37: {  	[smem:$0x3FAD] =	sst s10  }
0x38: {  	s10 =	sld [smem:$0x3FAE]  }
0x39: {  	_ = 	snop;
	(pc) =	sbr.ind lr, $3  }
0x3a: {  	_ = 	snop  }
0x3b: {  	_ = 	snop  }
0x3c: {  	p2 =	seq.s32 s10, $0x1;
	s10 =	sld [smem:$0x3FAD]  }
0x3d: {  	_ =	shalt  }
0x3e: {  	_ =	shalt  }
0x3f: {  	_ =	shalt  }
0x40: {  	_ =	shalt  }
0x41: {  	_ =	shalt  }
0x42: {  	_ =	shalt  }
0x43: {  	_ =	shalt  }
0x44: {  	_ =	shalt  }
0x45: {  	_ =	shalt  }
0x46: {  	_ =	shalt  }
0x47: {  	_ =	shalt  }
0x48: {  	_ =	shalt  }
0x49: {  	_ =	shalt  }
0x4a: {  	_ =	shalt  }
0x4b: {  	_ =	shalt  }
0x4c: {  	_ =	shalt  }
0x4d: {  	_ =	shalt  }
0x4e: {  	_ =	shalt  }
0x4f: {  	_ =	shalt  }
0x50: {  	_ =	shalt  }
0x51: {  	_ =	shalt  }
0x52: {  	_ =	shalt  }
0x53: {  	_ =	shalt  }
0x54: {  	_ =	shalt  }
0x55: {  	_ =	shalt  }
0x56: {  	_ =	shalt  }
0x57: {  	_ =	shalt  }
0x58: {  	_ =	shalt  }
0x59: {  	_ =	shalt  }
0x5a: {  	_ =	shalt  }
0x5b: {  	_ =	shalt  }
0x5c: {  	_ =	shalt  }
0x5d: {  	_ =	shalt  }
0x5e: {  	_ =	shalt  }
0x5f: {  	_ =	shalt  }
0x60: {  	_ =	shalt  }
0x61: {  	_ =	shalt  }
0x62: {  	_ =	shalt  }
0x63: {  	_ =	shalt  }
0x64: {  	_ =	shalt  }
0x65: {  	_ =	shalt  }
0x66: {  	_ =	shalt  }
0x67: {  	_ =	shalt  }
0x68: {  	_ =	shalt  }
0x69: {  	_ =	shalt  }
0x6a: {  	_ =	shalt  }
0x6b: {  	_ =	shalt  }
0x6c: {  	_ =	shalt  }
0x6d: {  	_ =	shalt  }
0x6e: {  	_ =	shalt  }
0x6f: {  	_ =	shalt  }
0x70: {  	_ =	shalt  }
0x71: {  	_ =	shalt  }
0x72: {  	_ =	shalt  }
0x73: {  	_ =	shalt  }
0x74: {  	_ =	shalt  }
0x75: {  	_ =	shalt  }
0x76: {  	_ =	shalt  }
0x77: {  	_ =	shalt  }
0x78: {  	_ =	shalt  }
0x79: {  	_ =	shalt  }
0x7a: {  	_ =	shalt  }
0x7b: {  	_ =	shalt  }
0x7c: {  	_ =	shalt  }
0x7d: {  	_ =	shalt  }
0x7e: {  	_ =	shalt  }
0x7f: {  	_ =	shalt  }
0x80: {  	_ =	shalt  }
0x81: {  	_ =	shalt  }
0x82: {  	_ =	shalt  }
0x83: {  	_ =	shalt  }
0x84: {  	_ =	shalt  }
0x85: {  	_ =	shalt  }
0x86: {  	_ =	shalt  }
0x87: {  	_ =	shalt  }
.Lfunc_end0:
.L_simem_size_0:
called_computation.1_lowered:
.L_overlay_start_0:
0x88: {  	s2 =	sld [smem:$0x3FD9]  }
0x89: {  	s3 =	sld [smem:$0x3FFE];
	_ =	sdelay $0x1  }
0x8a: {  	s1 =	srdreg.scid  }
0x8b: {  	s0 =	sand.u32 $0x1, s1  }
0x8c: {  	s17 =	sshll.u32 s0, $0xA;
	s2 =	sadd.s32 s3, s2  }
0x8d: {  	s2 =	sadd.s32 s2, s17  }
0x8e: {  	[smem:$0x3FB9] =	sst s2  }
0x8f: {  	_ = 	snop  }
0x90: {  	s2 =	sld [smem:$0x3FD0];
	(tm) =	ssettm $0x1  }
0x91: {  	s18 =	sld [smem:$0x3FFB];
	_ =	sdelay $0x3  }
0x92: {  	_ =	strace s18  }
0x93: {  	s3 =	sld [smem:$0x3FFC];
	_ =	sdelay $0x3  }
0x94: {  	_ =	strace s3  }
0x95: {  	s3 =	sld [smem:$0x3FFD];
	_ =	sdelay $0x3  }
0x96: {  	_ =	strace s3  }
0x97: {  	_ =	strace $0x8FFFFFFF  }
0x98: {  	s19 =	sld [smem:$0x3FDB];
	_ =	sdelay $0x1  }
0x99: {  	s4 =	simm.s32 $_scs_section_size  }
0x9a: {  	s5 =	simm.s32 $_size__tile_overlayer_lowered;
	s6 =	simm.s32 $_tile_overlayer_lowered  }
0x9b: {  	s22 =	simm.s32 $0x1BFF;
	s21 =	sshll.u32 s6, $0x1;
	s3 =	sadd.s32 s4, s19  }
0x9c: {  	s7 =	simm.s32 $0x0;
	s20 =	sshll.u32 s5, $0x1;
	s5 =	sadd.s32 s21, s3  }
0x9d: {  	[timem:s7], [sflag:s22] =	dma.local [hbm:s5], s20  }
0x9e: {  	_ =	swait.ge [sflag:s22], s20  }
0x9f: {  	s4 =	ssub.s32 $0x0, s20;
	[sflag:s22] =	ssyncset.done $0x0  }
0xa0: {  	[sflag:s22] =	ssyncadd.s32 s4;
	_ =	sdelay $0x1  }
0xa1: {  	s23 =	simm.s32 $0x1B8B  }
0xa2: {  	_ =	swait.ge [sflag:s23], $0x1  }
0xa3: {  	[sflag:s23] =	ssyncset.done $0x0  }
0xa4: {  	s25 =	simm.s32 $0x1B8E;
	s24 =	sld [smem:$0x3FFE];
	[sflag:s23] =	ssyncadd.s32 $0xFFFFFFFF  }
0xa5: {  	s26 =	simm.s32 $execute0_lowered;
	[smem:$0x3FD2] =	sst s25  }
0xa6: {  	s5 =	sshll.u32 s26, $0x1;
	_ =	strace $0x80000049;
	[dreg:$0x1] =	wrdreg $0xFFFFFFFF  }
0xa7: {  	s28 =	simm.s32 $_size_execute0_lowered;
	s3 =	sadd.s32 s3, s5;
	[dreg:$0x0] =	wrdreg $0x0  }
0xa8: {  	s5 =	sshll.u32 s28, $0x1;
	[dreg:$0x2] =	wrdreg s3  }
0xa9: {  	[dreg:$0x3] =	wrdreg s5  }
0xaa: {  	[dreg:$0x4] =	wrdreg $0xC0  }
0xab: {  	_ =	task [dreg:s7], $0x5FFFF  }
0xac: {  	[dreg:$0x1] =	wrdreg $0xFFFFFFFF  }
0xad: {  	[dreg:$0x0] =	wrdreg $0x60  }
0xae: {  	[dreg:$0x2] =	wrdreg s24  }
0xaf: {  	[dreg:$0x3] =	wrdreg s2  }
0xb0: {  	[dreg:$0x4] =	wrdreg $0x52000  }
0xb1: {  	[dreg:$0x5] =	wrdreg $0x9  }
0xb2: {  	_ =	task.clear_ibuf [dreg:s7], $0x6FFFF;
	_ =	strace $0x90000049  }
0xb3: {  	s29 =	simm.s32 $0x9;
	_ =	strace $0x8000004B  }
0xb4: {  	_ =	swait.ge [sflag:s29], $0x1  }
0xb5: {  	[sflag:s29] =	ssyncadd.s32 $0xFFFFFFFF  }
0xb6: {  	_ =	strace $0x9000004B  }
0xb7: {  	_ =	sfence  }
0xb8: {  	s30 =	sld [smem:$0x0];
	_ =	sdelay $0x2  }
0xb9: {  	s31 =	sshll.u32 s1, $0xD;
	s1 =	sshrl.u32 s1, $0x2  }
0xba: {  	s3 =	sand.u32 $0x4000, s31;
	s1 =	sadd.s32 s1, s30  }
0xbb: {  	s0 =	sor.u32 s3, s0;
	s1 =	sshll.u32 s1, $0x11  }
0xbc: {  	s0 =	sor.u32 s1, s0  }
0xbd: {  	s0 =	sadd.s32 $0x8F2B, s0  }
0xbe: {  	[sflag:s0] =	ssyncadd.remote.s32 $0x1  }
0xbf: {  	_ =	sfence.sel $0xFFFF  }
0xc0: {  	[dreg:$0x0] =	wrdreg $0xFFFFFFFF;
	(pc) =	sbr.abs _section_cstart, $3  }
0xc1: {  	[dreg:$0x1] =	wrdreg $0xFFFFFFFF  }
0xc2: {  	_ =	task.clear_ibuf [dreg:s7], $0x2FFFF;
	_ =	strace $0x9FFFFFFF  }
0xc3: {  	(tm) =	ssettm $0x7FFFFFFF  }
tec
execute0_lowered:
.L_overlay_start_1:
0x0: {  	(tag) =	ssettag $0x1  }
0x1: {  	s7 =	rddreg [dreg:$0x0]  }
0x2: {  	s1 =	rddreg [dreg:$0x1]  }
0x3: {  	s2 =	rddreg [dreg:$0x2]  }
0x4: {  	s0 =	rddreg [dreg:$0x3]  }
0x5: {  	s3 =	simm.s32 $0x0;
	s8 =	srdreg.scid;
	s14 =	stileid.u32  }
0x6: {  	s20 =	simm.s32 $0x1;
	s21 =	simm.s32 $0x4;
	[smem:$0x7FF] =	sst s3  }
0x7: {  	s4 =	sadd.s32 $0x16E00, s7;
	s5 =	sadd.s32 $0xD000, s7;
	s6 =	sadd.s32 $0x3200, s7  }
0x8: {  	s9 =	sand.u32 $0x1, s8;
	s10 =	sshll.u32 s14, $0x1;
	s11 =	smul.u32 $0x4E000, s14  }
0x9: {  	s12 =	sadd.s32 $0x3E600, s7;
	s25 =	sshll.u32 s14, $0x6;
	s16 =	smul.u32 $0x13800, s14  }
0xa: {  	s17 =	sadd.s32 $0x138000, s2;
	s18 =	smul.u32 $0x4E20, s14;
	p0 =	sne.s32 s14, $0x0  }
0xb: {  	_ =	strace $0x8000004A;
	s8 =	ssub.s32 $0x2, s9;
	s26 =	smul.u32 $0x138800, s9  }
0xc: {  	s10 =	sor.u32 s9, s10;
	s7 =	sor.u32 $0x1C03, s25;
	s19 =	smul.u32 $0x2710, s9  }
0xd: {  	s22 =	sshrl.u32 s8, $0x1;
	s23 =	sshrl.u32 s11, $0x2;
	s24 =	smul.u32 $0x2710, s10  }
0xe: {  	s13 =	ssub.s32 s8, s22;
	s15 =	sadd.s32 s23, s2;
	s16 =	sadd.s32 s16, s26  }
0xf: {  	s10 =	sshrl.u32 s26, $0x3;
	s31 =	sadd.s32 s19, s18;
	s18 =	simm.s32 $0x50  }
0x10: {  	s19 =	simm.s32 $0x100;
	s22 =	simm.s32 $0x0;
	s28 =	sshrl.u32 s24, $0x3  }
0x11: {  	s29 =	sshrl.u32 s16, $0x3;
	s30 =	sadd.s32 s12, s10;
	s14 =	sshrl.u32 s15, $0x3  }
0x12: {  	s15 =	simm.s32 $0x3;
	s16 =	sshrl.u32 @!p0 s17, $0x3;
	s17 =	simm.s32 $0x80  }
0x13: {  	s8 =	sadd.s32 s6, s28;
	s9 =	sadd.s32 s5, s28;
	s10 =	sadd.s32 s12, s29  }
0x14: {  	s11 =	sadd.s32 $0x27000, s30;
	s12 =	smax.u32 s13, $0x1;
	s13 =	sadd.s32 $0x50, s31  }
.LBB2_1:
0x15: {  	[spmem:s14], [sflag:s7] =	dma.local [hbm:s1], $0x2700  }
0x16: {  	_ =	swait.ge [sflag:s15], $0x2700  }
0x17: {  	[sflag:s15] =	ssyncset.done $0x0  }
0x18: {  	s23 =	simm.s32 @!p0 $0x3;
	[sflag:s15] =	ssyncadd.s32 $0xFFFFD900  }
0x19: {  	[spmem:s16], [sflag:s7] =	dma.local @!p0 [hbm:s1], $0x100  }
0x1a: {  	_ =	swait.ge @!p0 [sflag:s23], $0x100  }
0x1b: {  	[sflag:s23] =	ssyncset.done @!p0 $0x0  }
0x1c: {  	[sflag:s23] =	ssyncadd.s32 @!p0 $0xFFFFFF00  }
0x1d: {  	[bflag:$0x0] =	sbarrier.arrive $0xFFFF  }
0x1e: {  	[tilespmem:s17], [sflag:$0x3] =	stream.linear.gather [hbm4b:s8+s3], $0x50, $0x38;
	[tilespmem:$0x18A80] =	vst v63  }
0x1f: {  	_ =	swait.ge [sflag:s15], $0x50  }
0x20: {  	[sflag:s15] =	ssyncset.done $0x0  }
0x21: {  	[sflag:s15] =	ssyncadd.s32 $0xFFFFFFB0  }
0x22: {  	[tilespmem:s3], [sflag:$0x3] =	stream.linear.gather [hbm4b:s9+s3], $0x50, $0x38;
	[tilespmem:$0x18A80] =	vst v63  }
0x23: {  	s29 =	sand.u32 $0x1, s3;
	_ =	swait.ge [sflag:s15], $0x50  }
0x24: {  	p1 =	seq.s32 s29, $0x1;
	[sflag:s15] =	ssyncset.done $0x0  }
0x25: {  	s24 =	simm.s32 @p1 $0x4;
	s23 =	sshrl.u32 @p1 s13, $0x3;
	[sflag:s15] =	ssyncadd.s32 $0xFFFFFFB0  }
0x26: {  	[tilespmem:s19], [sflag:$0x1] =	stream.indirect.gather [hbm4b:s4+s18], $0x80, s3, s18, $0xb8;
	[tilespmem:$0x18A80] =	vst v63  }
0x27: {  	s26 =	simm.s32 @p1 $0x0;
	s28 =	simm.s32 @p1 $0x80;
	s25 =	sadd.s32 @p1 s6, s23  }
0x28: {  	[tilespmem:s28], [sflag:$0x4] =	stream.linear.gather @p1 [hbm4b:s25+s26], $0x50, $0x38;
	[tilespmem:$0x18A80] =	vst v63  }
0x29: {  	_ =	swait.ge @p1 [sflag:s24], $0x50  }
0x2a: {  	[sflag:s24] =	ssyncset.done @p1 $0x0  }
0x2b: {  	s23 =	sadd.s32 @p1 s5, s23;
	[sflag:s24] =	ssyncadd.s32 @p1 $0xFFFFFFB0  }
0x2c: {  	[tilespmem:s26], [sflag:$0x4] =	stream.linear.gather @p1 [hbm4b:s23+s26], $0x50, $0x38;
	[tilespmem:$0x18A80] =	vst v63  }
0x2d: {  	_ =	swait.ge @p1 [sflag:s24], $0x50  }
0x2e: {  	s25 =	simm.s32 @p1 $0x100;
	[sflag:s24] =	ssyncset.done @p1 $0x0  }
0x2f: {  	s23 =	simm.s32 @p1 $0x2;
	[sflag:s24] =	ssyncadd.s32 @p1 $0xFFFFFFB0;
	s24 =	simm.s32 @p1 $0x50  }
0x30: {  	[tilespmem:s25], [sflag:$0x1] =	stream.indirect.gather @p1 [hbm4b:s4+s24], $0x80, s26, s24, $0xb8;
	[tilespmem:$0x18A80] =	vst v63  }
0x31: {  	_ =	swait.ge @p1 [sflag:s23], $0x2800  }
0x32: {  	s28 =	simm.s32 @p1 $0x2A00;
	s26 =	sshrl.u32 @!p1 s13, $0x3;
	[sflag:s23] =	ssyncset.done @p1 $0x0  }
0x33: {  	s25 =	simm.s32 @!p1 $0x4;
	[sflag:s23] =	ssyncadd.s32 @p1 $0xFFFFD800;
	s23 =	simm.s32 @p1 $0x2980  }
0x34: {  	[spmem:s2] =	stream.indirect.scatter.add.f32 @p1 [tilespmem:s28], [sflag:$0x3], $0x80, s23, s24, $0xb8;
	[tilespmem:$0x18A80] =	vst v63  }
0x35: {  	s23 =	sadd.s32 @!p1 s6, s26;
	s24 =	simm.s32 @!p1 $0x0;
	s28 =	simm.s32 @!p1 $0x2980  }
0x36: {  	[tilespmem:s28], [sflag:$0x4] =	stream.linear.gather @!p1 [hbm4b:s23+s24], $0x50, $0x38;
	[tilespmem:$0x18A80] =	vst v63  }
0x37: {  	_ =	swait.ge @!p1 [sflag:s25], $0x50  }
0x38: {  	[sflag:s25] =	ssyncset.done @!p1 $0x0  }
0x39: {  	s23 =	sadd.s32 @!p1 s5, s26;
	s26 =	simm.s32 @!p1 $0x2900;
	[sflag:s25] =	ssyncadd.s32 @!p1 $0xFFFFFFB0  }
0x3a: {  	[tilespmem:s26], [sflag:$0x4] =	stream.linear.gather @!p1 [hbm4b:s23+s24], $0x50, $0x38;
	[tilespmem:$0x18A80] =	vst v63  }
0x3b: {  	_ =	swait.ge @!p1 [sflag:s25], $0x50  }
0x3c: {  	s28 =	simm.s32 @!p1 $0x2A00;
	[sflag:s25] =	ssyncset.done @!p1 $0x0  }
0x3d: {  	s23 =	simm.s32 @!p1 $0x1;
	s24 =	simm.s32 @!p1 $0x50;
	[sflag:s25] =	ssyncadd.s32 @!p1 $0xFFFFFFB0  }
0x3e: {  	[tilespmem:s28], [sflag:$0x2] =	stream.indirect.gather @!p1 [hbm4b:s4+s24], $0x80, s26, s24, $0xb8;
	[tilespmem:$0x18A80] =	vst v63  }
0x3f: {  	_ =	swait.ge @!p1 [sflag:s23], $0x2800  }
0x40: {  	s30 =	simm.s32 $0x1;
	s25 =	simm.s32 @p1 $0x3;
	[sflag:s23] =	ssyncset.done @!p1 $0x0  }
0x41: {  	s28 =	simm.s32 @!p1 $0x100;
	[sflag:s23] =	ssyncadd.s32 @!p1 $0xFFFFD800;
	s23 =	simm.s32 @!p1 $0x80  }
0x42: {  	[spmem:s2] =	stream.indirect.scatter.add.f32 @!p1 [tilespmem:s28], [sflag:$0x4], $0x80, s23, s24, $0xb8;
	[tilespmem:$0x18A80] =	vst v63  }
0x43: {  	s31 =	sand.u32 $0x1, s30;
	s24 =	simm.s32 $0x2;
	_ =	swait.ge [sflag:s25], $0x2800  }
0x44: {  	p1 =	seq.s32 s31, $0x1;
	s23 =	sadd.s32 $0x50, s13;
	[sflag:s25] =	ssyncset.done $0x0  }
.LBB2_2:
0x45: {  	s28 =	sshrl.u32 @p1 s23, $0x3  }
0x46: {  	s29 =	simm.s32 @p1 $0x4;
	[sflag:s25] =	ssyncadd.s32 $0xFFFFD800;
	s26 =	smov.u32 s24  }
0x47: {  	s30 =	simm.s32 @p1 $0x0;
	s31 =	simm.s32 @p1 $0x80;
	s25 =	sadd.s32 @p1 s6, s28  }
0x48: {  	[tilespmem:s31], [sflag:$0x4] =	stream.linear.gather @p1 [hbm4b:s25+s30], $0x50, $0x38;
	[tilespmem:$0x18A80] =	vst v63  }
0x49: {  	s24 =	sadd.s32 $0x1, s24;
	s25 =	sadd.s32 @p1 s5, s28;
	_ =	swait.ge @p1 [sflag:s29], $0x50  }
0x4a: {  	p2 =	sne.s32 s24, $0x7C;
	[sflag:s29] =	ssyncset.done @p1 $0x0  }
0x4b: {  	[sflag:s29] =	ssyncadd.s32 @p1 $0xFFFFFFB0  }
0x4c: {  	[tilespmem:s30], [sflag:$0x4] =	stream.linear.gather @p1 [hbm4b:s25+s30], $0x50, $0x38;
	[tilespmem:$0x18A80] =	vst v63  }
0x4d: {  	_ =	swait.ge @p1 [sflag:s29], $0x50  }
0x4e: {  	s28 =	simm.s32 @p1 $0x2;
	[sflag:s29] =	ssyncset.done @p1 $0x0  }
0x4f: {  	s25 =	simm.s32 @p1 $0x100;
	[sflag:s29] =	ssyncadd.s32 @p1 $0xFFFFFFB0;
	s29 =	simm.s32 @p1 $0x50  }
0x50: {  	[tilespmem:s25], [sflag:$0x1] =	stream.indirect.gather @p1 [hbm4b:s4+s29], $0x80, s30, s29, $0xb8;
	[tilespmem:$0x18A80] =	vst v63  }
0x51: {  	_ =	swait.ge @p1 [sflag:s28], $0x2800  }
0x52: {  	s30 =	sshrl.u32 @!p1 s23, $0x3;
	s25 =	simm.s32 @!p1 $0x4;
	[sflag:s28] =	ssyncset.done @p1 $0x0  }
0x53: {  	s31 =	simm.s32 @p1 $0x2A00;
	[sflag:s28] =	ssyncadd.s32 @p1 $0xFFFFD800;
	s28 =	simm.s32 @p1 $0x2980  }
0x54: {  	[spmem:s2] =	stream.indirect.scatter.add.f32 @p1 [tilespmem:s31], [sflag:$0x3], $0x80, s28, s29, $0xb8;
	[tilespmem:$0x18A80] =	vst v63  }
0x55: {  	s28 =	sadd.s32 @!p1 s6, s30;
	s29 =	simm.s32 @!p1 $0x0;
	s31 =	simm.s32 @!p1 $0x2980  }
0x56: {  	[tilespmem:s31], [sflag:$0x4] =	stream.linear.gather @!p1 [hbm4b:s28+s29], $0x50, $0x38;
	[tilespmem:$0x18A80] =	vst v63  }
0x57: {  	s28 =	sadd.s32 @!p1 s5, s30;
	_ =	swait.ge @!p1 [sflag:s25], $0x50  }
0x58: {  	[sflag:s25] =	ssyncset.done @!p1 $0x0  }
0x59: {  	s30 =	simm.s32 @!p1 $0x2900;
	[sflag:s25] =	ssyncadd.s32 @!p1 $0xFFFFFFB0  }
0x5a: {  	[tilespmem:s30], [sflag:$0x4] =	stream.linear.gather @!p1 [hbm4b:s28+s29], $0x50, $0x38;
	[tilespmem:$0x18A80] =	vst v63  }
0x5b: {  	_ =	swait.ge @!p1 [sflag:s25], $0x50  }
0x5c: {  	s28 =	simm.s32 @!p1 $0x1;
	[sflag:s25] =	ssyncset.done @!p1 $0x0  }
0x5d: {  	s31 =	simm.s32 @!p1 $0x2A00;
	s29 =	simm.s32 @!p1 $0x50;
	[sflag:s25] =	ssyncadd.s32 @!p1 $0xFFFFFFB0  }
0x5e: {  	[tilespmem:s31], [sflag:$0x2] =	stream.indirect.gather @!p1 [hbm4b:s4+s29], $0x80, s30, s29, $0xb8;
	[tilespmem:$0x18A80] =	vst v63  }
0x5f: {  	_ =	swait.ge @!p1 [sflag:s28], $0x2800  }
.Ltmp0:
0x60: {  	s25 =	simm.s32 @p1 $0x3;
	[sflag:s28] =	ssyncset.done @!p1 $0x0;
	(pc) =	sbr.rel @p2 .LBB2_2-.Ltmp0, $4  }
0x61: {  	s30 =	simm.s32 @!p1 $0x100;
	[sflag:s28] =	ssyncadd.s32 @!p1 $0xFFFFD800;
	s28 =	simm.s32 @!p1 $0x80  }
0x62: {  	[spmem:s2] =	stream.indirect.scatter.add.f32 @!p1 [tilespmem:s30], [sflag:$0x4], $0x80, s28, s29, $0xb8;
	[tilespmem:$0x18A80] =	vst v63  }
0x63: {  	s26 =	sand.u32 $0x1, s26;
	_ =	swait.ge [sflag:s25], $0x2800  }
0x64: {  	s23 =	sadd.s32 $0x50, s23;
	p1 =	seq.s32 s26, $0x1;
	[sflag:s25] =	ssyncset.done $0x0  }
0x65: {  	s24 =	sshrl.u32 @p1 s23, $0x3;
	s26 =	simm.s32 @p1 $0x4;
	[sflag:s25] =	ssyncadd.s32 $0xFFFFD800  }
0x66: {  	s28 =	simm.s32 @p1 $0x0;
	s29 =	simm.s32 @p1 $0x80;
	s25 =	sadd.s32 @p1 s6, s24  }
0x67: {  	[tilespmem:s29], [sflag:$0x4] =	stream.linear.gather @p1 [hbm4b:s25+s28], $0x50, $0x38;
	[tilespmem:$0x18A80] =	vst v63  }
0x68: {  	_ =	swait.ge @p1 [sflag:s26], $0x50  }
0x69: {  	[sflag:s26] =	ssyncset.done @p1 $0x0  }
0x6a: {  	s24 =	sadd.s32 @p1 s5, s24;
	[sflag:s26] =	ssyncadd.s32 @p1 $0xFFFFFFB0  }
0x6b: {  	[tilespmem:s28], [sflag:$0x4] =	stream.linear.gather @p1 [hbm4b:s24+s28], $0x50, $0x38;
	[tilespmem:$0x18A80] =	vst v63  }
0x6c: {  	_ =	swait.ge @p1 [sflag:s26], $0x50  }
0x6d: {  	s25 =	simm.s32 @p1 $0x50;
	[sflag:s26] =	ssyncset.done @p1 $0x0  }
0x6e: {  	s24 =	simm.s32 @p1 $0x2;
	[sflag:s26] =	ssyncadd.s32 @p1 $0xFFFFFFB0;
	s26 =	simm.s32 @p1 $0x100  }
0x6f: {  	[tilespmem:s26], [sflag:$0x1] =	stream.indirect.gather @p1 [hbm4b:s4+s25], $0x80, s28, s25, $0xb8;
	[tilespmem:$0x18A80] =	vst v63  }
0x70: {  	_ =	swait.ge @p1 [sflag:s24], $0x2800  }
0x71: {  	s23 =	sshrl.u32 @!p1 s23, $0x3;
	s26 =	simm.s32 @!p1 $0x4;
	[sflag:s24] =	ssyncset.done @p1 $0x0  }
0x72: {  	s28 =	simm.s32 @p1 $0x2A00;
	[sflag:s24] =	ssyncadd.s32 @p1 $0xFFFFD800;
	s24 =	simm.s32 @p1 $0x2980  }
0x73: {  	[spmem:s2] =	stream.indirect.scatter.add.f32 @p1 [tilespmem:s28], [sflag:$0x3], $0x80, s24, s25, $0xb8;
	[tilespmem:$0x18A80] =	vst v63  }
0x74: {  	s24 =	sadd.s32 @!p1 s6, s23;
	s25 =	simm.s32 @!p1 $0x0;
	s28 =	simm.s32 @!p1 $0x2980  }
0x75: {  	[tilespmem:s28], [sflag:$0x4] =	stream.linear.gather @!p1 [hbm4b:s24+s25], $0x50, $0x38;
	[tilespmem:$0x18A80] =	vst v63  }
0x76: {  	_ =	swait.ge @!p1 [sflag:s26], $0x50  }
0x77: {  	[sflag:s26] =	ssyncset.done @!p1 $0x0  }
0x78: {  	s23 =	sadd.s32 @!p1 s5, s23;
	s24 =	simm.s32 @!p1 $0x2900;
	[sflag:s26] =	ssyncadd.s32 @!p1 $0xFFFFFFB0  }
0x79: {  	[tilespmem:s24], [sflag:$0x4] =	stream.linear.gather @!p1 [hbm4b:s23+s25], $0x50, $0x38;
	[tilespmem:$0x18A80] =	vst v63  }
0x7a: {  	_ =	swait.ge @!p1 [sflag:s26], $0x50  }
0x7b: {  	s28 =	simm.s32 @!p1 $0x2A00;
	[sflag:s26] =	ssyncset.done @!p1 $0x0  }
0x7c: {  	s23 =	simm.s32 @!p1 $0x1;
	s25 =	simm.s32 @!p1 $0x50;
	[sflag:s26] =	ssyncadd.s32 @!p1 $0xFFFFFFB0  }
0x7d: {  	[tilespmem:s28], [sflag:$0x2] =	stream.indirect.gather @!p1 [hbm4b:s4+s25], $0x80, s24, s25, $0xb8;
	[tilespmem:$0x18A80] =	vst v63  }
0x7e: {  	_ =	swait.ge @!p1 [sflag:s23], $0x2800  }
0x7f: {  	s26 =	simm.s32 @p1 $0x3;
	[sflag:s23] =	ssyncset.done @!p1 $0x0  }
0x80: {  	s24 =	simm.s32 @!p1 $0x100;
	[sflag:s23] =	ssyncadd.s32 @!p1 $0xFFFFD800;
	s23 =	simm.s32 @!p1 $0x80  }
0x81: {  	[spmem:s2] =	stream.indirect.scatter.add.f32 @!p1 [tilespmem:s24], [sflag:$0x4], $0x80, s23, s25, $0xb8;
	[tilespmem:$0x18A80] =	vst v63  }
0x82: {  	_ =	swait.ge [sflag:s26], $0x2800  }
0x83: {  	[sflag:s26] =	ssyncset.done $0x0  }
0x84: {  	[sflag:s26] =	ssyncadd.s32 $0xFFFFD800  }
0x85: {  	_ =	swait.ge [sflag:s20], $0x2800  }
0x86: {  	[sflag:s20] =	ssyncset.done $0x0  }
0x87: {  	[sflag:s20] =	ssyncadd.s32 $0xFFFFD800  }
0x88: {  	[spmem:s2] =	stream.indirect.scatter.add.f32 [tilespmem:s19], [sflag:$0x4], $0x80, s17, s18, $0xb8;
	[tilespmem:$0x18A80] =	vst v63  }
0x89: {  	_ =	swait.ge [sflag:s21], $0x2800  }
0x8a: {  	[sflag:s21] =	ssyncset.done $0x0  }
0x8b: {  	[sflag:s21] =	ssyncadd.s32 $0xFFFFD800  }
0x8c: {  	[bflag:$0x0] =	sbarrier.arrive $0xFFFF  }
0x8d: {  	[hbm:s10], [sflag:s7] =	dma.local [spmem:s14], $0x2700  }
0x8e: {  	s22 =	sadd.s32 $0x1, s22;
	_ =	swait.ge [sflag:s15], $0x2700  }
0x8f: {  	p1 =	sne.s32 s22, s12;
	[sflag:s15] =	ssyncset.done $0x0  }
.Ltmp1:
0x90: {  	s23 =	simm.s32 @!p0 $0x3;
	[sflag:s15] =	ssyncadd.s32 $0xFFFFD900;
	(pc) =	sbr.rel @p1 .LBB2_1-.Ltmp1, $4  }
0x91: {  	[hbm:s11], [sflag:s7] =	dma.local @!p0 [spmem:s16], $0x100  }
0x92: {  	_ =	swait.ge @!p0 [sflag:s23], $0x100  }
0x93: {  	[sflag:s23] =	ssyncset.done @!p0 $0x0  }
0x94: {  	[sflag:s23] =	ssyncadd.s32 @!p0 $0xFFFFFF00  }
0x95: {  	_ =	sfence.sel $0x180000  }
0x96: {  	[bflag:$0x0] =	sbarrier.arrive $0xFFFF  }
0x97: {  	_ =	strace $0x9000004A  }
0x98: {  	s0 =	sadd.s32 @!p0 $0x100000, s0;
	[bflag:$0x2] =	sbarrier.arrive $0xFFFF  }
0x99: {  	[sflag:s0] =	ssyncadd.tile.s32 @!p0 $0x1;
	_ =	shalt  }
.Lfunc_end2:
_tile_overlayer_lowered:
.L_overlay_start_2:
0x9a: {  	(tag) =	ssettag $0x2  }
0x9b: {  	s0 =	rddreg [dreg:$0x0];
	s2 =	stileid.u32  }
0x9c: {  	s1 =	rddreg [dreg:$0x1];
	p0 =	sne.s32 s2, $0x0  }
0x9d: {  	s3 =	rddreg [dreg:$0x2];
	[bflag:$0x3] =	sbarrier.arrive $0xFFFF;
	s2 =	simm.s32 @!p0 $0x1C03  }
0x9e: {  	[timem:s3], [sflag:s2] =	dma.local @!p0 [hbm:s0], s1  }
0x9f: {  	s0 =	simm.s32 @!p0 $0x3  }
0xa0: {  	_ =	swait.ge @!p0 [sflag:s0], s1  }
0xa1: {  	s1 =	ssub.s32 @!p0 $0x0, s1;
	[sflag:s0] =	ssyncset.done @!p0 $0x0  }
0xa2: {  	[sflag:s0] =	ssyncadd.s32 @!p0 s1  }
0xa3: {  	[bflag:$0x3] =	sbarrier.arrive $0xFFFF  }
0xa4: {  	_ =	shalt  }

// kernel: kernel.16.cloned.1.call-start
scs
__scs_entry_jumppad:
0x0: {  	(pc) =	sbr.rel $0x88, $3  }
0x1: {  	(tag) =	ssettag $0x0;
	lr =	simm.s32 $0x1  }
0x2: {  	[smem:$0x3F92] =	sst lr;
	_ =	strace $0xD0000000  }
0x3: {  	_ = 	snop  }
0x4: {  	_ = 	snop  }
0x5: {  	_ = 	snop  }
0x6: {  	_ = 	snop  }
0x7: {  	_ = 	snop  }
__scs_overlays_trampoline_lowered:
0x8: {  	[smem:$0x3FA1] =	sst s0  }
0x9: {  	[smem:$0x3FA2] =	sst s1  }
0xa: {  	[smem:$0x3FA3] =	sst s2  }
0xb: {  	[smem:$0x3FA4] =	sst s3  }
0xc: {  	[smem:$0x3FA5] =	sst s4  }
0xd: {  	[smem:$0x3FA6] =	sst s5  }
0xe: {  	[smem:$0x3FA7] =	sst s6  }
0xf: {  	[smem:$0x3FA8] =	sst s7  }
0x10: {  	[smem:$0x3FA9] =	sst s8  }
0x11: {  	[smem:$0x3FAA] =	sst s9;
	s0 =	simm.s32 @!p0 $0x0  }
0x12: {  	s1 =	sld [smem:$0x3F90];
	s0 =	simm.s32 @p0 $0x1  }
0x13: {  	[smem:$0x3FAB] =	sst s0;
	s0 =	simm.s32 @!p1 $0x0  }
0x14: {  	s2 =	sld [smem:$0x3F8F];
	s0 =	simm.s32 @p1 $0x1  }
0x15: {  	[smem:$0x3FAC] =	sst s0;
	s0 =	simm.s32 @!p2 $0x0  }
0x16: {  	s3 =	sld [smem:$0x3FDB];
	s0 =	simm.s32 @p2 $0x1  }
0x17: {  	s4 =	simm.s32 $0x1BF5;
	[smem:$0x3FAE] =	sst s0  }
0x18: {  	s0 =	sld [smem:$0x3F91];
	_ =	swait.ge [sflag:s4], $0x0  }
0x19: {  	s7 =	sld [smem:$0x3F92]  }
0x1a: {  	s8 =	sadd.s32 $0xFFFFE003, lr  }
0x1b: {  	s9 =	sadd.s32 $0xFFFFFEF7, lr;
	s5 =	simm.s32 $0xFFFFFFFF;
	p2 =	slt.u32 s8, $0xFFFFF086  }
0x1c: {  	p1 =	slt.u32 s9, $0xF7A;
	s5 =	simm.s32 @!p2 $0x0  }
0x1d: {  	s5 =	simm.s32 @p1 $0x1;
	p0 =	seq.s32 s7, s2  }
0x1e: {  	s7 =	smul.u32 @!p0 $0xF7A, s2;
	p2 =	seq.s32 @!p0 s5, $0x0  }
0x1f: {  	s9 =	smul.u32 $0xF7A, s1;
	s8 =	simm.s32 @!p0 $0x1BF5;
	p2 =	por !p2, p0  }
0x20: {  	[sflag:s8] =	ssyncset.s32 @!p0 $0xFFFFF086;
	s6 =	sadd.s32 @!p0 s3, s7;
	s7 =	simm.s32 @!p0 $0x108  }
0x21: {  	s3 =	sadd.s32 s3, s9;
	s6 =	sadd.s32 @!p0 $0x88, s6;
	s7 =	simm.s32 @p2 $0x1082  }
0x22: {  	[simem:s7], [sflag:s8] =	dma.local @!p0 [hbm:s6], $0xF7A  }
0x23: {  	s9 =	sor.u32 $0xD0000000, s2;
	s6 =	simm.s32 $0x108;
	_ =	swait.ge @!p0 [sflag:s8], $0x0  }
0x24: {  	s3 =	sadd.s32 $0x88, s3;
	s6 =	simm.s32 @!p1 $0x1082;
	[sflag:s4] =	ssyncset.s32 $0xFFFFF086  }
0x25: {  	[simem:s6], [sflag:s4] =	dma.local [hbm:s3], $0xF7A  }
0x26: {  	[smem:$0x3F92] =	sst s1;
	(tag) =	ssettag s2;
	_ =	strace s9  }
0x27: {  	s1 =	sld [smem:$0x3FA2]  }
0x28: {  	s2 =	sld [smem:$0x3FA3]  }
0x29: {  	s4 =	sld [smem:$0x3FA5]  }
0x2a: {  	p0 =	seq.s32 s5, $0x0;
	s5 =	sld [smem:$0x3FA6]  }
0x2b: {  	s6 =	sld [smem:$0x3FA7]  }
0x2c: {  	s7 =	sld [smem:$0x3FA8]  }
0x2d: {  	s3 =	simm.s32 $0x108;
	s8 =	sld [smem:$0x3FA9]  }
0x2e: {  	s3 =	simm.s32 @!p0 $0x1082;
	s9 =	sld [smem:$0x3FAA]  }
0x2f: {  	lr =	sadd.s32 s0, s3;
	s0 =	sld [smem:$0x3FA1]  }
0x30: {  	s3 =	sld [smem:$0x3FA4]  }
0x31: {  	[smem:$0x3FAD] =	sst s10  }
0x32: {  	s10 =	sld [smem:$0x3FAB];
	_ =	sdelay $0x3  }
0x33: {  	p0 =	seq.s32 s10, $0x1;
	s10 =	sld [smem:$0x3FAD];
	_ =	sdelay $0x3  }
0x34: {  	[smem:$0x3FAD] =	sst s10  }
0x35: {  	s10 =	sld [smem:$0x3FAC];
	_ =	sdelay $0x3  }
0x36: {  	p1 =	seq.s32 s10, $0x1;
	s10 =	sld [smem:$0x3FAD];
	_ =	sdelay $0x3  }
0x37: {  	[smem:$0x3FAD] =	sst s10  }
0x38: {  	s10 =	sld [smem:$0x3FAE]  }
0x39: {  	_ = 	snop;
	(pc) =	sbr.ind lr, $3  }
0x3a: {  	_ = 	snop  }
0x3b: {  	_ = 	snop  }
0x3c: {  	p2 =	seq.s32 s10, $0x1;
	s10 =	sld [smem:$0x3FAD]  }
0x3d: {  	_ =	shalt  }
0x3e: {  	_ =	shalt  }
0x3f: {  	_ =	shalt  }
0x40: {  	_ =	shalt  }
0x41: {  	_ =	shalt  }
0x42: {  	_ =	shalt  }
0x43: {  	_ =	shalt  }
0x44: {  	_ =	shalt  }
0x45: {  	_ =	shalt  }
0x46: {  	_ =	shalt  }
0x47: {  	_ =	shalt  }
0x48: {  	_ =	shalt  }
0x49: {  	_ =	shalt  }
0x4a: {  	_ =	shalt  }
0x4b: {  	_ =	shalt  }
0x4c: {  	_ =	shalt  }
0x4d: {  	_ =	shalt  }
0x4e: {  	_ =	shalt  }
0x4f: {  	_ =	shalt  }
0x50: {  	_ =	shalt  }
0x51: {  	_ =	shalt  }
0x52: {  	_ =	shalt  }
0x53: {  	_ =	shalt  }
0x54: {  	_ =	shalt  }
0x55: {  	_ =	shalt  }
0x56: {  	_ =	shalt  }
0x57: {  	_ =	shalt  }
0x58: {  	_ =	shalt  }
0x59: {  	_ =	shalt  }
0x5a: {  	_ =	shalt  }
0x5b: {  	_ =	shalt  }
0x5c: {  	_ =	shalt  }
0x5d: {  	_ =	shalt  }
0x5e: {  	_ =	shalt  }
0x5f: {  	_ =	shalt  }
0x60: {  	_ =	shalt  }
0x61: {  	_ =	shalt  }
0x62: {  	_ =	shalt  }
0x63: {  	_ =	shalt  }
0x64: {  	_ =	shalt  }
0x65: {  	_ =	shalt  }
0x66: {  	_ =	shalt  }
0x67: {  	_ =	shalt  }
0x68: {  	_ =	shalt  }
0x69: {  	_ =	shalt  }
0x6a: {  	_ =	shalt  }
0x6b: {  	_ =	shalt  }
0x6c: {  	_ =	shalt  }
0x6d: {  	_ =	shalt  }
0x6e: {  	_ =	shalt  }
0x6f: {  	_ =	shalt  }
0x70: {  	_ =	shalt  }
0x71: {  	_ =	shalt  }
0x72: {  	_ =	shalt  }
0x73: {  	_ =	shalt  }
0x74: {  	_ =	shalt  }
0x75: {  	_ =	shalt  }
0x76: {  	_ =	shalt  }
0x77: {  	_ =	shalt  }
0x78: {  	_ =	shalt  }
0x79: {  	_ =	shalt  }
0x7a: {  	_ =	shalt  }
0x7b: {  	_ =	shalt  }
0x7c: {  	_ =	shalt  }
0x7d: {  	_ =	shalt  }
0x7e: {  	_ =	shalt  }
0x7f: {  	_ =	shalt  }
0x80: {  	_ =	shalt  }
0x81: {  	_ =	shalt  }
0x82: {  	_ =	shalt  }
0x83: {  	_ =	shalt  }
0x84: {  	_ =	shalt  }
0x85: {  	_ =	shalt  }
0x86: {  	_ =	shalt  }
0x87: {  	_ =	shalt  }
.Lfunc_end0:
.L_simem_size_0:
called_computation.2_lowered:
.L_overlay_start_0:
0x88: {  	s2 =	sld [smem:$0x3FD9]  }
0x89: {  	s3 =	sld [smem:$0x3FFE];
	_ =	sdelay $0x1  }
0x8a: {  	s1 =	srdreg.scid  }
0x8b: {  	s0 =	sand.u32 $0x1, s1  }
0x8c: {  	s17 =	sshll.u32 s0, $0xA;
	s2 =	sadd.s32 s3, s2  }
0x8d: {  	s2 =	sadd.s32 s2, s17  }
0x8e: {  	[smem:$0x3FB9] =	sst s2  }
0x8f: {  	_ = 	snop  }
0x90: {  	s2 =	sld [smem:$0x3FD0];
	(tm) =	ssettm $0x1  }
0x91: {  	s18 =	sld [smem:$0x3FFB];
	_ =	sdelay $0x3  }
0x92: {  	_ =	strace s18  }
0x93: {  	s3 =	sld [smem:$0x3FFC];
	_ =	sdelay $0x3  }
0x94: {  	_ =	strace s3  }
0x95: {  	s3 =	sld [smem:$0x3FFD];
	_ =	sdelay $0x3  }
0x96: {  	_ =	strace s3  }
0x97: {  	_ =	strace $0x8FFFFFFF  }
0x98: {  	s19 =	sld [smem:$0x3FDB];
	_ =	sdelay $0x1  }
0x99: {  	s4 =	simm.s32 $_scs_section_size  }
0x9a: {  	s5 =	simm.s32 $_size__tile_overlayer_lowered;
	s6 =	simm.s32 $_tile_overlayer_lowered  }
0x9b: {  	s22 =	simm.s32 $0x1BFF;
	s21 =	sshll.u32 s6, $0x1;
	s3 =	sadd.s32 s4, s19  }
0x9c: {  	s7 =	simm.s32 $0x0;
	s20 =	sshll.u32 s5, $0x1;
	s5 =	sadd.s32 s21, s3  }
0x9d: {  	[timem:s7], [sflag:s22] =	dma.local [hbm:s5], s20  }
0x9e: {  	_ =	swait.ge [sflag:s22], s20  }
0x9f: {  	s4 =	ssub.s32 $0x0, s20;
	[sflag:s22] =	ssyncset.done $0x0  }
0xa0: {  	[sflag:s22] =	ssyncadd.s32 s4;
	_ =	sdelay $0x1  }
0xa1: {  	s23 =	simm.s32 $0x1B8B  }
0xa2: {  	_ =	swait.ge [sflag:s23], $0x1  }
0xa3: {  	[sflag:s23] =	ssyncset.done $0x0  }
0xa4: {  	s25 =	simm.s32 $0x1B8E;
	s24 =	sld [smem:$0x3FFE];
	[sflag:s23] =	ssyncadd.s32 $0xFFFFFFFF  }
0xa5: {  	s26 =	simm.s32 $execute0_lowered;
	[smem:$0x3FD2] =	sst s25  }
0xa6: {  	s5 =	sshll.u32 s26, $0x1;
	_ =	strace $0x8000004C;
	[dreg:$0x1] =	wrdreg $0xFFFFFFFF  }
0xa7: {  	s28 =	simm.s32 $_size_execute0_lowered;
	s3 =	sadd.s32 s3, s5;
	[dreg:$0x0] =	wrdreg $0x0  }
0xa8: {  	s5 =	sshll.u32 s28, $0x1;
	[dreg:$0x2] =	wrdreg s3  }
0xa9: {  	[dreg:$0x3] =	wrdreg s5  }
0xaa: {  	[dreg:$0x4] =	wrdreg $0xC0  }
0xab: {  	_ =	task [dreg:s7], $0x5FFFF  }
0xac: {  	[dreg:$0x1] =	wrdreg $0xFFFFFFFF  }
0xad: {  	[dreg:$0x0] =	wrdreg $0x60  }
0xae: {  	[dreg:$0x2] =	wrdreg s24  }
0xaf: {  	[dreg:$0x3] =	wrdreg s2  }
0xb0: {  	[dreg:$0x4] =	wrdreg $0x52000  }
0xb1: {  	[dreg:$0x5] =	wrdreg $0x9  }
0xb2: {  	_ =	task.clear_ibuf [dreg:s7], $0x6FFFF;
	_ =	strace $0x9000004C  }
0xb3: {  	s29 =	simm.s32 $0x9;
	_ =	strace $0x8000004E  }
0xb4: {  	_ =	swait.ge [sflag:s29], $0x1  }
0xb5: {  	[sflag:s29] =	ssyncadd.s32 $0xFFFFFFFF  }
0xb6: {  	_ =	strace $0x9000004E  }
0xb7: {  	_ =	sfence  }
0xb8: {  	s30 =	sld [smem:$0x0];
	_ =	sdelay $0x2  }
0xb9: {  	s31 =	sshll.u32 s1, $0xD;
	s1 =	sshrl.u32 s1, $0x2  }
0xba: {  	s3 =	sand.u32 $0x4000, s31;
	s1 =	sadd.s32 s1, s30  }
0xbb: {  	s0 =	sor.u32 s3, s0;
	s1 =	sshll.u32 s1, $0x11  }
0xbc: {  	s0 =	sor.u32 s1, s0  }
0xbd: {  	s0 =	sadd.s32 $0x8F2B, s0  }
0xbe: {  	[sflag:s0] =	ssyncadd.remote.s32 $0x1  }
0xbf: {  	_ =	sfence.sel $0xFFFF  }
0xc0: {  	[dreg:$0x0] =	wrdreg $0xFFFFFFFF;
	(pc) =	sbr.abs _section_cstart, $3  }
0xc1: {  	[dreg:$0x1] =	wrdreg $0xFFFFFFFF  }
0xc2: {  	_ =	task.clear_ibuf [dreg:s7], $0x2FFFF;
	_ =	strace $0x9FFFFFFF  }
0xc3: {  	(tm) =	ssettm $0x7FFFFFFF  }
tec
execute0_lowered:
.L_overlay_start_1:
0x0: {  	(tag) =	ssettag $0x1  }
0x1: {  	s7 =	rddreg [dreg:$0x0]  }
0x2: {  	s1 =	rddreg [dreg:$0x1]  }
0x3: {  	s2 =	rddreg [dreg:$0x2]  }
0x4: {  	s0 =	rddreg [dreg:$0x3]  }
0x5: {  	s3 =	simm.s32 $0x0;
	s8 =	srdreg.scid;
	s14 =	stileid.u32  }
0x6: {  	s20 =	simm.s32 $0x1;
	s21 =	simm.s32 $0x4;
	[smem:$0x7FF] =	sst s3  }
0x7: {  	s4 =	sadd.s32 $0x16E00, s7;
	s5 =	sadd.s32 $0xD000, s7;
	s6 =	sadd.s32 $0x3200, s7  }
0x8: {  	s9 =	sand.u32 $0x1, s8;
	s10 =	sshll.u32 s14, $0x1;
	s11 =	smul.u32 $0x4E000, s14  }
0x9: {  	s12 =	sadd.s32 $0x3E600, s7;
	s25 =	sshll.u32 s14, $0x6;
	s16 =	smul.u32 $0x13800, s14  }
0xa: {  	s17 =	sadd.s32 $0x138000, s2;
	s18 =	smul.u32 $0x4E20, s14;
	p0 =	sne.s32 s14, $0x0  }
0xb: {  	_ =	strace $0x8000004D;
	s8 =	ssub.s32 $0x2, s9;
	s26 =	smul.u32 $0x138800, s9  }
0xc: {  	s10 =	sor.u32 s9, s10;
	s7 =	sor.u32 $0x1C03, s25;
	s19 =	smul.u32 $0x2710, s9  }
0xd: {  	s22 =	sshrl.u32 s8, $0x1;
	s23 =	sshrl.u32 s11, $0x2;
	s24 =	smul.u32 $0x2710, s10  }
0xe: {  	s13 =	ssub.s32 s8, s22;
	s15 =	sadd.s32 s23, s2;
	s16 =	sadd.s32 s16, s26  }
0xf: {  	s10 =	sshrl.u32 s26, $0x3;
	s31 =	sadd.s32 s19, s18;
	s18 =	simm.s32 $0x50  }
0x10: {  	s19 =	simm.s32 $0x100;
	s22 =	simm.s32 $0x0;
	s28 =	sshrl.u32 s24, $0x3  }
0x11: {  	s29 =	sshrl.u32 s16, $0x3;
	s30 =	sadd.s32 s12, s10;
	s14 =	sshrl.u32 s15, $0x3  }
0x12: {  	s15 =	simm.s32 $0x3;
	s16 =	sshrl.u32 @!p0 s17, $0x3;
	s17 =	simm.s32 $0x80  }
0x13: {  	s8 =	sadd.s32 s6, s28;
	s9 =	sadd.s32 s5, s28;
	s10 =	sadd.s32 s12, s29  }
0x14: {  	s11 =	sadd.s32 $0x27000, s30;
	s12 =	smax.u32 s13, $0x1;
	s13 =	sadd.s32 $0x50, s31  }
.LBB2_1:
0x15: {  	[spmem:s14], [sflag:s7] =	dma.local [hbm:s1], $0x2700  }
0x16: {  	_ =	swait.ge [sflag:s15], $0x2700  }
0x17: {  	[sflag:s15] =	ssyncset.done $0x0  }
0x18: {  	s23 =	simm.s32 @!p0 $0x3;
	[sflag:s15] =	ssyncadd.s32 $0xFFFFD900  }
0x19: {  	[spmem:s16], [sflag:s7] =	dma.local @!p0 [hbm:s1], $0x100  }
0x1a: {  	_ =	swait.ge @!p0 [sflag:s23], $0x100  }
0x1b: {  	[sflag:s23] =	ssyncset.done @!p0 $0x0  }
0x1c: {  	[sflag:s23] =	ssyncadd.s32 @!p0 $0xFFFFFF00  }
0x1d: {  	[bflag:$0x0] =	sbarrier.arrive $0xFFFF  }
0x1e: {  	[tilespmem:s17], [sflag:$0x3] =	stream.linear.gather [hbm4b:s8+s3], $0x50, $0x38;
	[tilespmem:$0x18A80] =	vst v63  }
0x1f: {  	_ =	swait.ge [sflag:s15], $0x50  }
0x20: {  	[sflag:s15] =	ssyncset.done $0x0  }
0x21: {  	[sflag:s15] =	ssyncadd.s32 $0xFFFFFFB0  }
0x22: {  	[tilespmem:s3], [sflag:$0x3] =	stream.linear.gather [hbm4b:s9+s3], $0x50, $0x38;
	[tilespmem:$0x18A80] =	vst v63  }
0x23: {  	s29 =	sand.u32 $0x1, s3;
	_ =	swait.ge [sflag:s15], $0x50  }
0x24: {  	p1 =	seq.s32 s29, $0x1;
	[sflag:s15] =	ssyncset.done $0x0  }
0x25: {  	s24 =	simm.s32 @p1 $0x4;
	s23 =	sshrl.u32 @p1 s13, $0x3;
	[sflag:s15] =	ssyncadd.s32 $0xFFFFFFB0  }
0x26: {  	[tilespmem:s19], [sflag:$0x1] =	stream.indirect.gather [hbm4b:s4+s18], $0x80, s3, s18, $0xb8;
	[tilespmem:$0x18A80] =	vst v63  }
0x27: {  	s26 =	simm.s32 @p1 $0x0;
	s28 =	simm.s32 @p1 $0x80;
	s25 =	sadd.s32 @p1 s6, s23  }
0x28: {  	[tilespmem:s28], [sflag:$0x4] =	stream.linear.gather @p1 [hbm4b:s25+s26], $0x50, $0x38;
	[tilespmem:$0x18A80] =	vst v63  }
0x29: {  	_ =	swait.ge @p1 [sflag:s24], $0x50  }
0x2a: {  	[sflag:s24] =	ssyncset.done @p1 $0x0  }
0x2b: {  	s23 =	sadd.s32 @p1 s5, s23;
	[sflag:s24] =	ssyncadd.s32 @p1 $0xFFFFFFB0  }
0x2c: {  	[tilespmem:s26], [sflag:$0x4] =	stream.linear.gather @p1 [hbm4b:s23+s26], $0x50, $0x38;
	[tilespmem:$0x18A80] =	vst v63  }
0x2d: {  	_ =	swait.ge @p1 [sflag:s24], $0x50  }
0x2e: {  	s25 =	simm.s32 @p1 $0x100;
	[sflag:s24] =	ssyncset.done @p1 $0x0  }
0x2f: {  	s23 =	simm.s32 @p1 $0x2;
	[sflag:s24] =	ssyncadd.s32 @p1 $0xFFFFFFB0;
	s24 =	simm.s32 @p1 $0x50  }
0x30: {  	[tilespmem:s25], [sflag:$0x1] =	stream.indirect.gather @p1 [hbm4b:s4+s24], $0x80, s26, s24, $0xb8;
	[tilespmem:$0x18A80] =	vst v63  }
0x31: {  	_ =	swait.ge @p1 [sflag:s23], $0x2800  }
0x32: {  	s28 =	simm.s32 @p1 $0x2A00;
	s26 =	sshrl.u32 @!p1 s13, $0x3;
	[sflag:s23] =	ssyncset.done @p1 $0x0  }
0x33: {  	s25 =	simm.s32 @!p1 $0x4;
	[sflag:s23] =	ssyncadd.s32 @p1 $0xFFFFD800;
	s23 =	simm.s32 @p1 $0x2980  }
0x34: {  	[spmem:s2] =	stream.indirect.scatter.add.f32 @p1 [tilespmem:s28], [sflag:$0x3], $0x80, s23, s24, $0xb8;
	[tilespmem:$0x18A80] =	vst v63  }
0x35: {  	s23 =	sadd.s32 @!p1 s6, s26;
	s24 =	simm.s32 @!p1 $0x0;
	s28 =	simm.s32 @!p1 $0x2980  }
0x36: {  	[tilespmem:s28], [sflag:$0x4] =	stream.linear.gather @!p1 [hbm4b:s23+s24], $0x50, $0x38;
	[tilespmem:$0x18A80] =	vst v63  }
0x37: {  	_ =	swait.ge @!p1 [sflag:s25], $0x50  }
0x38: {  	[sflag:s25] =	ssyncset.done @!p1 $0x0  }
0x39: {  	s23 =	sadd.s32 @!p1 s5, s26;
	s26 =	simm.s32 @!p1 $0x2900;
	[sflag:s25] =	ssyncadd.s32 @!p1 $0xFFFFFFB0  }
0x3a: {  	[tilespmem:s26], [sflag:$0x4] =	stream.linear.gather @!p1 [hbm4b:s23+s24], $0x50, $0x38;
	[tilespmem:$0x18A80] =	vst v63  }
0x3b: {  	_ =	swait.ge @!p1 [sflag:s25], $0x50  }
0x3c: {  	s28 =	simm.s32 @!p1 $0x2A00;
	[sflag:s25] =	ssyncset.done @!p1 $0x0  }
0x3d: {  	s23 =	simm.s32 @!p1 $0x1;
	s24 =	simm.s32 @!p1 $0x50;
	[sflag:s25] =	ssyncadd.s32 @!p1 $0xFFFFFFB0  }
0x3e: {  	[tilespmem:s28], [sflag:$0x2] =	stream.indirect.gather @!p1 [hbm4b:s4+s24], $0x80, s26, s24, $0xb8;
	[tilespmem:$0x18A80] =	vst v63  }
0x3f: {  	_ =	swait.ge @!p1 [sflag:s23], $0x2800  }
0x40: {  	s30 =	simm.s32 $0x1;
	s25 =	simm.s32 @p1 $0x3;
	[sflag:s23] =	ssyncset.done @!p1 $0x0  }
0x41: {  	s28 =	simm.s32 @!p1 $0x100;
	[sflag:s23] =	ssyncadd.s32 @!p1 $0xFFFFD800;
	s23 =	simm.s32 @!p1 $0x80  }
0x42: {  	[spmem:s2] =	stream.indirect.scatter.add.f32 @!p1 [tilespmem:s28], [sflag:$0x4], $0x80, s23, s24, $0xb8;
	[tilespmem:$0x18A80] =	vst v63  }
0x43: {  	s31 =	sand.u32 $0x1, s30;
	s24 =	simm.s32 $0x2;
	_ =	swait.ge [sflag:s25], $0x2800  }
0x44: {  	p1 =	seq.s32 s31, $0x1;
	s23 =	sadd.s32 $0x50, s13;
	[sflag:s25] =	ssyncset.done $0x0  }
.LBB2_2:
0x45: {  	s28 =	sshrl.u32 @p1 s23, $0x3  }
0x46: {  	s29 =	simm.s32 @p1 $0x4;
	[sflag:s25] =	ssyncadd.s32 $0xFFFFD800;
	s26 =	smov.u32 s24  }
0x47: {  	s30 =	simm.s32 @p1 $0x0;
	s31 =	simm.s32 @p1 $0x80;
	s25 =	sadd.s32 @p1 s6, s28  }
0x48: {  	[tilespmem:s31], [sflag:$0x4] =	stream.linear.gather @p1 [hbm4b:s25+s30], $0x50, $0x38;
	[tilespmem:$0x18A80] =	vst v63  }
0x49: {  	s24 =	sadd.s32 $0x1, s24;
	s25 =	sadd.s32 @p1 s5, s28;
	_ =	swait.ge @p1 [sflag:s29], $0x50  }
0x4a: {  	p2 =	sne.s32 s24, $0x7C;
	[sflag:s29] =	ssyncset.done @p1 $0x0  }
0x4b: {  	[sflag:s29] =	ssyncadd.s32 @p1 $0xFFFFFFB0  }
0x4c: {  	[tilespmem:s30], [sflag:$0x4] =	stream.linear.gather @p1 [hbm4b:s25+s30], $0x50, $0x38;
	[tilespmem:$0x18A80] =	vst v63  }
0x4d: {  	_ =	swait.ge @p1 [sflag:s29], $0x50  }
0x4e: {  	s28 =	simm.s32 @p1 $0x2;
	[sflag:s29] =	ssyncset.done @p1 $0x0  }
0x4f: {  	s25 =	simm.s32 @p1 $0x100;
	[sflag:s29] =	ssyncadd.s32 @p1 $0xFFFFFFB0;
	s29 =	simm.s32 @p1 $0x50  }
0x50: {  	[tilespmem:s25], [sflag:$0x1] =	stream.indirect.gather @p1 [hbm4b:s4+s29], $0x80, s30, s29, $0xb8;
	[tilespmem:$0x18A80] =	vst v63  }
0x51: {  	_ =	swait.ge @p1 [sflag:s28], $0x2800  }
0x52: {  	s30 =	sshrl.u32 @!p1 s23, $0x3;
	s25 =	simm.s32 @!p1 $0x4;
	[sflag:s28] =	ssyncset.done @p1 $0x0  }
0x53: {  	s31 =	simm.s32 @p1 $0x2A00;
	[sflag:s28] =	ssyncadd.s32 @p1 $0xFFFFD800;
	s28 =	simm.s32 @p1 $0x2980  }
0x54: {  	[spmem:s2] =	stream.indirect.scatter.add.f32 @p1 [tilespmem:s31], [sflag:$0x3], $0x80, s28, s29, $0xb8;
	[tilespmem:$0x18A80] =	vst v63  }
0x55: {  	s28 =	sadd.s32 @!p1 s6, s30;
	s29 =	simm.s32 @!p1 $0x0;
	s31 =	simm.s32 @!p1 $0x2980  }
0x56: {  	[tilespmem:s31], [sflag:$0x4] =	stream.linear.gather @!p1 [hbm4b:s28+s29], $0x50, $0x38;
	[tilespmem:$0x18A80] =	vst v63  }
0x57: {  	s28 =	sadd.s32 @!p1 s5, s30;
	_ =	swait.ge @!p1 [sflag:s25], $0x50  }
0x58: {  	[sflag:s25] =	ssyncset.done @!p1 $0x0  }
0x59: {  	s30 =	simm.s32 @!p1 $0x2900;
	[sflag:s25] =	ssyncadd.s32 @!p1 $0xFFFFFFB0  }
0x5a: {  	[tilespmem:s30], [sflag:$0x4] =	stream.linear.gather @!p1 [hbm4b:s28+s29], $0x50, $0x38;
	[tilespmem:$0x18A80] =	vst v63  }
0x5b: {  	_ =	swait.ge @!p1 [sflag:s25], $0x50  }
0x5c: {  	s28 =	simm.s32 @!p1 $0x1;
	[sflag:s25] =	ssyncset.done @!p1 $0x0  }
0x5d: {  	s31 =	simm.s32 @!p1 $0x2A00;
	s29 =	simm.s32 @!p1 $0x50;
	[sflag:s25] =	ssyncadd.s32 @!p1 $0xFFFFFFB0  }
0x5e: {  	[tilespmem:s31], [sflag:$0x2] =	stream.indirect.gather @!p1 [hbm4b:s4+s29], $0x80, s30, s29, $0xb8;
	[tilespmem:$0x18A80] =	vst v63  }
0x5f: {  	_ =	swait.ge @!p1 [sflag:s28], $0x2800  }
.Ltmp0:
0x60: {  	s25 =	simm.s32 @p1 $0x3;
	[sflag:s28] =	ssyncset.done @!p1 $0x0;
	(pc) =	sbr.rel @p2 .LBB2_2-.Ltmp0, $4  }
0x61: {  	s30 =	simm.s32 @!p1 $0x100;
	[sflag:s28] =	ssyncadd.s32 @!p1 $0xFFFFD800;
	s28 =	simm.s32 @!p1 $0x80  }
0x62: {  	[spmem:s2] =	stream.indirect.scatter.add.f32 @!p1 [tilespmem:s30], [sflag:$0x4], $0x80, s28, s29, $0xb8;
	[tilespmem:$0x18A80] =	vst v63  }
0x63: {  	s26 =	sand.u32 $0x1, s26;
	_ =	swait.ge [sflag:s25], $0x2800  }
0x64: {  	s23 =	sadd.s32 $0x50, s23;
	p1 =	seq.s32 s26, $0x1;
	[sflag:s25] =	ssyncset.done $0x0  }
0x65: {  	s24 =	sshrl.u32 @p1 s23, $0x3;
	s26 =	simm.s32 @p1 $0x4;
	[sflag:s25] =	ssyncadd.s32 $0xFFFFD800  }
0x66: {  	s28 =	simm.s32 @p1 $0x0;
	s29 =	simm.s32 @p1 $0x80;
	s25 =	sadd.s32 @p1 s6, s24  }
0x67: {  	[tilespmem:s29], [sflag:$0x4] =	stream.linear.gather @p1 [hbm4b:s25+s28], $0x50, $0x38;
	[tilespmem:$0x18A80] =	vst v63  }
0x68: {  	_ =	swait.ge @p1 [sflag:s26], $0x50  }
0x69: {  	[sflag:s26] =	ssyncset.done @p1 $0x0  }
0x6a: {  	s24 =	sadd.s32 @p1 s5, s24;
	[sflag:s26] =	ssyncadd.s32 @p1 $0xFFFFFFB0  }
0x6b: {  	[tilespmem:s28], [sflag:$0x4] =	stream.linear.gather @p1 [hbm4b:s24+s28], $0x50, $0x38;
	[tilespmem:$0x18A80] =	vst v63  }
0x6c: {  	_ =	swait.ge @p1 [sflag:s26], $0x50  }
0x6d: {  	s25 =	simm.s32 @p1 $0x50;
	[sflag:s26] =	ssyncset.done @p1 $0x0  }
0x6e: {  	s24 =	simm.s32 @p1 $0x2;
	[sflag:s26] =	ssyncadd.s32 @p1 $0xFFFFFFB0;
	s26 =	simm.s32 @p1 $0x100  }
0x6f: {  	[tilespmem:s26], [sflag:$0x1] =	stream.indirect.gather @p1 [hbm4b:s4+s25], $0x80, s28, s25, $0xb8;
	[tilespmem:$0x18A80] =	vst v63  }
0x70: {  	_ =	swait.ge @p1 [sflag:s24], $0x2800  }
0x71: {  	s23 =	sshrl.u32 @!p1 s23, $0x3;
	s26 =	simm.s32 @!p1 $0x4;
	[sflag:s24] =	ssyncset.done @p1 $0x0  }
0x72: {  	s28 =	simm.s32 @p1 $0x2A00;
	[sflag:s24] =	ssyncadd.s32 @p1 $0xFFFFD800;
	s24 =	simm.s32 @p1 $0x2980  }
0x73: {  	[spmem:s2] =	stream.indirect.scatter.add.f32 @p1 [tilespmem:s28], [sflag:$0x3], $0x80, s24, s25, $0xb8;
	[tilespmem:$0x18A80] =	vst v63  }
0x74: {  	s24 =	sadd.s32 @!p1 s6, s23;
	s25 =	simm.s32 @!p1 $0x0;
	s28 =	simm.s32 @!p1 $0x2980  }
0x75: {  	[tilespmem:s28], [sflag:$0x4] =	stream.linear.gather @!p1 [hbm4b:s24+s25], $0x50, $0x38;
	[tilespmem:$0x18A80] =	vst v63  }
0x76: {  	_ =	swait.ge @!p1 [sflag:s26], $0x50  }
0x77: {  	[sflag:s26] =	ssyncset.done @!p1 $0x0  }
0x78: {  	s23 =	sadd.s32 @!p1 s5, s23;
	s24 =	simm.s32 @!p1 $0x2900;
	[sflag:s26] =	ssyncadd.s32 @!p1 $0xFFFFFFB0  }
0x79: {  	[tilespmem:s24], [sflag:$0x4] =	stream.linear.gather @!p1 [hbm4b:s23+s25], $0x50, $0x38;
	[tilespmem:$0x18A80] =	vst v63  }
0x7a: {  	_ =	swait.ge @!p1 [sflag:s26], $0x50  }
0x7b: {  	s28 =	simm.s32 @!p1 $0x2A00;
	[sflag:s26] =	ssyncset.done @!p1 $0x0  }
0x7c: {  	s23 =	simm.s32 @!p1 $0x1;
	s25 =	simm.s32 @!p1 $0x50;
	[sflag:s26] =	ssyncadd.s32 @!p1 $0xFFFFFFB0  }
0x7d: {  	[tilespmem:s28], [sflag:$0x2] =	stream.indirect.gather @!p1 [hbm4b:s4+s25], $0x80, s24, s25, $0xb8;
	[tilespmem:$0x18A80] =	vst v63  }
0x7e: {  	_ =	swait.ge @!p1 [sflag:s23], $0x2800  }
0x7f: {  	s26 =	simm.s32 @p1 $0x3;
	[sflag:s23] =	ssyncset.done @!p1 $0x0  }
0x80: {  	s24 =	simm.s32 @!p1 $0x100;
	[sflag:s23] =	ssyncadd.s32 @!p1 $0xFFFFD800;
	s23 =	simm.s32 @!p1 $0x80  }
0x81: {  	[spmem:s2] =	stream.indirect.scatter.add.f32 @!p1 [tilespmem:s24], [sflag:$0x4], $0x80, s23, s25, $0xb8;
	[tilespmem:$0x18A80] =	vst v63  }
0x82: {  	_ =	swait.ge [sflag:s26], $0x2800  }
0x83: {  	[sflag:s26] =	ssyncset.done $0x0  }
0x84: {  	[sflag:s26] =	ssyncadd.s32 $0xFFFFD800  }
0x85: {  	_ =	swait.ge [sflag:s20], $0x2800  }
0x86: {  	[sflag:s20] =	ssyncset.done $0x0  }
0x87: {  	[sflag:s20] =	ssyncadd.s32 $0xFFFFD800  }
0x88: {  	[spmem:s2] =	stream.indirect.scatter.add.f32 [tilespmem:s19], [sflag:$0x4], $0x80, s17, s18, $0xb8;
	[tilespmem:$0x18A80] =	vst v63  }
0x89: {  	_ =	swait.ge [sflag:s21], $0x2800  }
0x8a: {  	[sflag:s21] =	ssyncset.done $0x0  }
0x8b: {  	[sflag:s21] =	ssyncadd.s32 $0xFFFFD800  }
0x8c: {  	[bflag:$0x0] =	sbarrier.arrive $0xFFFF  }
0x8d: {  	[hbm:s10], [sflag:s7] =	dma.local [spmem:s14], $0x2700  }
0x8e: {  	s22 =	sadd.s32 $0x1, s22;
	_ =	swait.ge [sflag:s15], $0x2700  }
0x8f: {  	p1 =	sne.s32 s22, s12;
	[sflag:s15] =	ssyncset.done $0x0  }
.Ltmp1:
0x90: {  	s23 =	simm.s32 @!p0 $0x3;
	[sflag:s15] =	ssyncadd.s32 $0xFFFFD900;
	(pc) =	sbr.rel @p1 .LBB2_1-.Ltmp1, $4  }
0x91: {  	[hbm:s11], [sflag:s7] =	dma.local @!p0 [spmem:s16], $0x100  }
0x92: {  	_ =	swait.ge @!p0 [sflag:s23], $0x100  }
0x93: {  	[sflag:s23] =	ssyncset.done @!p0 $0x0  }
0x94: {  	[sflag:s23] =	ssyncadd.s32 @!p0 $0xFFFFFF00  }
0x95: {  	_ =	sfence.sel $0x180000  }
0x96: {  	[bflag:$0x0] =	sbarrier.arrive $0xFFFF  }
0x97: {  	_ =	strace $0x9000004D  }
0x98: {  	s0 =	sadd.s32 @!p0 $0x100000, s0;
	[bflag:$0x2] =	sbarrier.arrive $0xFFFF  }
0x99: {  	[sflag:s0] =	ssyncadd.tile.s32 @!p0 $0x1;
	_ =	shalt  }
.Lfunc_end2:
_tile_overlayer_lowered:
.L_overlay_start_2:
0x9a: {  	(tag) =	ssettag $0x2  }
0x9b: {  	s0 =	rddreg [dreg:$0x0];
	s2 =	stileid.u32  }
0x9c: {  	s1 =	rddreg [dreg:$0x1];
	p0 =	sne.s32 s2, $0x0  }
0x9d: {  	s3 =	rddreg [dreg:$0x2];
	[bflag:$0x3] =	sbarrier.arrive $0xFFFF;
	s2 =	simm.s32 @!p0 $0x1C03  }
0x9e: {  	[timem:s3], [sflag:s2] =	dma.local @!p0 [hbm:s0], s1  }
0x9f: {  	s0 =	simm.s32 @!p0 $0x3  }
0xa0: {  	_ =	swait.ge @!p0 [sflag:s0], s1  }
0xa1: {  	s1 =	ssub.s32 @!p0 $0x0, s1;
	[sflag:s0] =	ssyncset.done @!p0 $0x0  }
0xa2: {  	[sflag:s0] =	ssyncadd.s32 @!p0 s1  }
0xa3: {  	[bflag:$0x3] =	sbarrier.arrive $0xFFFF  }
0xa4: {  	_ =	shalt  }

// kernel: kernel.19.cloned.1.call-start
scs
__scs_entry_jumppad:
0x0: {  	(pc) =	sbr.rel $0x88, $3  }
0x1: {  	(tag) =	ssettag $0x0;
	lr =	simm.s32 $0x1  }
0x2: {  	[smem:$0x3F92] =	sst lr;
	_ =	strace $0xD0000000  }
0x3: {  	_ = 	snop  }
0x4: {  	_ = 	snop  }
0x5: {  	_ = 	snop  }
0x6: {  	_ = 	snop  }
0x7: {  	_ = 	snop  }
__scs_overlays_trampoline_lowered:
0x8: {  	[smem:$0x3FA1] =	sst s0  }
0x9: {  	[smem:$0x3FA2] =	sst s1  }
0xa: {  	[smem:$0x3FA3] =	sst s2  }
0xb: {  	[smem:$0x3FA4] =	sst s3  }
0xc: {  	[smem:$0x3FA5] =	sst s4  }
0xd: {  	[smem:$0x3FA6] =	sst s5  }
0xe: {  	[smem:$0x3FA7] =	sst s6  }
0xf: {  	[smem:$0x3FA8] =	sst s7  }
0x10: {  	[smem:$0x3FA9] =	sst s8  }
0x11: {  	[smem:$0x3FAA] =	sst s9;
	s0 =	simm.s32 @!p0 $0x0  }
0x12: {  	s1 =	sld [smem:$0x3F90];
	s0 =	simm.s32 @p0 $0x1  }
0x13: {  	[smem:$0x3FAB] =	sst s0;
	s0 =	simm.s32 @!p1 $0x0  }
0x14: {  	s2 =	sld [smem:$0x3F8F];
	s0 =	simm.s32 @p1 $0x1  }
0x15: {  	[smem:$0x3FAC] =	sst s0;
	s0 =	simm.s32 @!p2 $0x0  }
0x16: {  	s3 =	sld [smem:$0x3FDB];
	s0 =	simm.s32 @p2 $0x1  }
0x17: {  	s4 =	simm.s32 $0x1BF5;
	[smem:$0x3FAE] =	sst s0  }
0x18: {  	s0 =	sld [smem:$0x3F91];
	_ =	swait.ge [sflag:s4], $0x0  }
0x19: {  	s7 =	sld [smem:$0x3F92]  }
0x1a: {  	s8 =	sadd.s32 $0xFFFFE003, lr  }
0x1b: {  	s9 =	sadd.s32 $0xFFFFFEF7, lr;
	s5 =	simm.s32 $0xFFFFFFFF;
	p2 =	slt.u32 s8, $0xFFFFF086  }
0x1c: {  	p1 =	slt.u32 s9, $0xF7A;
	s5 =	simm.s32 @!p2 $0x0  }
0x1d: {  	s5 =	simm.s32 @p1 $0x1;
	p0 =	seq.s32 s7, s2  }
0x1e: {  	s7 =	smul.u32 @!p0 $0xF7A, s2;
	p2 =	seq.s32 @!p0 s5, $0x0  }
0x1f: {  	s9 =	smul.u32 $0xF7A, s1;
	s8 =	simm.s32 @!p0 $0x1BF5;
	p2 =	por !p2, p0  }
0x20: {  	[sflag:s8] =	ssyncset.s32 @!p0 $0xFFFFF086;
	s6 =	sadd.s32 @!p0 s3, s7;
	s7 =	simm.s32 @!p0 $0x108  }
0x21: {  	s3 =	sadd.s32 s3, s9;
	s6 =	sadd.s32 @!p0 $0x88, s6;
	s7 =	simm.s32 @p2 $0x1082  }
0x22: {  	[simem:s7], [sflag:s8] =	dma.local @!p0 [hbm:s6], $0xF7A  }
0x23: {  	s9 =	sor.u32 $0xD0000000, s2;
	s6 =	simm.s32 $0x108;
	_ =	swait.ge @!p0 [sflag:s8], $0x0  }
0x24: {  	s3 =	sadd.s32 $0x88, s3;
	s6 =	simm.s32 @!p1 $0x1082;
	[sflag:s4] =	ssyncset.s32 $0xFFFFF086  }
0x25: {  	[simem:s6], [sflag:s4] =	dma.local [hbm:s3], $0xF7A  }
0x26: {  	[smem:$0x3F92] =	sst s1;
	(tag) =	ssettag s2;
	_ =	strace s9  }
0x27: {  	s1 =	sld [smem:$0x3FA2]  }
0x28: {  	s2 =	sld [smem:$0x3FA3]  }
0x29: {  	s4 =	sld [smem:$0x3FA5]  }
0x2a: {  	p0 =	seq.s32 s5, $0x0;
	s5 =	sld [smem:$0x3FA6]  }
0x2b: {  	s6 =	sld [smem:$0x3FA7]  }
0x2c: {  	s7 =	sld [smem:$0x3FA8]  }
0x2d: {  	s3 =	simm.s32 $0x108;
	s8 =	sld [smem:$0x3FA9]  }
0x2e: {  	s3 =	simm.s32 @!p0 $0x1082;
	s9 =	sld [smem:$0x3FAA]  }
0x2f: {  	lr =	sadd.s32 s0, s3;
	s0 =	sld [smem:$0x3FA1]  }
0x30: {  	s3 =	sld [smem:$0x3FA4]  }
0x31: {  	[smem:$0x3FAD] =	sst s10  }
0x32: {  	s10 =	sld [smem:$0x3FAB];
	_ =	sdelay $0x3  }
0x33: {  	p0 =	seq.s32 s10, $0x1;
	s10 =	sld [smem:$0x3FAD];
	_ =	sdelay $0x3  }
0x34: {  	[smem:$0x3FAD] =	sst s10  }
0x35: {  	s10 =	sld [smem:$0x3FAC];
	_ =	sdelay $0x3  }
0x36: {  	p1 =	seq.s32 s10, $0x1;
	s10 =	sld [smem:$0x3FAD];
	_ =	sdelay $0x3  }
0x37: {  	[smem:$0x3FAD] =	sst s10  }
0x38: {  	s10 =	sld [smem:$0x3FAE]  }
0x39: {  	_ = 	snop;
	(pc) =	sbr.ind lr, $3  }
0x3a: {  	_ = 	snop  }
0x3b: {  	_ = 	snop  }
0x3c: {  	p2 =	seq.s32 s10, $0x1;
	s10 =	sld [smem:$0x3FAD]  }
0x3d: {  	_ =	shalt  }
0x3e: {  	_ =	shalt  }
0x3f: {  	_ =	shalt  }
0x40: {  	_ =	shalt  }
0x41: {  	_ =	shalt  }
0x42: {  	_ =	shalt  }
0x43: {  	_ =	shalt  }
0x44: {  	_ =	shalt  }
0x45: {  	_ =	shalt  }
0x46: {  	_ =	shalt  }
0x47: {  	_ =	shalt  }
0x48: {  	_ =	shalt  }
0x49: {  	_ =	shalt  }
0x4a: {  	_ =	shalt  }
0x4b: {  	_ =	shalt  }
0x4c: {  	_ =	shalt  }
0x4d: {  	_ =	shalt  }
0x4e: {  	_ =	shalt  }
0x4f: {  	_ =	shalt  }
0x50: {  	_ =	shalt  }
0x51: {  	_ =	shalt  }
0x52: {  	_ =	shalt  }
0x53: {  	_ =	shalt  }
0x54: {  	_ =	shalt  }
0x55: {  	_ =	shalt  }
0x56: {  	_ =	shalt  }
0x57: {  	_ =	shalt  }
0x58: {  	_ =	shalt  }
0x59: {  	_ =	shalt  }
0x5a: {  	_ =	shalt  }
0x5b: {  	_ =	shalt  }
0x5c: {  	_ =	shalt  }
0x5d: {  	_ =	shalt  }
0x5e: {  	_ =	shalt  }
0x5f: {  	_ =	shalt  }
0x60: {  	_ =	shalt  }
0x61: {  	_ =	shalt  }
0x62: {  	_ =	shalt  }
0x63: {  	_ =	shalt  }
0x64: {  	_ =	shalt  }
0x65: {  	_ =	shalt  }
0x66: {  	_ =	shalt  }
0x67: {  	_ =	shalt  }
0x68: {  	_ =	shalt  }
0x69: {  	_ =	shalt  }
0x6a: {  	_ =	shalt  }
0x6b: {  	_ =	shalt  }
0x6c: {  	_ =	shalt  }
0x6d: {  	_ =	shalt  }
0x6e: {  	_ =	shalt  }
0x6f: {  	_ =	shalt  }
0x70: {  	_ =	shalt  }
0x71: {  	_ =	shalt  }
0x72: {  	_ =	shalt  }
0x73: {  	_ =	shalt  }
0x74: {  	_ =	shalt  }
0x75: {  	_ =	shalt  }
0x76: {  	_ =	shalt  }
0x77: {  	_ =	shalt  }
0x78: {  	_ =	shalt  }
0x79: {  	_ =	shalt  }
0x7a: {  	_ =	shalt  }
0x7b: {  	_ =	shalt  }
0x7c: {  	_ =	shalt  }
0x7d: {  	_ =	shalt  }
0x7e: {  	_ =	shalt  }
0x7f: {  	_ =	shalt  }
0x80: {  	_ =	shalt  }
0x81: {  	_ =	shalt  }
0x82: {  	_ =	shalt  }
0x83: {  	_ =	shalt  }
0x84: {  	_ =	shalt  }
0x85: {  	_ =	shalt  }
0x86: {  	_ =	shalt  }
0x87: {  	_ =	shalt  }
.Lfunc_end0:
.L_simem_size_0:
called_computation.3_lowered:
.L_overlay_start_0:
0x88: {  	s2 =	sld [smem:$0x3FD9]  }
0x89: {  	s3 =	sld [smem:$0x3FFE];
	_ =	sdelay $0x1  }
0x8a: {  	s1 =	srdreg.scid  }
0x8b: {  	s0 =	sand.u32 $0x1, s1  }
0x8c: {  	s17 =	sshll.u32 s0, $0xA;
	s2 =	sadd.s32 s3, s2  }
0x8d: {  	s2 =	sadd.s32 s2, s17  }
0x8e: {  	[smem:$0x3FB9] =	sst s2  }
0x8f: {  	_ = 	snop  }
0x90: {  	s2 =	sld [smem:$0x3FBC]  }
0x91: {  	s18 =	sld [smem:$0x3FD0];
	(tm) =	ssettm $0x1  }
0x92: {  	s4 =	sld [smem:$0x3FFB];
	_ =	sdelay $0x3  }
0x93: {  	_ =	strace s4  }
0x94: {  	s4 =	sld [smem:$0x3FFC];
	_ =	sdelay $0x3  }
0x95: {  	_ =	strace s4  }
0x96: {  	s4 =	sld [smem:$0x3FFD];
	_ =	sdelay $0x3  }
0x97: {  	_ =	strace s4  }
0x98: {  	_ =	strace $0x8FFFFFFF  }
0x99: {  	s19 =	sld [smem:$0x3FDB];
	_ =	sdelay $0x1  }
0x9a: {  	s5 =	simm.s32 $_scs_section_size  }
0x9b: {  	s6 =	simm.s32 $_size__tile_overlayer_lowered;
	s7 =	simm.s32 $_tile_overlayer_lowered  }
0x9c: {  	s22 =	simm.s32 $0x1BFF;
	s21 =	sshll.u32 s7, $0x1;
	s4 =	sadd.s32 s5, s19  }
0x9d: {  	s8 =	simm.s32 $0x0;
	s20 =	sshll.u32 s6, $0x1;
	s6 =	sadd.s32 s21, s4  }
0x9e: {  	[timem:s8], [sflag:s22] =	dma.local [hbm:s6], s20  }
0x9f: {  	_ =	swait.ge [sflag:s22], s20  }
0xa0: {  	s5 =	ssub.s32 $0x0, s20;
	[sflag:s22] =	ssyncset.done $0x0  }
0xa1: {  	[sflag:s22] =	ssyncadd.s32 s5;
	_ =	sdelay $0x1  }
0xa2: {  	s23 =	simm.s32 $0x1B8B  }
0xa3: {  	_ =	swait.ge [sflag:s23], $0x1  }
0xa4: {  	[sflag:s23] =	ssyncset.done $0x0  }
0xa5: {  	s25 =	simm.s32 $0x1B8E;
	s24 =	sld [smem:$0x3FFE];
	[sflag:s23] =	ssyncadd.s32 $0xFFFFFFFF  }
0xa6: {  	s26 =	simm.s32 $execute0_lowered;
	[smem:$0x3FD2] =	sst s25  }
0xa7: {  	s6 =	sshll.u32 s26, $0x1;
	_ =	strace $0x8000004F;
	[dreg:$0x1] =	wrdreg $0xFFFFFFFF  }
0xa8: {  	s28 =	simm.s32 $_size_execute0_lowered;
	s4 =	sadd.s32 s4, s6;
	[dreg:$0x0] =	wrdreg $0x0  }
0xa9: {  	s6 =	sshll.u32 s28, $0x1;
	[dreg:$0x2] =	wrdreg s4  }
0xaa: {  	[dreg:$0x3] =	wrdreg s6  }
0xab: {  	[dreg:$0x4] =	wrdreg $0xC0  }
0xac: {  	_ =	task [dreg:s8], $0x5FFFF  }
0xad: {  	[dreg:$0x1] =	wrdreg $0xFFFFFFFF  }
0xae: {  	[dreg:$0x0] =	wrdreg $0x60  }
0xaf: {  	[dreg:$0x2] =	wrdreg s24  }
0xb0: {  	[dreg:$0x3] =	wrdreg s2  }
0xb1: {  	[dreg:$0x4] =	wrdreg s18  }
0xb2: {  	[dreg:$0x5] =	wrdreg $0x9  }
0xb3: {  	_ =	task.clear_ibuf [dreg:s8], $0x6FFFF;
	_ =	strace $0x9000004F  }
0xb4: {  	s29 =	simm.s32 $0x9;
	_ =	strace $0x80000051  }
0xb5: {  	_ =	swait.ge [sflag:s29], $0x1  }
0xb6: {  	[sflag:s29] =	ssyncadd.s32 $0xFFFFFFFF  }
0xb7: {  	_ =	strace $0x90000051  }
0xb8: {  	_ =	sfence  }
0xb9: {  	s30 =	sld [smem:$0x0];
	_ =	sdelay $0x2  }
0xba: {  	s31 =	sshll.u32 s1, $0xD;
	s1 =	sshrl.u32 s1, $0x2  }
0xbb: {  	s3 =	sand.u32 $0x4000, s31;
	s1 =	sadd.s32 s1, s30  }
0xbc: {  	s0 =	sor.u32 s3, s0;
	s1 =	sshll.u32 s1, $0x11  }
0xbd: {  	s0 =	sor.u32 s1, s0  }
0xbe: {  	s0 =	sadd.s32 $0x8F2B, s0  }
0xbf: {  	[sflag:s0] =	ssyncadd.remote.s32 $0x1  }
0xc0: {  	_ =	sfence.sel $0xFFFF  }
0xc1: {  	[dreg:$0x0] =	wrdreg $0xFFFFFFFF;
	(pc) =	sbr.abs _section_cstart, $3  }
0xc2: {  	[dreg:$0x1] =	wrdreg $0xFFFFFFFF  }
0xc3: {  	_ =	task.clear_ibuf [dreg:s8], $0x2FFFF;
	_ =	strace $0x9FFFFFFF  }
0xc4: {  	(tm) =	ssettm $0x7FFFFFFF  }
0xc5: {  	_ =	shalt  }
tec
execute0_lowered:
.L_overlay_start_1:
0x0: {  	(tag) =	ssettag $0x1  }
0x1: {  	s9 =	rddreg [dreg:$0x0]  }
0x2: {  	s1 =	rddreg [dreg:$0x1]  }
0x3: {  	s2 =	rddreg [dreg:$0x2]  }
0x4: {  	s0 =	rddreg [dreg:$0x3];
	s3 =	simm.s32 $0x0;
	s4 =	srdreg.scid  }
0x5: {  	s14 =	simm.s32 $0x5200;
	s15 =	simm.s32 $0x80;
	s16 =	simm.s32 $0x50  }
0x6: {  	s17 =	simm.s32 $0x100;
	s18 =	simm.s32 $0x2900;
	s19 =	simm.s32 $0x1  }
0x7: {  	s20 =	simm.s32 $0x5100;
	s21 =	simm.s32 $0x0;
	s24 =	simm.s32 $0x0  }
0x8: {  	[smem:$0x7FF] =	sst s3;
	s5 =	sadd.s32 $0x16E00, s9;
	s6 =	sadd.s32 $0x3E000, s9  }
0x9: {  	s10 =	sand.u32 $0x1, s4;
	s7 =	sadd.s32 $0xD000, s9;
	s4 =	stileid.u32  }
0xa: {  	s8 =	sadd.s32 $0x3200, s9;
	s9 =	sadd.s32 $0x65200, s9;
	s11 =	ssub.s32 $0x2, s10  }
0xb: {  	_ =	strace $0x80000050;
	s13 =	sshll.u32 s4, $0x1;
	s12 =	sshrl.u32 s11, $0x1  }
0xc: {  	v0 =	vlaneseq.u32;
	s10 =	sor.u32 s10, s13;
	s13 =	simm.s32 $0x2;
	s11 =	ssub.s32 s11, s12  }
0xd: {  	v0 =	vmul.u32 $0x80, v0;
	s10 =	smul.u32 $0x2710, s10;
	s12 =	simm.s32 $0x5180;
	s11 =	smax.u32 s11, $0x1  }
.LBB2_1:
0xe: {  	[tilespmem:s12], [sflag:$0x2] =	stream.linear.gather [hbm4b:s1+s3], $0x80, $0x38;
	[tilespmem:$0x5280] =	vst v63  }
0xf: {  	_ =	swait.ge [sflag:s13], $0x80  }
0x10: {  	[sflag:s13] =	ssyncset.done $0x0  }
0x11: {  	[sflag:s13] =	ssyncadd.s32 $0xFFFFFF80  }
0x12: {  	[tilespmem:s14], [sflag:$0x2] =	stream.linear.gather [hbm4b:s9+s3], $0x80, $0x38;
	[tilespmem:$0x5280] =	vst v63  }
0x13: {  	_ =	swait.ge [sflag:s13], $0x80  }
0x14: {  	[sflag:s13] =	ssyncset.done $0x0  }
0x15: {  	s22 =	simm.s32 $0x0;
	[sflag:s13] =	ssyncadd.s32 $0xFFFFFF80  }
.LBB2_2:
0x16: {  	s23 =	smul.u32 $0x50, s22;
	_ =	sdelay $0x1  }
0x17: {  	s23 =	sadd.s32 s10, s23  }
0x18: {  	s23 =	sshrl.u32 s23, $0x3  }
0x19: {  	s25 =	sadd.s32 s7, s23  }
0x1a: {  	[tilespmem:s24], [sflag:$0x2] =	stream.linear.gather [hbm4b:s25+s24], $0x50, $0x38;
	[tilespmem:$0x5280] =	vst v63  }
0x1b: {  	_ =	swait.ge [sflag:s13], $0x50  }
0x1c: {  	[sflag:s13] =	ssyncset.done $0x0  }
0x1d: {  	s31 =	sadd.s32 s8, s23;
	[sflag:s13] =	ssyncadd.s32 $0xFFFFFFB0  }
0x1e: {  	[tilespmem:s15], [sflag:$0x2] =	stream.linear.gather [hbm4b:s31+s24], $0x50, $0x38;
	[tilespmem:$0x5280] =	vst v63  }
0x1f: {  	_ =	swait.ge [sflag:s13], $0x50  }
0x20: {  	[sflag:s13] =	ssyncset.done $0x0  }
0x21: {  	[sflag:s13] =	ssyncadd.s32 $0xFFFFFFB0  }
0x22: {  	[tilespmem:s17], [sflag:$0x1] =	stream.indirect.gather [hbm4b:s5+s16], $0x80, s24, s16, $0xb8;
	[tilespmem:$0x5280] =	vst v63  }
0x23: {  	_ = 	snop  }
0x24: {  	[tilespmem:s18], [sflag:$0x1] =	stream.indirect.gather [hbm4b:s6+s16], $0x80, s15, s16, $0xb8;
	[tilespmem:$0x5280] =	vst v63  }
0x25: {  	_ =	swait.ge [sflag:s19], $0x2800  }
0x26: {  	[sflag:s19] =	ssyncset.done $0x0  }
0x27: {  	[sflag:s19] =	ssyncadd.s32 $0xFFFFD800  }
0x28: {  	_ =	swait.ge [sflag:s19], $0x2800  }
0x29: {  	[sflag:s19] =	ssyncset.done $0x0  }
0x2a: {  	s25 =	simm.s32 $0x0;
	[sflag:s19] =	ssyncadd.s32 $0xFFFFD800  }
.LBB2_3:
0x2b: {  	s26 =	sshll.u32 s25, $0x4  }
0x2c: {  	v1 =	vmov s26  }
0x2d: {  	v1 =	vshll.u32 v1, $0x7  }
0x2e: {  	v1 =	vor.u32 v0, v1  }
0x2f: {  	v2 =	vor.u32 $0x6, v1;
	v28 =	vor.u32 s24, v1  }
0x30: {  	v4 =	vor.u32 s24, v2  }
0x31: {  	v3 =	vor.u32 $0xC, v1  }
0x32: {  	v10 =	vld [tilespmem:$0x5200];
	s28 =	simm.s32 $0x5180;
	v8 =	vor.u32 s24, v3  }
0x33: {  	v20 =	vld [tilespmem:s28+$0x0];
	v5 =	vor.u32 $0xF, v1  }
0x34: {  	v11 =	vor.u32 s24, v5;
	v30 =	vld.idx.msk [tilespmem:v28+s18+$0x0], $0xffff  }
0x35: {  	v7 =	vor.u32 $0x1, v1;
	v25 =	vld.idx.msk [tilespmem:v4+s17+$0x0], $0xffff  }
0x36: {  	v9 =	vor.u32 $0x2, v1;
	v35 =	vor.u32 s24, v7;
	v29 =	vld.idx.msk [tilespmem:v4+s18+$0x0], $0xffff  }
0x37: {  	v6 =	vor.u32 $0x3, v1;
	v26 =	vor.u32 s24, v9;
	v33 =	vld.idx.msk [tilespmem:v8+s17+$0x0], $0xffff  }
0x38: {  	v4 =	vor.u32 s24, v6;
	v34 =	vld.idx.msk [tilespmem:v8+s18+$0x0], $0xffff  }
0x39: {  	v44 =	vld.idx.msk [tilespmem:v11+s17+$0x0], $0xffff  }
0x3a: {  	v8 =	vor.u32 $0xE, v1;
	v47 =	vld.idx.msk [tilespmem:v11+s18+$0x0], $0xffff  }
0x3b: {  	v24 =	vld.idx.msk [tilespmem:v35+s18+$0x0], $0xffff;
	v18 =	vor.u32 s24, v8  }
0x3c: {  	v11 =	vor.u32 $0x7, v1;
	v41 =	vld.idx.msk [tilespmem:v26+s18+$0x0], $0xffff  }
0x3d: {  	v27 =	vimm.f32 $0.0e+00;
	v32 =	vor.u32 s24, v11;
	v21 =	vld.idx.msk [tilespmem:v4+s17+$0x0], $0xffff  }
0x3e: {  	v12 =	vor.u32 $0x4, v1;
	v14 =	vor.u32 $0x5, v1;
	v16 =	vor.u32 $0xA, v1;
	v4 =	vld.idx.msk [tilespmem:v4+s18+$0x0], $0xffff  }
0x3f: {  	v13 =	vor.u32 $0x8, v1;
	v15 =	vor.u32 $0x9, v1;
	v50 =	vor.u32 s24, v16;
	v53 =	vld.idx.msk [tilespmem:v26+s17+$0x0], $0xffff  }
0x40: {  	v17 =	vor.u32 $0xB, v1;
	v19 =	vor.u32 $0xD, v1;
	v40 =	vor.u32 s24, v14;
	v36 =	vld.idx.msk [tilespmem:v18+s18+$0x0], $0xffff  }
0x41: {  	v23 =	vor.u32 s24, v15;
	v22 =	vbroadcast v20, $0x0;
	v31 =	vbroadcast v20, $0xA;
	v43 =	vld.idx.msk [tilespmem:v18+s17+$0x0], $0xffff  }
0x42: {  	v48 =	vor.u32 s24, v12;
	v38 =	vbroadcast v20, $0x3;
	v54 =	vbroadcast v20, $0xE;
	v51 =	vld.idx.msk [tilespmem:v32+s18+$0x0], $0xffff  }
0x43: {  	v39 =	vbroadcast v20, $0xC;
	v26 =	vor.u32 s24, v17;
	v52 =	vld.idx.msk [tilespmem:v32+s17+$0x0], $0xffff;
	v37 =	vadd.f32 v4, v21  }
0x44: {  	v42 =	vld.idx.msk [tilespmem:v50+s18+$0x0], $0xffff;
	v46 =	vadd.f32 v29, v25;
	v29 =	vbroadcast v20, $0x7;
	v49 =	vadd.f32 v34, v33  }
0x45: {  	v50 =	vld.idx.msk [tilespmem:v50+s17+$0x0], $0xffff;
	v33 =	vbroadcast v20, $0x1;
	v53 =	vadd.f32 v41, v53;
	v63 =	vmax.f32 v37, $0.0e+00  }
0x46: {  	v18 =	vbroadcast v20, $0x5;
	v32 =	vld.idx.msk [tilespmem:v40+s18+$0x0], $0xffff;
	v45 =	vmul.f32 v63, v38;
	v38 =	vor.u32 s24, v19  }
0x47: {  	v4 =	vbroadcast v20, $0xB;
	v21 =	vbroadcast v20, $0x4;
	v55 =	vadd.f32 v36, v43;
	v36 =	vld.idx.msk [tilespmem:v35+s17+$0x0], $0xffff  }
0x48: {  	v43 =	vbroadcast v20, $0xF;
	v35 =	vld.idx.msk [tilespmem:v40+s17+$0x0], $0xffff;
	v40 =	vbroadcast v20, $0x2;
	v51 =	vadd.f32 v51, v52  }
0x49: {  	v34 =	vld.idx.msk [tilespmem:v23+s18+$0x0], $0xffff;
	v52 =	vadd.f32 v47, v44;
	v47 =	vmax.f32 v53, $0.0e+00;
	v25 =	vmax.f32 v55, $0.0e+00  }
0x4a: {  	v44 =	vld.idx.msk [tilespmem:v48+s18+$0x0], $0xffff;
	v37 =	vbroadcast v20, $0x6;
	v51 =	vmax.f32 v51, $0.0e+00;
	v25 =	vmul.f32 v25, v54  }
0x4b: {  	s29 =	simm.s32 $0x10;
	s30 =	simm.s32 $0x0;
	v51 =	vmul.f32 v51, v29;
	v29 =	vimm.f32 $0.0e+00;
	v45 =	vadd.f32 v45, v27;
	v41 =	vld.idx.msk [tilespmem:v38+s18+$0x0], $0xffff  }
.LBB2_4:
0x4c: {  	p0 =	sne.s32 s29, $0x70  }
0x4d: {  	v53 =	vor.u32 s29, v2;
	v28 =	vld.idx.msk [tilespmem:v28+s17+$0x0], $0xffff;
	v52 =	vmax.f32 v52, $0.0e+00;
	s28 =	sadd.s32 $0x10, s28;
	s31 =	smov.u32 s29;
	s29 =	sadd.s32 $0x10, s29  }
0x4e: {  	v49 =	vmax.f32 v49, $0.0e+00;
	v48 =	vld.idx.msk [tilespmem:v48+s17+$0x0], $0xffff;
	v45 =	vadd.f32 v51, v45;
	v51 =	vor.u32 s30, v13;
	s30 =	smov.u32 s31  }
0x4f: {  	v46 =	vmax.f32 v46, $0.0e+00;
	v42 =	vadd.f32 v42, v50;
	v43 =	vmul.f32 v52, v43;
	v38 =	vld.idx.msk [tilespmem:v38+s17+$0x0], $0xffff  }
0x50: {  	v37 =	vmul.f32 v46, v37;
	v39 =	vmul.f32 v49, v39;
	v50 =	vor.u32 s30, v5;
	v46 =	vld.idx.msk [tilespmem:v23+s17+$0x0], $0xffff  }
0x51: {  	v49 =	vbroadcast v20, $0x8;
	v52 =	vbroadcast v20, $0x9;
	v23 =	vmax.f32 v42, $0.0e+00;
	v42 =	vld.idx.msk [tilespmem:v26+s18+$0x0], $0xffff  }
0x52: {  	v56 =	vbroadcast v20, $0xD;
	v55 =	vor.u32 s30, v3;
	v31 =	vmul.f32 v23, v31;
	v54 =	vld.idx.msk [tilespmem:v53+s17+$0x0], $0xffff  }
0x53: {  	v24 =	vadd.f32 v24, v36;
	v20 =	vadd.f32 v30, v28;
	v28 =	vmul.f32 v47, v40;
	v30 =	vld.idx.msk [tilespmem:v51+s18+$0x0], $0xffff  }
0x54: {  	v32 =	vadd.f32 v32, v35;
	v23 =	vor.u32 s30, v15;
	v36 =	vadd.f32 v44, v48;
	v40 =	vld.idx.msk [tilespmem:v53+s18+$0x0], $0xffff  }
0x55: {  	v20 =	vmax.f32 v20, $0.0e+00;
	v27 =	vadd.f32 v28, v27;
	v38 =	vadd.f32 v41, v38;
	v35 =	vld.idx.msk [tilespmem:v51+s17+$0x0], $0xffff  }
0x56: {  	v24 =	vmax.f32 v24, $0.0e+00;
	v32 =	vmax.f32 v32, $0.0e+00;
	v36 =	vmax.f32 v36, $0.0e+00;
	v26 =	vld.idx.msk [tilespmem:v26+s17+$0x0], $0xffff  }
0x57: {  	v41 =	vor.u32 s30, v6;
	v34 =	vadd.f32 v34, v46;
	v27 =	vadd.f32 v37, v27;
	v44 =	vld.idx.msk [tilespmem:v55+s17+$0x0], $0xffff  }
0x58: {  	v28 =	vor.u32 s30, v1;
	v46 =	vor.u32 s30, v7;
	v20 =	vmul.f32 v20, v22;
	v47 =	vld.idx.msk [tilespmem:v55+s18+$0x0], $0xffff  }
0x59: {  	v18 =	vmul.f32 v32, v18;
	v22 =	vmul.f32 v24, v33;
	v27 =	vadd.f32 v31, v27;
	v51 =	vld.idx.msk [tilespmem:v50+s17+$0x0], $0xffff  }
0x5a: {  	v32 =	vor.u32 s30, v9;
	v10 =	vadd.f32 v20, v10;
	v31 =	vor.u32 s30, v8;
	v53 =	vld.idx.msk [tilespmem:v50+s18+$0x0], $0xffff  }
0x5b: {  	v33 =	vor.u32 s30, v11;
	v22 =	vadd.f32 v22, v29;
	v24 =	vmax.f32 v34, $0.0e+00;
	v20 =	vld [tilespmem:s28+$0x0]  }
0x5c: {  	v21 =	vmul.f32 v36, v21;
	v30 =	vadd.f32 v30, v35;
	v26 =	vadd.f32 v42, v26;
	v29 =	vld.idx.msk [tilespmem:v41+s17+$0x0], $0xffff  }
0x5d: {  	v36 =	vmul.f32 v24, v52;
	v35 =	vadd.f32 v18, v22;
	v18 =	vmax.f32 v38, $0.0e+00;
	v34 =	vld.idx.msk [tilespmem:v41+s18+$0x0], $0xffff  }
0x5e: {  	v22 =	vmax.f32 v30, $0.0e+00;
	v30 =	vmax.f32 v26, $0.0e+00;
	v41 =	vmul.f32 v18, v56;
	v24 =	vld.idx.msk [tilespmem:v46+s18+$0x0], $0xffff  }
0x5f: {  	v52 =	vor.u32 s30, v16;
	v50 =	vor.u32 s30, v14;
	v37 =	vmul.f32 v22, v49;
	v48 =	vld.idx.msk [tilespmem:v31+s18+$0x0], $0xffff  }
0x60: {  	v10 =	vadd.f32 v21, v10;
	v26 =	vor.u32 s30, v17;
	v55 =	vld.idx.msk [tilespmem:v32+s18+$0x0], $0xffff;
	v18 =	vbroadcast v20, $0x5  }
0x61: {  	v35 =	vadd.f32 v36, v35;
	v36 =	vmul.f32 v30, v4;
	v22 =	vbroadcast v20, $0x0;
	v49 =	vld.idx.msk [tilespmem:v31+s17+$0x0], $0xffff  }
0x62: {  	v27 =	vadd.f32 v25, v27;
	v4 =	vbroadcast v20, $0xB;
	v31 =	vbroadcast v20, $0xA;
	v56 =	vld.idx.msk [tilespmem:v33+s18+$0x0], $0xffff  }
0x63: {  	v10 =	vadd.f32 v37, v10;
	v21 =	vbroadcast v20, $0x4;
	v25 =	vadd.f32 v34, v29;
	v30 =	vld.idx.msk [tilespmem:v28+s18+$0x0], $0xffff  }
0x64: {  	v57 =	vbroadcast v20, $0xE;
	v29 =	vbroadcast v20, $0x3;
	v34 =	vadd.f32 v36, v45;
	v33 =	vld.idx.msk [tilespmem:v33+s17+$0x0], $0xffff  }
0x65: {  	v38 =	vor.u32 s30, v19;
	v10 =	vadd.f32 v39, v10;
	v25 =	vmax.f32 v25, $0.0e+00;
	v58 =	vld.idx.msk [tilespmem:v32+s17+$0x0], $0xffff  }
0x66: {  	v37 =	vbroadcast v20, $0x6;
	v25 =	vmul.f32 v25, v29;
	v29 =	vadd.f32 v41, v35;
	v32 =	vld.idx.msk [tilespmem:v50+s18+$0x0], $0xffff  }
0x67: {  	v39 =	vbroadcast v20, $0xC;
	v34 =	vadd.f32 v43, v34;
	v41 =	vadd.f32 v48, v49;
	v42 =	vld.idx.msk [tilespmem:v52+s18+$0x0], $0xffff  }
0x68: {  	v43 =	vbroadcast v20, $0xF;
	v48 =	vor.u32 s30, v12;
	v36 =	vld.idx.msk [tilespmem:v46+s17+$0x0], $0xffff;
	v46 =	vadd.f32 v40, v54  }
.Ltmp0:
0x69: {  	v49 =	vadd.f32 v47, v44;
	v45 =	vadd.f32 v25, v34;
	v54 =	vbroadcast v20, $0x7;
	v35 =	vld.idx.msk [tilespmem:v50+s17+$0x0], $0xffff;
	(pc) =	sbr.rel @p0 .LBB2_4-.Ltmp0, $4  }
0x6a: {  	v40 =	vbroadcast v20, $0x2;
	v25 =	vmax.f32 v41, $0.0e+00;
	v44 =	vadd.f32 v56, v33;
	v50 =	vld.idx.msk [tilespmem:v52+s17+$0x0], $0xffff  }
0x6b: {  	v33 =	vbroadcast v20, $0x1;
	v25 =	vmul.f32 v25, v57;
	v47 =	vadd.f32 v55, v58;
	v34 =	vld.idx.msk [tilespmem:v23+s18+$0x0], $0xffff  }
0x6c: {  	v52 =	vadd.f32 v53, v51;
	v55 =	vmax.f32 v44, $0.0e+00;
	v41 =	vld.idx.msk [tilespmem:v38+s18+$0x0], $0xffff  }
0x6d: {  	v47 =	vmax.f32 v47, $0.0e+00;
	v51 =	vmul.f32 v55, v54;
	v44 =	vld.idx.msk [tilespmem:v48+s18+$0x0], $0xffff  }
0x6e: {  	_ =	sdelay $0x3  }
0x6f: {  	v1 =	vld.idx.msk [tilespmem:v28+s17+$0x0], $0xffff;
	v2 =	vor.u32 s30, v13  }
0x70: {  	v3 =	vld.idx.msk [tilespmem:v48+s17+$0x0], $0xffff  }
0x71: {  	v5 =	vmax.f32 v52, $0.0e+00;
	v6 =	vmax.f32 v46, $0.0e+00;
	v8 =	vld.idx.msk [tilespmem:v38+s17+$0x0], $0xffff;
	v9 =	vmax.f32 v49, $0.0e+00  }
0x72: {  	v11 =	vld.idx.msk [tilespmem:v23+s17+$0x0], $0xffff;
	v12 =	vbroadcast v20, $0x8;
	v15 =	vbroadcast v20, $0x9;
	v17 =	vadd.f32 v24, v36  }
0x73: {  	v57 =	vld.idx.msk [tilespmem:v26+s18+$0x0], $0xffff;
	v19 =	vmul.f32 v47, v40;
	v58 =	vbroadcast v20, $0xD;
	v59 =	vadd.f32 v32, v35  }
0x74: {  	v7 =	vadd.f32 v42, v50;
	v5 =	vmul.f32 v5, v43;
	v6 =	vmul.f32 v6, v37;
	v16 =	vld.idx.msk [tilespmem:v2+s18+$0x0], $0xffff  }
0x75: {  	v9 =	vmul.f32 v9, v39;
	v14 =	vadd.f32 v51, v45;
	v19 =	vadd.f32 v19, v27;
	v2 =	vld.idx.msk [tilespmem:v2+s17+$0x0], $0xffff  }
0x76: {  	v60 =	vld.idx.msk [tilespmem:v26+s17+$0x0], $0xffff;
	v17 =	vmax.f32 v17, $0.0e+00;
	v23 =	vmax.f32 v59, $0.0e+00;
	v1 =	vadd.f32 v30, v1  }
0x77: {  	v7 =	vmax.f32 v7, $0.0e+00;
	v17 =	vmul.f32 v17, v33;
	v18 =	vmul.f32 v23, v18  }
0x78: {  	v7 =	vmul.f32 v7, v31;
	v3 =	vadd.f32 v44, v3;
	v1 =	vmax.f32 v1, $0.0e+00  }
0x79: {  	v6 =	vadd.f32 v6, v19;
	v8 =	vadd.f32 v41, v8;
	v1 =	vmul.f32 v1, v22  }
0x7a: {  	v11 =	vadd.f32 v34, v11;
	v3 =	vmax.f32 v3, $0.0e+00;
	v2 =	vadd.f32 v16, v2  }
0x7b: {  	v61 =	vadd.f32 v57, v60;
	v3 =	vmul.f32 v3, v21;
	v1 =	vadd.f32 v1, v10  }
0x7c: {  	v62 =	vadd.f32 v17, v29;
	v11 =	vmax.f32 v11, $0.0e+00;
	v2 =	vmax.f32 v2, $0.0e+00  }
0x7d: {  	v10 =	vmax.f32 v61, $0.0e+00;
	v1 =	vadd.f32 v3, v1;
	v2 =	vmul.f32 v2, v12  }
0x7e: {  	v11 =	vmul.f32 v11, v15;
	v4 =	vmul.f32 v10, v4;
	v3 =	vadd.f32 v18, v62  }
0x7f: {  	v6 =	vadd.f32 v7, v6;
	v63 =	vmax.f32 v8, $0.0e+00;
	v1 =	vadd.f32 v2, v1  }
0x80: {  	v4 =	vadd.f32 v4, v14;
	v3 =	vadd.f32 v11, v3;
	v2 =	vmul.f32 v63, v58  }
0x81: {  	v6 =	vadd.f32 v25, v6;
	v1 =	vadd.f32 v9, v1  }
0x82: {  	s25 =	sadd.s32 $0x1, s25;
	v2 =	vadd.f32 v2, v3;
	v3 =	vadd.f32 v5, v4  }
0x83: {  	p0 =	sne.s32 s25, $0x5  }
.Ltmp1:
0x84: {  	v1 =	vadd.f32 v2, v1;
	v2 =	vadd.f32 v3, v6;
	(pc) =	sbr.rel @p0 .LBB2_3-.Ltmp1, $3  }
0x85: {  	_ = 	snop  }
0x86: {  	v1 =	vadd.f32 v2, v1;
	_ =	sdelay $0x1  }
0x87: {  	[tilespmem:s26+$0x5100] =	vst v1  }
0x88: {  	s22 =	sadd.s32 $0x1, s22  }
0x89: {  	p0 =	sne.s32 s22, $0x7D  }
.Ltmp2:
0x8a: {  	s23 =	sadd.s32 s2, s23;
	(pc) =	sbr.rel @p0 .LBB2_2-.Ltmp2, $4  }
0x8b: {  	[hbm4b:s23+s3] =	stream.linear.scatter [tilespmem:s20], [sflag:$0x2], $0x50, $0x38;
	[tilespmem:$0x5280] =	vst v63  }
0x8c: {  	_ =	swait.ge [sflag:s13], $0x50  }
0x8d: {  	[sflag:s13] =	ssyncset.done $0x0  }
0x8e: {  	[sflag:s13] =	ssyncadd.s32 $0xFFFFFFB0  }
0x8f: {  	s21 =	sadd.s32 $0x1, s21  }
0x90: {  	p0 =	sne.s32 s21, s11  }
.Ltmp3:
0x91: {  	_ = 	snop;
	(pc) =	sbr.rel @p0 .LBB2_1-.Ltmp3, $1  }
0x92: {  	_ =	sdelay $0x3  }
0x93: {  	_ =	sfence.sel $0x180000  }
0x94: {  	[bflag:$0x0] =	sbarrier.arrive $0xFFFF  }
0x95: {  	p0 =	sne.s32 s4, $0x0;
	_ =	strace $0x90000050  }
0x96: {  	s0 =	sadd.s32 @!p0 $0x100000, s0;
	[bflag:$0x2] =	sbarrier.arrive $0xFFFF  }
0x97: {  	[sflag:s0] =	ssyncadd.tile.s32 @!p0 $0x1;
	_ =	shalt  }
.Lfunc_end2:
_tile_overlayer_lowered:
.L_overlay_start_2:
0x98: {  	(tag) =	ssettag $0x2  }
0x99: {  	s0 =	rddreg [dreg:$0x0];
	s2 =	stileid.u32  }
0x9a: {  	s1 =	rddreg [dreg:$0x1];
	p0 =	sne.s32 s2, $0x0  }
0x9b: {  	s3 =	rddreg [dreg:$0x2];
	[bflag:$0x3] =	sbarrier.arrive $0xFFFF;
	s2 =	simm.s32 @!p0 $0x1C02  }
0x9c: {  	[timem:s3], [sflag:s2] =	dma.local @!p0 [hbm:s0], s1  }
0x9d: {  	s0 =	simm.s32 @!p0 $0x2  }
0x9e: {  	_ =	swait.ge @!p0 [sflag:s0], s1  }
0x9f: {  	s1 =	ssub.s32 @!p0 $0x0, s1;
	[sflag:s0] =	ssyncset.done @!p0 $0x0  }
0xa0: {  	[sflag:s0] =	ssyncadd.s32 @!p0 s1  }
0xa1: {  	[bflag:$0x3] =	sbarrier.arrive $0xFFFF  }
0xa2: {  	_ =	shalt  }

</sc_bundles>
